<compile_context>
chip_gen: v7x
topology: tpu7x:2x2x1
jax: 0.10.2.dev20260603
libtpu: 0.0.44.dev20260713+nightly
codegen_flags: <defaults>
</compile_context>

<pallas_src>
import jax
import jax.numpy as jnp
from jax import lax
from jax.experimental import pallas as pl
from jax.experimental.pallas import tpu as pltpu
from jax.experimental.pallas import tpu_sc as plsc

N = 10000
E = 320000
D = 128
H = 8
DK = 16
DV = 16
L = 2
HUS = 512

NC = 2
NS = 16
HH = H // NC
DH = D // NC
EPS = E // NS
CH = 80
NCHUNK = EPS // CH
CW = DH + 16
ROWS_PS = 624
ROWS_TAIL = N - NS * ROWS_PS

BLK = 2000
NBLK = N // BLK


def _ln(x, g, b):
    mu = x.mean(-1, keepdims=True)
    var = ((x - mu) ** 2).mean(-1, keepdims=True)
    return (x - mu) / jnp.sqrt(var + 1e-5) * g + b


def _qkv_body(h_ref, wq_ref, wk_ref, wv_ref, q_ref, k_ref, v_ref):
    x = h_ref[...]
    for w_ref, o_ref in ((wq_ref, q_ref), (wk_ref, k_ref), (wv_ref, v_ref)):
        r = jnp.dot(x, w_ref[...], preferred_element_type=jnp.float32)
        o_ref[0] = r[:, :DH]
        o_ref[1] = r[:, DH:]


def _qkv(h, wq, wk, wv):
    row = pl.BlockSpec((BLK, D), lambda i: (i, 0))
    wsp = pl.BlockSpec((D, D), lambda i: (0, 0))
    half = pl.BlockSpec((NC, BLK, DH), lambda i: (0, i, 0))
    return pl.pallas_call(
        _qkv_body,
        grid=(NBLK,),
        in_specs=[row, wsp, wsp, wsp],
        out_specs=[half, half, half],
        out_shape=[jax.ShapeDtypeStruct((NC, N, DH), jnp.float32)] * 3,
    )(h, wq, wk, wv)


def _edge_body(q2_hbm, k2_hbm, v2_hbm, src_hbm, dst_hbm,
               comb_hbm,
               sidx2, didx2,
               qd0, ks0, vs0, qd1, ks1, vs1, cb0,
               comb_sh,
               sq0, sk0, sv0, sq1, sk1, sv1):
    c = lax.axis_index("c")
    s = lax.axis_index("s")
    r0 = s * ROWS_PS
    QD = (qd0, qd1)
    KS = (ks0, ks1)
    VS = (vs0, vs1)
    SQ = (sq0, sq1)
    SK = (sk0, sk1)
    SV = (sv0, sv1)

    z16 = jnp.zeros((16,), jnp.float32)

    def _zb(i, carry):
        for j in range(CW // 16):
            cb0[i, pl.ds(j * 16, 16)] = z16
        return carry

    lax.fori_loop(0, CH, _zb, 0)

    nfull = ROWS_PS // CH
    rrem = ROWS_PS - nfull * CH

    def _zc(j, carry):
        pltpu.sync_copy(cb0, comb_sh.at[pl.ds(r0 + j * CH, CH)])
        return carry

    lax.fori_loop(0, nfull, _zc, 0)
    pltpu.sync_copy(cb0.at[pl.ds(0, rrem)],
                    comb_sh.at[pl.ds(r0 + nfull * CH, rrem)])

    @pl.when(s == 0)
    def _zero_tail():
        t0 = NS * ROWS_PS
        pltpu.sync_copy(cb0.at[pl.ds(0, ROWS_TAIL)],
                        comb_sh.at[pl.ds(t0, ROWS_TAIL)])

    pltpu.sync_copy(src_hbm.at[s], sidx2)
    pltpu.sync_copy(dst_hbm.at[s], didx2)
    plsc.subcore_barrier()

    lanes = lax.broadcasted_iota(jnp.int32, (16,), 0)

    def _issue(t, p):
        pltpu.async_copy(q2_hbm.at[c].at[didx2.at[t]], QD[p], SQ[p])
        pltpu.async_copy(k2_hbm.at[c].at[sidx2.at[t]], KS[p], SK[p])
        pltpu.async_copy(v2_hbm.at[c].at[sidx2.at[t]], VS[p], SV[p])

    def _wait(t, p):
        pltpu.make_async_copy(q2_hbm.at[c].at[didx2.at[t]], QD[p], SQ[p]).wait()
        pltpu.make_async_copy(k2_hbm.at[c].at[sidx2.at[t]], KS[p], SK[p]).wait()
        pltpu.make_async_copy(v2_hbm.at[c].at[sidx2.at[t]], VS[p], SV[p]).wait()

    def _cf(t, p):
        qd, ks, vs, cb, didx = QD[p], KS[p], VS[p], cb0, didx2.at[t]

        @plsc.parallel_loop(0, CH, unroll=2)
        def _pe(e):
            srow = jnp.zeros((16,), jnp.float32)
            for hh in range(HH):
                sl = pl.ds(hh * DK, DK)
                sc_ = jnp.sum(qd[e, sl] * ks[e, sl])
                srow = jnp.where(lanes == hh, sc_, srow)
            er = jnp.exp(srow * 0.25)
            cb[e, pl.ds(DH, 16)] = er
            for hh in range(HH):
                cb[e, pl.ds(hh * DV, DV)] = vs[e, pl.ds(hh * DV, DV)] * er[hh]

        pltpu.sync_copy(cb, comb_sh.at[didx], add=True)

    _issue(0, 0)

    def _pair(j, carry):
        t0 = 2 * j
        _wait(t0, 0)
        _issue(t0 + 1, 1)
        _cf(t0, 0)
        _wait(t0 + 1, 1)
        tn = jnp.minimum(t0 + 2, NCHUNK - 1)
        _issue(tn, 0)
        _cf(t0 + 1, 1)
        return tn

    tlast = lax.fori_loop(0, NCHUNK // 2, _pair, 0)
    _wait(tlast, 0)
    if NCHUNK % 2:
        _cf(NCHUNK - 1, 0)
    plsc.subcore_barrier()
    pltpu.sync_copy(comb_sh.at[pl.ds(r0, ROWS_PS)],
                    comb_hbm.at[c, pl.ds(r0, ROWS_PS)])

    @pl.when(s == 0)
    def _copy_tail():
        t0 = NS * ROWS_PS
        pltpu.sync_copy(comb_sh.at[pl.ds(t0, ROWS_TAIL)],
                        comb_hbm.at[c, pl.ds(t0, ROWS_TAIL)])


_EDGE_CALL = None


def _edge_call_cached():
    global _EDGE_CALL
    if _EDGE_CALL is None:
        _EDGE_CALL = _build_edge_call()
    return _EDGE_CALL


def _build_edge_call():
    return pl.kernel(
        _edge_body,
        out_type=jax.ShapeDtypeStruct((NC, N, CW), jnp.float32),
        mesh=plsc.VectorSubcoreMesh(core_axis_name="c", subcore_axis_name="s",
                                    num_cores=NC, num_subcores=NS),
        scratch_types=(
            pltpu.VMEM((NCHUNK, CH), jnp.int32),
            pltpu.VMEM((NCHUNK, CH), jnp.int32),
            pltpu.VMEM((CH, DH), jnp.float32),
            pltpu.VMEM((CH, DH), jnp.float32),
            pltpu.VMEM((CH, DH), jnp.float32),
            pltpu.VMEM((CH, DH), jnp.float32),
            pltpu.VMEM((CH, DH), jnp.float32),
            pltpu.VMEM((CH, DH), jnp.float32),
            pltpu.VMEM((CH, CW), jnp.float32),
            pltpu.VMEM_SHARED((N, CW), jnp.float32),
            pltpu.SemaphoreType.DMA,
            pltpu.SemaphoreType.DMA,
            pltpu.SemaphoreType.DMA,
            pltpu.SemaphoreType.DMA,
            pltpu.SemaphoreType.DMA,
            pltpu.SemaphoreType.DMA,
        ),
        compiler_params=pltpu.CompilerParams(needs_layout_passes=False,
                                             use_tc_tiling_on_sc=False),
    )


def _attn_body(c0_ref, c1_ref, h_ref, woa_ref, wob_ref, g_ref, b_ref, o_ref):
    jj = lax.broadcasted_iota(jnp.int32, (16, DH), 0)
    dmap = lax.broadcasted_iota(jnp.int32, (16, DH), 1) // DK
    t4 = (jj == dmap).astype(jnp.float32)
    c0 = c0_ref[...]
    c1 = c1_ref[...]
    dra = jnp.dot(c0[:, DH:], t4, preferred_element_type=jnp.float32) + 1e-9
    drb = jnp.dot(c1[:, DH:], t4, preferred_element_type=jnp.float32) + 1e-9
    attn = (jnp.dot(c0[:, :DH] / dra, woa_ref[...],
                    preferred_element_type=jnp.float32)
            + jnp.dot(c1[:, :DH] / drb, wob_ref[...],
                      preferred_element_type=jnp.float32))
    x = attn + h_ref[...]
    o_ref[...] = _ln(x, g_ref[...], b_ref[...])


def _attn_out(c0, c1, h, woa, wob, g, b):
    row = pl.BlockSpec((BLK, D), lambda i: (i, 0))
    comb = pl.BlockSpec((BLK, CW), lambda i: (i, 0))
    wsp = pl.BlockSpec((DH, D), lambda i: (0, 0))
    vec = pl.BlockSpec((1, D), lambda i: (0, 0))
    return pl.pallas_call(
        _attn_body,
        grid=(NBLK,),
        in_specs=[comb, comb, row, wsp, wsp, vec, vec],
        out_specs=row,
        out_shape=jax.ShapeDtypeStruct((N, D), jnp.float32),
    )(c0, c1, h, woa, wob, g, b)


def _ffn_body(h_ref, w1_ref, b1_ref, w2_ref, b2_ref, g_ref, b_ref, o_ref):
    x = h_ref[...]
    y = jnp.dot(x, w1_ref[...], preferred_element_type=jnp.float32) + b1_ref[...]
    y = jnp.maximum(y, 0.0)
    y = jnp.dot(y, w2_ref[...], preferred_element_type=jnp.float32) + b2_ref[...]
    o_ref[...] = _ln(y + x, g_ref[...], b_ref[...])


def _ffn(h, w1, b1, w2, b2, g, b):
    row = pl.BlockSpec((BLK, D), lambda i: (i, 0))
    return pl.pallas_call(
        _ffn_body,
        grid=(NBLK,),
        in_specs=[row,
                  pl.BlockSpec((D, HUS), lambda i: (0, 0)),
                  pl.BlockSpec((1, HUS), lambda i: (0, 0)),
                  pl.BlockSpec((HUS, D), lambda i: (0, 0)),
                  pl.BlockSpec((1, D), lambda i: (0, 0)),
                  pl.BlockSpec((1, D), lambda i: (0, 0)),
                  pl.BlockSpec((1, D), lambda i: (0, 0))],
        out_specs=row,
        out_shape=jax.ShapeDtypeStruct((N, D), jnp.float32),
    )(h, w1, b1, w2, b2, g, b)


def kernel(h, edge_index, wq, wk, wv, wo, ln1_g, ln1_b,
           ffn_w1, ffn_b1, ffn_w2, ffn_b2, ln2_g, ln2_b):
    ei = edge_index.astype(jnp.int32)
    src = ei[0].reshape(NS, NCHUNK, CH)
    dst = ei[1].reshape(NS, NCHUNK, CH)
    x = h
    for l in range(L):
        q2, k2, v2 = _qkv(x, wq[l], wk[l], wv[l])
        comb = _edge_call_cached()(q2, k2, v2, src, dst)
        x = _attn_out(comb[0], comb[1], x,
                      wo[l][:DH], wo[l][DH:],
                      ln1_g[l].reshape(1, D), ln1_b[l].reshape(1, D))
    return _ffn(x, ffn_w1, ffn_b1.reshape(1, HUS), ffn_w2,
                ffn_b2.reshape(1, D), ln2_g.reshape(1, D),
                ln2_b.reshape(1, D))

# --- scband reference (transcript-rebuilt; emitter-appended) ---
"""Pipeline reference for scband-gablock-37452114821311 (READ-ONLY COPY).

The authoritative reference and input builder live on the scoring server;
editing this copy changes nothing except your own understanding.
"""

import jax, jax.numpy as jnp
import numpy as np

N = 10000
E = 320000
D = 128
H = 8
DK = 16
DV = 16
L = 2
HUS = 512


def layernorm(x, g, b):
    mu = x.mean(-1, keepdims=True)
    var = ((x - mu) ** 2).mean(-1, keepdims=True)
    return (x - mu) / jnp.sqrt(var + 1e-5) * g + b


def setup_inputs(seed: int = 0) -> dict:
    key = jax.random.key(seed)
    ks = jax.random.split(key, 16)
    h = jax.random.normal(ks[0], (N, D), dtype=jnp.float32)
    edge_index = jax.random.randint(ks[1], (2, E), 0, N, dtype=jnp.int64)
    wq = jax.random.normal(ks[2], (L, D, H * DK), dtype=jnp.float32) * 0.05
    wk = jax.random.normal(ks[3], (L, D, H * DK), dtype=jnp.float32) * 0.05
    wv = jax.random.normal(ks[4], (L, D, H * DV), dtype=jnp.float32) * 0.05
    wo = jax.random.normal(ks[5], (L, H * DV, D), dtype=jnp.float32) * 0.05
    ln1_g = jnp.ones((L, D), dtype=jnp.float32)
    ln1_b = jnp.zeros((L, D), dtype=jnp.float32)
    ffn_w1 = jax.random.normal(ks[6], (D, HUS), dtype=jnp.float32) * 0.05
    ffn_b1 = jnp.zeros((HUS,), dtype=jnp.float32)
    ffn_w2 = jax.random.normal(ks[7], (HUS, D), dtype=jnp.float32) * 0.05
    ffn_b2 = jnp.zeros((D,), dtype=jnp.float32)
    ln2_g = jnp.ones((D,), dtype=jnp.float32)
    ln2_b = jnp.zeros((D,), dtype=jnp.float32)
    return {"h": h, "edge_index": edge_index, "wq": wq, "wk": wk, "wv": wv,
            "wo": wo, "ln1_g": ln1_g, "ln1_b": ln1_b, "ffn_w1": ffn_w1,
            "ffn_b1": ffn_b1, "ffn_w2": ffn_w2, "ffn_b2": ffn_b2,
            "ln2_g": ln2_g, "ln2_b": ln2_b}


def reference(h, edge_index, wq, wk, wv, wo, ln1_g, ln1_b,
              ffn_w1, ffn_b1, ffn_w2, ffn_b2, ln2_g, ln2_b):
    # GABlock: num_layers x (multi-head graph attention + residual + layernorm),
    # then positionwise feed-forward (+ residual + layernorm). Dropout = eval mode (identity).
    src = edge_index[0]
    dst = edge_index[1]
    n = h.shape[0]
    for l in range(L):
        q = (h @ wq[l]).reshape(n, H, DK)
        k = (h @ wk[l]).reshape(n, H, DK)
        v = (h @ wv[l]).reshape(n, H, DV)
        # per-edge attention scores, softmax over incoming edges of each dst node
        score = (q[dst] * k[src]).sum(-1) / np.sqrt(DK)  # [E, H]
        smax = jax.ops.segment_max(score, dst, num_segments=n)
        smax = jnp.where(jnp.isfinite(smax), smax, 0.0)
        ex = jnp.exp(score - smax[dst])
        denom = jax.ops.segment_sum(ex, dst, num_segments=n)
        alpha = ex / (denom[dst] + 1e-9)
        msg = (alpha[:, :, None] * v[src]).reshape(-1, H * DV)
        agg = jax.ops.segment_sum(msg, dst, num_segments=n)  # [N, H*DV]
        attn_out = agg @ wo[l]
        h = layernorm(attn_out + h, ln1_g[l], ln1_b[l])
    y = jax.nn.relu(h @ ffn_w1 + ffn_b1) @ ffn_w2 + ffn_b2
    return layernorm(y + h, ln2_g, ln2_b)

if __name__ == "__main__":
    import jax
    _d = setup_inputs()
    print(jax.jit(kernel)(*tuple(_d.values())))

</pallas_src>

<mosaic_0001>
#map = affine_map<(d0, d1) -> (0, 0, 0)>
module attributes {stable_mosaic.version = 14 : i64} {
  func.func @_edge_body(%arg0: i32, %arg1: i32, %arg2: memref<2x10000x64xf32, #tpu.memory_space<hbm>>, %arg3: memref<2x10000x64xf32, #tpu.memory_space<hbm>>, %arg4: memref<2x10000x64xf32, #tpu.memory_space<hbm>>, %arg5: memref<16x250x80xi32, #tpu.memory_space<hbm>>, %arg6: memref<16x250x80xi32, #tpu.memory_space<hbm>>, %arg7: memref<2x10000x80xf32, #tpu.memory_space<hbm>>, %arg8: memref<250x80xi32, #tpu.memory_space<vmem>>, %arg9: memref<250x80xi32, #tpu.memory_space<vmem>>, %arg10: memref<80x64xf32, #tpu.memory_space<vmem>>, %arg11: memref<80x64xf32, #tpu.memory_space<vmem>>, %arg12: memref<80x64xf32, #tpu.memory_space<vmem>>, %arg13: memref<80x64xf32, #tpu.memory_space<vmem>>, %arg14: memref<80x64xf32, #tpu.memory_space<vmem>>, %arg15: memref<80x64xf32, #tpu.memory_space<vmem>>, %arg16: memref<80x80xf32, #tpu.memory_space<vmem>>, %arg17: memref<10000x80xf32, #tpu.memory_space<vmem_shared>>, %arg18: memref<!tpu.dma_semaphore, #tpu.memory_space<semaphore_mem>>, %arg19: memref<!tpu.dma_semaphore, #tpu.memory_space<semaphore_mem>>, %arg20: memref<!tpu.dma_semaphore, #tpu.memory_space<semaphore_mem>>, %arg21: memref<!tpu.dma_semaphore, #tpu.memory_space<semaphore_mem>>, %arg22: memref<!tpu.dma_semaphore, #tpu.memory_space<semaphore_mem>>, %arg23: memref<!tpu.dma_semaphore, #tpu.memory_space<semaphore_mem>>) attributes {dimension_semantics = [#tpu.dimension_semantics<core_parallel>, #tpu.dimension_semantics<subcore_parallel>], iteration_bounds = array<i64: 2, 16>, scalar_prefetch = 0 : i64, scratch_operands = 16 : i64, tpu.core_type = #tpu.core_type<sc_vector_subcore>, window_params = [{transform_indices = #map}, {transform_indices = #map}, {transform_indices = #map}, {transform_indices = #map}, {transform_indices = #map}, {transform_indices = #map}]} {
    %mul3A = arith.constant 624 : i32
    %mul3A_0 = arith.muli %arg1, %mul3A : i32
    %broadcast_in_dim3A = arith.constant 0.000000e+00 : f32
    %broadcast_in_dim3A_1 = vector.broadcast %broadcast_in_dim3A : f32 to vector<16xf32>
    %scan3A = arith.constant 0 : i32
    %scan3A_2 = arith.constant 0 : i32
    %scan3A_3 = arith.constant 80 : i32
    %scan3A_4 = arith.addi %scan3A_2, %scan3A_3 : i32
    %scan3A_5 = arith.constant 1 : i32
    scf.for %scan3A_90 = %scan3A_2 to %scan3A_4 step %scan3A_5  : i32 {
      %swap3A = arith.index_cast %scan3A_90 : i32 to index
      %swap3A_91 = arith.constant 0 : index
      %swap3A_92 = tpu.vector_load %arg16[%swap3A, %swap3A_91] {strides = array<i32>} : memref<80x80xf32, #tpu.memory_space<vmem>>, vector<16xf32>,
      tpu.vector_store %arg16[%swap3A, %swap3A_91], %broadcast_in_dim3A_1 {strides = array<i32>} : memref<80x80xf32, #tpu.memory_space<vmem>>, vector<16xf32>,
      %swap3A_93 = arith.index_cast %scan3A_90 : i32 to index
      %swap3A_94 = arith.constant 16 : index
      %swap3A_95 = tpu.vector_load %arg16[%swap3A_93, %swap3A_94] {strides = array<i32>} : memref<80x80xf32, #tpu.memory_space<vmem>>, vector<16xf32>,
      tpu.vector_store %arg16[%swap3A_93, %swap3A_94], %broadcast_in_dim3A_1 {strides = array<i32>} : memref<80x80xf32, #tpu.memory_space<vmem>>, vector<16xf32>,
      %swap3A_96 = arith.index_cast %scan3A_90 : i32 to index
      %swap3A_97 = arith.constant 32 : index
      %swap3A_98 = tpu.vector_load %arg16[%swap3A_96, %swap3A_97] {strides = array<i32>} : memref<80x80xf32, #tpu.memory_space<vmem>>, vector<16xf32>,
      tpu.vector_store %arg16[%swap3A_96, %swap3A_97], %broadcast_in_dim3A_1 {strides = array<i32>} : memref<80x80xf32, #tpu.memory_space<vmem>>, vector<16xf32>,
      %swap3A_99 = arith.index_cast %scan3A_90 : i32 to index
      %swap3A_100 = arith.constant 48 : index
      %swap3A_101 = tpu.vector_load %arg16[%swap3A_99, %swap3A_100] {strides = array<i32>} : memref<80x80xf32, #tpu.memory_space<vmem>>, vector<16xf32>,
      tpu.vector_store %arg16[%swap3A_99, %swap3A_100], %broadcast_in_dim3A_1 {strides = array<i32>} : memref<80x80xf32, #tpu.memory_space<vmem>>, vector<16xf32>,
      %swap3A_102 = arith.index_cast %scan3A_90 : i32 to index
      %swap3A_103 = arith.constant 64 : index
      %swap3A_104 = tpu.vector_load %arg16[%swap3A_102, %swap3A_103] {strides = array<i32>} : memref<80x80xf32, #tpu.memory_space<vmem>>, vector<16xf32>,
      tpu.vector_store %arg16[%swap3A_102, %swap3A_103], %broadcast_in_dim3A_1 {strides = array<i32>} : memref<80x80xf32, #tpu.memory_space<vmem>>, vector<16xf32>,
    }
    %scan3A_6 = arith.constant 80 : i32
    %scan3A_7 = arith.constant 0 : i32
    %scan3A_8 = arith.constant 0 : i32
    %scan3A_9 = arith.constant 7 : i32
    %scan3A_10 = arith.addi %scan3A_8, %scan3A_9 : i32
    %scan3A_11 = arith.constant 1 : i32
    scf.for %scan3A_90 = %scan3A_8 to %scan3A_10 step %scan3A_11  : i32 {
      %mul3A_91 = arith.constant 80 : i32
      %mul3A_92 = arith.muli %scan3A_90, %mul3A_91 : i32
      %add3A_93 = arith.addi %mul3A_0, %mul3A_92 : i32
      "tpu.region"() ({
        %run_scoped3A = tpu.sem_alloc : memref<!tpu.dma_semaphore, #tpu.memory_space<semaphore_mem>>
        %dma_start3A_94 = arith.constant 0 : i32
        %dma_start3A_95 = tpu.memref_slice %arg17[%add3A_93, %dma_start3A_94] : memref<10000x80xf32, #tpu.memory_space<vmem_shared>> -> memref<80x80xf32, #tpu.memory_space<vmem_shared>>
        %dma_start3A_96 = arith.constant 0 : i32
        %dma_start3A_97 = tpu.memref_slice %arg17[%add3A_93, %dma_start3A_96] : memref<10000x80xf32, #tpu.memory_space<vmem_shared>> -> memref<80x80xf32, #tpu.memory_space<vmem_shared>>
        tpu.enqueue_dma source(%arg16 : memref<80x80xf32, #tpu.memory_space<vmem>>) target(%dma_start3A_97 : memref<80x80xf32, #tpu.memory_space<vmem_shared>>) target_semaphore(%run_scoped3A : memref<!tpu.dma_semaphore, #tpu.memory_space<semaphore_mem>>)
        %dma_wait3A_98 = arith.constant 0 : i32
        %dma_wait3A_99 = tpu.memref_slice %arg17[%add3A_93, %dma_wait3A_98] : memref<10000x80xf32, #tpu.memory_space<vmem_shared>> -> memref<80x80xf32, #tpu.memory_space<vmem_shared>>
        %dma_wait3A_100 = arith.constant 0 : i32
        %dma_wait3A_101 = tpu.memref_slice %arg17[%add3A_93, %dma_wait3A_100] : memref<10000x80xf32, #tpu.memory_space<vmem_shared>> -> memref<80x80xf32, #tpu.memory_space<vmem_shared>>
        tpu.wait_dma2 semaphore(%run_scoped3A : memref<!tpu.dma_semaphore, #tpu.memory_space<semaphore_mem>>) src(%arg16 : memref<80x80xf32, #tpu.memory_space<vmem>>) dst(%dma_wait3A_101 : memref<80x80xf32, #tpu.memory_space<vmem_shared>>)
        tpu.yield
      }) : () -> ()
    }
    %scan3A_12 = arith.constant 7 : i32
    %add3A = arith.constant 560 : i32
    %add3A_13 = arith.addi %mul3A_0, %add3A : i32
    "tpu.region"() ({
      %run_scoped3A = tpu.sem_alloc : memref<!tpu.dma_semaphore, #tpu.memory_space<semaphore_mem>>
      %dma_start3A_90 = arith.constant 0 : i32
      %dma_start3A_91 = arith.constant 0 : i32
      %dma_start3A_92 = tpu.memref_slice %arg16[%dma_start3A_90, %dma_start3A_91] : memref<80x80xf32, #tpu.memory_space<vmem>> -> memref<64x80xf32, #tpu.memory_space<vmem>>
      %dma_start3A_93 = arith.constant 0 : i32
      %dma_start3A_94 = tpu.memref_slice %arg17[%add3A_13, %dma_start3A_93] : memref<10000x80xf32, #tpu.memory_space<vmem_shared>> -> memref<64x80xf32, #tpu.memory_space<vmem_shared>>
      %dma_start3A_95 = arith.constant 0 : i32
      %dma_start3A_96 = tpu.memref_slice %arg17[%add3A_13, %dma_start3A_95] : memref<10000x80xf32, #tpu.memory_space<vmem_shared>> -> memref<64x80xf32, #tpu.memory_space<vmem_shared>>
      %dma_start3A_97 = arith.constant 0 : i32
      %dma_start3A_98 = arith.constant 0 : i32
      %dma_start3A_99 = tpu.memref_slice %arg16[%dma_start3A_97, %dma_start3A_98] : memref<80x80xf32, #tpu.memory_space<vmem>> -> memref<64x80xf32, #tpu.memory_space<vmem>>
      tpu.enqueue_dma source(%dma_start3A_99 : memref<64x80xf32, #tpu.memory_space<vmem>>) target(%dma_start3A_96 : memref<64x80xf32, #tpu.memory_space<vmem_shared>>) target_semaphore(%run_scoped3A : memref<!tpu.dma_semaphore, #tpu.memory_space<semaphore_mem>>)
      %dma_wait3A_100 = arith.constant 0 : i32
      %dma_wait3A_101 = arith.constant 0 : i32
      %dma_wait3A_102 = tpu.memref_slice %arg16[%dma_wait3A_100, %dma_wait3A_101] : memref<80x80xf32, #tpu.memory_space<vmem>> -> memref<64x80xf32, #tpu.memory_space<vmem>>
      %dma_wait3A_103 = arith.constant 0 : i32
      %dma_wait3A_104 = tpu.memref_slice %arg17[%add3A_13, %dma_wait3A_103] : memref<10000x80xf32, #tpu.memory_space<vmem_shared>> -> memref<64x80xf32, #tpu.memory_space<vmem_shared>>
      %dma_wait3A_105 = arith.constant 0 : i32
      %dma_wait3A_106 = tpu.memref_slice %arg17[%add3A_13, %dma_wait3A_105] : memref<10000x80xf32, #tpu.memory_space<vmem_shared>> -> memref<64x80xf32, #tpu.memory_space<vmem_shared>>
      %dma_wait3A_107 = arith.constant 0 : i32
      %dma_wait3A_108 = arith.constant 0 : i32
      %dma_wait3A_109 = tpu.memref_slice %arg16[%dma_wait3A_107, %dma_wait3A_108] : memref<80x80xf32, #tpu.memory_space<vmem>> -> memref<64x80xf32, #tpu.memory_space<vmem>>
      tpu.wait_dma2 semaphore(%run_scoped3A : memref<!tpu.dma_semaphore, #tpu.memory_space<semaphore_mem>>) src(%dma_wait3A_109 : memref<64x80xf32, #tpu.memory_space<vmem>>) dst(%dma_wait3A_106 : memref<64x80xf32, #tpu.memory_space<vmem_shared>>)
      tpu.yield
    }) : () -> ()
    %eq3A = arith.constant 0 : i32
    %eq3A_14 = arith.cmpi eq, %arg1, %eq3A : i32
    %convert_element_type3A = arith.extui %eq3A_14 : i1 to i32
    %cond3A = arith.constant 0 : i32
    %cond3A_15 = arith.cmpi ne, %convert_element_type3A, %cond3A : i32
    scf.if %cond3A_15 {
      "tpu.region"() ({
        %run_scoped3A = tpu.sem_alloc : memref<!tpu.dma_semaphore, #tpu.memory_space<semaphore_mem>>
        %dma_start3A_90 = arith.constant 0 : i32
        %dma_start3A_91 = arith.constant 0 : i32
        %dma_start3A_92 = tpu.memref_slice %arg16[%dma_start3A_90, %dma_start3A_91] : memref<80x80xf32, #tpu.memory_space<vmem>> -> memref<16x80xf32, #tpu.memory_space<vmem>>
        %dma_start3A_93 = arith.constant 9984 : i32
        %dma_start3A_94 = arith.constant 0 : i32
        %dma_start3A_95 = tpu.memref_slice %arg17[%dma_start3A_93, %dma_start3A_94] : memref<10000x80xf32, #tpu.memory_space<vmem_shared>> -> memref<16x80xf32, #tpu.memory_space<vmem_shared>>
        %dma_start3A_96 = arith.constant 9984 : i32
        %dma_start3A_97 = arith.constant 0 : i32
        %dma_start3A_98 = tpu.memref_slice %arg17[%dma_start3A_96, %dma_start3A_97] : memref<10000x80xf32, #tpu.memory_space<vmem_shared>> -> memref<16x80xf32, #tpu.memory_space<vmem_shared>>
        %dma_start3A_99 = arith.constant 0 : i32
        %dma_start3A_100 = arith.constant 0 : i32
        %dma_start3A_101 = tpu.memref_slice %arg16[%dma_start3A_99, %dma_start3A_100] : memref<80x80xf32, #tpu.memory_space<vmem>> -> memref<16x80xf32, #tpu.memory_space<vmem>>
        tpu.enqueue_dma source(%dma_start3A_101 : memref<16x80xf32, #tpu.memory_space<vmem>>) target(%dma_start3A_98 : memref<16x80xf32, #tpu.memory_space<vmem_shared>>) target_semaphore(%run_scoped3A : memref<!tpu.dma_semaphore, #tpu.memory_space<semaphore_mem>>)
        %dma_wait3A_102 = arith.constant 0 : i32
        %dma_wait3A_103 = arith.constant 0 : i32
        %dma_wait3A_104 = tpu.memref_slice %arg16[%dma_wait3A_102, %dma_wait3A_103] : memref<80x80xf32, #tpu.memory_space<vmem>> -> memref<16x80xf32, #tpu.memory_space<vmem>>
        %dma_wait3A_105 = arith.constant 9984 : i32
        %dma_wait3A_106 = arith.constant 0 : i32
        %dma_wait3A_107 = tpu.memref_slice %arg17[%dma_wait3A_105, %dma_wait3A_106] : memref<10000x80xf32, #tpu.memory_space<vmem_shared>> -> memref<16x80xf32, #tpu.memory_space<vmem_shared>>
        %dma_wait3A_108 = arith.constant 9984 : i32
        %dma_wait3A_109 = arith.constant 0 : i32
        %dma_wait3A_110 = tpu.memref_slice %arg17[%dma_wait3A_108, %dma_wait3A_109] : memref<10000x80xf32, #tpu.memory_space<vmem_shared>> -> memref<16x80xf32, #tpu.memory_space<vmem_shared>>
        %dma_wait3A_111 = arith.constant 0 : i32
        %dma_wait3A_112 = arith.constant 0 : i32
        %dma_wait3A_113 = tpu.memref_slice %arg16[%dma_wait3A_111, %dma_wait3A_112] : memref<80x80xf32, #tpu.memory_space<vmem>> -> memref<16x80xf32, #tpu.memory_space<vmem>>
        tpu.wait_dma2 semaphore(%run_scoped3A : memref<!tpu.dma_semaphore, #tpu.memory_space<semaphore_mem>>) src(%dma_wait3A_113 : memref<16x80xf32, #tpu.memory_space<vmem>>) dst(%dma_wait3A_110 : memref<16x80xf32, #tpu.memory_space<vmem_shared>>)
        tpu.yield
      }) : () -> ()
    } else {
    }
    "tpu.region"() ({
      %run_scoped3A = tpu.sem_alloc : memref<!tpu.dma_semaphore, #tpu.memory_space<semaphore_mem>>
      %dma_start3A_90 = arith.constant 0 : i32
      %dma_start3A_91 = arith.constant 0 : i32
      %dma_start3A_92 = tpu.memref_slice %arg5[%arg1, %dma_start3A_90, %dma_start3A_91] : memref<16x250x80xi32, #tpu.memory_space<hbm>> -> memref<1x250x80xi32, #tpu.memory_space<hbm>>
      %dma_start3A_93 = tpu.memref_squeeze %dma_start3A_92 : memref<1x250x80xi32, #tpu.memory_space<hbm>> -> memref<250x80xi32, #tpu.memory_space<hbm>>
      %dma_start3A_94 = arith.constant 0 : i32
      %dma_start3A_95 = arith.constant 0 : i32
      %dma_start3A_96 = tpu.memref_slice %arg5[%arg1, %dma_start3A_94, %dma_start3A_95] : memref<16x250x80xi32, #tpu.memory_space<hbm>> -> memref<1x250x80xi32, #tpu.memory_space<hbm>>
      %dma_start3A_97 = tpu.memref_squeeze %dma_start3A_96 : memref<1x250x80xi32, #tpu.memory_space<hbm>> -> memref<250x80xi32, #tpu.memory_space<hbm>>
      tpu.enqueue_dma source(%dma_start3A_97 : memref<250x80xi32, #tpu.memory_space<hbm>>) target(%arg8 : memref<250x80xi32, #tpu.memory_space<vmem>>) target_semaphore(%run_scoped3A : memref<!tpu.dma_semaphore, #tpu.memory_space<semaphore_mem>>)
      %dma_wait3A_98 = arith.constant 0 : i32
      %dma_wait3A_99 = arith.constant 0 : i32
      %dma_wait3A_100 = tpu.memref_slice %arg5[%arg1, %dma_wait3A_98, %dma_wait3A_99] : memref<16x250x80xi32, #tpu.memory_space<hbm>> -> memref<1x250x80xi32, #tpu.memory_space<hbm>>
      %dma_wait3A_101 = tpu.memref_squeeze %dma_wait3A_100 : memref<1x250x80xi32, #tpu.memory_space<hbm>> -> memref<250x80xi32, #tpu.memory_space<hbm>>
      %dma_wait3A_102 = arith.constant 0 : i32
      %dma_wait3A_103 = arith.constant 0 : i32
      %dma_wait3A_104 = tpu.memref_slice %arg5[%arg1, %dma_wait3A_102, %dma_wait3A_103] : memref<16x250x80xi32, #tpu.memory_space<hbm>> -> memref<1x250x80xi32, #tpu.memory_space<hbm>>
      %dma_wait3A_105 = tpu.memref_squeeze %dma_wait3A_104 : memref<1x250x80xi32, #tpu.memory_space<hbm>> -> memref<250x80xi32, #tpu.memory_space<hbm>>
      tpu.wait_dma2 semaphore(%run_scoped3A : memref<!tpu.dma_semaphore, #tpu.memory_space<semaphore_mem>>) src(%dma_wait3A_105 : memref<250x80xi32, #tpu.memory_space<hbm>>) dst(%arg8 : memref<250x80xi32, #tpu.memory_space<vmem>>)
      tpu.yield
    }) : () -> ()
    "tpu.region"() ({
      %run_scoped3A = tpu.sem_alloc : memref<!tpu.dma_semaphore, #tpu.memory_space<semaphore_mem>>
      %dma_start3A_90 = arith.constant 0 : i32
      %dma_start3A_91 = arith.constant 0 : i32
      %dma_start3A_92 = tpu.memref_slice %arg6[%arg1, %dma_start3A_90, %dma_start3A_91] : memref<16x250x80xi32, #tpu.memory_space<hbm>> -> memref<1x250x80xi32, #tpu.memory_space<hbm>>
      %dma_start3A_93 = tpu.memref_squeeze %dma_start3A_92 : memref<1x250x80xi32, #tpu.memory_space<hbm>> -> memref<250x80xi32, #tpu.memory_space<hbm>>
      %dma_start3A_94 = arith.constant 0 : i32
      %dma_start3A_95 = arith.constant 0 : i32
      %dma_start3A_96 = tpu.memref_slice %arg6[%arg1, %dma_start3A_94, %dma_start3A_95] : memref<16x250x80xi32, #tpu.memory_space<hbm>> -> memref<1x250x80xi32, #tpu.memory_space<hbm>>
      %dma_start3A_97 = tpu.memref_squeeze %dma_start3A_96 : memref<1x250x80xi32, #tpu.memory_space<hbm>> -> memref<250x80xi32, #tpu.memory_space<hbm>>
      tpu.enqueue_dma source(%dma_start3A_97 : memref<250x80xi32, #tpu.memory_space<hbm>>) target(%arg9 : memref<250x80xi32, #tpu.memory_space<vmem>>) target_semaphore(%run_scoped3A : memref<!tpu.dma_semaphore, #tpu.memory_space<semaphore_mem>>)
      %dma_wait3A_98 = arith.constant 0 : i32
      %dma_wait3A_99 = arith.constant 0 : i32
      %dma_wait3A_100 = tpu.memref_slice %arg6[%arg1, %dma_wait3A_98, %dma_wait3A_99] : memref<16x250x80xi32, #tpu.memory_space<hbm>> -> memref<1x250x80xi32, #tpu.memory_space<hbm>>
      %dma_wait3A_101 = tpu.memref_squeeze %dma_wait3A_100 : memref<1x250x80xi32, #tpu.memory_space<hbm>> -> memref<250x80xi32, #tpu.memory_space<hbm>>
      %dma_wait3A_102 = arith.constant 0 : i32
      %dma_wait3A_103 = arith.constant 0 : i32
      %dma_wait3A_104 = tpu.memref_slice %arg6[%arg1, %dma_wait3A_102, %dma_wait3A_103] : memref<16x250x80xi32, #tpu.memory_space<hbm>> -> memref<1x250x80xi32, #tpu.memory_space<hbm>>
      %dma_wait3A_105 = tpu.memref_squeeze %dma_wait3A_104 : memref<1x250x80xi32, #tpu.memory_space<hbm>> -> memref<250x80xi32, #tpu.memory_space<hbm>>
      tpu.wait_dma2 semaphore(%run_scoped3A : memref<!tpu.dma_semaphore, #tpu.memory_space<semaphore_mem>>) src(%dma_wait3A_105 : memref<250x80xi32, #tpu.memory_space<hbm>>) dst(%arg9 : memref<250x80xi32, #tpu.memory_space<vmem>>)
      tpu.yield
    }) : () -> ()
    %barrier3A = arith.constant 0 : index
    tpu.barrier barrier_id(%barrier3A)
    %iota3A = tpu.iota {dimensions = array<i32: 0>} : vector<16xi32>
    %dma_start3A = arith.constant 0 : i32
    %dma_start3A_16 = arith.constant 0 : i32
    %dma_start3A_17 = tpu.memref_slice %arg9[%dma_start3A, %dma_start3A_16] : memref<250x80xi32, #tpu.memory_space<vmem>> -> memref<1x80xi32, #tpu.memory_space<vmem>>
    %dma_start3A_18 = tpu.memref_squeeze %dma_start3A_17 : memref<1x80xi32, #tpu.memory_space<vmem>> -> memref<80xi32, #tpu.memory_space<vmem>>
    %dma_start3A_19 = arith.constant 0 : i32
    %dma_start3A_20 = arith.constant 0 : i32
    %dma_start3A_21 = tpu.memref_slice %arg2[%arg0, %dma_start3A_19, %dma_start3A_20] : memref<2x10000x64xf32, #tpu.memory_space<hbm>> -> memref<1x10000x64xf32, #tpu.memory_space<hbm>>
    %dma_start3A_22 = tpu.memref_squeeze %dma_start3A_21 : memref<1x10000x64xf32, #tpu.memory_space<hbm>> -> memref<10000x64xf32, #tpu.memory_space<hbm>>
    %dma_start3A_23 = arith.constant 0 : i32
    %dma_start3A_24 = arith.constant 0 : i32
    %dma_start3A_25 = tpu.memref_slice %dma_start3A_22[%dma_start3A_23, %dma_start3A_24] : memref<10000x64xf32, #tpu.memory_space<hbm>> -> memref<10000x64xf32, #tpu.memory_space<hbm>>
    tpu.enqueue_indirect_dma source(%dma_start3A_25 : memref<10000x64xf32, #tpu.memory_space<hbm>>) target(%arg10 : memref<80x64xf32, #tpu.memory_space<vmem>>) offsets(%dma_start3A_18 : memref<80xi32, #tpu.memory_space<vmem>>) semaphore(%arg18 : memref<!tpu.dma_semaphore, #tpu.memory_space<semaphore_mem>>)
    %dma_start3A_26 = arith.constant 0 : i32
    %dma_start3A_27 = arith.constant 0 : i32
    %dma_start3A_28 = tpu.memref_slice %arg8[%dma_start3A_26, %dma_start3A_27] : memref<250x80xi32, #tpu.memory_space<vmem>> -> memref<1x80xi32, #tpu.memory_space<vmem>>
    %dma_start3A_29 = tpu.memref_squeeze %dma_start3A_28 : memref<1x80xi32, #tpu.memory_space<vmem>> -> memref<80xi32, #tpu.memory_space<vmem>>
    %dma_start3A_30 = arith.constant 0 : i32
    %dma_start3A_31 = arith.constant 0 : i32
    %dma_start3A_32 = tpu.memref_slice %arg3[%arg0, %dma_start3A_30, %dma_start3A_31] : memref<2x10000x64xf32, #tpu.memory_space<hbm>> -> memref<1x10000x64xf32, #tpu.memory_space<hbm>>
    %dma_start3A_33 = tpu.memref_squeeze %dma_start3A_32 : memref<1x10000x64xf32, #tpu.memory_space<hbm>> -> memref<10000x64xf32, #tpu.memory_space<hbm>>
    %dma_start3A_34 = arith.constant 0 : i32
    %dma_start3A_35 = arith.constant 0 : i32
    %dma_start3A_36 = tpu.memref_slice %dma_start3A_33[%dma_start3A_34, %dma_start3A_35] : memref<10000x64xf32, #tpu.memory_space<hbm>> -> memref<10000x64xf32, #tpu.memory_space<hbm>>
    tpu.enqueue_indirect_dma source(%dma_start3A_36 : memref<10000x64xf32, #tpu.memory_space<hbm>>) target(%arg11 : memref<80x64xf32, #tpu.memory_space<vmem>>) offsets(%dma_start3A_29 : memref<80xi32, #tpu.memory_space<vmem>>) semaphore(%arg19 : memref<!tpu.dma_semaphore, #tpu.memory_space<semaphore_mem>>)
    %dma_start3A_37 = arith.constant 0 : i32
    %dma_start3A_38 = arith.constant 0 : i32
    %dma_start3A_39 = tpu.memref_slice %arg8[%dma_start3A_37, %dma_start3A_38] : memref<250x80xi32, #tpu.memory_space<vmem>> -> memref<1x80xi32, #tpu.memory_space<vmem>>
    %dma_start3A_40 = tpu.memref_squeeze %dma_start3A_39 : memref<1x80xi32, #tpu.memory_space<vmem>> -> memref<80xi32, #tpu.memory_space<vmem>>
    %dma_start3A_41 = arith.constant 0 : i32
    %dma_start3A_42 = arith.constant 0 : i32
    %dma_start3A_43 = tpu.memref_slice %arg4[%arg0, %dma_start3A_41, %dma_start3A_42] : memref<2x10000x64xf32, #tpu.memory_space<hbm>> -> memref<1x10000x64xf32, #tpu.memory_space<hbm>>
    %dma_start3A_44 = tpu.memref_squeeze %dma_start3A_43 : memref<1x10000x64xf32, #tpu.memory_space<hbm>> -> memref<10000x64xf32, #tpu.memory_space<hbm>>
    %dma_start3A_45 = arith.constant 0 : i32
    %dma_start3A_46 = arith.constant 0 : i32
    %dma_start3A_47 = tpu.memref_slice %dma_start3A_44[%dma_start3A_45, %dma_start3A_46] : memref<10000x64xf32, #tpu.memory_space<hbm>> -> memref<10000x64xf32, #tpu.memory_space<hbm>>
    tpu.enqueue_indirect_dma source(%dma_start3A_47 : memref<10000x64xf32, #tpu.memory_space<hbm>>) target(%arg12 : memref<80x64xf32, #tpu.memory_space<vmem>>) offsets(%dma_start3A_40 : memref<80xi32, #tpu.memory_space<vmem>>) semaphore(%arg20 : memref<!tpu.dma_semaphore, #tpu.memory_space<semaphore_mem>>)
    %scan3A_48 = arith.constant 0 : i32
    %scan3A_49 = arith.constant 0 : i32
    %scan3A_50 = arith.constant 125 : i32
    %scan3A_51 = arith.addi %scan3A_49, %scan3A_50 : i32
    %scan3A_52 = arith.constant 1 : i32
    %scan3A_53 = scf.for %scan3A_90 = %scan3A_49 to %scan3A_51 step %scan3A_52 iter_args(%scan3A_91 = %scan3A_48) -> (i32)  : i32 {
      %mul3A_92 = arith.constant 2 : i32
      %mul3A_93 = arith.muli %mul3A_92, %scan3A_90 : i32
      %dma_wait3A_94 = arith.constant 0 : i32
      %dma_wait3A_95 = tpu.memref_slice %arg9[%mul3A_93, %dma_wait3A_94] : memref<250x80xi32, #tpu.memory_space<vmem>> -> memref<1x80xi32, #tpu.memory_space<vmem>>
      %dma_wait3A_96 = tpu.memref_squeeze %dma_wait3A_95 : memref<1x80xi32, #tpu.memory_space<vmem>> -> memref<80xi32, #tpu.memory_space<vmem>>
      %dma_wait3A_97 = arith.constant 0 : i32
      %dma_wait3A_98 = arith.constant 0 : i32
      %dma_wait3A_99 = tpu.memref_slice %arg2[%arg0, %dma_wait3A_97, %dma_wait3A_98] : memref<2x10000x64xf32, #tpu.memory_space<hbm>> -> memref<1x10000x64xf32, #tpu.memory_space<hbm>>
      %dma_wait3A_100 = tpu.memref_squeeze %dma_wait3A_99 : memref<1x10000x64xf32, #tpu.memory_space<hbm>> -> memref<10000x64xf32, #tpu.memory_space<hbm>>
      %dma_wait3A_101 = arith.constant 0 : i32
      %dma_wait3A_102 = arith.constant 0 : i32
      %dma_wait3A_103 = tpu.memref_slice %dma_wait3A_100[%dma_wait3A_101, %dma_wait3A_102] : memref<10000x64xf32, #tpu.memory_space<hbm>> -> memref<10000x64xf32, #tpu.memory_space<hbm>>
      tpu.wait_indirect_dma semaphore(%arg18 : memref<!tpu.dma_semaphore, #tpu.memory_space<semaphore_mem>>) src(%dma_wait3A_103 : memref<10000x64xf32, #tpu.memory_space<hbm>>) dst(%arg10 : memref<80x64xf32, #tpu.memory_space<vmem>>)
      %dma_wait3A_104 = arith.constant 0 : i32
      %dma_wait3A_105 = tpu.memref_slice %arg8[%mul3A_93, %dma_wait3A_104] : memref<250x80xi32, #tpu.memory_space<vmem>> -> memref<1x80xi32, #tpu.memory_space<vmem>>
      %dma_wait3A_106 = tpu.memref_squeeze %dma_wait3A_105 : memref<1x80xi32, #tpu.memory_space<vmem>> -> memref<80xi32, #tpu.memory_space<vmem>>
      %dma_wait3A_107 = arith.constant 0 : i32
      %dma_wait3A_108 = arith.constant 0 : i32
      %dma_wait3A_109 = tpu.memref_slice %arg3[%arg0, %dma_wait3A_107, %dma_wait3A_108] : memref<2x10000x64xf32, #tpu.memory_space<hbm>> -> memref<1x10000x64xf32, #tpu.memory_space<hbm>>
      %dma_wait3A_110 = tpu.memref_squeeze %dma_wait3A_109 : memref<1x10000x64xf32, #tpu.memory_space<hbm>> -> memref<10000x64xf32, #tpu.memory_space<hbm>>
      %dma_wait3A_111 = arith.constant 0 : i32
      %dma_wait3A_112 = arith.constant 0 : i32
      %dma_wait3A_113 = tpu.memref_slice %dma_wait3A_110[%dma_wait3A_111, %dma_wait3A_112] : memref<10000x64xf32, #tpu.memory_space<hbm>> -> memref<10000x64xf32, #tpu.memory_space<hbm>>
      tpu.wait_indirect_dma semaphore(%arg19 : memref<!tpu.dma_semaphore, #tpu.memory_space<semaphore_mem>>) src(%dma_wait3A_113 : memref<10000x64xf32, #tpu.memory_space<hbm>>) dst(%arg11 : memref<80x64xf32, #tpu.memory_space<vmem>>)
      %dma_wait3A_114 = arith.constant 0 : i32
      %dma_wait3A_115 = tpu.memref_slice %arg8[%mul3A_93, %dma_wait3A_114] : memref<250x80xi32, #tpu.memory_space<vmem>> -> memref<1x80xi32, #tpu.memory_space<vmem>>
      %dma_wait3A_116 = tpu.memref_squeeze %dma_wait3A_115 : memref<1x80xi32, #tpu.memory_space<vmem>> -> memref<80xi32, #tpu.memory_space<vmem>>
      %dma_wait3A_117 = arith.constant 0 : i32
      %dma_wait3A_118 = arith.constant 0 : i32
      %dma_wait3A_119 = tpu.memref_slice %arg4[%arg0, %dma_wait3A_117, %dma_wait3A_118] : memref<2x10000x64xf32, #tpu.memory_space<hbm>> -> memref<1x10000x64xf32, #tpu.memory_space<hbm>>
      %dma_wait3A_120 = tpu.memref_squeeze %dma_wait3A_119 : memref<1x10000x64xf32, #tpu.memory_space<hbm>> -> memref<10000x64xf32, #tpu.memory_space<hbm>>
      %dma_wait3A_121 = arith.constant 0 : i32
      %dma_wait3A_122 = arith.constant 0 : i32
      %dma_wait3A_123 = tpu.memref_slice %dma_wait3A_120[%dma_wait3A_121, %dma_wait3A_122] : memref<10000x64xf32, #tpu.memory_space<hbm>> -> memref<10000x64xf32, #tpu.memory_space<hbm>>
      tpu.wait_indirect_dma semaphore(%arg20 : memref<!tpu.dma_semaphore, #tpu.memory_space<semaphore_mem>>) src(%dma_wait3A_123 : memref<10000x64xf32, #tpu.memory_space<hbm>>) dst(%arg12 : memref<80x64xf32, #tpu.memory_space<vmem>>)
      %add3A_124 = arith.constant 1 : i32
      %add3A_125 = arith.addi %mul3A_93, %add3A_124 : i32
      %dma_start3A_126 = arith.constant 0 : i32
      %dma_start3A_127 = tpu.memref_slice %arg9[%add3A_125, %dma_start3A_126] : memref<250x80xi32, #tpu.memory_space<vmem>> -> memref<1x80xi32, #tpu.memory_space<vmem>>
      %dma_start3A_128 = tpu.memref_squeeze %dma_start3A_127 : memref<1x80xi32, #tpu.memory_space<vmem>> -> memref<80xi32, #tpu.memory_space<vmem>>
      %dma_start3A_129 = arith.constant 0 : i32
      %dma_start3A_130 = arith.constant 0 : i32
      %dma_start3A_131 = tpu.memref_slice %arg2[%arg0, %dma_start3A_129, %dma_start3A_130] : memref<2x10000x64xf32, #tpu.memory_space<hbm>> -> memref<1x10000x64xf32, #tpu.memory_space<hbm>>
      %dma_start3A_132 = tpu.memref_squeeze %dma_start3A_131 : memref<1x10000x64xf32, #tpu.memory_space<hbm>> -> memref<10000x64xf32, #tpu.memory_space<hbm>>
      %dma_start3A_133 = arith.constant 0 : i32
      %dma_start3A_134 = arith.constant 0 : i32
      %dma_start3A_135 = tpu.memref_slice %dma_start3A_132[%dma_start3A_133, %dma_start3A_134] : memref<10000x64xf32, #tpu.memory_space<hbm>> -> memref<10000x64xf32, #tpu.memory_space<hbm>>
      tpu.enqueue_indirect_dma source(%dma_start3A_135 : memref<10000x64xf32, #tpu.memory_space<hbm>>) target(%arg13 : memref<80x64xf32, #tpu.memory_space<vmem>>) offsets(%dma_start3A_128 : memref<80xi32, #tpu.memory_space<vmem>>) semaphore(%arg21 : memref<!tpu.dma_semaphore, #tpu.memory_space<semaphore_mem>>)
      %dma_start3A_136 = arith.constant 0 : i32
      %dma_start3A_137 = tpu.memref_slice %arg8[%add3A_125, %dma_start3A_136] : memref<250x80xi32, #tpu.memory_space<vmem>> -> memref<1x80xi32, #tpu.memory_space<vmem>>
      %dma_start3A_138 = tpu.memref_squeeze %dma_start3A_137 : memref<1x80xi32, #tpu.memory_space<vmem>> -> memref<80xi32, #tpu.memory_space<vmem>>
      %dma_start3A_139 = arith.constant 0 : i32
      %dma_start3A_140 = arith.constant 0 : i32
      %dma_start3A_141 = tpu.memref_slice %arg3[%arg0, %dma_start3A_139, %dma_start3A_140] : memref<2x10000x64xf32, #tpu.memory_space<hbm>> -> memref<1x10000x64xf32, #tpu.memory_space<hbm>>
      %dma_start3A_142 = tpu.memref_squeeze %dma_start3A_141 : memref<1x10000x64xf32, #tpu.memory_space<hbm>> -> memref<10000x64xf32, #tpu.memory_space<hbm>>
      %dma_start3A_143 = arith.constant 0 : i32
      %dma_start3A_144 = arith.constant 0 : i32
      %dma_start3A_145 = tpu.memref_slice %dma_start3A_142[%dma_start3A_143, %dma_start3A_144] : memref<10000x64xf32, #tpu.memory_space<hbm>> -> memref<10000x64xf32, #tpu.memory_space<hbm>>
      tpu.enqueue_indirect_dma source(%dma_start3A_145 : memref<10000x64xf32, #tpu.memory_space<hbm>>) target(%arg14 : memref<80x64xf32, #tpu.memory_space<vmem>>) offsets(%dma_start3A_138 : memref<80xi32, #tpu.memory_space<vmem>>) semaphore(%arg22 : memref<!tpu.dma_semaphore, #tpu.memory_space<semaphore_mem>>)
      %dma_start3A_146 = arith.constant 0 : i32
      %dma_start3A_147 = tpu.memref_slice %arg8[%add3A_125, %dma_start3A_146] : memref<250x80xi32, #tpu.memory_space<vmem>> -> memref<1x80xi32, #tpu.memory_space<vmem>>
      %dma_start3A_148 = tpu.memref_squeeze %dma_start3A_147 : memref<1x80xi32, #tpu.memory_space<vmem>> -> memref<80xi32, #tpu.memory_space<vmem>>
      %dma_start3A_149 = arith.constant 0 : i32
      %dma_start3A_150 = arith.constant 0 : i32
      %dma_start3A_151 = tpu.memref_slice %arg4[%arg0, %dma_start3A_149, %dma_start3A_150] : memref<2x10000x64xf32, #tpu.memory_space<hbm>> -> memref<1x10000x64xf32, #tpu.memory_space<hbm>>
      %dma_start3A_152 = tpu.memref_squeeze %dma_start3A_151 : memref<1x10000x64xf32, #tpu.memory_space<hbm>> -> memref<10000x64xf32, #tpu.memory_space<hbm>>
      %dma_start3A_153 = arith.constant 0 : i32
      %dma_start3A_154 = arith.constant 0 : i32
      %dma_start3A_155 = tpu.memref_slice %dma_start3A_152[%dma_start3A_153, %dma_start3A_154] : memref<10000x64xf32, #tpu.memory_space<hbm>> -> memref<10000x64xf32, #tpu.memory_space<hbm>>
      tpu.enqueue_indirect_dma source(%dma_start3A_155 : memref<10000x64xf32, #tpu.memory_space<hbm>>) target(%arg15 : memref<80x64xf32, #tpu.memory_space<vmem>>) offsets(%dma_start3A_148 : memref<80xi32, #tpu.memory_space<vmem>>) semaphore(%arg23 : memref<!tpu.dma_semaphore, #tpu.memory_space<semaphore_mem>>)
      %parallel_loop3A = arith.constant 0 : i32
      %parallel_loop3A_156 = arith.constant 80 : i32
      %parallel_loop3A_157 = arith.constant 1 : i32
      scf.for %parallel_loop3A_228 = %parallel_loop3A to %parallel_loop3A_156 step %parallel_loop3A_157  : i32 {
        %parallel_loop3A_229 = arith.constant 0.000000e+00 : f32
        %parallel_loop3A_230 = vector.broadcast %parallel_loop3A_229 : f32 to vector<16xf32>
        %parallel_loop3A_231 = arith.index_cast %parallel_loop3A_228 : i32 to index
        %parallel_loop3A_232 = arith.constant 0 : index
        %parallel_loop3A_233 = tpu.vector_load %arg10[%parallel_loop3A_231, %parallel_loop3A_232] {strides = array<i32>} : memref<80x64xf32, #tpu.memory_space<vmem>>, vector<16xf32>,
        %parallel_loop3A_234 = arith.index_cast %parallel_loop3A_228 : i32 to index
        %parallel_loop3A_235 = arith.constant 0 : index
        %parallel_loop3A_236 = tpu.vector_load %arg11[%parallel_loop3A_234, %parallel_loop3A_235] {strides = array<i32>} : memref<80x64xf32, #tpu.memory_space<vmem>>, vector<16xf32>,
        %parallel_loop3A_237 = arith.mulf %parallel_loop3A_233, %parallel_loop3A_236 : vector<16xf32>
        %parallel_loop3A_238 = arith.constant true
        %parallel_loop3A_239 = vector.broadcast %parallel_loop3A_238 : i1 to vector<16xi1>
        %parallel_loop3A_240 = tpu.scan <sum>, %parallel_loop3A_237 masked %parallel_loop3A_239 : vector<16xf32>, vector<16xi1> -> vector<16xf32>
        %parallel_loop3A_241 = vector.extract %parallel_loop3A_240[15] : f32 from vector<16xf32>
        %parallel_loop3A_242 = arith.constant 0 : i32
        %parallel_loop3A_243 = vector.broadcast %parallel_loop3A_242 : i32 to vector<16xi32>
        %parallel_loop3A_244 = arith.cmpi eq, %iota3A, %parallel_loop3A_243 : vector<16xi32>
        %parallel_loop3A_245 = vector.broadcast %parallel_loop3A_241 : f32 to vector<16xf32>
        %parallel_loop3A_246 = arith.select %parallel_loop3A_244, %parallel_loop3A_245, %parallel_loop3A_230 : vector<16xi1>, vector<16xf32>
        %parallel_loop3A_247 = arith.index_cast %parallel_loop3A_228 : i32 to index
        %parallel_loop3A_248 = arith.constant 16 : index
        %parallel_loop3A_249 = tpu.vector_load %arg10[%parallel_loop3A_247, %parallel_loop3A_248] {strides = array<i32>} : memref<80x64xf32, #tpu.memory_space<vmem>>, vector<16xf32>,
        %parallel_loop3A_250 = arith.index_cast %parallel_loop3A_228 : i32 to index
        %parallel_loop3A_251 = arith.constant 16 : index
        %parallel_loop3A_252 = tpu.vector_load %arg11[%parallel_loop3A_250, %parallel_loop3A_251] {strides = array<i32>} : memref<80x64xf32, #tpu.memory_space<vmem>>, vector<16xf32>,
        %parallel_loop3A_253 = arith.mulf %parallel_loop3A_249, %parallel_loop3A_252 : vector<16xf32>
        %parallel_loop3A_254 = arith.constant true
        %parallel_loop3A_255 = vector.broadcast %parallel_loop3A_254 : i1 to vector<16xi1>
        %parallel_loop3A_256 = tpu.scan <sum>, %parallel_loop3A_253 masked %parallel_loop3A_255 : vector<16xf32>, vector<16xi1> -> vector<16xf32>
        %parallel_loop3A_257 = vector.extract %parallel_loop3A_256[15] : f32 from vector<16xf32>
        %parallel_loop3A_258 = arith.constant 1 : i32
        %parallel_loop3A_259 = vector.broadcast %parallel_loop3A_258 : i32 to vector<16xi32>
        %parallel_loop3A_260 = arith.cmpi eq, %iota3A, %parallel_loop3A_259 : vector<16xi32>
        %parallel_loop3A_261 = vector.broadcast %parallel_loop3A_257 : f32 to vector<16xf32>
        %parallel_loop3A_262 = arith.select %parallel_loop3A_260, %parallel_loop3A_261, %parallel_loop3A_246 : vector<16xi1>, vector<16xf32>
        %parallel_loop3A_263 = arith.index_cast %parallel_loop3A_228 : i32 to index
        %parallel_loop3A_264 = arith.constant 32 : index
        %parallel_loop3A_265 = tpu.vector_load %arg10[%parallel_loop3A_263, %parallel_loop3A_264] {strides = array<i32>} : memref<80x64xf32, #tpu.memory_space<vmem>>, vector<16xf32>,
        %parallel_loop3A_266 = arith.index_cast %parallel_loop3A_228 : i32 to index
        %parallel_loop3A_267 = arith.constant 32 : index
        %parallel_loop3A_268 = tpu.vector_load %arg11[%parallel_loop3A_266, %parallel_loop3A_267] {strides = array<i32>} : memref<80x64xf32, #tpu.memory_space<vmem>>, vector<16xf32>,
        %parallel_loop3A_269 = arith.mulf %parallel_loop3A_265, %parallel_loop3A_268 : vector<16xf32>
        %parallel_loop3A_270 = arith.constant true
        %parallel_loop3A_271 = vector.broadcast %parallel_loop3A_270 : i1 to vector<16xi1>
        %parallel_loop3A_272 = tpu.scan <sum>, %parallel_loop3A_269 masked %parallel_loop3A_271 : vector<16xf32>, vector<16xi1> -> vector<16xf32>
        %parallel_loop3A_273 = vector.extract %parallel_loop3A_272[15] : f32 from vector<16xf32>
        %parallel_loop3A_274 = arith.constant 2 : i32
        %parallel_loop3A_275 = vector.broadcast %parallel_loop3A_274 : i32 to vector<16xi32>
        %parallel_loop3A_276 = arith.cmpi eq, %iota3A, %parallel_loop3A_275 : vector<16xi32>
        %parallel_loop3A_277 = vector.broadcast %parallel_loop3A_273 : f32 to vector<16xf32>
        %parallel_loop3A_278 = arith.select %parallel_loop3A_276, %parallel_loop3A_277, %parallel_loop3A_262 : vector<16xi1>, vector<16xf32>
        %parallel_loop3A_279 = arith.index_cast %parallel_loop3A_228 : i32 to index
        %parallel_loop3A_280 = arith.constant 48 : index
        %parallel_loop3A_281 = tpu.vector_load %arg10[%parallel_loop3A_279, %parallel_loop3A_280] {strides = array<i32>} : memref<80x64xf32, #tpu.memory_space<vmem>>, vector<16xf32>,
        %parallel_loop3A_282 = arith.index_cast %parallel_loop3A_228 : i32 to index
        %parallel_loop3A_283 = arith.constant 48 : index
        %parallel_loop3A_284 = tpu.vector_load %arg11[%parallel_loop3A_282, %parallel_loop3A_283] {strides = array<i32>} : memref<80x64xf32, #tpu.memory_space<vmem>>, vector<16xf32>,
        %parallel_loop3A_285 = arith.mulf %parallel_loop3A_281, %parallel_loop3A_284 : vector<16xf32>
        %parallel_loop3A_286 = arith.constant true
        %parallel_loop3A_287 = vector.broadcast %parallel_loop3A_286 : i1 to vector<16xi1>
        %parallel_loop3A_288 = tpu.scan <sum>, %parallel_loop3A_285 masked %parallel_loop3A_287 : vector<16xf32>, vector<16xi1> -> vector<16xf32>
        %parallel_loop3A_289 = vector.extract %parallel_loop3A_288[15] : f32 from vector<16xf32>
        %parallel_loop3A_290 = arith.constant 3 : i32
        %parallel_loop3A_291 = vector.broadcast %parallel_loop3A_290 : i32 to vector<16xi32>
        %parallel_loop3A_292 = arith.cmpi eq, %iota3A, %parallel_loop3A_291 : vector<16xi32>
        %parallel_loop3A_293 = vector.broadcast %parallel_loop3A_289 : f32 to vector<16xf32>
        %parallel_loop3A_294 = arith.select %parallel_loop3A_292, %parallel_loop3A_293, %parallel_loop3A_278 : vector<16xi1>, vector<16xf32>
        %parallel_loop3A_295 = arith.constant 2.500000e-01 : f32
        %parallel_loop3A_296 = vector.broadcast %parallel_loop3A_295 : f32 to vector<16xf32>
        %parallel_loop3A_297 = arith.mulf %parallel_loop3A_294, %parallel_loop3A_296 : vector<16xf32>
        %parallel_loop3A_298 = math.exp %parallel_loop3A_297 : vector<16xf32>
        %parallel_loop3A_299 = arith.index_cast %parallel_loop3A_228 : i32 to index
        %parallel_loop3A_300 = arith.constant 64 : index
        %parallel_loop3A_301 = tpu.vector_load %arg16[%parallel_loop3A_299, %parallel_loop3A_300] {strides = array<i32>} : memref<80x80xf32, #tpu.memory_space<vmem>>, vector<16xf32>,
        tpu.vector_store %arg16[%parallel_loop3A_299, %parallel_loop3A_300], %parallel_loop3A_298 {strides = array<i32>} : memref<80x80xf32, #tpu.memory_space<vmem>>, vector<16xf32>,
        %parallel_loop3A_302 = arith.index_cast %parallel_loop3A_228 : i32 to index
        %parallel_loop3A_303 = arith.constant 0 : index
        %parallel_loop3A_304 = tpu.vector_load %arg12[%parallel_loop3A_302, %parallel_loop3A_303] {strides = array<i32>} : memref<80x64xf32, #tpu.memory_space<vmem>>, vector<16xf32>,
        %parallel_loop3A_305 = vector.extract_strided_slice %parallel_loop3A_298 {offsets = [0], sizes = [1], strides = [1]} : vector<16xf32> to vector<1xf32>
        %parallel_loop3A_306 = vector.extract %parallel_loop3A_305[0] : f32 from vector<1xf32>
        %parallel_loop3A_307 = vector.broadcast %parallel_loop3A_306 : f32 to vector<16xf32>
        %parallel_loop3A_308 = arith.mulf %parallel_loop3A_304, %parallel_loop3A_307 : vector<16xf32>
        %parallel_loop3A_309 = arith.index_cast %parallel_loop3A_228 : i32 to index
        %parallel_loop3A_310 = arith.constant 0 : index
        %parallel_loop3A_311 = tpu.vector_load %arg16[%parallel_loop3A_309, %parallel_loop3A_310] {strides = array<i32>} : memref<80x80xf32, #tpu.memory_space<vmem>>, vector<16xf32>,
        tpu.vector_store %arg16[%parallel_loop3A_309, %parallel_loop3A_310], %parallel_loop3A_308 {strides = array<i32>} : memref<80x80xf32, #tpu.memory_space<vmem>>, vector<16xf32>,
        %parallel_loop3A_312 = arith.index_cast %parallel_loop3A_228 : i32 to index
        %parallel_loop3A_313 = arith.constant 16 : index
        %parallel_loop3A_314 = tpu.vector_load %arg12[%parallel_loop3A_312, %parallel_loop3A_313] {strides = array<i32>} : memref<80x64xf32, #tpu.memory_space<vmem>>, vector<16xf32>,
        %parallel_loop3A_315 = vector.extract_strided_slice %parallel_loop3A_298 {offsets = [1], sizes = [1], strides = [1]} : vector<16xf32> to vector<1xf32>
        %parallel_loop3A_316 = vector.extract %parallel_loop3A_315[0] : f32 from vector<1xf32>
        %parallel_loop3A_317 = vector.broadcast %parallel_loop3A_316 : f32 to vector<16xf32>
        %parallel_loop3A_318 = arith.mulf %parallel_loop3A_314, %parallel_loop3A_317 : vector<16xf32>
        %parallel_loop3A_319 = arith.index_cast %parallel_loop3A_228 : i32 to index
        %parallel_loop3A_320 = arith.constant 16 : index
        %parallel_loop3A_321 = tpu.vector_load %arg16[%parallel_loop3A_319, %parallel_loop3A_320] {strides = array<i32>} : memref<80x80xf32, #tpu.memory_space<vmem>>, vector<16xf32>,
        tpu.vector_store %arg16[%parallel_loop3A_319, %parallel_loop3A_320], %parallel_loop3A_318 {strides = array<i32>} : memref<80x80xf32, #tpu.memory_space<vmem>>, vector<16xf32>,
        %parallel_loop3A_322 = arith.index_cast %parallel_loop3A_228 : i32 to index
        %parallel_loop3A_323 = arith.constant 32 : index
        %parallel_loop3A_324 = tpu.vector_load %arg12[%parallel_loop3A_322, %parallel_loop3A_323] {strides = array<i32>} : memref<80x64xf32, #tpu.memory_space<vmem>>, vector<16xf32>,
        %parallel_loop3A_325 = vector.extract_strided_slice %parallel_loop3A_298 {offsets = [2], sizes = [1], strides = [1]} : vector<16xf32> to vector<1xf32>
        %parallel_loop3A_326 = vector.extract %parallel_loop3A_325[0] : f32 from vector<1xf32>
        %parallel_loop3A_327 = vector.broadcast %parallel_loop3A_326 : f32 to vector<16xf32>
        %parallel_loop3A_328 = arith.mulf %parallel_loop3A_324, %parallel_loop3A_327 : vector<16xf32>
        %parallel_loop3A_329 = arith.index_cast %parallel_loop3A_228 : i32 to index
        %parallel_loop3A_330 = arith.constant 32 : index
        %parallel_loop3A_331 = tpu.vector_load %arg16[%parallel_loop3A_329, %parallel_loop3A_330] {strides = array<i32>} : memref<80x80xf32, #tpu.memory_space<vmem>>, vector<16xf32>,
        tpu.vector_store %arg16[%parallel_loop3A_329, %parallel_loop3A_330], %parallel_loop3A_328 {strides = array<i32>} : memref<80x80xf32, #tpu.memory_space<vmem>>, vector<16xf32>,
        %parallel_loop3A_332 = arith.index_cast %parallel_loop3A_228 : i32 to index
        %parallel_loop3A_333 = arith.constant 48 : index
        %parallel_loop3A_334 = tpu.vector_load %arg12[%parallel_loop3A_332, %parallel_loop3A_333] {strides = array<i32>} : memref<80x64xf32, #tpu.memory_space<vmem>>, vector<16xf32>,
        %parallel_loop3A_335 = vector.extract_strided_slice %parallel_loop3A_298 {offsets = [3], sizes = [1], strides = [1]} : vector<16xf32> to vector<1xf32>
        %parallel_loop3A_336 = vector.extract %parallel_loop3A_335[0] : f32 from vector<1xf32>
        %parallel_loop3A_337 = vector.broadcast %parallel_loop3A_336 : f32 to vector<16xf32>
        %parallel_loop3A_338 = arith.mulf %parallel_loop3A_334, %parallel_loop3A_337 : vector<16xf32>
        %parallel_loop3A_339 = arith.index_cast %parallel_loop3A_228 : i32 to index
        %parallel_loop3A_340 = arith.constant 48 : index
        %parallel_loop3A_341 = tpu.vector_load %arg16[%parallel_loop3A_339, %parallel_loop3A_340] {strides = array<i32>} : memref<80x80xf32, #tpu.memory_space<vmem>>, vector<16xf32>,
        tpu.vector_store %arg16[%parallel_loop3A_339, %parallel_loop3A_340], %parallel_loop3A_338 {strides = array<i32>} : memref<80x80xf32, #tpu.memory_space<vmem>>, vector<16xf32>,
      } {sc.loop_unroll_factor = 2 : i64, sc.parallel_access}
      "tpu.region"() ({
        %run_scoped3A = tpu.sem_alloc : memref<!tpu.dma_semaphore, #tpu.memory_space<semaphore_mem>>
        %dma_start3A_228 = arith.constant 0 : i32
        %dma_start3A_229 = tpu.memref_slice %arg9[%mul3A_93, %dma_start3A_228] : memref<250x80xi32, #tpu.memory_space<vmem>> -> memref<1x80xi32, #tpu.memory_space<vmem>>
        %dma_start3A_230 = tpu.memref_squeeze %dma_start3A_229 : memref<1x80xi32, #tpu.memory_space<vmem>> -> memref<80xi32, #tpu.memory_space<vmem>>
        %dma_start3A_231 = arith.constant 0 : i32
        %dma_start3A_232 = arith.constant 0 : i32
        %dma_start3A_233 = tpu.memref_slice %arg17[%dma_start3A_231, %dma_start3A_232] : memref<10000x80xf32, #tpu.memory_space<vmem_shared>> -> memref<10000x80xf32, #tpu.memory_space<vmem_shared>>
        tpu.enqueue_indirect_dma source(%arg16 : memref<80x80xf32, #tpu.memory_space<vmem>>) target(%dma_start3A_233 : memref<10000x80xf32, #tpu.memory_space<vmem_shared>>) offsets(%dma_start3A_230 : memref<80xi32, #tpu.memory_space<vmem>>) semaphore(%run_scoped3A : memref<!tpu.dma_semaphore, #tpu.memory_space<semaphore_mem>>) {add = true}
        %dma_wait3A_234 = arith.constant 0 : i32
        %dma_wait3A_235 = tpu.memref_slice %arg9[%mul3A_93, %dma_wait3A_234] : memref<250x80xi32, #tpu.memory_space<vmem>> -> memref<1x80xi32, #tpu.memory_space<vmem>>
        %dma_wait3A_236 = tpu.memref_squeeze %dma_wait3A_235 : memref<1x80xi32, #tpu.memory_space<vmem>> -> memref<80xi32, #tpu.memory_space<vmem>>
        %dma_wait3A_237 = arith.constant 0 : i32
        %dma_wait3A_238 = arith.constant 0 : i32
        %dma_wait3A_239 = tpu.memref_slice %arg17[%dma_wait3A_237, %dma_wait3A_238] : memref<10000x80xf32, #tpu.memory_space<vmem_shared>> -> memref<10000x80xf32, #tpu.memory_space<vmem_shared>>
        tpu.wait_indirect_dma semaphore(%run_scoped3A : memref<!tpu.dma_semaphore, #tpu.memory_space<semaphore_mem>>) src(%arg16 : memref<80x80xf32, #tpu.memory_space<vmem>>) dst(%dma_wait3A_239 : memref<10000x80xf32, #tpu.memory_space<vmem_shared>>)
        tpu.yield
      }) : () -> ()
      %add3A_158 = arith.constant 1 : i32
      %add3A_159 = arith.addi %mul3A_93, %add3A_158 : i32
      %dma_wait3A_160 = arith.constant 0 : i32
      %dma_wait3A_161 = tpu.memref_slice %arg9[%add3A_159, %dma_wait3A_160] : memref<250x80xi32, #tpu.memory_space<vmem>> -> memref<1x80xi32, #tpu.memory_space<vmem>>
      %dma_wait3A_162 = tpu.memref_squeeze %dma_wait3A_161 : memref<1x80xi32, #tpu.memory_space<vmem>> -> memref<80xi32, #tpu.memory_space<vmem>>
      %dma_wait3A_163 = arith.constant 0 : i32
      %dma_wait3A_164 = arith.constant 0 : i32
      %dma_wait3A_165 = tpu.memref_slice %arg2[%arg0, %dma_wait3A_163, %dma_wait3A_164] : memref<2x10000x64xf32, #tpu.memory_space<hbm>> -> memref<1x10000x64xf32, #tpu.memory_space<hbm>>
      %dma_wait3A_166 = tpu.memref_squeeze %dma_wait3A_165 : memref<1x10000x64xf32, #tpu.memory_space<hbm>> -> memref<10000x64xf32, #tpu.memory_space<hbm>>
      %dma_wait3A_167 = arith.constant 0 : i32
      %dma_wait3A_168 = arith.constant 0 : i32
      %dma_wait3A_169 = tpu.memref_slice %dma_wait3A_166[%dma_wait3A_167, %dma_wait3A_168] : memref<10000x64xf32, #tpu.memory_space<hbm>> -> memref<10000x64xf32, #tpu.memory_space<hbm>>
      tpu.wait_indirect_dma semaphore(%arg21 : memref<!tpu.dma_semaphore, #tpu.memory_space<semaphore_mem>>) src(%dma_wait3A_169 : memref<10000x64xf32, #tpu.memory_space<hbm>>) dst(%arg13 : memref<80x64xf32, #tpu.memory_space<vmem>>)
      %dma_wait3A_170 = arith.constant 0 : i32
      %dma_wait3A_171 = tpu.memref_slice %arg8[%add3A_159, %dma_wait3A_170] : memref<250x80xi32, #tpu.memory_space<vmem>> -> memref<1x80xi32, #tpu.memory_space<vmem>>
      %dma_wait3A_172 = tpu.memref_squeeze %dma_wait3A_171 : memref<1x80xi32, #tpu.memory_space<vmem>> -> memref<80xi32, #tpu.memory_space<vmem>>
      %dma_wait3A_173 = arith.constant 0 : i32
      %dma_wait3A_174 = arith.constant 0 : i32
      %dma_wait3A_175 = tpu.memref_slice %arg3[%arg0, %dma_wait3A_173, %dma_wait3A_174] : memref<2x10000x64xf32, #tpu.memory_space<hbm>> -> memref<1x10000x64xf32, #tpu.memory_space<hbm>>
      %dma_wait3A_176 = tpu.memref_squeeze %dma_wait3A_175 : memref<1x10000x64xf32, #tpu.memory_space<hbm>> -> memref<10000x64xf32, #tpu.memory_space<hbm>>
      %dma_wait3A_177 = arith.constant 0 : i32
      %dma_wait3A_178 = arith.constant 0 : i32
      %dma_wait3A_179 = tpu.memref_slice %dma_wait3A_176[%dma_wait3A_177, %dma_wait3A_178] : memref<10000x64xf32, #tpu.memory_space<hbm>> -> memref<10000x64xf32, #tpu.memory_space<hbm>>
      tpu.wait_indirect_dma semaphore(%arg22 : memref<!tpu.dma_semaphore, #tpu.memory_space<semaphore_mem>>) src(%dma_wait3A_179 : memref<10000x64xf32, #tpu.memory_space<hbm>>) dst(%arg14 : memref<80x64xf32, #tpu.memory_space<vmem>>)
      %dma_wait3A_180 = arith.constant 0 : i32
      %dma_wait3A_181 = tpu.memref_slice %arg8[%add3A_159, %dma_wait3A_180] : memref<250x80xi32, #tpu.memory_space<vmem>> -> memref<1x80xi32, #tpu.memory_space<vmem>>
      %dma_wait3A_182 = tpu.memref_squeeze %dma_wait3A_181 : memref<1x80xi32, #tpu.memory_space<vmem>> -> memref<80xi32, #tpu.memory_space<vmem>>
      %dma_wait3A_183 = arith.constant 0 : i32
      %dma_wait3A_184 = arith.constant 0 : i32
      %dma_wait3A_185 = tpu.memref_slice %arg4[%arg0, %dma_wait3A_183, %dma_wait3A_184] : memref<2x10000x64xf32, #tpu.memory_space<hbm>> -> memref<1x10000x64xf32, #tpu.memory_space<hbm>>
      %dma_wait3A_186 = tpu.memref_squeeze %dma_wait3A_185 : memref<1x10000x64xf32, #tpu.memory_space<hbm>> -> memref<10000x64xf32, #tpu.memory_space<hbm>>
      %dma_wait3A_187 = arith.constant 0 : i32
      %dma_wait3A_188 = arith.constant 0 : i32
      %dma_wait3A_189 = tpu.memref_slice %dma_wait3A_186[%dma_wait3A_187, %dma_wait3A_188] : memref<10000x64xf32, #tpu.memory_space<hbm>> -> memref<10000x64xf32, #tpu.memory_space<hbm>>
      tpu.wait_indirect_dma semaphore(%arg23 : memref<!tpu.dma_semaphore, #tpu.memory_space<semaphore_mem>>) src(%dma_wait3A_189 : memref<10000x64xf32, #tpu.memory_space<hbm>>) dst(%arg15 : memref<80x64xf32, #tpu.memory_space<vmem>>)
      %add3A_190 = arith.constant 2 : i32
      %add3A_191 = arith.addi %mul3A_93, %add3A_190 : i32
      %min3A = arith.constant 249 : i32
      %min3A_192 = arith.minsi %add3A_191, %min3A : i32
      %dma_start3A_193 = arith.constant 0 : i32
      %dma_start3A_194 = tpu.memref_slice %arg9[%min3A_192, %dma_start3A_193] : memref<250x80xi32, #tpu.memory_space<vmem>> -> memref<1x80xi32, #tpu.memory_space<vmem>>
      %dma_start3A_195 = tpu.memref_squeeze %dma_start3A_194 : memref<1x80xi32, #tpu.memory_space<vmem>> -> memref<80xi32, #tpu.memory_space<vmem>>
      %dma_start3A_196 = arith.constant 0 : i32
      %dma_start3A_197 = arith.constant 0 : i32
      %dma_start3A_198 = tpu.memref_slice %arg2[%arg0, %dma_start3A_196, %dma_start3A_197] : memref<2x10000x64xf32, #tpu.memory_space<hbm>> -> memref<1x10000x64xf32, #tpu.memory_space<hbm>>
      %dma_start3A_199 = tpu.memref_squeeze %dma_start3A_198 : memref<1x10000x64xf32, #tpu.memory_space<hbm>> -> memref<10000x64xf32, #tpu.memory_space<hbm>>
      %dma_start3A_200 = arith.constant 0 : i32
      %dma_start3A_201 = arith.constant 0 : i32
      %dma_start3A_202 = tpu.memref_slice %dma_start3A_199[%dma_start3A_200, %dma_start3A_201] : memref<10000x64xf32, #tpu.memory_space<hbm>> -> memref<10000x64xf32, #tpu.memory_space<hbm>>
      tpu.enqueue_indirect_dma source(%dma_start3A_202 : memref<10000x64xf32, #tpu.memory_space<hbm>>) target(%arg10 : memref<80x64xf32, #tpu.memory_space<vmem>>) offsets(%dma_start3A_195 : memref<80xi32, #tpu.memory_space<vmem>>) semaphore(%arg18 : memref<!tpu.dma_semaphore, #tpu.memory_space<semaphore_mem>>)
      %dma_start3A_203 = arith.constant 0 : i32
      %dma_start3A_204 = tpu.memref_slice %arg8[%min3A_192, %dma_start3A_203] : memref<250x80xi32, #tpu.memory_space<vmem>> -> memref<1x80xi32, #tpu.memory_space<vmem>>
      %dma_start3A_205 = tpu.memref_squeeze %dma_start3A_204 : memref<1x80xi32, #tpu.memory_space<vmem>> -> memref<80xi32, #tpu.memory_space<vmem>>
      %dma_start3A_206 = arith.constant 0 : i32
      %dma_start3A_207 = arith.constant 0 : i32
      %dma_start3A_208 = tpu.memref_slice %arg3[%arg0, %dma_start3A_206, %dma_start3A_207] : memref<2x10000x64xf32, #tpu.memory_space<hbm>> -> memref<1x10000x64xf32, #tpu.memory_space<hbm>>
      %dma_start3A_209 = tpu.memref_squeeze %dma_start3A_208 : memref<1x10000x64xf32, #tpu.memory_space<hbm>> -> memref<10000x64xf32, #tpu.memory_space<hbm>>
      %dma_start3A_210 = arith.constant 0 : i32
      %dma_start3A_211 = arith.constant 0 : i32
      %dma_start3A_212 = tpu.memref_slice %dma_start3A_209[%dma_start3A_210, %dma_start3A_211] : memref<10000x64xf32, #tpu.memory_space<hbm>> -> memref<10000x64xf32, #tpu.memory_space<hbm>>
      tpu.enqueue_indirect_dma source(%dma_start3A_212 : memref<10000x64xf32, #tpu.memory_space<hbm>>) target(%arg11 : memref<80x64xf32, #tpu.memory_space<vmem>>) offsets(%dma_start3A_205 : memref<80xi32, #tpu.memory_space<vmem>>) semaphore(%arg19 : memref<!tpu.dma_semaphore, #tpu.memory_space<semaphore_mem>>)
      %dma_start3A_213 = arith.constant 0 : i32
      %dma_start3A_214 = tpu.memref_slice %arg8[%min3A_192, %dma_start3A_213] : memref<250x80xi32, #tpu.memory_space<vmem>> -> memref<1x80xi32, #tpu.memory_space<vmem>>
      %dma_start3A_215 = tpu.memref_squeeze %dma_start3A_214 : memref<1x80xi32, #tpu.memory_space<vmem>> -> memref<80xi32, #tpu.memory_space<vmem>>
      %dma_start3A_216 = arith.constant 0 : i32
      %dma_start3A_217 = arith.constant 0 : i32
      %dma_start3A_218 = tpu.memref_slice %arg4[%arg0, %dma_start3A_216, %dma_start3A_217] : memref<2x10000x64xf32, #tpu.memory_space<hbm>> -> memref<1x10000x64xf32, #tpu.memory_space<hbm>>
      %dma_start3A_219 = tpu.memref_squeeze %dma_start3A_218 : memref<1x10000x64xf32, #tpu.memory_space<hbm>> -> memref<10000x64xf32, #tpu.memory_space<hbm>>
      %dma_start3A_220 = arith.constant 0 : i32
      %dma_start3A_221 = arith.constant 0 : i32
      %dma_start3A_222 = tpu.memref_slice %dma_start3A_219[%dma_start3A_220, %dma_start3A_221] : memref<10000x64xf32, #tpu.memory_space<hbm>> -> memref<10000x64xf32, #tpu.memory_space<hbm>>
      tpu.enqueue_indirect_dma source(%dma_start3A_222 : memref<10000x64xf32, #tpu.memory_space<hbm>>) target(%arg12 : memref<80x64xf32, #tpu.memory_space<vmem>>) offsets(%dma_start3A_215 : memref<80xi32, #tpu.memory_space<vmem>>) semaphore(%arg20 : memref<!tpu.dma_semaphore, #tpu.memory_space<semaphore_mem>>)
      %add3A_223 = arith.constant 1 : i32
      %add3A_224 = arith.addi %mul3A_93, %add3A_223 : i32
      %parallel_loop3A_225 = arith.constant 0 : i32
      %parallel_loop3A_226 = arith.constant 80 : i32
      %parallel_loop3A_227 = arith.constant 1 : i32
      scf.for %parallel_loop3A_228 = %parallel_loop3A_225 to %parallel_loop3A_226 step %parallel_loop3A_227  : i32 {
        %parallel_loop3A_229 = arith.constant 0.000000e+00 : f32
        %parallel_loop3A_230 = vector.broadcast %parallel_loop3A_229 : f32 to vector<16xf32>
        %parallel_loop3A_231 = arith.index_cast %parallel_loop3A_228 : i32 to index
        %parallel_loop3A_232 = arith.constant 0 : index
        %parallel_loop3A_233 = tpu.vector_load %arg13[%parallel_loop3A_231, %parallel_loop3A_232] {strides = array<i32>} : memref<80x64xf32, #tpu.memory_space<vmem>>, vector<16xf32>,
        %parallel_loop3A_234 = arith.index_cast %parallel_loop3A_228 : i32 to index
        %parallel_loop3A_235 = arith.constant 0 : index
        %parallel_loop3A_236 = tpu.vector_load %arg14[%parallel_loop3A_234, %parallel_loop3A_235] {strides = array<i32>} : memref<80x64xf32, #tpu.memory_space<vmem>>, vector<16xf32>,
        %parallel_loop3A_237 = arith.mulf %parallel_loop3A_233, %parallel_loop3A_236 : vector<16xf32>
        %parallel_loop3A_238 = arith.constant true
        %parallel_loop3A_239 = vector.broadcast %parallel_loop3A_238 : i1 to vector<16xi1>
        %parallel_loop3A_240 = tpu.scan <sum>, %parallel_loop3A_237 masked %parallel_loop3A_239 : vector<16xf32>, vector<16xi1> -> vector<16xf32>
        %parallel_loop3A_241 = vector.extract %parallel_loop3A_240[15] : f32 from vector<16xf32>
        %parallel_loop3A_242 = arith.constant 0 : i32
        %parallel_loop3A_243 = vector.broadcast %parallel_loop3A_242 : i32 to vector<16xi32>
        %parallel_loop3A_244 = arith.cmpi eq, %iota3A, %parallel_loop3A_243 : vector<16xi32>
        %parallel_loop3A_245 = vector.broadcast %parallel_loop3A_241 : f32 to vector<16xf32>
        %parallel_loop3A_246 = arith.select %parallel_loop3A_244, %parallel_loop3A_245, %parallel_loop3A_230 : vector<16xi1>, vector<16xf32>
        %parallel_loop3A_247 = arith.index_cast %parallel_loop3A_228 : i32 to index
        %parallel_loop3A_248 = arith.constant 16 : index
        %parallel_loop3A_249 = tpu.vector_load %arg13[%parallel_loop3A_247, %parallel_loop3A_248] {strides = array<i32>} : memref<80x64xf32, #tpu.memory_space<vmem>>, vector<16xf32>,
        %parallel_loop3A_250 = arith.index_cast %parallel_loop3A_228 : i32 to index
        %parallel_loop3A_251 = arith.constant 16 : index
        %parallel_loop3A_252 = tpu.vector_load %arg14[%parallel_loop3A_250, %parallel_loop3A_251] {strides = array<i32>} : memref<80x64xf32, #tpu.memory_space<vmem>>, vector<16xf32>,
        %parallel_loop3A_253 = arith.mulf %parallel_loop3A_249, %parallel_loop3A_252 : vector<16xf32>
        %parallel_loop3A_254 = arith.constant true
        %parallel_loop3A_255 = vector.broadcast %parallel_loop3A_254 : i1 to vector<16xi1>
        %parallel_loop3A_256 = tpu.scan <sum>, %parallel_loop3A_253 masked %parallel_loop3A_255 : vector<16xf32>, vector<16xi1> -> vector<16xf32>
        %parallel_loop3A_257 = vector.extract %parallel_loop3A_256[15] : f32 from vector<16xf32>
        %parallel_loop3A_258 = arith.constant 1 : i32
        %parallel_loop3A_259 = vector.broadcast %parallel_loop3A_258 : i32 to vector<16xi32>
        %parallel_loop3A_260 = arith.cmpi eq, %iota3A, %parallel_loop3A_259 : vector<16xi32>
        %parallel_loop3A_261 = vector.broadcast %parallel_loop3A_257 : f32 to vector<16xf32>
        %parallel_loop3A_262 = arith.select %parallel_loop3A_260, %parallel_loop3A_261, %parallel_loop3A_246 : vector<16xi1>, vector<16xf32>
        %parallel_loop3A_263 = arith.index_cast %parallel_loop3A_228 : i32 to index
        %parallel_loop3A_264 = arith.constant 32 : index
        %parallel_loop3A_265 = tpu.vector_load %arg13[%parallel_loop3A_263, %parallel_loop3A_264] {strides = array<i32>} : memref<80x64xf32, #tpu.memory_space<vmem>>, vector<16xf32>,
        %parallel_loop3A_266 = arith.index_cast %parallel_loop3A_228 : i32 to index
        %parallel_loop3A_267 = arith.constant 32 : index
        %parallel_loop3A_268 = tpu.vector_load %arg14[%parallel_loop3A_266, %parallel_loop3A_267] {strides = array<i32>} : memref<80x64xf32, #tpu.memory_space<vmem>>, vector<16xf32>,
        %parallel_loop3A_269 = arith.mulf %parallel_loop3A_265, %parallel_loop3A_268 : vector<16xf32>
        %parallel_loop3A_270 = arith.constant true
        %parallel_loop3A_271 = vector.broadcast %parallel_loop3A_270 : i1 to vector<16xi1>
        %parallel_loop3A_272 = tpu.scan <sum>, %parallel_loop3A_269 masked %parallel_loop3A_271 : vector<16xf32>, vector<16xi1> -> vector<16xf32>
        %parallel_loop3A_273 = vector.extract %parallel_loop3A_272[15] : f32 from vector<16xf32>
        %parallel_loop3A_274 = arith.constant 2 : i32
        %parallel_loop3A_275 = vector.broadcast %parallel_loop3A_274 : i32 to vector<16xi32>
        %parallel_loop3A_276 = arith.cmpi eq, %iota3A, %parallel_loop3A_275 : vector<16xi32>
        %parallel_loop3A_277 = vector.broadcast %parallel_loop3A_273 : f32 to vector<16xf32>
        %parallel_loop3A_278 = arith.select %parallel_loop3A_276, %parallel_loop3A_277, %parallel_loop3A_262 : vector<16xi1>, vector<16xf32>
        %parallel_loop3A_279 = arith.index_cast %parallel_loop3A_228 : i32 to index
        %parallel_loop3A_280 = arith.constant 48 : index
        %parallel_loop3A_281 = tpu.vector_load %arg13[%parallel_loop3A_279, %parallel_loop3A_280] {strides = array<i32>} : memref<80x64xf32, #tpu.memory_space<vmem>>, vector<16xf32>,
        %parallel_loop3A_282 = arith.index_cast %parallel_loop3A_228 : i32 to index
        %parallel_loop3A_283 = arith.constant 48 : index
        %parallel_loop3A_284 = tpu.vector_load %arg14[%parallel_loop3A_282, %parallel_loop3A_283] {strides = array<i32>} : memref<80x64xf32, #tpu.memory_space<vmem>>, vector<16xf32>,
        %parallel_loop3A_285 = arith.mulf %parallel_loop3A_281, %parallel_loop3A_284 : vector<16xf32>
        %parallel_loop3A_286 = arith.constant true
        %parallel_loop3A_287 = vector.broadcast %parallel_loop3A_286 : i1 to vector<16xi1>
        %parallel_loop3A_288 = tpu.scan <sum>, %parallel_loop3A_285 masked %parallel_loop3A_287 : vector<16xf32>, vector<16xi1> -> vector<16xf32>
        %parallel_loop3A_289 = vector.extract %parallel_loop3A_288[15] : f32 from vector<16xf32>
        %parallel_loop3A_290 = arith.constant 3 : i32
        %parallel_loop3A_291 = vector.broadcast %parallel_loop3A_290 : i32 to vector<16xi32>
        %parallel_loop3A_292 = arith.cmpi eq, %iota3A, %parallel_loop3A_291 : vector<16xi32>
        %parallel_loop3A_293 = vector.broadcast %parallel_loop3A_289 : f32 to vector<16xf32>
        %parallel_loop3A_294 = arith.select %parallel_loop3A_292, %parallel_loop3A_293, %parallel_loop3A_278 : vector<16xi1>, vector<16xf32>
        %parallel_loop3A_295 = arith.constant 2.500000e-01 : f32
        %parallel_loop3A_296 = vector.broadcast %parallel_loop3A_295 : f32 to vector<16xf32>
        %parallel_loop3A_297 = arith.mulf %parallel_loop3A_294, %parallel_loop3A_296 : vector<16xf32>
        %parallel_loop3A_298 = math.exp %parallel_loop3A_297 : vector<16xf32>
        %parallel_loop3A_299 = arith.index_cast %parallel_loop3A_228 : i32 to index
        %parallel_loop3A_300 = arith.constant 64 : index
        %parallel_loop3A_301 = tpu.vector_load %arg16[%parallel_loop3A_299, %parallel_loop3A_300] {strides = array<i32>} : memref<80x80xf32, #tpu.memory_space<vmem>>, vector<16xf32>,
        tpu.vector_store %arg16[%parallel_loop3A_299, %parallel_loop3A_300], %parallel_loop3A_298 {strides = array<i32>} : memref<80x80xf32, #tpu.memory_space<vmem>>, vector<16xf32>,
        %parallel_loop3A_302 = arith.index_cast %parallel_loop3A_228 : i32 to index
        %parallel_loop3A_303 = arith.constant 0 : index
        %parallel_loop3A_304 = tpu.vector_load %arg15[%parallel_loop3A_302, %parallel_loop3A_303] {strides = array<i32>} : memref<80x64xf32, #tpu.memory_space<vmem>>, vector<16xf32>,
        %parallel_loop3A_305 = vector.extract_strided_slice %parallel_loop3A_298 {offsets = [0], sizes = [1], strides = [1]} : vector<16xf32> to vector<1xf32>
        %parallel_loop3A_306 = vector.extract %parallel_loop3A_305[0] : f32 from vector<1xf32>
        %parallel_loop3A_307 = vector.broadcast %parallel_loop3A_306 : f32 to vector<16xf32>
        %parallel_loop3A_308 = arith.mulf %parallel_loop3A_304, %parallel_loop3A_307 : vector<16xf32>
        %parallel_loop3A_309 = arith.index_cast %parallel_loop3A_228 : i32 to index
        %parallel_loop3A_310 = arith.constant 0 : index
        %parallel_loop3A_311 = tpu.vector_load %arg16[%parallel_loop3A_309, %parallel_loop3A_310] {strides = array<i32>} : memref<80x80xf32, #tpu.memory_space<vmem>>, vector<16xf32>,
        tpu.vector_store %arg16[%parallel_loop3A_309, %parallel_loop3A_310], %parallel_loop3A_308 {strides = array<i32>} : memref<80x80xf32, #tpu.memory_space<vmem>>, vector<16xf32>,
        %parallel_loop3A_312 = arith.index_cast %parallel_loop3A_228 : i32 to index
        %parallel_loop3A_313 = arith.constant 16 : index
        %parallel_loop3A_314 = tpu.vector_load %arg15[%parallel_loop3A_312, %parallel_loop3A_313] {strides = array<i32>} : memref<80x64xf32, #tpu.memory_space<vmem>>, vector<16xf32>,
        %parallel_loop3A_315 = vector.extract_strided_slice %parallel_loop3A_298 {offsets = [1], sizes = [1], strides = [1]} : vector<16xf32> to vector<1xf32>
        %parallel_loop3A_316 = vector.extract %parallel_loop3A_315[0] : f32 from vector<1xf32>
        %parallel_loop3A_317 = vector.broadcast %parallel_loop3A_316 : f32 to vector<16xf32>
        %parallel_loop3A_318 = arith.mulf %parallel_loop3A_314, %parallel_loop3A_317 : vector<16xf32>
        %parallel_loop3A_319 = arith.index_cast %parallel_loop3A_228 : i32 to index
        %parallel_loop3A_320 = arith.constant 16 : index
        %parallel_loop3A_321 = tpu.vector_load %arg16[%parallel_loop3A_319, %parallel_loop3A_320] {strides = array<i32>} : memref<80x80xf32, #tpu.memory_space<vmem>>, vector<16xf32>,
        tpu.vector_store %arg16[%parallel_loop3A_319, %parallel_loop3A_320], %parallel_loop3A_318 {strides = array<i32>} : memref<80x80xf32, #tpu.memory_space<vmem>>, vector<16xf32>,
        %parallel_loop3A_322 = arith.index_cast %parallel_loop3A_228 : i32 to index
        %parallel_loop3A_323 = arith.constant 32 : index
        %parallel_loop3A_324 = tpu.vector_load %arg15[%parallel_loop3A_322, %parallel_loop3A_323] {strides = array<i32>} : memref<80x64xf32, #tpu.memory_space<vmem>>, vector<16xf32>,
        %parallel_loop3A_325 = vector.extract_strided_slice %parallel_loop3A_298 {offsets = [2], sizes = [1], strides = [1]} : vector<16xf32> to vector<1xf32>
        %parallel_loop3A_326 = vector.extract %parallel_loop3A_325[0] : f32 from vector<1xf32>
        %parallel_loop3A_327 = vector.broadcast %parallel_loop3A_326 : f32 to vector<16xf32>
        %parallel_loop3A_328 = arith.mulf %parallel_loop3A_324, %parallel_loop3A_327 : vector<16xf32>
        %parallel_loop3A_329 = arith.index_cast %parallel_loop3A_228 : i32 to index
        %parallel_loop3A_330 = arith.constant 32 : index
        %parallel_loop3A_331 = tpu.vector_load %arg16[%parallel_loop3A_329, %parallel_loop3A_330] {strides = array<i32>} : memref<80x80xf32, #tpu.memory_space<vmem>>, vector<16xf32>,
        tpu.vector_store %arg16[%parallel_loop3A_329, %parallel_loop3A_330], %parallel_loop3A_328 {strides = array<i32>} : memref<80x80xf32, #tpu.memory_space<vmem>>, vector<16xf32>,
        %parallel_loop3A_332 = arith.index_cast %parallel_loop3A_228 : i32 to index
        %parallel_loop3A_333 = arith.constant 48 : index
        %parallel_loop3A_334 = tpu.vector_load %arg15[%parallel_loop3A_332, %parallel_loop3A_333] {strides = array<i32>} : memref<80x64xf32, #tpu.memory_space<vmem>>, vector<16xf32>,
        %parallel_loop3A_335 = vector.extract_strided_slice %parallel_loop3A_298 {offsets = [3], sizes = [1], strides = [1]} : vector<16xf32> to vector<1xf32>
        %parallel_loop3A_336 = vector.extract %parallel_loop3A_335[0] : f32 from vector<1xf32>
        %parallel_loop3A_337 = vector.broadcast %parallel_loop3A_336 : f32 to vector<16xf32>
        %parallel_loop3A_338 = arith.mulf %parallel_loop3A_334, %parallel_loop3A_337 : vector<16xf32>
        %parallel_loop3A_339 = arith.index_cast %parallel_loop3A_228 : i32 to index
        %parallel_loop3A_340 = arith.constant 48 : index
        %parallel_loop3A_341 = tpu.vector_load %arg16[%parallel_loop3A_339, %parallel_loop3A_340] {strides = array<i32>} : memref<80x80xf32, #tpu.memory_space<vmem>>, vector<16xf32>,
        tpu.vector_store %arg16[%parallel_loop3A_339, %parallel_loop3A_340], %parallel_loop3A_338 {strides = array<i32>} : memref<80x80xf32, #tpu.memory_space<vmem>>, vector<16xf32>,
      } {sc.loop_unroll_factor = 2 : i64, sc.parallel_access}
      "tpu.region"() ({
        %run_scoped3A = tpu.sem_alloc : memref<!tpu.dma_semaphore, #tpu.memory_space<semaphore_mem>>
        %dma_start3A_228 = arith.constant 0 : i32
        %dma_start3A_229 = tpu.memref_slice %arg9[%add3A_224, %dma_start3A_228] : memref<250x80xi32, #tpu.memory_space<vmem>> -> memref<1x80xi32, #tpu.memory_space<vmem>>
        %dma_start3A_230 = tpu.memref_squeeze %dma_start3A_229 : memref<1x80xi32, #tpu.memory_space<vmem>> -> memref<80xi32, #tpu.memory_space<vmem>>
        %dma_start3A_231 = arith.constant 0 : i32
        %dma_start3A_232 = arith.constant 0 : i32
        %dma_start3A_233 = tpu.memref_slice %arg17[%dma_start3A_231, %dma_start3A_232] : memref<10000x80xf32, #tpu.memory_space<vmem_shared>> -> memref<10000x80xf32, #tpu.memory_space<vmem_shared>>
        tpu.enqueue_indirect_dma source(%arg16 : memref<80x80xf32, #tpu.memory_space<vmem>>) target(%dma_start3A_233 : memref<10000x80xf32, #tpu.memory_space<vmem_shared>>) offsets(%dma_start3A_230 : memref<80xi32, #tpu.memory_space<vmem>>) semaphore(%run_scoped3A : memref<!tpu.dma_semaphore, #tpu.memory_space<semaphore_mem>>) {add = true}
        %dma_wait3A_234 = arith.constant 0 : i32
        %dma_wait3A_235 = tpu.memref_slice %arg9[%add3A_224, %dma_wait3A_234] : memref<250x80xi32, #tpu.memory_space<vmem>> -> memref<1x80xi32, #tpu.memory_space<vmem>>
        %dma_wait3A_236 = tpu.memref_squeeze %dma_wait3A_235 : memref<1x80xi32, #tpu.memory_space<vmem>> -> memref<80xi32, #tpu.memory_space<vmem>>
        %dma_wait3A_237 = arith.constant 0 : i32
        %dma_wait3A_238 = arith.constant 0 : i32
        %dma_wait3A_239 = tpu.memref_slice %arg17[%dma_wait3A_237, %dma_wait3A_238] : memref<10000x80xf32, #tpu.memory_space<vmem_shared>> -> memref<10000x80xf32, #tpu.memory_space<vmem_shared>>
        tpu.wait_indirect_dma semaphore(%run_scoped3A : memref<!tpu.dma_semaphore, #tpu.memory_space<semaphore_mem>>) src(%arg16 : memref<80x80xf32, #tpu.memory_space<vmem>>) dst(%dma_wait3A_239 : memref<10000x80xf32, #tpu.memory_space<vmem_shared>>)
        tpu.yield
      }) : () -> ()
      scf.yield %min3A_192 : i32
    }
    %scan3A_54 = arith.constant 125 : i32
    %dma_wait3A = arith.constant 0 : i32
    %dma_wait3A_55 = tpu.memref_slice %arg9[%scan3A_53, %dma_wait3A] : memref<250x80xi32, #tpu.memory_space<vmem>> -> memref<1x80xi32, #tpu.memory_space<vmem>>
    %dma_wait3A_56 = tpu.memref_squeeze %dma_wait3A_55 : memref<1x80xi32, #tpu.memory_space<vmem>> -> memref<80xi32, #tpu.memory_space<vmem>>
    %dma_wait3A_57 = arith.constant 0 : i32
    %dma_wait3A_58 = arith.constant 0 : i32
    %dma_wait3A_59 = tpu.memref_slice %arg2[%arg0, %dma_wait3A_57, %dma_wait3A_58] : memref<2x10000x64xf32, #tpu.memory_space<hbm>> -> memref<1x10000x64xf32, #tpu.memory_space<hbm>>
    %dma_wait3A_60 = tpu.memref_squeeze %dma_wait3A_59 : memref<1x10000x64xf32, #tpu.memory_space<hbm>> -> memref<10000x64xf32, #tpu.memory_space<hbm>>
    %dma_wait3A_61 = arith.constant 0 : i32
    %dma_wait3A_62 = arith.constant 0 : i32
    %dma_wait3A_63 = tpu.memref_slice %dma_wait3A_60[%dma_wait3A_61, %dma_wait3A_62] : memref<10000x64xf32, #tpu.memory_space<hbm>> -> memref<10000x64xf32, #tpu.memory_space<hbm>>
    tpu.wait_indirect_dma semaphore(%arg18 : memref<!tpu.dma_semaphore, #tpu.memory_space<semaphore_mem>>) src(%dma_wait3A_63 : memref<10000x64xf32, #tpu.memory_space<hbm>>) dst(%arg10 : memref<80x64xf32, #tpu.memory_space<vmem>>)
    %dma_wait3A_64 = arith.constant 0 : i32
    %dma_wait3A_65 = tpu.memref_slice %arg8[%scan3A_53, %dma_wait3A_64] : memref<250x80xi32, #tpu.memory_space<vmem>> -> memref<1x80xi32, #tpu.memory_space<vmem>>
    %dma_wait3A_66 = tpu.memref_squeeze %dma_wait3A_65 : memref<1x80xi32, #tpu.memory_space<vmem>> -> memref<80xi32, #tpu.memory_space<vmem>>
    %dma_wait3A_67 = arith.constant 0 : i32
    %dma_wait3A_68 = arith.constant 0 : i32
    %dma_wait3A_69 = tpu.memref_slice %arg3[%arg0, %dma_wait3A_67, %dma_wait3A_68] : memref<2x10000x64xf32, #tpu.memory_space<hbm>> -> memref<1x10000x64xf32, #tpu.memory_space<hbm>>
    %dma_wait3A_70 = tpu.memref_squeeze %dma_wait3A_69 : memref<1x10000x64xf32, #tpu.memory_space<hbm>> -> memref<10000x64xf32, #tpu.memory_space<hbm>>
    %dma_wait3A_71 = arith.constant 0 : i32
    %dma_wait3A_72 = arith.constant 0 : i32
    %dma_wait3A_73 = tpu.memref_slice %dma_wait3A_70[%dma_wait3A_71, %dma_wait3A_72] : memref<10000x64xf32, #tpu.memory_space<hbm>> -> memref<10000x64xf32, #tpu.memory_space<hbm>>
    tpu.wait_indirect_dma semaphore(%arg19 : memref<!tpu.dma_semaphore, #tpu.memory_space<semaphore_mem>>) src(%dma_wait3A_73 : memref<10000x64xf32, #tpu.memory_space<hbm>>) dst(%arg11 : memref<80x64xf32, #tpu.memory_space<vmem>>)
    %dma_wait3A_74 = arith.constant 0 : i32
    %dma_wait3A_75 = tpu.memref_slice %arg8[%scan3A_53, %dma_wait3A_74] : memref<250x80xi32, #tpu.memory_space<vmem>> -> memref<1x80xi32, #tpu.memory_space<vmem>>
    %dma_wait3A_76 = tpu.memref_squeeze %dma_wait3A_75 : memref<1x80xi32, #tpu.memory_space<vmem>> -> memref<80xi32, #tpu.memory_space<vmem>>
    %dma_wait3A_77 = arith.constant 0 : i32
    %dma_wait3A_78 = arith.constant 0 : i32
    %dma_wait3A_79 = tpu.memref_slice %arg4[%arg0, %dma_wait3A_77, %dma_wait3A_78] : memref<2x10000x64xf32, #tpu.memory_space<hbm>> -> memref<1x10000x64xf32, #tpu.memory_space<hbm>>
    %dma_wait3A_80 = tpu.memref_squeeze %dma_wait3A_79 : memref<1x10000x64xf32, #tpu.memory_space<hbm>> -> memref<10000x64xf32, #tpu.memory_space<hbm>>
    %dma_wait3A_81 = arith.constant 0 : i32
    %dma_wait3A_82 = arith.constant 0 : i32
    %dma_wait3A_83 = tpu.memref_slice %dma_wait3A_80[%dma_wait3A_81, %dma_wait3A_82] : memref<10000x64xf32, #tpu.memory_space<hbm>> -> memref<10000x64xf32, #tpu.memory_space<hbm>>
    tpu.wait_indirect_dma semaphore(%arg20 : memref<!tpu.dma_semaphore, #tpu.memory_space<semaphore_mem>>) src(%dma_wait3A_83 : memref<10000x64xf32, #tpu.memory_space<hbm>>) dst(%arg12 : memref<80x64xf32, #tpu.memory_space<vmem>>)
    %barrier3A_84 = arith.constant 0 : index
    tpu.barrier barrier_id(%barrier3A_84)
    "tpu.region"() ({
      %run_scoped3A = tpu.sem_alloc : memref<!tpu.dma_semaphore, #tpu.memory_space<semaphore_mem>>
      %dma_start3A_90 = arith.constant 0 : i32
      %dma_start3A_91 = tpu.memref_slice %arg7[%arg0, %mul3A_0, %dma_start3A_90] : memref<2x10000x80xf32, #tpu.memory_space<hbm>> -> memref<1x624x80xf32, #tpu.memory_space<hbm>>
      %dma_start3A_92 = tpu.memref_squeeze %dma_start3A_91 : memref<1x624x80xf32, #tpu.memory_space<hbm>> -> memref<624x80xf32, #tpu.memory_space<hbm>>
      %dma_start3A_93 = arith.constant 0 : i32
      %dma_start3A_94 = tpu.memref_slice %arg17[%mul3A_0, %dma_start3A_93] : memref<10000x80xf32, #tpu.memory_space<vmem_shared>> -> memref<624x80xf32, #tpu.memory_space<vmem_shared>>
      tpu.enqueue_dma source(%dma_start3A_94 : memref<624x80xf32, #tpu.memory_space<vmem_shared>>) target(%dma_start3A_92 : memref<624x80xf32, #tpu.memory_space<hbm>>) target_semaphore(%run_scoped3A : memref<!tpu.dma_semaphore, #tpu.memory_space<semaphore_mem>>)
      %dma_wait3A_95 = arith.constant 0 : i32
      %dma_wait3A_96 = tpu.memref_slice %arg7[%arg0, %mul3A_0, %dma_wait3A_95] : memref<2x10000x80xf32, #tpu.memory_space<hbm>> -> memref<1x624x80xf32, #tpu.memory_space<hbm>>
      %dma_wait3A_97 = tpu.memref_squeeze %dma_wait3A_96 : memref<1x624x80xf32, #tpu.memory_space<hbm>> -> memref<624x80xf32, #tpu.memory_space<hbm>>
      %dma_wait3A_98 = arith.constant 0 : i32
      %dma_wait3A_99 = tpu.memref_slice %arg17[%mul3A_0, %dma_wait3A_98] : memref<10000x80xf32, #tpu.memory_space<vmem_shared>> -> memref<624x80xf32, #tpu.memory_space<vmem_shared>>
      tpu.wait_dma2 semaphore(%run_scoped3A : memref<!tpu.dma_semaphore, #tpu.memory_space<semaphore_mem>>) src(%dma_wait3A_99 : memref<624x80xf32, #tpu.memory_space<vmem_shared>>) dst(%dma_wait3A_97 : memref<624x80xf32, #tpu.memory_space<hbm>>)
      tpu.yield
    }) : () -> ()
    %eq3A_85 = arith.constant 0 : i32
    %eq3A_86 = arith.cmpi eq, %arg1, %eq3A_85 : i32
    %convert_element_type3A_87 = arith.extui %eq3A_86 : i1 to i32
    %cond3A_88 = arith.constant 0 : i32
    %cond3A_89 = arith.cmpi ne, %convert_element_type3A_87, %cond3A_88 : i32
    scf.if %cond3A_89 {
      "tpu.region"() ({
        %run_scoped3A = tpu.sem_alloc : memref<!tpu.dma_semaphore, #tpu.memory_space<semaphore_mem>>
        %dma_start3A_90 = arith.constant 9984 : i32
        %dma_start3A_91 = arith.constant 0 : i32
        %dma_start3A_92 = tpu.memref_slice %arg7[%arg0, %dma_start3A_90, %dma_start3A_91] : memref<2x10000x80xf32, #tpu.memory_space<hbm>> -> memref<1x16x80xf32, #tpu.memory_space<hbm>>
        %dma_start3A_93 = tpu.memref_squeeze %dma_start3A_92 : memref<1x16x80xf32, #tpu.memory_space<hbm>> -> memref<16x80xf32, #tpu.memory_space<hbm>>
        %dma_start3A_94 = arith.constant 9984 : i32
        %dma_start3A_95 = arith.constant 0 : i32
        %dma_start3A_96 = tpu.memref_slice %arg17[%dma_start3A_94, %dma_start3A_95] : memref<10000x80xf32, #tpu.memory_space<vmem_shared>> -> memref<16x80xf32, #tpu.memory_space<vmem_shared>>
        tpu.enqueue_dma source(%dma_start3A_96 : memref<16x80xf32, #tpu.memory_space<vmem_shared>>) target(%dma_start3A_93 : memref<16x80xf32, #tpu.memory_space<hbm>>) target_semaphore(%run_scoped3A : memref<!tpu.dma_semaphore, #tpu.memory_space<semaphore_mem>>)
        %dma_wait3A_97 = arith.constant 9984 : i32
        %dma_wait3A_98 = arith.constant 0 : i32
        %dma_wait3A_99 = tpu.memref_slice %arg7[%arg0, %dma_wait3A_97, %dma_wait3A_98] : memref<2x10000x80xf32, #tpu.memory_space<hbm>> -> memref<1x16x80xf32, #tpu.memory_space<hbm>>
        %dma_wait3A_100 = tpu.memref_squeeze %dma_wait3A_99 : memref<1x16x80xf32, #tpu.memory_space<hbm>> -> memref<16x80xf32, #tpu.memory_space<hbm>>
        %dma_wait3A_101 = arith.constant 9984 : i32
        %dma_wait3A_102 = arith.constant 0 : i32
        %dma_wait3A_103 = tpu.memref_slice %arg17[%dma_wait3A_101, %dma_wait3A_102] : memref<10000x80xf32, #tpu.memory_space<vmem_shared>> -> memref<16x80xf32, #tpu.memory_space<vmem_shared>>
        tpu.wait_dma2 semaphore(%run_scoped3A : memref<!tpu.dma_semaphore, #tpu.memory_space<semaphore_mem>>) src(%dma_wait3A_103 : memref<16x80xf32, #tpu.memory_space<vmem_shared>>) dst(%dma_wait3A_100 : memref<16x80xf32, #tpu.memory_space<hbm>>)
        tpu.yield
      }) : () -> ()
    } else {
    }
    return
  }
}

#map = affine_map<(d0, d1) -> (0, 0, 0)>
module attributes {stable_mosaic.version = 14 : i64} {
  func.func @_edge_body(%arg0: i32, %arg1: i32, %arg2: memref<2x10000x64xf32, #tpu.memory_space<hbm>>, %arg3: memref<2x10000x64xf32, #tpu.memory_space<hbm>>, %arg4: memref<2x10000x64xf32, #tpu.memory_space<hbm>>, %arg5: memref<16x250x80xi32, #tpu.memory_space<hbm>>, %arg6: memref<16x250x80xi32, #tpu.memory_space<hbm>>, %arg7: memref<2x10000x80xf32, #tpu.memory_space<hbm>>, %arg8: memref<250x80xi32, #tpu.memory_space<vmem>>, %arg9: memref<250x80xi32, #tpu.memory_space<vmem>>, %arg10: memref<80x64xf32, #tpu.memory_space<vmem>>, %arg11: memref<80x64xf32, #tpu.memory_space<vmem>>, %arg12: memref<80x64xf32, #tpu.memory_space<vmem>>, %arg13: memref<80x64xf32, #tpu.memory_space<vmem>>, %arg14: memref<80x64xf32, #tpu.memory_space<vmem>>, %arg15: memref<80x64xf32, #tpu.memory_space<vmem>>, %arg16: memref<80x80xf32, #tpu.memory_space<vmem>>, %arg17: memref<10000x80xf32, #tpu.memory_space<vmem_shared>>, %arg18: memref<!tpu.dma_semaphore, #tpu.memory_space<semaphore_mem>>, %arg19: memref<!tpu.dma_semaphore, #tpu.memory_space<semaphore_mem>>, %arg20: memref<!tpu.dma_semaphore, #tpu.memory_space<semaphore_mem>>, %arg21: memref<!tpu.dma_semaphore, #tpu.memory_space<semaphore_mem>>, %arg22: memref<!tpu.dma_semaphore, #tpu.memory_space<semaphore_mem>>, %arg23: memref<!tpu.dma_semaphore, #tpu.memory_space<semaphore_mem>>) attributes {dimension_semantics = [#tpu.dimension_semantics<core_parallel>, #tpu.dimension_semantics<subcore_parallel>], iteration_bounds = array<i64: 2, 16>, scalar_prefetch = 0 : i64, scratch_operands = 16 : i64, tpu.core_type = #tpu.core_type<sc_vector_subcore>, window_params = [{transform_indices = #map}, {transform_indices = #map}, {transform_indices = #map}, {transform_indices = #map}, {transform_indices = #map}, {transform_indices = #map}]} {
    %mul3A = arith.constant 624 : i32
    %mul3A_0 = arith.muli %arg1, %mul3A : i32
    %broadcast_in_dim3A = arith.constant 0.000000e+00 : f32
    %broadcast_in_dim3A_1 = vector.broadcast %broadcast_in_dim3A : f32 to vector<16xf32>
    %scan3A = arith.constant 0 : i32
    %scan3A_2 = arith.constant 0 : i32
    %scan3A_3 = arith.constant 80 : i32
    %scan3A_4 = arith.addi %scan3A_2, %scan3A_3 : i32
    %scan3A_5 = arith.constant 1 : i32
    scf.for %scan3A_90 = %scan3A_2 to %scan3A_4 step %scan3A_5  : i32 {
      %swap3A = arith.index_cast %scan3A_90 : i32 to index
      %swap3A_91 = arith.constant 0 : index
      %swap3A_92 = tpu.vector_load %arg16[%swap3A, %swap3A_91] {strides = array<i32>} : memref<80x80xf32, #tpu.memory_space<vmem>>, vector<16xf32>,
      tpu.vector_store %arg16[%swap3A, %swap3A_91], %broadcast_in_dim3A_1 {strides = array<i32>} : memref<80x80xf32, #tpu.memory_space<vmem>>, vector<16xf32>,
      %swap3A_93 = arith.index_cast %scan3A_90 : i32 to index
      %swap3A_94 = arith.constant 16 : index
      %swap3A_95 = tpu.vector_load %arg16[%swap3A_93, %swap3A_94] {strides = array<i32>} : memref<80x80xf32, #tpu.memory_space<vmem>>, vector<16xf32>,
      tpu.vector_store %arg16[%swap3A_93, %swap3A_94], %broadcast_in_dim3A_1 {strides = array<i32>} : memref<80x80xf32, #tpu.memory_space<vmem>>, vector<16xf32>,
      %swap3A_96 = arith.index_cast %scan3A_90 : i32 to index
      %swap3A_97 = arith.constant 32 : index
      %swap3A_98 = tpu.vector_load %arg16[%swap3A_96, %swap3A_97] {strides = array<i32>} : memref<80x80xf32, #tpu.memory_space<vmem>>, vector<16xf32>,
      tpu.vector_store %arg16[%swap3A_96, %swap3A_97], %broadcast_in_dim3A_1 {strides = array<i32>} : memref<80x80xf32, #tpu.memory_space<vmem>>, vector<16xf32>,
      %swap3A_99 = arith.index_cast %scan3A_90 : i32 to index
      %swap3A_100 = arith.constant 48 : index
      %swap3A_101 = tpu.vector_load %arg16[%swap3A_99, %swap3A_100] {strides = array<i32>} : memref<80x80xf32, #tpu.memory_space<vmem>>, vector<16xf32>,
      tpu.vector_store %arg16[%swap3A_99, %swap3A_100], %broadcast_in_dim3A_1 {strides = array<i32>} : memref<80x80xf32, #tpu.memory_space<vmem>>, vector<16xf32>,
      %swap3A_102 = arith.index_cast %scan3A_90 : i32 to index
      %swap3A_103 = arith.constant 64 : index
      %swap3A_104 = tpu.vector_load %arg16[%swap3A_102, %swap3A_103] {strides = array<i32>} : memref<80x80xf32, #tpu.memory_space<vmem>>, vector<16xf32>,
      tpu.vector_store %arg16[%swap3A_102, %swap3A_103], %broadcast_in_dim3A_1 {strides = array<i32>} : memref<80x80xf32, #tpu.memory_space<vmem>>, vector<16xf32>,
    }
    %scan3A_6 = arith.constant 80 : i32
    %scan3A_7 = arith.constant 0 : i32
    %scan3A_8 = arith.constant 0 : i32
    %scan3A_9 = arith.constant 7 : i32
    %scan3A_10 = arith.addi %scan3A_8, %scan3A_9 : i32
    %scan3A_11 = arith.constant 1 : i32
    scf.for %scan3A_90 = %scan3A_8 to %scan3A_10 step %scan3A_11  : i32 {
      %mul3A_91 = arith.constant 80 : i32
      %mul3A_92 = arith.muli %scan3A_90, %mul3A_91 : i32
      %add3A_93 = arith.addi %mul3A_0, %mul3A_92 : i32
      "tpu.region"() ({
        %run_scoped3A = tpu.sem_alloc : memref<!tpu.dma_semaphore, #tpu.memory_space<semaphore_mem>>
        %dma_start3A_94 = arith.constant 0 : i32
        %dma_start3A_95 = tpu.memref_slice %arg17[%add3A_93, %dma_start3A_94] : memref<10000x80xf32, #tpu.memory_space<vmem_shared>> -> memref<80x80xf32, #tpu.memory_space<vmem_shared>>
        %dma_start3A_96 = arith.constant 0 : i32
        %dma_start3A_97 = tpu.memref_slice %arg17[%add3A_93, %dma_start3A_96] : memref<10000x80xf32, #tpu.memory_space<vmem_shared>> -> memref<80x80xf32, #tpu.memory_space<vmem_shared>>
        tpu.enqueue_dma source(%arg16 : memref<80x80xf32, #tpu.memory_space<vmem>>) target(%dma_start3A_97 : memref<80x80xf32, #tpu.memory_space<vmem_shared>>) target_semaphore(%run_scoped3A : memref<!tpu.dma_semaphore, #tpu.memory_space<semaphore_mem>>)
        %dma_wait3A_98 = arith.constant 0 : i32
        %dma_wait3A_99 = tpu.memref_slice %arg17[%add3A_93, %dma_wait3A_98] : memref<10000x80xf32, #tpu.memory_space<vmem_shared>> -> memref<80x80xf32, #tpu.memory_space<vmem_shared>>
        %dma_wait3A_100 = arith.constant 0 : i32
        %dma_wait3A_101 = tpu.memref_slice %arg17[%add3A_93, %dma_wait3A_100] : memref<10000x80xf32, #tpu.memory_space<vmem_shared>> -> memref<80x80xf32, #tpu.memory_space<vmem_shared>>
        tpu.wait_dma2 semaphore(%run_scoped3A : memref<!tpu.dma_semaphore, #tpu.memory_space<semaphore_mem>>) src(%arg16 : memref<80x80xf32, #tpu.memory_space<vmem>>) dst(%dma_wait3A_101 : memref<80x80xf32, #tpu.memory_space<vmem_shared>>)
        tpu.yield
      }) : () -> ()
    }
    %scan3A_12 = arith.constant 7 : i32
    %add3A = arith.constant 560 : i32
    %add3A_13 = arith.addi %mul3A_0, %add3A : i32
    "tpu.region"() ({
      %run_scoped3A = tpu.sem_alloc : memref<!tpu.dma_semaphore, #tpu.memory_space<semaphore_mem>>
      %dma_start3A_90 = arith.constant 0 : i32
      %dma_start3A_91 = arith.constant 0 : i32
      %dma_start3A_92 = tpu.memref_slice %arg16[%dma_start3A_90, %dma_start3A_91] : memref<80x80xf32, #tpu.memory_space<vmem>> -> memref<64x80xf32, #tpu.memory_space<vmem>>
      %dma_start3A_93 = arith.constant 0 : i32
      %dma_start3A_94 = tpu.memref_slice %arg17[%add3A_13, %dma_start3A_93] : memref<10000x80xf32, #tpu.memory_space<vmem_shared>> -> memref<64x80xf32, #tpu.memory_space<vmem_shared>>
      %dma_start3A_95 = arith.constant 0 : i32
      %dma_start3A_96 = tpu.memref_slice %arg17[%add3A_13, %dma_start3A_95] : memref<10000x80xf32, #tpu.memory_space<vmem_shared>> -> memref<64x80xf32, #tpu.memory_space<vmem_shared>>
      %dma_start3A_97 = arith.constant 0 : i32
      %dma_start3A_98 = arith.constant 0 : i32
      %dma_start3A_99 = tpu.memref_slice %arg16[%dma_start3A_97, %dma_start3A_98] : memref<80x80xf32, #tpu.memory_space<vmem>> -> memref<64x80xf32, #tpu.memory_space<vmem>>
      tpu.enqueue_dma source(%dma_start3A_99 : memref<64x80xf32, #tpu.memory_space<vmem>>) target(%dma_start3A_96 : memref<64x80xf32, #tpu.memory_space<vmem_shared>>) target_semaphore(%run_scoped3A : memref<!tpu.dma_semaphore, #tpu.memory_space<semaphore_mem>>)
      %dma_wait3A_100 = arith.constant 0 : i32
      %dma_wait3A_101 = arith.constant 0 : i32
      %dma_wait3A_102 = tpu.memref_slice %arg16[%dma_wait3A_100, %dma_wait3A_101] : memref<80x80xf32, #tpu.memory_space<vmem>> -> memref<64x80xf32, #tpu.memory_space<vmem>>
      %dma_wait3A_103 = arith.constant 0 : i32
      %dma_wait3A_104 = tpu.memref_slice %arg17[%add3A_13, %dma_wait3A_103] : memref<10000x80xf32, #tpu.memory_space<vmem_shared>> -> memref<64x80xf32, #tpu.memory_space<vmem_shared>>
      %dma_wait3A_105 = arith.constant 0 : i32
      %dma_wait3A_106 = tpu.memref_slice %arg17[%add3A_13, %dma_wait3A_105] : memref<10000x80xf32, #tpu.memory_space<vmem_shared>> -> memref<64x80xf32, #tpu.memory_space<vmem_shared>>
      %dma_wait3A_107 = arith.constant 0 : i32
      %dma_wait3A_108 = arith.constant 0 : i32
      %dma_wait3A_109 = tpu.memref_slice %arg16[%dma_wait3A_107, %dma_wait3A_108] : memref<80x80xf32, #tpu.memory_space<vmem>> -> memref<64x80xf32, #tpu.memory_space<vmem>>
      tpu.wait_dma2 semaphore(%run_scoped3A : memref<!tpu.dma_semaphore, #tpu.memory_space<semaphore_mem>>) src(%dma_wait3A_109 : memref<64x80xf32, #tpu.memory_space<vmem>>) dst(%dma_wait3A_106 : memref<64x80xf32, #tpu.memory_space<vmem_shared>>)
      tpu.yield
    }) : () -> ()
    %eq3A = arith.constant 0 : i32
    %eq3A_14 = arith.cmpi eq, %arg1, %eq3A : i32
    %convert_element_type3A = arith.extui %eq3A_14 : i1 to i32
    %cond3A = arith.constant 0 : i32
    %cond3A_15 = arith.cmpi ne, %convert_element_type3A, %cond3A : i32
    scf.if %cond3A_15 {
      "tpu.region"() ({
        %run_scoped3A = tpu.sem_alloc : memref<!tpu.dma_semaphore, #tpu.memory_space<semaphore_mem>>
        %dma_start3A_90 = arith.constant 0 : i32
        %dma_start3A_91 = arith.constant 0 : i32
        %dma_start3A_92 = tpu.memref_slice %arg16[%dma_start3A_90, %dma_start3A_91] : memref<80x80xf32, #tpu.memory_space<vmem>> -> memref<16x80xf32, #tpu.memory_space<vmem>>
        %dma_start3A_93 = arith.constant 9984 : i32
        %dma_start3A_94 = arith.constant 0 : i32
        %dma_start3A_95 = tpu.memref_slice %arg17[%dma_start3A_93, %dma_start3A_94] : memref<10000x80xf32, #tpu.memory_space<vmem_shared>> -> memref<16x80xf32, #tpu.memory_space<vmem_shared>>
        %dma_start3A_96 = arith.constant 9984 : i32
        %dma_start3A_97 = arith.constant 0 : i32
        %dma_start3A_98 = tpu.memref_slice %arg17[%dma_start3A_96, %dma_start3A_97] : memref<10000x80xf32, #tpu.memory_space<vmem_shared>> -> memref<16x80xf32, #tpu.memory_space<vmem_shared>>
        %dma_start3A_99 = arith.constant 0 : i32
        %dma_start3A_100 = arith.constant 0 : i32
        %dma_start3A_101 = tpu.memref_slice %arg16[%dma_start3A_99, %dma_start3A_100] : memref<80x80xf32, #tpu.memory_space<vmem>> -> memref<16x80xf32, #tpu.memory_space<vmem>>
        tpu.enqueue_dma source(%dma_start3A_101 : memref<16x80xf32, #tpu.memory_space<vmem>>) target(%dma_start3A_98 : memref<16x80xf32, #tpu.memory_space<vmem_shared>>) target_semaphore(%run_scoped3A : memref<!tpu.dma_semaphore, #tpu.memory_space<semaphore_mem>>)
        %dma_wait3A_102 = arith.constant 0 : i32
        %dma_wait3A_103 = arith.constant 0 : i32
        %dma_wait3A_104 = tpu.memref_slice %arg16[%dma_wait3A_102, %dma_wait3A_103] : memref<80x80xf32, #tpu.memory_space<vmem>> -> memref<16x80xf32, #tpu.memory_space<vmem>>
        %dma_wait3A_105 = arith.constant 9984 : i32
        %dma_wait3A_106 = arith.constant 0 : i32
        %dma_wait3A_107 = tpu.memref_slice %arg17[%dma_wait3A_105, %dma_wait3A_106] : memref<10000x80xf32, #tpu.memory_space<vmem_shared>> -> memref<16x80xf32, #tpu.memory_space<vmem_shared>>
        %dma_wait3A_108 = arith.constant 9984 : i32
        %dma_wait3A_109 = arith.constant 0 : i32
        %dma_wait3A_110 = tpu.memref_slice %arg17[%dma_wait3A_108, %dma_wait3A_109] : memref<10000x80xf32, #tpu.memory_space<vmem_shared>> -> memref<16x80xf32, #tpu.memory_space<vmem_shared>>
        %dma_wait3A_111 = arith.constant 0 : i32
        %dma_wait3A_112 = arith.constant 0 : i32
        %dma_wait3A_113 = tpu.memref_slice %arg16[%dma_wait3A_111, %dma_wait3A_112] : memref<80x80xf32, #tpu.memory_space<vmem>> -> memref<16x80xf32, #tpu.memory_space<vmem>>
        tpu.wait_dma2 semaphore(%run_scoped3A : memref<!tpu.dma_semaphore, #tpu.memory_space<semaphore_mem>>) src(%dma_wait3A_113 : memref<16x80xf32, #tpu.memory_space<vmem>>) dst(%dma_wait3A_110 : memref<16x80xf32, #tpu.memory_space<vmem_shared>>)
        tpu.yield
      }) : () -> ()
    } else {
    }
    "tpu.region"() ({
      %run_scoped3A = tpu.sem_alloc : memref<!tpu.dma_semaphore, #tpu.memory_space<semaphore_mem>>
      %dma_start3A_90 = arith.constant 0 : i32
      %dma_start3A_91 = arith.constant 0 : i32
      %dma_start3A_92 = tpu.memref_slice %arg5[%arg1, %dma_start3A_90, %dma_start3A_91] : memref<16x250x80xi32, #tpu.memory_space<hbm>> -> memref<1x250x80xi32, #tpu.memory_space<hbm>>
      %dma_start3A_93 = tpu.memref_squeeze %dma_start3A_92 : memref<1x250x80xi32, #tpu.memory_space<hbm>> -> memref<250x80xi32, #tpu.memory_space<hbm>>
      %dma_start3A_94 = arith.constant 0 : i32
      %dma_start3A_95 = arith.constant 0 : i32
      %dma_start3A_96 = tpu.memref_slice %arg5[%arg1, %dma_start3A_94, %dma_start3A_95] : memref<16x250x80xi32, #tpu.memory_space<hbm>> -> memref<1x250x80xi32, #tpu.memory_space<hbm>>
      %dma_start3A_97 = tpu.memref_squeeze %dma_start3A_96 : memref<1x250x80xi32, #tpu.memory_space<hbm>> -> memref<250x80xi32, #tpu.memory_space<hbm>>
      tpu.enqueue_dma source(%dma_start3A_97 : memref<250x80xi32, #tpu.memory_space<hbm>>) target(%arg8 : memref<250x80xi32, #tpu.memory_space<vmem>>) target_semaphore(%run_scoped3A : memref<!tpu.dma_semaphore, #tpu.memory_space<semaphore_mem>>)
      %dma_wait3A_98 = arith.constant 0 : i32
      %dma_wait3A_99 = arith.constant 0 : i32
      %dma_wait3A_100 = tpu.memref_slice %arg5[%arg1, %dma_wait3A_98, %dma_wait3A_99] : memref<16x250x80xi32, #tpu.memory_space<hbm>> -> memref<1x250x80xi32, #tpu.memory_space<hbm>>
      %dma_wait3A_101 = tpu.memref_squeeze %dma_wait3A_100 : memref<1x250x80xi32, #tpu.memory_space<hbm>> -> memref<250x80xi32, #tpu.memory_space<hbm>>
      %dma_wait3A_102 = arith.constant 0 : i32
      %dma_wait3A_103 = arith.constant 0 : i32
      %dma_wait3A_104 = tpu.memref_slice %arg5[%arg1, %dma_wait3A_102, %dma_wait3A_103] : memref<16x250x80xi32, #tpu.memory_space<hbm>> -> memref<1x250x80xi32, #tpu.memory_space<hbm>>
      %dma_wait3A_105 = tpu.memref_squeeze %dma_wait3A_104 : memref<1x250x80xi32, #tpu.memory_space<hbm>> -> memref<250x80xi32, #tpu.memory_space<hbm>>
      tpu.wait_dma2 semaphore(%run_scoped3A : memref<!tpu.dma_semaphore, #tpu.memory_space<semaphore_mem>>) src(%dma_wait3A_105 : memref<250x80xi32, #tpu.memory_space<hbm>>) dst(%arg8 : memref<250x80xi32, #tpu.memory_space<vmem>>)
      tpu.yield
    }) : () -> ()
    "tpu.region"() ({
      %run_scoped3A = tpu.sem_alloc : memref<!tpu.dma_semaphore, #tpu.memory_space<semaphore_mem>>
      %dma_start3A_90 = arith.constant 0 : i32
      %dma_start3A_91 = arith.constant 0 : i32
      %dma_start3A_92 = tpu.memref_slice %arg6[%arg1, %dma_start3A_90, %dma_start3A_91] : memref<16x250x80xi32, #tpu.memory_space<hbm>> -> memref<1x250x80xi32, #tpu.memory_space<hbm>>
      %dma_start3A_93 = tpu.memref_squeeze %dma_start3A_92 : memref<1x250x80xi32, #tpu.memory_space<hbm>> -> memref<250x80xi32, #tpu.memory_space<hbm>>
      %dma_start3A_94 = arith.constant 0 : i32
      %dma_start3A_95 = arith.constant 0 : i32
      %dma_start3A_96 = tpu.memref_slice %arg6[%arg1, %dma_start3A_94, %dma_start3A_95] : memref<16x250x80xi32, #tpu.memory_space<hbm>> -> memref<1x250x80xi32, #tpu.memory_space<hbm>>
      %dma_start3A_97 = tpu.memref_squeeze %dma_start3A_96 : memref<1x250x80xi32, #tpu.memory_space<hbm>> -> memref<250x80xi32, #tpu.memory_space<hbm>>
      tpu.enqueue_dma source(%dma_start3A_97 : memref<250x80xi32, #tpu.memory_space<hbm>>) target(%arg9 : memref<250x80xi32, #tpu.memory_space<vmem>>) target_semaphore(%run_scoped3A : memref<!tpu.dma_semaphore, #tpu.memory_space<semaphore_mem>>)
      %dma_wait3A_98 = arith.constant 0 : i32
      %dma_wait3A_99 = arith.constant 0 : i32
      %dma_wait3A_100 = tpu.memref_slice %arg6[%arg1, %dma_wait3A_98, %dma_wait3A_99] : memref<16x250x80xi32, #tpu.memory_space<hbm>> -> memref<1x250x80xi32, #tpu.memory_space<hbm>>
      %dma_wait3A_101 = tpu.memref_squeeze %dma_wait3A_100 : memref<1x250x80xi32, #tpu.memory_space<hbm>> -> memref<250x80xi32, #tpu.memory_space<hbm>>
      %dma_wait3A_102 = arith.constant 0 : i32
      %dma_wait3A_103 = arith.constant 0 : i32
      %dma_wait3A_104 = tpu.memref_slice %arg6[%arg1, %dma_wait3A_102, %dma_wait3A_103] : memref<16x250x80xi32, #tpu.memory_space<hbm>> -> memref<1x250x80xi32, #tpu.memory_space<hbm>>
      %dma_wait3A_105 = tpu.memref_squeeze %dma_wait3A_104 : memref<1x250x80xi32, #tpu.memory_space<hbm>> -> memref<250x80xi32, #tpu.memory_space<hbm>>
      tpu.wait_dma2 semaphore(%run_scoped3A : memref<!tpu.dma_semaphore, #tpu.memory_space<semaphore_mem>>) src(%dma_wait3A_105 : memref<250x80xi32, #tpu.memory_space<hbm>>) dst(%arg9 : memref<250x80xi32, #tpu.memory_space<vmem>>)
      tpu.yield
    }) : () -> ()
    %barrier3A = arith.constant 0 : index
    tpu.barrier barrier_id(%barrier3A)
    %iota3A = tpu.iota {dimensions = array<i32: 0>} : vector<16xi32>
    %dma_start3A = arith.constant 0 : i32
    %dma_start3A_16 = arith.constant 0 : i32
    %dma_start3A_17 = tpu.memref_slice %arg9[%dma_start3A, %dma_start3A_16] : memref<250x80xi32, #tpu.memory_space<vmem>> -> memref<1x80xi32, #tpu.memory_space<vmem>>
    %dma_start3A_18 = tpu.memref_squeeze %dma_start3A_17 : memref<1x80xi32, #tpu.memory_space<vmem>> -> memref<80xi32, #tpu.memory_space<vmem>>
    %dma_start3A_19 = arith.constant 0 : i32
    %dma_start3A_20 = arith.constant 0 : i32
    %dma_start3A_21 = tpu.memref_slice %arg2[%arg0, %dma_start3A_19, %dma_start3A_20] : memref<2x10000x64xf32, #tpu.memory_space<hbm>> -> memref<1x10000x64xf32, #tpu.memory_space<hbm>>
    %dma_start3A_22 = tpu.memref_squeeze %dma_start3A_21 : memref<1x10000x64xf32, #tpu.memory_space<hbm>> -> memref<10000x64xf32, #tpu.memory_space<hbm>>
    %dma_start3A_23 = arith.constant 0 : i32
    %dma_start3A_24 = arith.constant 0 : i32
    %dma_start3A_25 = tpu.memref_slice %dma_start3A_22[%dma_start3A_23, %dma_start3A_24] : memref<10000x64xf32, #tpu.memory_space<hbm>> -> memref<10000x64xf32, #tpu.memory_space<hbm>>
    tpu.enqueue_indirect_dma source(%dma_start3A_25 : memref<10000x64xf32, #tpu.memory_space<hbm>>) target(%arg10 : memref<80x64xf32, #tpu.memory_space<vmem>>) offsets(%dma_start3A_18 : memref<80xi32, #tpu.memory_space<vmem>>) semaphore(%arg18 : memref<!tpu.dma_semaphore, #tpu.memory_space<semaphore_mem>>)
    %dma_start3A_26 = arith.constant 0 : i32
    %dma_start3A_27 = arith.constant 0 : i32
    %dma_start3A_28 = tpu.memref_slice %arg8[%dma_start3A_26, %dma_start3A_27] : memref<250x80xi32, #tpu.memory_space<vmem>> -> memref<1x80xi32, #tpu.memory_space<vmem>>
    %dma_start3A_29 = tpu.memref_squeeze %dma_start3A_28 : memref<1x80xi32, #tpu.memory_space<vmem>> -> memref<80xi32, #tpu.memory_space<vmem>>
    %dma_start3A_30 = arith.constant 0 : i32
    %dma_start3A_31 = arith.constant 0 : i32
    %dma_start3A_32 = tpu.memref_slice %arg3[%arg0, %dma_start3A_30, %dma_start3A_31] : memref<2x10000x64xf32, #tpu.memory_space<hbm>> -> memref<1x10000x64xf32, #tpu.memory_space<hbm>>
    %dma_start3A_33 = tpu.memref_squeeze %dma_start3A_32 : memref<1x10000x64xf32, #tpu.memory_space<hbm>> -> memref<10000x64xf32, #tpu.memory_space<hbm>>
    %dma_start3A_34 = arith.constant 0 : i32
    %dma_start3A_35 = arith.constant 0 : i32
    %dma_start3A_36 = tpu.memref_slice %dma_start3A_33[%dma_start3A_34, %dma_start3A_35] : memref<10000x64xf32, #tpu.memory_space<hbm>> -> memref<10000x64xf32, #tpu.memory_space<hbm>>
    tpu.enqueue_indirect_dma source(%dma_start3A_36 : memref<10000x64xf32, #tpu.memory_space<hbm>>) target(%arg11 : memref<80x64xf32, #tpu.memory_space<vmem>>) offsets(%dma_start3A_29 : memref<80xi32, #tpu.memory_space<vmem>>) semaphore(%arg19 : memref<!tpu.dma_semaphore, #tpu.memory_space<semaphore_mem>>)
    %dma_start3A_37 = arith.constant 0 : i32
    %dma_start3A_38 = arith.constant 0 : i32
    %dma_start3A_39 = tpu.memref_slice %arg8[%dma_start3A_37, %dma_start3A_38] : memref<250x80xi32, #tpu.memory_space<vmem>> -> memref<1x80xi32, #tpu.memory_space<vmem>>
    %dma_start3A_40 = tpu.memref_squeeze %dma_start3A_39 : memref<1x80xi32, #tpu.memory_space<vmem>> -> memref<80xi32, #tpu.memory_space<vmem>>
    %dma_start3A_41 = arith.constant 0 : i32
    %dma_start3A_42 = arith.constant 0 : i32
    %dma_start3A_43 = tpu.memref_slice %arg4[%arg0, %dma_start3A_41, %dma_start3A_42] : memref<2x10000x64xf32, #tpu.memory_space<hbm>> -> memref<1x10000x64xf32, #tpu.memory_space<hbm>>
    %dma_start3A_44 = tpu.memref_squeeze %dma_start3A_43 : memref<1x10000x64xf32, #tpu.memory_space<hbm>> -> memref<10000x64xf32, #tpu.memory_space<hbm>>
    %dma_start3A_45 = arith.constant 0 : i32
    %dma_start3A_46 = arith.constant 0 : i32
    %dma_start3A_47 = tpu.memref_slice %dma_start3A_44[%dma_start3A_45, %dma_start3A_46] : memref<10000x64xf32, #tpu.memory_space<hbm>> -> memref<10000x64xf32, #tpu.memory_space<hbm>>
    tpu.enqueue_indirect_dma source(%dma_start3A_47 : memref<10000x64xf32, #tpu.memory_space<hbm>>) target(%arg12 : memref<80x64xf32, #tpu.memory_space<vmem>>) offsets(%dma_start3A_40 : memref<80xi32, #tpu.memory_space<vmem>>) semaphore(%arg20 : memref<!tpu.dma_semaphore, #tpu.memory_space<semaphore_mem>>)
    %scan3A_48 = arith.constant 0 : i32
    %scan3A_49 = arith.constant 0 : i32
    %scan3A_50 = arith.constant 125 : i32
    %scan3A_51 = arith.addi %scan3A_49, %scan3A_50 : i32
    %scan3A_52 = arith.constant 1 : i32
    %scan3A_53 = scf.for %scan3A_90 = %scan3A_49 to %scan3A_51 step %scan3A_52 iter_args(%scan3A_91 = %scan3A_48) -> (i32)  : i32 {
      %mul3A_92 = arith.constant 2 : i32
      %mul3A_93 = arith.muli %mul3A_92, %scan3A_90 : i32
      %dma_wait3A_94 = arith.constant 0 : i32
      %dma_wait3A_95 = tpu.memref_slice %arg9[%mul3A_93, %dma_wait3A_94] : memref<250x80xi32, #tpu.memory_space<vmem>> -> memref<1x80xi32, #tpu.memory_space<vmem>>
      %dma_wait3A_96 = tpu.memref_squeeze %dma_wait3A_95 : memref<1x80xi32, #tpu.memory_space<vmem>> -> memref<80xi32, #tpu.memory_space<vmem>>
      %dma_wait3A_97 = arith.constant 0 : i32
      %dma_wait3A_98 = arith.constant 0 : i32
      %dma_wait3A_99 = tpu.memref_slice %arg2[%arg0, %dma_wait3A_97, %dma_wait3A_98] : memref<2x10000x64xf32, #tpu.memory_space<hbm>> -> memref<1x10000x64xf32, #tpu.memory_space<hbm>>
      %dma_wait3A_100 = tpu.memref_squeeze %dma_wait3A_99 : memref<1x10000x64xf32, #tpu.memory_space<hbm>> -> memref<10000x64xf32, #tpu.memory_space<hbm>>
      %dma_wait3A_101 = arith.constant 0 : i32
      %dma_wait3A_102 = arith.constant 0 : i32
      %dma_wait3A_103 = tpu.memref_slice %dma_wait3A_100[%dma_wait3A_101, %dma_wait3A_102] : memref<10000x64xf32, #tpu.memory_space<hbm>> -> memref<10000x64xf32, #tpu.memory_space<hbm>>
      tpu.wait_indirect_dma semaphore(%arg18 : memref<!tpu.dma_semaphore, #tpu.memory_space<semaphore_mem>>) src(%dma_wait3A_103 : memref<10000x64xf32, #tpu.memory_space<hbm>>) dst(%arg10 : memref<80x64xf32, #tpu.memory_space<vmem>>)
      %dma_wait3A_104 = arith.constant 0 : i32
      %dma_wait3A_105 = tpu.memref_slice %arg8[%mul3A_93, %dma_wait3A_104] : memref<250x80xi32, #tpu.memory_space<vmem>> -> memref<1x80xi32, #tpu.memory_space<vmem>>
      %dma_wait3A_106 = tpu.memref_squeeze %dma_wait3A_105 : memref<1x80xi32, #tpu.memory_space<vmem>> -> memref<80xi32, #tpu.memory_space<vmem>>
      %dma_wait3A_107 = arith.constant 0 : i32
      %dma_wait3A_108 = arith.constant 0 : i32
      %dma_wait3A_109 = tpu.memref_slice %arg3[%arg0, %dma_wait3A_107, %dma_wait3A_108] : memref<2x10000x64xf32, #tpu.memory_space<hbm>> -> memref<1x10000x64xf32, #tpu.memory_space<hbm>>
      %dma_wait3A_110 = tpu.memref_squeeze %dma_wait3A_109 : memref<1x10000x64xf32, #tpu.memory_space<hbm>> -> memref<10000x64xf32, #tpu.memory_space<hbm>>
      %dma_wait3A_111 = arith.constant 0 : i32
      %dma_wait3A_112 = arith.constant 0 : i32
      %dma_wait3A_113 = tpu.memref_slice %dma_wait3A_110[%dma_wait3A_111, %dma_wait3A_112] : memref<10000x64xf32, #tpu.memory_space<hbm>> -> memref<10000x64xf32, #tpu.memory_space<hbm>>
      tpu.wait_indirect_dma semaphore(%arg19 : memref<!tpu.dma_semaphore, #tpu.memory_space<semaphore_mem>>) src(%dma_wait3A_113 : memref<10000x64xf32, #tpu.memory_space<hbm>>) dst(%arg11 : memref<80x64xf32, #tpu.memory_space<vmem>>)
      %dma_wait3A_114 = arith.constant 0 : i32
      %dma_wait3A_115 = tpu.memref_slice %arg8[%mul3A_93, %dma_wait3A_114] : memref<250x80xi32, #tpu.memory_space<vmem>> -> memref<1x80xi32, #tpu.memory_space<vmem>>
      %dma_wait3A_116 = tpu.memref_squeeze %dma_wait3A_115 : memref<1x80xi32, #tpu.memory_space<vmem>> -> memref<80xi32, #tpu.memory_space<vmem>>
      %dma_wait3A_117 = arith.constant 0 : i32
      %dma_wait3A_118 = arith.constant 0 : i32
      %dma_wait3A_119 = tpu.memref_slice %arg4[%arg0, %dma_wait3A_117, %dma_wait3A_118] : memref<2x10000x64xf32, #tpu.memory_space<hbm>> -> memref<1x10000x64xf32, #tpu.memory_space<hbm>>
      %dma_wait3A_120 = tpu.memref_squeeze %dma_wait3A_119 : memref<1x10000x64xf32, #tpu.memory_space<hbm>> -> memref<10000x64xf32, #tpu.memory_space<hbm>>
      %dma_wait3A_121 = arith.constant 0 : i32
      %dma_wait3A_122 = arith.constant 0 : i32
      %dma_wait3A_123 = tpu.memref_slice %dma_wait3A_120[%dma_wait3A_121, %dma_wait3A_122] : memref<10000x64xf32, #tpu.memory_space<hbm>> -> memref<10000x64xf32, #tpu.memory_space<hbm>>
      tpu.wait_indirect_dma semaphore(%arg20 : memref<!tpu.dma_semaphore, #tpu.memory_space<semaphore_mem>>) src(%dma_wait3A_123 : memref<10000x64xf32, #tpu.memory_space<hbm>>) dst(%arg12 : memref<80x64xf32, #tpu.memory_space<vmem>>)
      %add3A_124 = arith.constant 1 : i32
      %add3A_125 = arith.addi %mul3A_93, %add3A_124 : i32
      %dma_start3A_126 = arith.constant 0 : i32
      %dma_start3A_127 = tpu.memref_slice %arg9[%add3A_125, %dma_start3A_126] : memref<250x80xi32, #tpu.memory_space<vmem>> -> memref<1x80xi32, #tpu.memory_space<vmem>>
      %dma_start3A_128 = tpu.memref_squeeze %dma_start3A_127 : memref<1x80xi32, #tpu.memory_space<vmem>> -> memref<80xi32, #tpu.memory_space<vmem>>
      %dma_start3A_129 = arith.constant 0 : i32
      %dma_start3A_130 = arith.constant 0 : i32
      %dma_start3A_131 = tpu.memref_slice %arg2[%arg0, %dma_start3A_129, %dma_start3A_130] : memref<2x10000x64xf32, #tpu.memory_space<hbm>> -> memref<1x10000x64xf32, #tpu.memory_space<hbm>>
      %dma_start3A_132 = tpu.memref_squeeze %dma_start3A_131 : memref<1x10000x64xf32, #tpu.memory_space<hbm>> -> memref<10000x64xf32, #tpu.memory_space<hbm>>
      %dma_start3A_133 = arith.constant 0 : i32
      %dma_start3A_134 = arith.constant 0 : i32
      %dma_start3A_135 = tpu.memref_slice %dma_start3A_132[%dma_start3A_133, %dma_start3A_134] : memref<10000x64xf32, #tpu.memory_space<hbm>> -> memref<10000x64xf32, #tpu.memory_space<hbm>>
      tpu.enqueue_indirect_dma source(%dma_start3A_135 : memref<10000x64xf32, #tpu.memory_space<hbm>>) target(%arg13 : memref<80x64xf32, #tpu.memory_space<vmem>>) offsets(%dma_start3A_128 : memref<80xi32, #tpu.memory_space<vmem>>) semaphore(%arg21 : memref<!tpu.dma_semaphore, #tpu.memory_space<semaphore_mem>>)
      %dma_start3A_136 = arith.constant 0 : i32
      %dma_start3A_137 = tpu.memref_slice %arg8[%add3A_125, %dma_start3A_136] : memref<250x80xi32, #tpu.memory_space<vmem>> -> memref<1x80xi32, #tpu.memory_space<vmem>>
      %dma_start3A_138 = tpu.memref_squeeze %dma_start3A_137 : memref<1x80xi32, #tpu.memory_space<vmem>> -> memref<80xi32, #tpu.memory_space<vmem>>
      %dma_start3A_139 = arith.constant 0 : i32
      %dma_start3A_140 = arith.constant 0 : i32
      %dma_start3A_141 = tpu.memref_slice %arg3[%arg0, %dma_start3A_139, %dma_start3A_140] : memref<2x10000x64xf32, #tpu.memory_space<hbm>> -> memref<1x10000x64xf32, #tpu.memory_space<hbm>>
      %dma_start3A_142 = tpu.memref_squeeze %dma_start3A_141 : memref<1x10000x64xf32, #tpu.memory_space<hbm>> -> memref<10000x64xf32, #tpu.memory_space<hbm>>
      %dma_start3A_143 = arith.constant 0 : i32
      %dma_start3A_144 = arith.constant 0 : i32
      %dma_start3A_145 = tpu.memref_slice %dma_start3A_142[%dma_start3A_143, %dma_start3A_144] : memref<10000x64xf32, #tpu.memory_space<hbm>> -> memref<10000x64xf32, #tpu.memory_space<hbm>>
      tpu.enqueue_indirect_dma source(%dma_start3A_145 : memref<10000x64xf32, #tpu.memory_space<hbm>>) target(%arg14 : memref<80x64xf32, #tpu.memory_space<vmem>>) offsets(%dma_start3A_138 : memref<80xi32, #tpu.memory_space<vmem>>) semaphore(%arg22 : memref<!tpu.dma_semaphore, #tpu.memory_space<semaphore_mem>>)
      %dma_start3A_146 = arith.constant 0 : i32
      %dma_start3A_147 = tpu.memref_slice %arg8[%add3A_125, %dma_start3A_146] : memref<250x80xi32, #tpu.memory_space<vmem>> -> memref<1x80xi32, #tpu.memory_space<vmem>>
      %dma_start3A_148 = tpu.memref_squeeze %dma_start3A_147 : memref<1x80xi32, #tpu.memory_space<vmem>> -> memref<80xi32, #tpu.memory_space<vmem>>
      %dma_start3A_149 = arith.constant 0 : i32
      %dma_start3A_150 = arith.constant 0 : i32
      %dma_start3A_151 = tpu.memref_slice %arg4[%arg0, %dma_start3A_149, %dma_start3A_150] : memref<2x10000x64xf32, #tpu.memory_space<hbm>> -> memref<1x10000x64xf32, #tpu.memory_space<hbm>>
      %dma_start3A_152 = tpu.memref_squeeze %dma_start3A_151 : memref<1x10000x64xf32, #tpu.memory_space<hbm>> -> memref<10000x64xf32, #tpu.memory_space<hbm>>
      %dma_start3A_153 = arith.constant 0 : i32
      %dma_start3A_154 = arith.constant 0 : i32
      %dma_start3A_155 = tpu.memref_slice %dma_start3A_152[%dma_start3A_153, %dma_start3A_154] : memref<10000x64xf32, #tpu.memory_space<hbm>> -> memref<10000x64xf32, #tpu.memory_space<hbm>>
      tpu.enqueue_indirect_dma source(%dma_start3A_155 : memref<10000x64xf32, #tpu.memory_space<hbm>>) target(%arg15 : memref<80x64xf32, #tpu.memory_space<vmem>>) offsets(%dma_start3A_148 : memref<80xi32, #tpu.memory_space<vmem>>) semaphore(%arg23 : memref<!tpu.dma_semaphore, #tpu.memory_space<semaphore_mem>>)
      %parallel_loop3A = arith.constant 0 : i32
      %parallel_loop3A_156 = arith.constant 80 : i32
      %parallel_loop3A_157 = arith.constant 1 : i32
      scf.for %parallel_loop3A_228 = %parallel_loop3A to %parallel_loop3A_156 step %parallel_loop3A_157  : i32 {
        %parallel_loop3A_229 = arith.constant 0.000000e+00 : f32
        %parallel_loop3A_230 = vector.broadcast %parallel_loop3A_229 : f32 to vector<16xf32>
        %parallel_loop3A_231 = arith.index_cast %parallel_loop3A_228 : i32 to index
        %parallel_loop3A_232 = arith.constant 0 : index
        %parallel_loop3A_233 = tpu.vector_load %arg10[%parallel_loop3A_231, %parallel_loop3A_232] {strides = array<i32>} : memref<80x64xf32, #tpu.memory_space<vmem>>, vector<16xf32>,
        %parallel_loop3A_234 = arith.index_cast %parallel_loop3A_228 : i32 to index
        %parallel_loop3A_235 = arith.constant 0 : index
        %parallel_loop3A_236 = tpu.vector_load %arg11[%parallel_loop3A_234, %parallel_loop3A_235] {strides = array<i32>} : memref<80x64xf32, #tpu.memory_space<vmem>>, vector<16xf32>,
        %parallel_loop3A_237 = arith.mulf %parallel_loop3A_233, %parallel_loop3A_236 : vector<16xf32>
        %parallel_loop3A_238 = arith.constant true
        %parallel_loop3A_239 = vector.broadcast %parallel_loop3A_238 : i1 to vector<16xi1>
        %parallel_loop3A_240 = tpu.scan <sum>, %parallel_loop3A_237 masked %parallel_loop3A_239 : vector<16xf32>, vector<16xi1> -> vector<16xf32>
        %parallel_loop3A_241 = vector.extract %parallel_loop3A_240[15] : f32 from vector<16xf32>
        %parallel_loop3A_242 = arith.constant 0 : i32
        %parallel_loop3A_243 = vector.broadcast %parallel_loop3A_242 : i32 to vector<16xi32>
        %parallel_loop3A_244 = arith.cmpi eq, %iota3A, %parallel_loop3A_243 : vector<16xi32>
        %parallel_loop3A_245 = vector.broadcast %parallel_loop3A_241 : f32 to vector<16xf32>
        %parallel_loop3A_246 = arith.select %parallel_loop3A_244, %parallel_loop3A_245, %parallel_loop3A_230 : vector<16xi1>, vector<16xf32>
        %parallel_loop3A_247 = arith.index_cast %parallel_loop3A_228 : i32 to index
        %parallel_loop3A_248 = arith.constant 16 : index
        %parallel_loop3A_249 = tpu.vector_load %arg10[%parallel_loop3A_247, %parallel_loop3A_248] {strides = array<i32>} : memref<80x64xf32, #tpu.memory_space<vmem>>, vector<16xf32>,
        %parallel_loop3A_250 = arith.index_cast %parallel_loop3A_228 : i32 to index
        %parallel_loop3A_251 = arith.constant 16 : index
        %parallel_loop3A_252 = tpu.vector_load %arg11[%parallel_loop3A_250, %parallel_loop3A_251] {strides = array<i32>} : memref<80x64xf32, #tpu.memory_space<vmem>>, vector<16xf32>,
        %parallel_loop3A_253 = arith.mulf %parallel_loop3A_249, %parallel_loop3A_252 : vector<16xf32>
        %parallel_loop3A_254 = arith.constant true
        %parallel_loop3A_255 = vector.broadcast %parallel_loop3A_254 : i1 to vector<16xi1>
        %parallel_loop3A_256 = tpu.scan <sum>, %parallel_loop3A_253 masked %parallel_loop3A_255 : vector<16xf32>, vector<16xi1> -> vector<16xf32>
        %parallel_loop3A_257 = vector.extract %parallel_loop3A_256[15] : f32 from vector<16xf32>
        %parallel_loop3A_258 = arith.constant 1 : i32
        %parallel_loop3A_259 = vector.broadcast %parallel_loop3A_258 : i32 to vector<16xi32>
        %parallel_loop3A_260 = arith.cmpi eq, %iota3A, %parallel_loop3A_259 : vector<16xi32>
        %parallel_loop3A_261 = vector.broadcast %parallel_loop3A_257 : f32 to vector<16xf32>
        %parallel_loop3A_262 = arith.select %parallel_loop3A_260, %parallel_loop3A_261, %parallel_loop3A_246 : vector<16xi1>, vector<16xf32>
        %parallel_loop3A_263 = arith.index_cast %parallel_loop3A_228 : i32 to index
        %parallel_loop3A_264 = arith.constant 32 : index
        %parallel_loop3A_265 = tpu.vector_load %arg10[%parallel_loop3A_263, %parallel_loop3A_264] {strides = array<i32>} : memref<80x64xf32, #tpu.memory_space<vmem>>, vector<16xf32>,
        %parallel_loop3A_266 = arith.index_cast %parallel_loop3A_228 : i32 to index
        %parallel_loop3A_267 = arith.constant 32 : index
        %parallel_loop3A_268 = tpu.vector_load %arg11[%parallel_loop3A_266, %parallel_loop3A_267] {strides = array<i32>} : memref<80x64xf32, #tpu.memory_space<vmem>>, vector<16xf32>,
        %parallel_loop3A_269 = arith.mulf %parallel_loop3A_265, %parallel_loop3A_268 : vector<16xf32>
        %parallel_loop3A_270 = arith.constant true
        %parallel_loop3A_271 = vector.broadcast %parallel_loop3A_270 : i1 to vector<16xi1>
        %parallel_loop3A_272 = tpu.scan <sum>, %parallel_loop3A_269 masked %parallel_loop3A_271 : vector<16xf32>, vector<16xi1> -> vector<16xf32>
        %parallel_loop3A_273 = vector.extract %parallel_loop3A_272[15] : f32 from vector<16xf32>
        %parallel_loop3A_274 = arith.constant 2 : i32
        %parallel_loop3A_275 = vector.broadcast %parallel_loop3A_274 : i32 to vector<16xi32>
        %parallel_loop3A_276 = arith.cmpi eq, %iota3A, %parallel_loop3A_275 : vector<16xi32>
        %parallel_loop3A_277 = vector.broadcast %parallel_loop3A_273 : f32 to vector<16xf32>
        %parallel_loop3A_278 = arith.select %parallel_loop3A_276, %parallel_loop3A_277, %parallel_loop3A_262 : vector<16xi1>, vector<16xf32>
        %parallel_loop3A_279 = arith.index_cast %parallel_loop3A_228 : i32 to index
        %parallel_loop3A_280 = arith.constant 48 : index
        %parallel_loop3A_281 = tpu.vector_load %arg10[%parallel_loop3A_279, %parallel_loop3A_280] {strides = array<i32>} : memref<80x64xf32, #tpu.memory_space<vmem>>, vector<16xf32>,
        %parallel_loop3A_282 = arith.index_cast %parallel_loop3A_228 : i32 to index
        %parallel_loop3A_283 = arith.constant 48 : index
        %parallel_loop3A_284 = tpu.vector_load %arg11[%parallel_loop3A_282, %parallel_loop3A_283] {strides = array<i32>} : memref<80x64xf32, #tpu.memory_space<vmem>>, vector<16xf32>,
        %parallel_loop3A_285 = arith.mulf %parallel_loop3A_281, %parallel_loop3A_284 : vector<16xf32>
        %parallel_loop3A_286 = arith.constant true
        %parallel_loop3A_287 = vector.broadcast %parallel_loop3A_286 : i1 to vector<16xi1>
        %parallel_loop3A_288 = tpu.scan <sum>, %parallel_loop3A_285 masked %parallel_loop3A_287 : vector<16xf32>, vector<16xi1> -> vector<16xf32>
        %parallel_loop3A_289 = vector.extract %parallel_loop3A_288[15] : f32 from vector<16xf32>
        %parallel_loop3A_290 = arith.constant 3 : i32
        %parallel_loop3A_291 = vector.broadcast %parallel_loop3A_290 : i32 to vector<16xi32>
        %parallel_loop3A_292 = arith.cmpi eq, %iota3A, %parallel_loop3A_291 : vector<16xi32>
        %parallel_loop3A_293 = vector.broadcast %parallel_loop3A_289 : f32 to vector<16xf32>
        %parallel_loop3A_294 = arith.select %parallel_loop3A_292, %parallel_loop3A_293, %parallel_loop3A_278 : vector<16xi1>, vector<16xf32>
        %parallel_loop3A_295 = arith.constant 2.500000e-01 : f32
        %parallel_loop3A_296 = vector.broadcast %parallel_loop3A_295 : f32 to vector<16xf32>
        %parallel_loop3A_297 = arith.mulf %parallel_loop3A_294, %parallel_loop3A_296 : vector<16xf32>
        %parallel_loop3A_298 = math.exp %parallel_loop3A_297 : vector<16xf32>
        %parallel_loop3A_299 = arith.index_cast %parallel_loop3A_228 : i32 to index
        %parallel_loop3A_300 = arith.constant 64 : index
        %parallel_loop3A_301 = tpu.vector_load %arg16[%parallel_loop3A_299, %parallel_loop3A_300] {strides = array<i32>} : memref<80x80xf32, #tpu.memory_space<vmem>>, vector<16xf32>,
        tpu.vector_store %arg16[%parallel_loop3A_299, %parallel_loop3A_300], %parallel_loop3A_298 {strides = array<i32>} : memref<80x80xf32, #tpu.memory_space<vmem>>, vector<16xf32>,
        %parallel_loop3A_302 = arith.index_cast %parallel_loop3A_228 : i32 to index
        %parallel_loop3A_303 = arith.constant 0 : index
        %parallel_loop3A_304 = tpu.vector_load %arg12[%parallel_loop3A_302, %parallel_loop3A_303] {strides = array<i32>} : memref<80x64xf32, #tpu.memory_space<vmem>>, vector<16xf32>,
        %parallel_loop3A_305 = vector.extract_strided_slice %parallel_loop3A_298 {offsets = [0], sizes = [1], strides = [1]} : vector<16xf32> to vector<1xf32>
        %parallel_loop3A_306 = vector.extract %parallel_loop3A_305[0] : f32 from vector<1xf32>
        %parallel_loop3A_307 = vector.broadcast %parallel_loop3A_306 : f32 to vector<16xf32>
        %parallel_loop3A_308 = arith.mulf %parallel_loop3A_304, %parallel_loop3A_307 : vector<16xf32>
        %parallel_loop3A_309 = arith.index_cast %parallel_loop3A_228 : i32 to index
        %parallel_loop3A_310 = arith.constant 0 : index
        %parallel_loop3A_311 = tpu.vector_load %arg16[%parallel_loop3A_309, %parallel_loop3A_310] {strides = array<i32>} : memref<80x80xf32, #tpu.memory_space<vmem>>, vector<16xf32>,
        tpu.vector_store %arg16[%parallel_loop3A_309, %parallel_loop3A_310], %parallel_loop3A_308 {strides = array<i32>} : memref<80x80xf32, #tpu.memory_space<vmem>>, vector<16xf32>,
        %parallel_loop3A_312 = arith.index_cast %parallel_loop3A_228 : i32 to index
        %parallel_loop3A_313 = arith.constant 16 : index
        %parallel_loop3A_314 = tpu.vector_load %arg12[%parallel_loop3A_312, %parallel_loop3A_313] {strides = array<i32>} : memref<80x64xf32, #tpu.memory_space<vmem>>, vector<16xf32>,
        %parallel_loop3A_315 = vector.extract_strided_slice %parallel_loop3A_298 {offsets = [1], sizes = [1], strides = [1]} : vector<16xf32> to vector<1xf32>
        %parallel_loop3A_316 = vector.extract %parallel_loop3A_315[0] : f32 from vector<1xf32>
        %parallel_loop3A_317 = vector.broadcast %parallel_loop3A_316 : f32 to vector<16xf32>
        %parallel_loop3A_318 = arith.mulf %parallel_loop3A_314, %parallel_loop3A_317 : vector<16xf32>
        %parallel_loop3A_319 = arith.index_cast %parallel_loop3A_228 : i32 to index
        %parallel_loop3A_320 = arith.constant 16 : index
        %parallel_loop3A_321 = tpu.vector_load %arg16[%parallel_loop3A_319, %parallel_loop3A_320] {strides = array<i32>} : memref<80x80xf32, #tpu.memory_space<vmem>>, vector<16xf32>,
        tpu.vector_store %arg16[%parallel_loop3A_319, %parallel_loop3A_320], %parallel_loop3A_318 {strides = array<i32>} : memref<80x80xf32, #tpu.memory_space<vmem>>, vector<16xf32>,
        %parallel_loop3A_322 = arith.index_cast %parallel_loop3A_228 : i32 to index
        %parallel_loop3A_323 = arith.constant 32 : index
        %parallel_loop3A_324 = tpu.vector_load %arg12[%parallel_loop3A_322, %parallel_loop3A_323] {strides = array<i32>} : memref<80x64xf32, #tpu.memory_space<vmem>>, vector<16xf32>,
        %parallel_loop3A_325 = vector.extract_strided_slice %parallel_loop3A_298 {offsets = [2], sizes = [1], strides = [1]} : vector<16xf32> to vector<1xf32>
        %parallel_loop3A_326 = vector.extract %parallel_loop3A_325[0] : f32 from vector<1xf32>
        %parallel_loop3A_327 = vector.broadcast %parallel_loop3A_326 : f32 to vector<16xf32>
        %parallel_loop3A_328 = arith.mulf %parallel_loop3A_324, %parallel_loop3A_327 : vector<16xf32>
        %parallel_loop3A_329 = arith.index_cast %parallel_loop3A_228 : i32 to index
        %parallel_loop3A_330 = arith.constant 32 : index
        %parallel_loop3A_331 = tpu.vector_load %arg16[%parallel_loop3A_329, %parallel_loop3A_330] {strides = array<i32>} : memref<80x80xf32, #tpu.memory_space<vmem>>, vector<16xf32>,
        tpu.vector_store %arg16[%parallel_loop3A_329, %parallel_loop3A_330], %parallel_loop3A_328 {strides = array<i32>} : memref<80x80xf32, #tpu.memory_space<vmem>>, vector<16xf32>,
        %parallel_loop3A_332 = arith.index_cast %parallel_loop3A_228 : i32 to index
        %parallel_loop3A_333 = arith.constant 48 : index
        %parallel_loop3A_334 = tpu.vector_load %arg12[%parallel_loop3A_332, %parallel_loop3A_333] {strides = array<i32>} : memref<80x64xf32, #tpu.memory_space<vmem>>, vector<16xf32>,
        %parallel_loop3A_335 = vector.extract_strided_slice %parallel_loop3A_298 {offsets = [3], sizes = [1], strides = [1]} : vector<16xf32> to vector<1xf32>
        %parallel_loop3A_336 = vector.extract %parallel_loop3A_335[0] : f32 from vector<1xf32>
        %parallel_loop3A_337 = vector.broadcast %parallel_loop3A_336 : f32 to vector<16xf32>
        %parallel_loop3A_338 = arith.mulf %parallel_loop3A_334, %parallel_loop3A_337 : vector<16xf32>
        %parallel_loop3A_339 = arith.index_cast %parallel_loop3A_228 : i32 to index
        %parallel_loop3A_340 = arith.constant 48 : index
        %parallel_loop3A_341 = tpu.vector_load %arg16[%parallel_loop3A_339, %parallel_loop3A_340] {strides = array<i32>} : memref<80x80xf32, #tpu.memory_space<vmem>>, vector<16xf32>,
        tpu.vector_store %arg16[%parallel_loop3A_339, %parallel_loop3A_340], %parallel_loop3A_338 {strides = array<i32>} : memref<80x80xf32, #tpu.memory_space<vmem>>, vector<16xf32>,
      } {sc.loop_unroll_factor = 2 : i64, sc.parallel_access}
      "tpu.region"() ({
        %run_scoped3A = tpu.sem_alloc : memref<!tpu.dma_semaphore, #tpu.memory_space<semaphore_mem>>
        %dma_start3A_228 = arith.constant 0 : i32
        %dma_start3A_229 = tpu.memref_slice %arg9[%mul3A_93, %dma_start3A_228] : memref<250x80xi32, #tpu.memory_space<vmem>> -> memref<1x80xi32, #tpu.memory_space<vmem>>
        %dma_start3A_230 = tpu.memref_squeeze %dma_start3A_229 : memref<1x80xi32, #tpu.memory_space<vmem>> -> memref<80xi32, #tpu.memory_space<vmem>>
        %dma_start3A_231 = arith.constant 0 : i32
        %dma_start3A_232 = arith.constant 0 : i32
        %dma_start3A_233 = tpu.memref_slice %arg17[%dma_start3A_231, %dma_start3A_232] : memref<10000x80xf32, #tpu.memory_space<vmem_shared>> -> memref<10000x80xf32, #tpu.memory_space<vmem_shared>>
        tpu.enqueue_indirect_dma source(%arg16 : memref<80x80xf32, #tpu.memory_space<vmem>>) target(%dma_start3A_233 : memref<10000x80xf32, #tpu.memory_space<vmem_shared>>) offsets(%dma_start3A_230 : memref<80xi32, #tpu.memory_space<vmem>>) semaphore(%run_scoped3A : memref<!tpu.dma_semaphore, #tpu.memory_space<semaphore_mem>>) {add = true}
        %dma_wait3A_234 = arith.constant 0 : i32
        %dma_wait3A_235 = tpu.memref_slice %arg9[%mul3A_93, %dma_wait3A_234] : memref<250x80xi32, #tpu.memory_space<vmem>> -> memref<1x80xi32, #tpu.memory_space<vmem>>
        %dma_wait3A_236 = tpu.memref_squeeze %dma_wait3A_235 : memref<1x80xi32, #tpu.memory_space<vmem>> -> memref<80xi32, #tpu.memory_space<vmem>>
        %dma_wait3A_237 = arith.constant 0 : i32
        %dma_wait3A_238 = arith.constant 0 : i32
        %dma_wait3A_239 = tpu.memref_slice %arg17[%dma_wait3A_237, %dma_wait3A_238] : memref<10000x80xf32, #tpu.memory_space<vmem_shared>> -> memref<10000x80xf32, #tpu.memory_space<vmem_shared>>
        tpu.wait_indirect_dma semaphore(%run_scoped3A : memref<!tpu.dma_semaphore, #tpu.memory_space<semaphore_mem>>) src(%arg16 : memref<80x80xf32, #tpu.memory_space<vmem>>) dst(%dma_wait3A_239 : memref<10000x80xf32, #tpu.memory_space<vmem_shared>>)
        tpu.yield
      }) : () -> ()
      %add3A_158 = arith.constant 1 : i32
      %add3A_159 = arith.addi %mul3A_93, %add3A_158 : i32
      %dma_wait3A_160 = arith.constant 0 : i32
      %dma_wait3A_161 = tpu.memref_slice %arg9[%add3A_159, %dma_wait3A_160] : memref<250x80xi32, #tpu.memory_space<vmem>> -> memref<1x80xi32, #tpu.memory_space<vmem>>
      %dma_wait3A_162 = tpu.memref_squeeze %dma_wait3A_161 : memref<1x80xi32, #tpu.memory_space<vmem>> -> memref<80xi32, #tpu.memory_space<vmem>>
      %dma_wait3A_163 = arith.constant 0 : i32
      %dma_wait3A_164 = arith.constant 0 : i32
      %dma_wait3A_165 = tpu.memref_slice %arg2[%arg0, %dma_wait3A_163, %dma_wait3A_164] : memref<2x10000x64xf32, #tpu.memory_space<hbm>> -> memref<1x10000x64xf32, #tpu.memory_space<hbm>>
      %dma_wait3A_166 = tpu.memref_squeeze %dma_wait3A_165 : memref<1x10000x64xf32, #tpu.memory_space<hbm>> -> memref<10000x64xf32, #tpu.memory_space<hbm>>
      %dma_wait3A_167 = arith.constant 0 : i32
      %dma_wait3A_168 = arith.constant 0 : i32
      %dma_wait3A_169 = tpu.memref_slice %dma_wait3A_166[%dma_wait3A_167, %dma_wait3A_168] : memref<10000x64xf32, #tpu.memory_space<hbm>> -> memref<10000x64xf32, #tpu.memory_space<hbm>>
      tpu.wait_indirect_dma semaphore(%arg21 : memref<!tpu.dma_semaphore, #tpu.memory_space<semaphore_mem>>) src(%dma_wait3A_169 : memref<10000x64xf32, #tpu.memory_space<hbm>>) dst(%arg13 : memref<80x64xf32, #tpu.memory_space<vmem>>)
      %dma_wait3A_170 = arith.constant 0 : i32
      %dma_wait3A_171 = tpu.memref_slice %arg8[%add3A_159, %dma_wait3A_170] : memref<250x80xi32, #tpu.memory_space<vmem>> -> memref<1x80xi32, #tpu.memory_space<vmem>>
      %dma_wait3A_172 = tpu.memref_squeeze %dma_wait3A_171 : memref<1x80xi32, #tpu.memory_space<vmem>> -> memref<80xi32, #tpu.memory_space<vmem>>
      %dma_wait3A_173 = arith.constant 0 : i32
      %dma_wait3A_174 = arith.constant 0 : i32
      %dma_wait3A_175 = tpu.memref_slice %arg3[%arg0, %dma_wait3A_173, %dma_wait3A_174] : memref<2x10000x64xf32, #tpu.memory_space<hbm>> -> memref<1x10000x64xf32, #tpu.memory_space<hbm>>
      %dma_wait3A_176 = tpu.memref_squeeze %dma_wait3A_175 : memref<1x10000x64xf32, #tpu.memory_space<hbm>> -> memref<10000x64xf32, #tpu.memory_space<hbm>>
      %dma_wait3A_177 = arith.constant 0 : i32
      %dma_wait3A_178 = arith.constant 0 : i32
      %dma_wait3A_179 = tpu.memref_slice %dma_wait3A_176[%dma_wait3A_177, %dma_wait3A_178] : memref<10000x64xf32, #tpu.memory_space<hbm>> -> memref<10000x64xf32, #tpu.memory_space<hbm>>
      tpu.wait_indirect_dma semaphore(%arg22 : memref<!tpu.dma_semaphore, #tpu.memory_space<semaphore_mem>>) src(%dma_wait3A_179 : memref<10000x64xf32, #tpu.memory_space<hbm>>) dst(%arg14 : memref<80x64xf32, #tpu.memory_space<vmem>>)
      %dma_wait3A_180 = arith.constant 0 : i32
      %dma_wait3A_181 = tpu.memref_slice %arg8[%add3A_159, %dma_wait3A_180] : memref<250x80xi32, #tpu.memory_space<vmem>> -> memref<1x80xi32, #tpu.memory_space<vmem>>
      %dma_wait3A_182 = tpu.memref_squeeze %dma_wait3A_181 : memref<1x80xi32, #tpu.memory_space<vmem>> -> memref<80xi32, #tpu.memory_space<vmem>>
      %dma_wait3A_183 = arith.constant 0 : i32
      %dma_wait3A_184 = arith.constant 0 : i32
      %dma_wait3A_185 = tpu.memref_slice %arg4[%arg0, %dma_wait3A_183, %dma_wait3A_184] : memref<2x10000x64xf32, #tpu.memory_space<hbm>> -> memref<1x10000x64xf32, #tpu.memory_space<hbm>>
      %dma_wait3A_186 = tpu.memref_squeeze %dma_wait3A_185 : memref<1x10000x64xf32, #tpu.memory_space<hbm>> -> memref<10000x64xf32, #tpu.memory_space<hbm>>
      %dma_wait3A_187 = arith.constant 0 : i32
      %dma_wait3A_188 = arith.constant 0 : i32
      %dma_wait3A_189 = tpu.memref_slice %dma_wait3A_186[%dma_wait3A_187, %dma_wait3A_188] : memref<10000x64xf32, #tpu.memory_space<hbm>> -> memref<10000x64xf32, #tpu.memory_space<hbm>>
      tpu.wait_indirect_dma semaphore(%arg23 : memref<!tpu.dma_semaphore, #tpu.memory_space<semaphore_mem>>) src(%dma_wait3A_189 : memref<10000x64xf32, #tpu.memory_space<hbm>>) dst(%arg15 : memref<80x64xf32, #tpu.memory_space<vmem>>)
      %add3A_190 = arith.constant 2 : i32
      %add3A_191 = arith.addi %mul3A_93, %add3A_190 : i32
      %min3A = arith.constant 249 : i32
      %min3A_192 = arith.minsi %add3A_191, %min3A : i32
      %dma_start3A_193 = arith.constant 0 : i32
      %dma_start3A_194 = tpu.memref_slice %arg9[%min3A_192, %dma_start3A_193] : memref<250x80xi32, #tpu.memory_space<vmem>> -> memref<1x80xi32, #tpu.memory_space<vmem>>
      %dma_start3A_195 = tpu.memref_squeeze %dma_start3A_194 : memref<1x80xi32, #tpu.memory_space<vmem>> -> memref<80xi32, #tpu.memory_space<vmem>>
      %dma_start3A_196 = arith.constant 0 : i32
      %dma_start3A_197 = arith.constant 0 : i32
      %dma_start3A_198 = tpu.memref_slice %arg2[%arg0, %dma_start3A_196, %dma_start3A_197] : memref<2x10000x64xf32, #tpu.memory_space<hbm>> -> memref<1x10000x64xf32, #tpu.memory_space<hbm>>
      %dma_start3A_199 = tpu.memref_squeeze %dma_start3A_198 : memref<1x10000x64xf32, #tpu.memory_space<hbm>> -> memref<10000x64xf32, #tpu.memory_space<hbm>>
      %dma_start3A_200 = arith.constant 0 : i32
      %dma_start3A_201 = arith.constant 0 : i32
      %dma_start3A_202 = tpu.memref_slice %dma_start3A_199[%dma_start3A_200, %dma_start3A_201] : memref<10000x64xf32, #tpu.memory_space<hbm>> -> memref<10000x64xf32, #tpu.memory_space<hbm>>
      tpu.enqueue_indirect_dma source(%dma_start3A_202 : memref<10000x64xf32, #tpu.memory_space<hbm>>) target(%arg10 : memref<80x64xf32, #tpu.memory_space<vmem>>) offsets(%dma_start3A_195 : memref<80xi32, #tpu.memory_space<vmem>>) semaphore(%arg18 : memref<!tpu.dma_semaphore, #tpu.memory_space<semaphore_mem>>)
      %dma_start3A_203 = arith.constant 0 : i32
      %dma_start3A_204 = tpu.memref_slice %arg8[%min3A_192, %dma_start3A_203] : memref<250x80xi32, #tpu.memory_space<vmem>> -> memref<1x80xi32, #tpu.memory_space<vmem>>
      %dma_start3A_205 = tpu.memref_squeeze %dma_start3A_204 : memref<1x80xi32, #tpu.memory_space<vmem>> -> memref<80xi32, #tpu.memory_space<vmem>>
      %dma_start3A_206 = arith.constant 0 : i32
      %dma_start3A_207 = arith.constant 0 : i32
      %dma_start3A_208 = tpu.memref_slice %arg3[%arg0, %dma_start3A_206, %dma_start3A_207] : memref<2x10000x64xf32, #tpu.memory_space<hbm>> -> memref<1x10000x64xf32, #tpu.memory_space<hbm>>
      %dma_start3A_209 = tpu.memref_squeeze %dma_start3A_208 : memref<1x10000x64xf32, #tpu.memory_space<hbm>> -> memref<10000x64xf32, #tpu.memory_space<hbm>>
      %dma_start3A_210 = arith.constant 0 : i32
      %dma_start3A_211 = arith.constant 0 : i32
      %dma_start3A_212 = tpu.memref_slice %dma_start3A_209[%dma_start3A_210, %dma_start3A_211] : memref<10000x64xf32, #tpu.memory_space<hbm>> -> memref<10000x64xf32, #tpu.memory_space<hbm>>
      tpu.enqueue_indirect_dma source(%dma_start3A_212 : memref<10000x64xf32, #tpu.memory_space<hbm>>) target(%arg11 : memref<80x64xf32, #tpu.memory_space<vmem>>) offsets(%dma_start3A_205 : memref<80xi32, #tpu.memory_space<vmem>>) semaphore(%arg19 : memref<!tpu.dma_semaphore, #tpu.memory_space<semaphore_mem>>)
      %dma_start3A_213 = arith.constant 0 : i32
      %dma_start3A_214 = tpu.memref_slice %arg8[%min3A_192, %dma_start3A_213] : memref<250x80xi32, #tpu.memory_space<vmem>> -> memref<1x80xi32, #tpu.memory_space<vmem>>
      %dma_start3A_215 = tpu.memref_squeeze %dma_start3A_214 : memref<1x80xi32, #tpu.memory_space<vmem>> -> memref<80xi32, #tpu.memory_space<vmem>>
      %dma_start3A_216 = arith.constant 0 : i32
      %dma_start3A_217 = arith.constant 0 : i32
      %dma_start3A_218 = tpu.memref_slice %arg4[%arg0, %dma_start3A_216, %dma_start3A_217] : memref<2x10000x64xf32, #tpu.memory_space<hbm>> -> memref<1x10000x64xf32, #tpu.memory_space<hbm>>
      %dma_start3A_219 = tpu.memref_squeeze %dma_start3A_218 : memref<1x10000x64xf32, #tpu.memory_space<hbm>> -> memref<10000x64xf32, #tpu.memory_space<hbm>>
      %dma_start3A_220 = arith.constant 0 : i32
      %dma_start3A_221 = arith.constant 0 : i32
      %dma_start3A_222 = tpu.memref_slice %dma_start3A_219[%dma_start3A_220, %dma_start3A_221] : memref<10000x64xf32, #tpu.memory_space<hbm>> -> memref<10000x64xf32, #tpu.memory_space<hbm>>
      tpu.enqueue_indirect_dma source(%dma_start3A_222 : memref<10000x64xf32, #tpu.memory_space<hbm>>) target(%arg12 : memref<80x64xf32, #tpu.memory_space<vmem>>) offsets(%dma_start3A_215 : memref<80xi32, #tpu.memory_space<vmem>>) semaphore(%arg20 : memref<!tpu.dma_semaphore, #tpu.memory_space<semaphore_mem>>)
      %add3A_223 = arith.constant 1 : i32
      %add3A_224 = arith.addi %mul3A_93, %add3A_223 : i32
      %parallel_loop3A_225 = arith.constant 0 : i32
      %parallel_loop3A_226 = arith.constant 80 : i32
      %parallel_loop3A_227 = arith.constant 1 : i32
      scf.for %parallel_loop3A_228 = %parallel_loop3A_225 to %parallel_loop3A_226 step %parallel_loop3A_227  : i32 {
        %parallel_loop3A_229 = arith.constant 0.000000e+00 : f32
        %parallel_loop3A_230 = vector.broadcast %parallel_loop3A_229 : f32 to vector<16xf32>
        %parallel_loop3A_231 = arith.index_cast %parallel_loop3A_228 : i32 to index
        %parallel_loop3A_232 = arith.constant 0 : index
        %parallel_loop3A_233 = tpu.vector_load %arg13[%parallel_loop3A_231, %parallel_loop3A_232] {strides = array<i32>} : memref<80x64xf32, #tpu.memory_space<vmem>>, vector<16xf32>,
        %parallel_loop3A_234 = arith.index_cast %parallel_loop3A_228 : i32 to index
        %parallel_loop3A_235 = arith.constant 0 : index
        %parallel_loop3A_236 = tpu.vector_load %arg14[%parallel_loop3A_234, %parallel_loop3A_235] {strides = array<i32>} : memref<80x64xf32, #tpu.memory_space<vmem>>, vector<16xf32>,
        %parallel_loop3A_237 = arith.mulf %parallel_loop3A_233, %parallel_loop3A_236 : vector<16xf32>
        %parallel_loop3A_238 = arith.constant true
        %parallel_loop3A_239 = vector.broadcast %parallel_loop3A_238 : i1 to vector<16xi1>
        %parallel_loop3A_240 = tpu.scan <sum>, %parallel_loop3A_237 masked %parallel_loop3A_239 : vector<16xf32>, vector<16xi1> -> vector<16xf32>
        %parallel_loop3A_241 = vector.extract %parallel_loop3A_240[15] : f32 from vector<16xf32>
        %parallel_loop3A_242 = arith.constant 0 : i32
        %parallel_loop3A_243 = vector.broadcast %parallel_loop3A_242 : i32 to vector<16xi32>
        %parallel_loop3A_244 = arith.cmpi eq, %iota3A, %parallel_loop3A_243 : vector<16xi32>
        %parallel_loop3A_245 = vector.broadcast %parallel_loop3A_241 : f32 to vector<16xf32>
        %parallel_loop3A_246 = arith.select %parallel_loop3A_244, %parallel_loop3A_245, %parallel_loop3A_230 : vector<16xi1>, vector<16xf32>
        %parallel_loop3A_247 = arith.index_cast %parallel_loop3A_228 : i32 to index
        %parallel_loop3A_248 = arith.constant 16 : index
        %parallel_loop3A_249 = tpu.vector_load %arg13[%parallel_loop3A_247, %parallel_loop3A_248] {strides = array<i32>} : memref<80x64xf32, #tpu.memory_space<vmem>>, vector<16xf32>,
        %parallel_loop3A_250 = arith.index_cast %parallel_loop3A_228 : i32 to index
        %parallel_loop3A_251 = arith.constant 16 : index
        %parallel_loop3A_252 = tpu.vector_load %arg14[%parallel_loop3A_250, %parallel_loop3A_251] {strides = array<i32>} : memref<80x64xf32, #tpu.memory_space<vmem>>, vector<16xf32>,
        %parallel_loop3A_253 = arith.mulf %parallel_loop3A_249, %parallel_loop3A_252 : vector<16xf32>
        %parallel_loop3A_254 = arith.constant true
        %parallel_loop3A_255 = vector.broadcast %parallel_loop3A_254 : i1 to vector<16xi1>
        %parallel_loop3A_256 = tpu.scan <sum>, %parallel_loop3A_253 masked %parallel_loop3A_255 : vector<16xf32>, vector<16xi1> -> vector<16xf32>
        %parallel_loop3A_257 = vector.extract %parallel_loop3A_256[15] : f32 from vector<16xf32>
        %parallel_loop3A_258 = arith.constant 1 : i32
        %parallel_loop3A_259 = vector.broadcast %parallel_loop3A_258 : i32 to vector<16xi32>
        %parallel_loop3A_260 = arith.cmpi eq, %iota3A, %parallel_loop3A_259 : vector<16xi32>
        %parallel_loop3A_261 = vector.broadcast %parallel_loop3A_257 : f32 to vector<16xf32>
        %parallel_loop3A_262 = arith.select %parallel_loop3A_260, %parallel_loop3A_261, %parallel_loop3A_246 : vector<16xi1>, vector<16xf32>
        %parallel_loop3A_263 = arith.index_cast %parallel_loop3A_228 : i32 to index
        %parallel_loop3A_264 = arith.constant 32 : index
        %parallel_loop3A_265 = tpu.vector_load %arg13[%parallel_loop3A_263, %parallel_loop3A_264] {strides = array<i32>} : memref<80x64xf32, #tpu.memory_space<vmem>>, vector<16xf32>,
        %parallel_loop3A_266 = arith.index_cast %parallel_loop3A_228 : i32 to index
        %parallel_loop3A_267 = arith.constant 32 : index
        %parallel_loop3A_268 = tpu.vector_load %arg14[%parallel_loop3A_266, %parallel_loop3A_267] {strides = array<i32>} : memref<80x64xf32, #tpu.memory_space<vmem>>, vector<16xf32>,
        %parallel_loop3A_269 = arith.mulf %parallel_loop3A_265, %parallel_loop3A_268 : vector<16xf32>
        %parallel_loop3A_270 = arith.constant true
        %parallel_loop3A_271 = vector.broadcast %parallel_loop3A_270 : i1 to vector<16xi1>
        %parallel_loop3A_272 = tpu.scan <sum>, %parallel_loop3A_269 masked %parallel_loop3A_271 : vector<16xf32>, vector<16xi1> -> vector<16xf32>
        %parallel_loop3A_273 = vector.extract %parallel_loop3A_272[15] : f32 from vector<16xf32>
        %parallel_loop3A_274 = arith.constant 2 : i32
        %parallel_loop3A_275 = vector.broadcast %parallel_loop3A_274 : i32 to vector<16xi32>
        %parallel_loop3A_276 = arith.cmpi eq, %iota3A, %parallel_loop3A_275 : vector<16xi32>
        %parallel_loop3A_277 = vector.broadcast %parallel_loop3A_273 : f32 to vector<16xf32>
        %parallel_loop3A_278 = arith.select %parallel_loop3A_276, %parallel_loop3A_277, %parallel_loop3A_262 : vector<16xi1>, vector<16xf32>
        %parallel_loop3A_279 = arith.index_cast %parallel_loop3A_228 : i32 to index
        %parallel_loop3A_280 = arith.constant 48 : index
        %parallel_loop3A_281 = tpu.vector_load %arg13[%parallel_loop3A_279, %parallel_loop3A_280] {strides = array<i32>} : memref<80x64xf32, #tpu.memory_space<vmem>>, vector<16xf32>,
        %parallel_loop3A_282 = arith.index_cast %parallel_loop3A_228 : i32 to index
        %parallel_loop3A_283 = arith.constant 48 : index
        %parallel_loop3A_284 = tpu.vector_load %arg14[%parallel_loop3A_282, %parallel_loop3A_283] {strides = array<i32>} : memref<80x64xf32, #tpu.memory_space<vmem>>, vector<16xf32>,
        %parallel_loop3A_285 = arith.mulf %parallel_loop3A_281, %parallel_loop3A_284 : vector<16xf32>
        %parallel_loop3A_286 = arith.constant true
        %parallel_loop3A_287 = vector.broadcast %parallel_loop3A_286 : i1 to vector<16xi1>
        %parallel_loop3A_288 = tpu.scan <sum>, %parallel_loop3A_285 masked %parallel_loop3A_287 : vector<16xf32>, vector<16xi1> -> vector<16xf32>
        %parallel_loop3A_289 = vector.extract %parallel_loop3A_288[15] : f32 from vector<16xf32>
        %parallel_loop3A_290 = arith.constant 3 : i32
        %parallel_loop3A_291 = vector.broadcast %parallel_loop3A_290 : i32 to vector<16xi32>
        %parallel_loop3A_292 = arith.cmpi eq, %iota3A, %parallel_loop3A_291 : vector<16xi32>
        %parallel_loop3A_293 = vector.broadcast %parallel_loop3A_289 : f32 to vector<16xf32>
        %parallel_loop3A_294 = arith.select %parallel_loop3A_292, %parallel_loop3A_293, %parallel_loop3A_278 : vector<16xi1>, vector<16xf32>
        %parallel_loop3A_295 = arith.constant 2.500000e-01 : f32
        %parallel_loop3A_296 = vector.broadcast %parallel_loop3A_295 : f32 to vector<16xf32>
        %parallel_loop3A_297 = arith.mulf %parallel_loop3A_294, %parallel_loop3A_296 : vector<16xf32>
        %parallel_loop3A_298 = math.exp %parallel_loop3A_297 : vector<16xf32>
        %parallel_loop3A_299 = arith.index_cast %parallel_loop3A_228 : i32 to index
        %parallel_loop3A_300 = arith.constant 64 : index
        %parallel_loop3A_301 = tpu.vector_load %arg16[%parallel_loop3A_299, %parallel_loop3A_300] {strides = array<i32>} : memref<80x80xf32, #tpu.memory_space<vmem>>, vector<16xf32>,
        tpu.vector_store %arg16[%parallel_loop3A_299, %parallel_loop3A_300], %parallel_loop3A_298 {strides = array<i32>} : memref<80x80xf32, #tpu.memory_space<vmem>>, vector<16xf32>,
        %parallel_loop3A_302 = arith.index_cast %parallel_loop3A_228 : i32 to index
        %parallel_loop3A_303 = arith.constant 0 : index
        %parallel_loop3A_304 = tpu.vector_load %arg15[%parallel_loop3A_302, %parallel_loop3A_303] {strides = array<i32>} : memref<80x64xf32, #tpu.memory_space<vmem>>, vector<16xf32>,
        %parallel_loop3A_305 = vector.extract_strided_slice %parallel_loop3A_298 {offsets = [0], sizes = [1], strides = [1]} : vector<16xf32> to vector<1xf32>
        %parallel_loop3A_306 = vector.extract %parallel_loop3A_305[0] : f32 from vector<1xf32>
        %parallel_loop3A_307 = vector.broadcast %parallel_loop3A_306 : f32 to vector<16xf32>
        %parallel_loop3A_308 = arith.mulf %parallel_loop3A_304, %parallel_loop3A_307 : vector<16xf32>
        %parallel_loop3A_309 = arith.index_cast %parallel_loop3A_228 : i32 to index
        %parallel_loop3A_310 = arith.constant 0 : index
        %parallel_loop3A_311 = tpu.vector_load %arg16[%parallel_loop3A_309, %parallel_loop3A_310] {strides = array<i32>} : memref<80x80xf32, #tpu.memory_space<vmem>>, vector<16xf32>,
        tpu.vector_store %arg16[%parallel_loop3A_309, %parallel_loop3A_310], %parallel_loop3A_308 {strides = array<i32>} : memref<80x80xf32, #tpu.memory_space<vmem>>, vector<16xf32>,
        %parallel_loop3A_312 = arith.index_cast %parallel_loop3A_228 : i32 to index
        %parallel_loop3A_313 = arith.constant 16 : index
        %parallel_loop3A_314 = tpu.vector_load %arg15[%parallel_loop3A_312, %parallel_loop3A_313] {strides = array<i32>} : memref<80x64xf32, #tpu.memory_space<vmem>>, vector<16xf32>,
        %parallel_loop3A_315 = vector.extract_strided_slice %parallel_loop3A_298 {offsets = [1], sizes = [1], strides = [1]} : vector<16xf32> to vector<1xf32>
        %parallel_loop3A_316 = vector.extract %parallel_loop3A_315[0] : f32 from vector<1xf32>
        %parallel_loop3A_317 = vector.broadcast %parallel_loop3A_316 : f32 to vector<16xf32>
        %parallel_loop3A_318 = arith.mulf %parallel_loop3A_314, %parallel_loop3A_317 : vector<16xf32>
        %parallel_loop3A_319 = arith.index_cast %parallel_loop3A_228 : i32 to index
        %parallel_loop3A_320 = arith.constant 16 : index
        %parallel_loop3A_321 = tpu.vector_load %arg16[%parallel_loop3A_319, %parallel_loop3A_320] {strides = array<i32>} : memref<80x80xf32, #tpu.memory_space<vmem>>, vector<16xf32>,
        tpu.vector_store %arg16[%parallel_loop3A_319, %parallel_loop3A_320], %parallel_loop3A_318 {strides = array<i32>} : memref<80x80xf32, #tpu.memory_space<vmem>>, vector<16xf32>,
        %parallel_loop3A_322 = arith.index_cast %parallel_loop3A_228 : i32 to index
        %parallel_loop3A_323 = arith.constant 32 : index
        %parallel_loop3A_324 = tpu.vector_load %arg15[%parallel_loop3A_322, %parallel_loop3A_323] {strides = array<i32>} : memref<80x64xf32, #tpu.memory_space<vmem>>, vector<16xf32>,
        %parallel_loop3A_325 = vector.extract_strided_slice %parallel_loop3A_298 {offsets = [2], sizes = [1], strides = [1]} : vector<16xf32> to vector<1xf32>
        %parallel_loop3A_326 = vector.extract %parallel_loop3A_325[0] : f32 from vector<1xf32>
        %parallel_loop3A_327 = vector.broadcast %parallel_loop3A_326 : f32 to vector<16xf32>
        %parallel_loop3A_328 = arith.mulf %parallel_loop3A_324, %parallel_loop3A_327 : vector<16xf32>
        %parallel_loop3A_329 = arith.index_cast %parallel_loop3A_228 : i32 to index
        %parallel_loop3A_330 = arith.constant 32 : index
        %parallel_loop3A_331 = tpu.vector_load %arg16[%parallel_loop3A_329, %parallel_loop3A_330] {strides = array<i32>} : memref<80x80xf32, #tpu.memory_space<vmem>>, vector<16xf32>,
        tpu.vector_store %arg16[%parallel_loop3A_329, %parallel_loop3A_330], %parallel_loop3A_328 {strides = array<i32>} : memref<80x80xf32, #tpu.memory_space<vmem>>, vector<16xf32>,
        %parallel_loop3A_332 = arith.index_cast %parallel_loop3A_228 : i32 to index
        %parallel_loop3A_333 = arith.constant 48 : index
        %parallel_loop3A_334 = tpu.vector_load %arg15[%parallel_loop3A_332, %parallel_loop3A_333] {strides = array<i32>} : memref<80x64xf32, #tpu.memory_space<vmem>>, vector<16xf32>,
        %parallel_loop3A_335 = vector.extract_strided_slice %parallel_loop3A_298 {offsets = [3], sizes = [1], strides = [1]} : vector<16xf32> to vector<1xf32>
        %parallel_loop3A_336 = vector.extract %parallel_loop3A_335[0] : f32 from vector<1xf32>
        %parallel_loop3A_337 = vector.broadcast %parallel_loop3A_336 : f32 to vector<16xf32>
        %parallel_loop3A_338 = arith.mulf %parallel_loop3A_334, %parallel_loop3A_337 : vector<16xf32>
        %parallel_loop3A_339 = arith.index_cast %parallel_loop3A_228 : i32 to index
        %parallel_loop3A_340 = arith.constant 48 : index
        %parallel_loop3A_341 = tpu.vector_load %arg16[%parallel_loop3A_339, %parallel_loop3A_340] {strides = array<i32>} : memref<80x80xf32, #tpu.memory_space<vmem>>, vector<16xf32>,
        tpu.vector_store %arg16[%parallel_loop3A_339, %parallel_loop3A_340], %parallel_loop3A_338 {strides = array<i32>} : memref<80x80xf32, #tpu.memory_space<vmem>>, vector<16xf32>,
      } {sc.loop_unroll_factor = 2 : i64, sc.parallel_access}
      "tpu.region"() ({
        %run_scoped3A = tpu.sem_alloc : memref<!tpu.dma_semaphore, #tpu.memory_space<semaphore_mem>>
        %dma_start3A_228 = arith.constant 0 : i32
        %dma_start3A_229 = tpu.memref_slice %arg9[%add3A_224, %dma_start3A_228] : memref<250x80xi32, #tpu.memory_space<vmem>> -> memref<1x80xi32, #tpu.memory_space<vmem>>
        %dma_start3A_230 = tpu.memref_squeeze %dma_start3A_229 : memref<1x80xi32, #tpu.memory_space<vmem>> -> memref<80xi32, #tpu.memory_space<vmem>>
        %dma_start3A_231 = arith.constant 0 : i32
        %dma_start3A_232 = arith.constant 0 : i32
        %dma_start3A_233 = tpu.memref_slice %arg17[%dma_start3A_231, %dma_start3A_232] : memref<10000x80xf32, #tpu.memory_space<vmem_shared>> -> memref<10000x80xf32, #tpu.memory_space<vmem_shared>>
        tpu.enqueue_indirect_dma source(%arg16 : memref<80x80xf32, #tpu.memory_space<vmem>>) target(%dma_start3A_233 : memref<10000x80xf32, #tpu.memory_space<vmem_shared>>) offsets(%dma_start3A_230 : memref<80xi32, #tpu.memory_space<vmem>>) semaphore(%run_scoped3A : memref<!tpu.dma_semaphore, #tpu.memory_space<semaphore_mem>>) {add = true}
        %dma_wait3A_234 = arith.constant 0 : i32
        %dma_wait3A_235 = tpu.memref_slice %arg9[%add3A_224, %dma_wait3A_234] : memref<250x80xi32, #tpu.memory_space<vmem>> -> memref<1x80xi32, #tpu.memory_space<vmem>>
        %dma_wait3A_236 = tpu.memref_squeeze %dma_wait3A_235 : memref<1x80xi32, #tpu.memory_space<vmem>> -> memref<80xi32, #tpu.memory_space<vmem>>
        %dma_wait3A_237 = arith.constant 0 : i32
        %dma_wait3A_238 = arith.constant 0 : i32
        %dma_wait3A_239 = tpu.memref_slice %arg17[%dma_wait3A_237, %dma_wait3A_238] : memref<10000x80xf32, #tpu.memory_space<vmem_shared>> -> memref<10000x80xf32, #tpu.memory_space<vmem_shared>>
        tpu.wait_indirect_dma semaphore(%run_scoped3A : memref<!tpu.dma_semaphore, #tpu.memory_space<semaphore_mem>>) src(%arg16 : memref<80x80xf32, #tpu.memory_space<vmem>>) dst(%dma_wait3A_239 : memref<10000x80xf32, #tpu.memory_space<vmem_shared>>)
        tpu.yield
      }) : () -> ()
      scf.yield %min3A_192 : i32
    }
    %scan3A_54 = arith.constant 125 : i32
    %dma_wait3A = arith.constant 0 : i32
    %dma_wait3A_55 = tpu.memref_slice %arg9[%scan3A_53, %dma_wait3A] : memref<250x80xi32, #tpu.memory_space<vmem>> -> memref<1x80xi32, #tpu.memory_space<vmem>>
    %dma_wait3A_56 = tpu.memref_squeeze %dma_wait3A_55 : memref<1x80xi32, #tpu.memory_space<vmem>> -> memref<80xi32, #tpu.memory_space<vmem>>
    %dma_wait3A_57 = arith.constant 0 : i32
    %dma_wait3A_58 = arith.constant 0 : i32
    %dma_wait3A_59 = tpu.memref_slice %arg2[%arg0, %dma_wait3A_57, %dma_wait3A_58] : memref<2x10000x64xf32, #tpu.memory_space<hbm>> -> memref<1x10000x64xf32, #tpu.memory_space<hbm>>
    %dma_wait3A_60 = tpu.memref_squeeze %dma_wait3A_59 : memref<1x10000x64xf32, #tpu.memory_space<hbm>> -> memref<10000x64xf32, #tpu.memory_space<hbm>>
    %dma_wait3A_61 = arith.constant 0 : i32
    %dma_wait3A_62 = arith.constant 0 : i32
    %dma_wait3A_63 = tpu.memref_slice %dma_wait3A_60[%dma_wait3A_61, %dma_wait3A_62] : memref<10000x64xf32, #tpu.memory_space<hbm>> -> memref<10000x64xf32, #tpu.memory_space<hbm>>
    tpu.wait_indirect_dma semaphore(%arg18 : memref<!tpu.dma_semaphore, #tpu.memory_space<semaphore_mem>>) src(%dma_wait3A_63 : memref<10000x64xf32, #tpu.memory_space<hbm>>) dst(%arg10 : memref<80x64xf32, #tpu.memory_space<vmem>>)
    %dma_wait3A_64 = arith.constant 0 : i32
    %dma_wait3A_65 = tpu.memref_slice %arg8[%scan3A_53, %dma_wait3A_64] : memref<250x80xi32, #tpu.memory_space<vmem>> -> memref<1x80xi32, #tpu.memory_space<vmem>>
    %dma_wait3A_66 = tpu.memref_squeeze %dma_wait3A_65 : memref<1x80xi32, #tpu.memory_space<vmem>> -> memref<80xi32, #tpu.memory_space<vmem>>
    %dma_wait3A_67 = arith.constant 0 : i32
    %dma_wait3A_68 = arith.constant 0 : i32
    %dma_wait3A_69 = tpu.memref_slice %arg3[%arg0, %dma_wait3A_67, %dma_wait3A_68] : memref<2x10000x64xf32, #tpu.memory_space<hbm>> -> memref<1x10000x64xf32, #tpu.memory_space<hbm>>
    %dma_wait3A_70 = tpu.memref_squeeze %dma_wait3A_69 : memref<1x10000x64xf32, #tpu.memory_space<hbm>> -> memref<10000x64xf32, #tpu.memory_space<hbm>>
    %dma_wait3A_71 = arith.constant 0 : i32
    %dma_wait3A_72 = arith.constant 0 : i32
    %dma_wait3A_73 = tpu.memref_slice %dma_wait3A_70[%dma_wait3A_71, %dma_wait3A_72] : memref<10000x64xf32, #tpu.memory_space<hbm>> -> memref<10000x64xf32, #tpu.memory_space<hbm>>
    tpu.wait_indirect_dma semaphore(%arg19 : memref<!tpu.dma_semaphore, #tpu.memory_space<semaphore_mem>>) src(%dma_wait3A_73 : memref<10000x64xf32, #tpu.memory_space<hbm>>) dst(%arg11 : memref<80x64xf32, #tpu.memory_space<vmem>>)
    %dma_wait3A_74 = arith.constant 0 : i32
    %dma_wait3A_75 = tpu.memref_slice %arg8[%scan3A_53, %dma_wait3A_74] : memref<250x80xi32, #tpu.memory_space<vmem>> -> memref<1x80xi32, #tpu.memory_space<vmem>>
    %dma_wait3A_76 = tpu.memref_squeeze %dma_wait3A_75 : memref<1x80xi32, #tpu.memory_space<vmem>> -> memref<80xi32, #tpu.memory_space<vmem>>
    %dma_wait3A_77 = arith.constant 0 : i32
    %dma_wait3A_78 = arith.constant 0 : i32
    %dma_wait3A_79 = tpu.memref_slice %arg4[%arg0, %dma_wait3A_77, %dma_wait3A_78] : memref<2x10000x64xf32, #tpu.memory_space<hbm>> -> memref<1x10000x64xf32, #tpu.memory_space<hbm>>
    %dma_wait3A_80 = tpu.memref_squeeze %dma_wait3A_79 : memref<1x10000x64xf32, #tpu.memory_space<hbm>> -> memref<10000x64xf32, #tpu.memory_space<hbm>>
    %dma_wait3A_81 = arith.constant 0 : i32
    %dma_wait3A_82 = arith.constant 0 : i32
    %dma_wait3A_83 = tpu.memref_slice %dma_wait3A_80[%dma_wait3A_81, %dma_wait3A_82] : memref<10000x64xf32, #tpu.memory_space<hbm>> -> memref<10000x64xf32, #tpu.memory_space<hbm>>
    tpu.wait_indirect_dma semaphore(%arg20 : memref<!tpu.dma_semaphore, #tpu.memory_space<semaphore_mem>>) src(%dma_wait3A_83 : memref<10000x64xf32, #tpu.memory_space<hbm>>) dst(%arg12 : memref<80x64xf32, #tpu.memory_space<vmem>>)
    %barrier3A_84 = arith.constant 0 : index
    tpu.barrier barrier_id(%barrier3A_84)
    "tpu.region"() ({
      %run_scoped3A = tpu.sem_alloc : memref<!tpu.dma_semaphore, #tpu.memory_space<semaphore_mem>>
      %dma_start3A_90 = arith.constant 0 : i32
      %dma_start3A_91 = tpu.memref_slice %arg7[%arg0, %mul3A_0, %dma_start3A_90] : memref<2x10000x80xf32, #tpu.memory_space<hbm>> -> memref<1x624x80xf32, #tpu.memory_space<hbm>>
      %dma_start3A_92 = tpu.memref_squeeze %dma_start3A_91 : memref<1x624x80xf32, #tpu.memory_space<hbm>> -> memref<624x80xf32, #tpu.memory_space<hbm>>
      %dma_start3A_93 = arith.constant 0 : i32
      %dma_start3A_94 = tpu.memref_slice %arg17[%mul3A_0, %dma_start3A_93] : memref<10000x80xf32, #tpu.memory_space<vmem_shared>> -> memref<624x80xf32, #tpu.memory_space<vmem_shared>>
      tpu.enqueue_dma source(%dma_start3A_94 : memref<624x80xf32, #tpu.memory_space<vmem_shared>>) target(%dma_start3A_92 : memref<624x80xf32, #tpu.memory_space<hbm>>) target_semaphore(%run_scoped3A : memref<!tpu.dma_semaphore, #tpu.memory_space<semaphore_mem>>)
      %dma_wait3A_95 = arith.constant 0 : i32
      %dma_wait3A_96 = tpu.memref_slice %arg7[%arg0, %mul3A_0, %dma_wait3A_95] : memref<2x10000x80xf32, #tpu.memory_space<hbm>> -> memref<1x624x80xf32, #tpu.memory_space<hbm>>
      %dma_wait3A_97 = tpu.memref_squeeze %dma_wait3A_96 : memref<1x624x80xf32, #tpu.memory_space<hbm>> -> memref<624x80xf32, #tpu.memory_space<hbm>>
      %dma_wait3A_98 = arith.constant 0 : i32
      %dma_wait3A_99 = tpu.memref_slice %arg17[%mul3A_0, %dma_wait3A_98] : memref<10000x80xf32, #tpu.memory_space<vmem_shared>> -> memref<624x80xf32, #tpu.memory_space<vmem_shared>>
      tpu.wait_dma2 semaphore(%run_scoped3A : memref<!tpu.dma_semaphore, #tpu.memory_space<semaphore_mem>>) src(%dma_wait3A_99 : memref<624x80xf32, #tpu.memory_space<vmem_shared>>) dst(%dma_wait3A_97 : memref<624x80xf32, #tpu.memory_space<hbm>>)
      tpu.yield
    }) : () -> ()
    %eq3A_85 = arith.constant 0 : i32
    %eq3A_86 = arith.cmpi eq, %arg1, %eq3A_85 : i32
    %convert_element_type3A_87 = arith.extui %eq3A_86 : i1 to i32
    %cond3A_88 = arith.constant 0 : i32
    %cond3A_89 = arith.cmpi ne, %convert_element_type3A_87, %cond3A_88 : i32
    scf.if %cond3A_89 {
      "tpu.region"() ({
        %run_scoped3A = tpu.sem_alloc : memref<!tpu.dma_semaphore, #tpu.memory_space<semaphore_mem>>
        %dma_start3A_90 = arith.constant 9984 : i32
        %dma_start3A_91 = arith.constant 0 : i32
        %dma_start3A_92 = tpu.memref_slice %arg7[%arg0, %dma_start3A_90, %dma_start3A_91] : memref<2x10000x80xf32, #tpu.memory_space<hbm>> -> memref<1x16x80xf32, #tpu.memory_space<hbm>>
        %dma_start3A_93 = tpu.memref_squeeze %dma_start3A_92 : memref<1x16x80xf32, #tpu.memory_space<hbm>> -> memref<16x80xf32, #tpu.memory_space<hbm>>
        %dma_start3A_94 = arith.constant 9984 : i32
        %dma_start3A_95 = arith.constant 0 : i32
        %dma_start3A_96 = tpu.memref_slice %arg17[%dma_start3A_94, %dma_start3A_95] : memref<10000x80xf32, #tpu.memory_space<vmem_shared>> -> memref<16x80xf32, #tpu.memory_space<vmem_shared>>
        tpu.enqueue_dma source(%dma_start3A_96 : memref<16x80xf32, #tpu.memory_space<vmem_shared>>) target(%dma_start3A_93 : memref<16x80xf32, #tpu.memory_space<hbm>>) target_semaphore(%run_scoped3A : memref<!tpu.dma_semaphore, #tpu.memory_space<semaphore_mem>>)
        %dma_wait3A_97 = arith.constant 9984 : i32
        %dma_wait3A_98 = arith.constant 0 : i32
        %dma_wait3A_99 = tpu.memref_slice %arg7[%arg0, %dma_wait3A_97, %dma_wait3A_98] : memref<2x10000x80xf32, #tpu.memory_space<hbm>> -> memref<1x16x80xf32, #tpu.memory_space<hbm>>
        %dma_wait3A_100 = tpu.memref_squeeze %dma_wait3A_99 : memref<1x16x80xf32, #tpu.memory_space<hbm>> -> memref<16x80xf32, #tpu.memory_space<hbm>>
        %dma_wait3A_101 = arith.constant 9984 : i32
        %dma_wait3A_102 = arith.constant 0 : i32
        %dma_wait3A_103 = tpu.memref_slice %arg17[%dma_wait3A_101, %dma_wait3A_102] : memref<10000x80xf32, #tpu.memory_space<vmem_shared>> -> memref<16x80xf32, #tpu.memory_space<vmem_shared>>
        tpu.wait_dma2 semaphore(%run_scoped3A : memref<!tpu.dma_semaphore, #tpu.memory_space<semaphore_mem>>) src(%dma_wait3A_103 : memref<16x80xf32, #tpu.memory_space<vmem_shared>>) dst(%dma_wait3A_100 : memref<16x80xf32, #tpu.memory_space<hbm>>)
        tpu.yield
      }) : () -> ()
    } else {
    }
    return
  }
}

module attributes {stable_mosaic.version = 14 : i64} {
  func.func @_qkv_body(%arg0: i32, %arg1: memref<2000x128xf32, #tpu.memory_space<vmem>>, %arg2: memref<128x128xf32, #tpu.memory_space<vmem>>, %arg3: memref<128x128xf32, #tpu.memory_space<vmem>>, %arg4: memref<128x128xf32, #tpu.memory_space<vmem>>, %arg5: memref<2x2000x64xf32, #tpu.memory_space<vmem>>, %arg6: memref<2x2000x64xf32, #tpu.memory_space<vmem>>, %arg7: memref<2x2000x64xf32, #tpu.memory_space<vmem>>) attributes {dimension_semantics = [#tpu.dimension_semantics<arbitrary>], iteration_bounds = array<i64: 5>, scalar_prefetch = 0 : i64, scratch_operands = 0 : i64, tpu.core_type = #tpu.core_type<tc>, window_params = [{transform_indices = @transform_0, window_bounds = array<i64: 2000, 128>}, {pipeline_mode = #tpu.pipeline_mode<synchronous>, transform_indices = @transform_1, window_bounds = array<i64: 128, 128>}, {pipeline_mode = #tpu.pipeline_mode<synchronous>, transform_indices = @transform_2, window_bounds = array<i64: 128, 128>}, {pipeline_mode = #tpu.pipeline_mode<synchronous>, transform_indices = @transform_3, window_bounds = array<i64: 128, 128>}, {transform_indices = @transform_4, window_bounds = array<i64: 2, 2000, 64>}, {transform_indices = @transform_5, window_bounds = array<i64: 2, 2000, 64>}, {transform_indices = @transform_6, window_bounds = array<i64: 2, 2000, 64>}]} {
    %get3A = arith.constant 0 : index
    %get3A_0 = arith.constant 0 : index
    %get3A_1 = vector.load %arg1[%get3A, %get3A_0] : memref<2000x128xf32, #tpu.memory_space<vmem>>, vector<2000x128xf32>
    %get3A_2 = arith.constant 0 : index
    %get3A_3 = arith.constant 0 : index
    %get3A_4 = vector.load %arg2[%get3A_2, %get3A_3] : memref<128x128xf32, #tpu.memory_space<vmem>>, vector<128x128xf32>
    %dot_general3A = arith.constant dense<0.000000e+00> : vector<2000x128xf32>
    %dot_general3A_5 = tpu.matmul %get3A_1, %get3A_4, %dot_general3A {dimension_numbers = #tpu.dot_dimension_numbers<[1], [0], [0], [1], [0, 0, 1, 1], [], []>, transpose_lhs_hint = false} : vector<2000x128xf32>, vector<128x128xf32>, vector<2000x128xf32> -> vector<2000x128xf32>
    %slice3A = vector.extract_strided_slice %dot_general3A_5 {offsets = [0, 0], sizes = [2000, 64], strides = [1, 1]} : vector<2000x128xf32> to vector<2000x64xf32>
    %swap3A = arith.constant 0 : index
    %swap3A_6 = arith.constant 0 : index
    %swap3A_7 = arith.constant 0 : index
    %swap3A_8 = vector.load %arg5[%swap3A, %swap3A_6, %swap3A_7] : memref<2x2000x64xf32, #tpu.memory_space<vmem>>, vector<1x2000x64xf32>
    %swap3A_9 = vector.shape_cast %swap3A_8 : vector<1x2000x64xf32> to vector<2000x64xf32>
    %swap3A_10 = vector.shape_cast %slice3A : vector<2000x64xf32> to vector<1x2000x64xf32>
    tpu.vector_store %arg5[%swap3A, %swap3A_6, %swap3A_7], %swap3A_10 {strides = array<i32>} : memref<2x2000x64xf32, #tpu.memory_space<vmem>>, vector<1x2000x64xf32>,
    %slice3A_11 = vector.extract_strided_slice %dot_general3A_5 {offsets = [0, 64], sizes = [2000, 64], strides = [1, 1]} : vector<2000x128xf32> to vector<2000x64xf32>
    %swap3A_12 = arith.constant 1 : index
    %swap3A_13 = arith.constant 0 : index
    %swap3A_14 = arith.constant 0 : index
    %swap3A_15 = vector.load %arg5[%swap3A_12, %swap3A_13, %swap3A_14] : memref<2x2000x64xf32, #tpu.memory_space<vmem>>, vector<1x2000x64xf32>
    %swap3A_16 = vector.shape_cast %swap3A_15 : vector<1x2000x64xf32> to vector<2000x64xf32>
    %swap3A_17 = vector.shape_cast %slice3A_11 : vector<2000x64xf32> to vector<1x2000x64xf32>
    tpu.vector_store %arg5[%swap3A_12, %swap3A_13, %swap3A_14], %swap3A_17 {strides = array<i32>} : memref<2x2000x64xf32, #tpu.memory_space<vmem>>, vector<1x2000x64xf32>,
    %get3A_18 = arith.constant 0 : index
    %get3A_19 = arith.constant 0 : index
    %get3A_20 = vector.load %arg3[%get3A_18, %get3A_19] : memref<128x128xf32, #tpu.memory_space<vmem>>, vector<128x128xf32>
    %dot_general3A_21 = arith.constant dense<0.000000e+00> : vector<2000x128xf32>
    %dot_general3A_22 = tpu.matmul %get3A_1, %get3A_20, %dot_general3A_21 {dimension_numbers = #tpu.dot_dimension_numbers<[1], [0], [0], [1], [0, 0, 1, 1], [], []>, transpose_lhs_hint = false} : vector<2000x128xf32>, vector<128x128xf32>, vector<2000x128xf32> -> vector<2000x128xf32>
    %slice3A_23 = vector.extract_strided_slice %dot_general3A_22 {offsets = [0, 0], sizes = [2000, 64], strides = [1, 1]} : vector<2000x128xf32> to vector<2000x64xf32>
    %swap3A_24 = arith.constant 0 : index
    %swap3A_25 = arith.constant 0 : index
    %swap3A_26 = arith.constant 0 : index
    %swap3A_27 = vector.load %arg6[%swap3A_24, %swap3A_25, %swap3A_26] : memref<2x2000x64xf32, #tpu.memory_space<vmem>>, vector<1x2000x64xf32>
    %swap3A_28 = vector.shape_cast %swap3A_27 : vector<1x2000x64xf32> to vector<2000x64xf32>
    %swap3A_29 = vector.shape_cast %slice3A_23 : vector<2000x64xf32> to vector<1x2000x64xf32>
    tpu.vector_store %arg6[%swap3A_24, %swap3A_25, %swap3A_26], %swap3A_29 {strides = array<i32>} : memref<2x2000x64xf32, #tpu.memory_space<vmem>>, vector<1x2000x64xf32>,
    %slice3A_30 = vector.extract_strided_slice %dot_general3A_22 {offsets = [0, 64], sizes = [2000, 64], strides = [1, 1]} : vector<2000x128xf32> to vector<2000x64xf32>
    %swap3A_31 = arith.constant 1 : index
    %swap3A_32 = arith.constant 0 : index
    %swap3A_33 = arith.constant 0 : index
    %swap3A_34 = vector.load %arg6[%swap3A_31, %swap3A_32, %swap3A_33] : memref<2x2000x64xf32, #tpu.memory_space<vmem>>, vector<1x2000x64xf32>
    %swap3A_35 = vector.shape_cast %swap3A_34 : vector<1x2000x64xf32> to vector<2000x64xf32>
    %swap3A_36 = vector.shape_cast %slice3A_30 : vector<2000x64xf32> to vector<1x2000x64xf32>
    tpu.vector_store %arg6[%swap3A_31, %swap3A_32, %swap3A_33], %swap3A_36 {strides = array<i32>} : memref<2x2000x64xf32, #tpu.memory_space<vmem>>, vector<1x2000x64xf32>,
    %get3A_37 = arith.constant 0 : index
    %get3A_38 = arith.constant 0 : index
    %get3A_39 = vector.load %arg4[%get3A_37, %get3A_38] : memref<128x128xf32, #tpu.memory_space<vmem>>, vector<128x128xf32>
    %dot_general3A_40 = arith.constant dense<0.000000e+00> : vector<2000x128xf32>
    %dot_general3A_41 = tpu.matmul %get3A_1, %get3A_39, %dot_general3A_40 {dimension_numbers = #tpu.dot_dimension_numbers<[1], [0], [0], [1], [0, 0, 1, 1], [], []>, transpose_lhs_hint = false} : vector<2000x128xf32>, vector<128x128xf32>, vector<2000x128xf32> -> vector<2000x128xf32>
    %slice3A_42 = vector.extract_strided_slice %dot_general3A_41 {offsets = [0, 0], sizes = [2000, 64], strides = [1, 1]} : vector<2000x128xf32> to vector<2000x64xf32>
    %swap3A_43 = arith.constant 0 : index
    %swap3A_44 = arith.constant 0 : index
    %swap3A_45 = arith.constant 0 : index
    %swap3A_46 = vector.load %arg7[%swap3A_43, %swap3A_44, %swap3A_45] : memref<2x2000x64xf32, #tpu.memory_space<vmem>>, vector<1x2000x64xf32>
    %swap3A_47 = vector.shape_cast %swap3A_46 : vector<1x2000x64xf32> to vector<2000x64xf32>
    %swap3A_48 = vector.shape_cast %slice3A_42 : vector<2000x64xf32> to vector<1x2000x64xf32>
    tpu.vector_store %arg7[%swap3A_43, %swap3A_44, %swap3A_45], %swap3A_48 {strides = array<i32>} : memref<2x2000x64xf32, #tpu.memory_space<vmem>>, vector<1x2000x64xf32>,
    %slice3A_49 = vector.extract_strided_slice %dot_general3A_41 {offsets = [0, 64], sizes = [2000, 64], strides = [1, 1]} : vector<2000x128xf32> to vector<2000x64xf32>
    %swap3A_50 = arith.constant 1 : index
    %swap3A_51 = arith.constant 0 : index
    %swap3A_52 = arith.constant 0 : index
    %swap3A_53 = vector.load %arg7[%swap3A_50, %swap3A_51, %swap3A_52] : memref<2x2000x64xf32, #tpu.memory_space<vmem>>, vector<1x2000x64xf32>
    %swap3A_54 = vector.shape_cast %swap3A_53 : vector<1x2000x64xf32> to vector<2000x64xf32>
    %swap3A_55 = vector.shape_cast %slice3A_49 : vector<2000x64xf32> to vector<1x2000x64xf32>
    tpu.vector_store %arg7[%swap3A_50, %swap3A_51, %swap3A_52], %swap3A_55 {strides = array<i32>} : memref<2x2000x64xf32, #tpu.memory_space<vmem>>, vector<1x2000x64xf32>,
    return
  }
  func.func @transform_0(%arg0: i32) -> (i32, i32) {
    %c0_i32 = arith.constant 0 : i32
    %c0_i32_0 = arith.constant 0 : i32
    return %arg0, %c0_i32 : i32, i32
  }
  func.func @transform_1(%arg0: i32) -> (i32, i32) {
    %c0_i32 = arith.constant 0 : i32
    %c0_i32_0 = arith.constant 0 : i32
    %c0_i32_1 = arith.constant 0 : i32
    return %c0_i32, %c0_i32_0 : i32, i32
  }
  func.func @transform_2(%arg0: i32) -> (i32, i32) {
    %c0_i32 = arith.constant 0 : i32
    %c0_i32_0 = arith.constant 0 : i32
    %c0_i32_1 = arith.constant 0 : i32
    return %c0_i32, %c0_i32_0 : i32, i32
  }
  func.func @transform_3(%arg0: i32) -> (i32, i32) {
    %c0_i32 = arith.constant 0 : i32
    %c0_i32_0 = arith.constant 0 : i32
    %c0_i32_1 = arith.constant 0 : i32
    return %c0_i32, %c0_i32_0 : i32, i32
  }
  func.func @transform_4(%arg0: i32) -> (i32, i32, i32) {
    %c0_i32 = arith.constant 0 : i32
    %c0_i32_0 = arith.constant 0 : i32
    %c0_i32_1 = arith.constant 0 : i32
    return %c0_i32, %arg0, %c0_i32_0 : i32, i32, i32
  }
  func.func @transform_5(%arg0: i32) -> (i32, i32, i32) {
    %c0_i32 = arith.constant 0 : i32
    %c0_i32_0 = arith.constant 0 : i32
    %c0_i32_1 = arith.constant 0 : i32
    return %c0_i32, %arg0, %c0_i32_0 : i32, i32, i32
  }
  func.func @transform_6(%arg0: i32) -> (i32, i32, i32) {
    %c0_i32 = arith.constant 0 : i32
    %c0_i32_0 = arith.constant 0 : i32
    %c0_i32_1 = arith.constant 0 : i32
    return %c0_i32, %arg0, %c0_i32_0 : i32, i32, i32
  }
}

module attributes {stable_mosaic.version = 14 : i64} {
  func.func @_attn_body(%arg0: i32, %arg1: memref<2000x80xf32, #tpu.memory_space<vmem>>, %arg2: memref<2000x80xf32, #tpu.memory_space<vmem>>, %arg3: memref<2000x128xf32, #tpu.memory_space<vmem>>, %arg4: memref<64x128xf32, #tpu.memory_space<vmem>>, %arg5: memref<64x128xf32, #tpu.memory_space<vmem>>, %arg6: memref<1x128xf32, #tpu.memory_space<vmem>>, %arg7: memref<1x128xf32, #tpu.memory_space<vmem>>, %arg8: memref<2000x128xf32, #tpu.memory_space<vmem>>) attributes {dimension_semantics = [#tpu.dimension_semantics<arbitrary>], iteration_bounds = array<i64: 5>, scalar_prefetch = 0 : i64, scratch_operands = 0 : i64, tpu.core_type = #tpu.core_type<tc>, window_params = [{transform_indices = @transform_0, window_bounds = array<i64: 2000, 80>}, {transform_indices = @transform_1, window_bounds = array<i64: 2000, 80>}, {transform_indices = @transform_2, window_bounds = array<i64: 2000, 128>}, {pipeline_mode = #tpu.pipeline_mode<synchronous>, transform_indices = @transform_3, window_bounds = array<i64: 64, 128>}, {pipeline_mode = #tpu.pipeline_mode<synchronous>, transform_indices = @transform_4, window_bounds = array<i64: 64, 128>}, {pipeline_mode = #tpu.pipeline_mode<synchronous>, transform_indices = @transform_5, window_bounds = array<i64: 1, 128>}, {pipeline_mode = #tpu.pipeline_mode<synchronous>, transform_indices = @transform_6, window_bounds = array<i64: 1, 128>}, {transform_indices = @transform_7, window_bounds = array<i64: 2000, 128>}]} {
    %iota3A = tpu.iota {dimensions = array<i32: 0>} : vector<16x64xi32>
    %iota3A_0 = tpu.iota {dimensions = array<i32: 1>} : vector<16x64xi32>
    %jit3A = arith.constant 16 : i32
    %div3A = vector.broadcast %jit3A : i32 to vector<16x64xi32>
    %div3A_1 = arith.divsi %iota3A_0, %div3A : vector<16x64xi32>
    %sign3A = arith.constant 0 : i32
    %sign3A_2 = vector.broadcast %sign3A : i32 to vector<16x64xi32>
    %sign3A_3 = arith.cmpi sgt, %iota3A_0, %sign3A_2 : vector<16x64xi32>
    %sign3A_4 = arith.extui %sign3A_3 : vector<16x64xi1> to vector<16x64xi32>
    %sign3A_5 = arith.constant 0 : i32
    %sign3A_6 = vector.broadcast %sign3A_5 : i32 to vector<16x64xi32>
    %sign3A_7 = arith.cmpi slt, %iota3A_0, %sign3A_6 : vector<16x64xi32>
    %sign3A_8 = arith.extui %sign3A_7 : vector<16x64xi1> to vector<16x64xi32>
    %sign3A_9 = arith.subi %sign3A_4, %sign3A_8 : vector<16x64xi32>
    %sign3A_10 = arith.constant 0 : i32
    %sign3A_11 = arith.cmpi sgt, %jit3A, %sign3A_10 : i32
    %sign3A_12 = arith.extui %sign3A_11 : i1 to i32
    %sign3A_13 = arith.constant 0 : i32
    %sign3A_14 = arith.cmpi slt, %jit3A, %sign3A_13 : i32
    %sign3A_15 = arith.extui %sign3A_14 : i1 to i32
    %sign3A_16 = arith.subi %sign3A_12, %sign3A_15 : i32
    %ne3A = vector.broadcast %sign3A_16 : i32 to vector<16x64xi32>
    %ne3A_17 = arith.cmpi ne, %sign3A_9, %ne3A : vector<16x64xi32>
    %rem3A = vector.broadcast %jit3A : i32 to vector<16x64xi32>
    %rem3A_18 = arith.remsi %iota3A_0, %rem3A : vector<16x64xi32>
    %ne3A_19 = arith.constant 0 : i32
    %ne3A_20 = vector.broadcast %ne3A_19 : i32 to vector<16x64xi32>
    %ne3A_21 = arith.cmpi ne, %rem3A_18, %ne3A_20 : vector<16x64xi32>
    %and3A = arith.andi %ne3A_17, %ne3A_21 : vector<16x64xi1>
    %sub3A = arith.constant 1 : i32
    %sub3A_22 = vector.broadcast %sub3A : i32 to vector<16x64xi32>
    %sub3A_23 = arith.subi %div3A_1, %sub3A_22 : vector<16x64xi32>
    %select_n3A = arith.select %and3A, %sub3A_23, %div3A_1 : vector<16x64xi1>, vector<16x64xi32>
    %eq3A = arith.cmpi eq, %iota3A, %select_n3A : vector<16x64xi32>
    %convert_element_type3A = arith.extui %eq3A : vector<16x64xi1> to vector<16x64xi32>
    %convert_element_type3A_24 = arith.sitofp %convert_element_type3A : vector<16x64xi32> to vector<16x64xf32>
    %get3A = arith.constant 0 : index
    %get3A_25 = arith.constant 0 : index
    %get3A_26 = vector.load %arg1[%get3A, %get3A_25] : memref<2000x80xf32, #tpu.memory_space<vmem>>, vector<2000x80xf32>
    %get3A_27 = arith.constant 0 : index
    %get3A_28 = arith.constant 0 : index
    %get3A_29 = vector.load %arg2[%get3A_27, %get3A_28] : memref<2000x80xf32, #tpu.memory_space<vmem>>, vector<2000x80xf32>
    %slice3A = vector.extract_strided_slice %get3A_26 {offsets = [0, 64], sizes = [2000, 16], strides = [1, 1]} : vector<2000x80xf32> to vector<2000x16xf32>
    %dot_general3A = arith.constant dense<0.000000e+00> : vector<2000x64xf32>
    %dot_general3A_30 = tpu.matmul %slice3A, %convert_element_type3A_24, %dot_general3A {dimension_numbers = #tpu.dot_dimension_numbers<[1], [0], [0], [1], [0, 0, 1, 1], [], []>, transpose_lhs_hint = false} : vector<2000x16xf32>, vector<16x64xf32>, vector<2000x64xf32> -> vector<2000x64xf32>
    %add3A = arith.constant 9.99999971E-10 : f32
    %add3A_31 = vector.broadcast %add3A : f32 to vector<2000x64xf32>
    %add3A_32 = arith.addf %dot_general3A_30, %add3A_31 : vector<2000x64xf32>
    %slice3A_33 = vector.extract_strided_slice %get3A_29 {offsets = [0, 64], sizes = [2000, 16], strides = [1, 1]} : vector<2000x80xf32> to vector<2000x16xf32>
    %dot_general3A_34 = arith.constant dense<0.000000e+00> : vector<2000x64xf32>
    %dot_general3A_35 = tpu.matmul %slice3A_33, %convert_element_type3A_24, %dot_general3A_34 {dimension_numbers = #tpu.dot_dimension_numbers<[1], [0], [0], [1], [0, 0, 1, 1], [], []>, transpose_lhs_hint = false} : vector<2000x16xf32>, vector<16x64xf32>, vector<2000x64xf32> -> vector<2000x64xf32>
    %add3A_36 = arith.constant 9.99999971E-10 : f32
    %add3A_37 = vector.broadcast %add3A_36 : f32 to vector<2000x64xf32>
    %add3A_38 = arith.addf %dot_general3A_35, %add3A_37 : vector<2000x64xf32>
    %slice3A_39 = vector.extract_strided_slice %get3A_26 {offsets = [0, 0], sizes = [2000, 64], strides = [1, 1]} : vector<2000x80xf32> to vector<2000x64xf32>
    %div3A_40 = arith.divf %slice3A_39, %add3A_32 : vector<2000x64xf32>
    %get3A_41 = arith.constant 0 : index
    %get3A_42 = arith.constant 0 : index
    %get3A_43 = vector.load %arg4[%get3A_41, %get3A_42] : memref<64x128xf32, #tpu.memory_space<vmem>>, vector<64x128xf32>
    %dot_general3A_44 = arith.constant dense<0.000000e+00> : vector<2000x128xf32>
    %dot_general3A_45 = tpu.matmul %div3A_40, %get3A_43, %dot_general3A_44 {dimension_numbers = #tpu.dot_dimension_numbers<[1], [0], [0], [1], [0, 0, 1, 1], [], []>, transpose_lhs_hint = false} : vector<2000x64xf32>, vector<64x128xf32>, vector<2000x128xf32> -> vector<2000x128xf32>
    %slice3A_46 = vector.extract_strided_slice %get3A_29 {offsets = [0, 0], sizes = [2000, 64], strides = [1, 1]} : vector<2000x80xf32> to vector<2000x64xf32>
    %div3A_47 = arith.divf %slice3A_46, %add3A_38 : vector<2000x64xf32>
    %get3A_48 = arith.constant 0 : index
    %get3A_49 = arith.constant 0 : index
    %get3A_50 = vector.load %arg5[%get3A_48, %get3A_49] : memref<64x128xf32, #tpu.memory_space<vmem>>, vector<64x128xf32>
    %dot_general3A_51 = arith.constant dense<0.000000e+00> : vector<2000x128xf32>
    %dot_general3A_52 = tpu.matmul %div3A_47, %get3A_50, %dot_general3A_51 {dimension_numbers = #tpu.dot_dimension_numbers<[1], [0], [0], [1], [0, 0, 1, 1], [], []>, transpose_lhs_hint = false} : vector<2000x64xf32>, vector<64x128xf32>, vector<2000x128xf32> -> vector<2000x128xf32>
    %add3A_53 = arith.addf %dot_general3A_45, %dot_general3A_52 : vector<2000x128xf32>
    %get3A_54 = arith.constant 0 : index
    %get3A_55 = arith.constant 0 : index
    %get3A_56 = vector.load %arg3[%get3A_54, %get3A_55] : memref<2000x128xf32, #tpu.memory_space<vmem>>, vector<2000x128xf32>
    %add3A_57 = arith.addf %add3A_53, %get3A_56 : vector<2000x128xf32>
    %get3A_58 = arith.constant 0 : index
    %get3A_59 = arith.constant 0 : index
    %get3A_60 = vector.load %arg6[%get3A_58, %get3A_59] : memref<1x128xf32, #tpu.memory_space<vmem>>, vector<1x128xf32>
    %get3A_61 = arith.constant 0 : index
    %get3A_62 = arith.constant 0 : index
    %get3A_63 = vector.load %arg7[%get3A_61, %get3A_62] : memref<1x128xf32, #tpu.memory_space<vmem>>, vector<1x128xf32>
    %reduce_sum3A = arith.constant dense<0.000000e+00> : vector<2000xf32>
    %reduce_sum3A_64 = vector.multi_reduction <add>, %add3A_57, %reduce_sum3A [1] : vector<2000x128xf32> to vector<2000xf32>
    %broadcast_in_dim3A = vector.shape_cast %reduce_sum3A_64 : vector<2000xf32> to vector<2000x1xf32>
    %div3A_65 = arith.constant 1.280000e+02 : f32
    %div3A_66 = vector.broadcast %div3A_65 : f32 to vector<2000x1xf32>
    %div3A_67 = arith.divf %broadcast_in_dim3A, %div3A_66 : vector<2000x1xf32>
    %sub3A_68 = vector.broadcast %div3A_67 : vector<2000x1xf32> to vector<2000x128xf32>
    %sub3A_69 = arith.subf %add3A_57, %sub3A_68 : vector<2000x128xf32>
    %integer_pow3A = arith.mulf %sub3A_69, %sub3A_69 : vector<2000x128xf32>
    %reduce_sum3A_70 = arith.constant dense<0.000000e+00> : vector<2000xf32>
    %reduce_sum3A_71 = vector.multi_reduction <add>, %integer_pow3A, %reduce_sum3A_70 [1] : vector<2000x128xf32> to vector<2000xf32>
    %broadcast_in_dim3A_72 = vector.shape_cast %reduce_sum3A_71 : vector<2000xf32> to vector<2000x1xf32>
    %div3A_73 = arith.constant 1.280000e+02 : f32
    %div3A_74 = vector.broadcast %div3A_73 : f32 to vector<2000x1xf32>
    %div3A_75 = arith.divf %broadcast_in_dim3A_72, %div3A_74 : vector<2000x1xf32>
    %sub3A_76 = vector.broadcast %div3A_67 : vector<2000x1xf32> to vector<2000x128xf32>
    %sub3A_77 = arith.subf %add3A_57, %sub3A_76 : vector<2000x128xf32>
    %add3A_78 = arith.constant 9.99999974E-6 : f32
    %add3A_79 = vector.broadcast %add3A_78 : f32 to vector<2000x1xf32>
    %add3A_80 = arith.addf %div3A_75, %add3A_79 : vector<2000x1xf32>
    %sqrt3A = math.sqrt %add3A_80 : vector<2000x1xf32>
    %div3A_81 = vector.broadcast %sqrt3A : vector<2000x1xf32> to vector<2000x128xf32>
    %div3A_82 = arith.divf %sub3A_77, %div3A_81 : vector<2000x128xf32>
    %mul3A = vector.broadcast %get3A_60 : vector<1x128xf32> to vector<2000x128xf32>
    %mul3A_83 = arith.mulf %div3A_82, %mul3A : vector<2000x128xf32>
    %add3A_84 = vector.broadcast %get3A_63 : vector<1x128xf32> to vector<2000x128xf32>
    %add3A_85 = arith.addf %mul3A_83, %add3A_84 : vector<2000x128xf32>
    %swap3A = arith.constant 0 : index
    %swap3A_86 = arith.constant 0 : index
    %swap3A_87 = vector.load %arg8[%swap3A, %swap3A_86] : memref<2000x128xf32, #tpu.memory_space<vmem>>, vector<2000x128xf32>
    tpu.vector_store %arg8[%swap3A, %swap3A_86], %add3A_85 {strides = array<i32>} : memref<2000x128xf32, #tpu.memory_space<vmem>>, vector<2000x128xf32>,
    return
  }
  func.func @transform_0(%arg0: i32) -> (i32, i32) {
    %c0_i32 = arith.constant 0 : i32
    %c0_i32_0 = arith.constant 0 : i32
    return %arg0, %c0_i32 : i32, i32
  }
  func.func @transform_1(%arg0: i32) -> (i32, i32) {
    %c0_i32 = arith.constant 0 : i32
    %c0_i32_0 = arith.constant 0 : i32
    return %arg0, %c0_i32 : i32, i32
  }
  func.func @transform_2(%arg0: i32) -> (i32, i32) {
    %c0_i32 = arith.constant 0 : i32
    %c0_i32_0 = arith.constant 0 : i32
    return %arg0, %c0_i32 : i32, i32
  }
  func.func @transform_3(%arg0: i32) -> (i32, i32) {
    %c0_i32 = arith.constant 0 : i32
    %c0_i32_0 = arith.constant 0 : i32
    %c0_i32_1 = arith.constant 0 : i32
    return %c0_i32, %c0_i32_0 : i32, i32
  }
  func.func @transform_4(%arg0: i32) -> (i32, i32) {
    %c0_i32 = arith.constant 0 : i32
    %c0_i32_0 = arith.constant 0 : i32
    %c0_i32_1 = arith.constant 0 : i32
    return %c0_i32, %c0_i32_0 : i32, i32
  }
  func.func @transform_5(%arg0: i32) -> (i32, i32) {
    %c0_i32 = arith.constant 0 : i32
    %c0_i32_0 = arith.constant 0 : i32
    %c0_i32_1 = arith.constant 0 : i32
    return %c0_i32, %c0_i32_0 : i32, i32
  }
  func.func @transform_6(%arg0: i32) -> (i32, i32) {
    %c0_i32 = arith.constant 0 : i32
    %c0_i32_0 = arith.constant 0 : i32
    %c0_i32_1 = arith.constant 0 : i32
    return %c0_i32, %c0_i32_0 : i32, i32
  }
  func.func @transform_7(%arg0: i32) -> (i32, i32) {
    %c0_i32 = arith.constant 0 : i32
    %c0_i32_0 = arith.constant 0 : i32
    return %arg0, %c0_i32 : i32, i32
  }
}

module attributes {stable_mosaic.version = 14 : i64} {
  func.func @_ffn_body(%arg0: i32, %arg1: memref<2000x128xf32, #tpu.memory_space<vmem>>, %arg2: memref<128x512xf32, #tpu.memory_space<vmem>>, %arg3: memref<1x512xf32, #tpu.memory_space<vmem>>, %arg4: memref<512x128xf32, #tpu.memory_space<vmem>>, %arg5: memref<1x128xf32, #tpu.memory_space<vmem>>, %arg6: memref<1x128xf32, #tpu.memory_space<vmem>>, %arg7: memref<1x128xf32, #tpu.memory_space<vmem>>, %arg8: memref<2000x128xf32, #tpu.memory_space<vmem>>) attributes {dimension_semantics = [#tpu.dimension_semantics<arbitrary>], iteration_bounds = array<i64: 5>, scalar_prefetch = 0 : i64, scratch_operands = 0 : i64, tpu.core_type = #tpu.core_type<tc>, window_params = [{transform_indices = @transform_0, window_bounds = array<i64: 2000, 128>}, {pipeline_mode = #tpu.pipeline_mode<synchronous>, transform_indices = @transform_1, window_bounds = array<i64: 128, 512>}, {pipeline_mode = #tpu.pipeline_mode<synchronous>, transform_indices = @transform_2, window_bounds = array<i64: 1, 512>}, {pipeline_mode = #tpu.pipeline_mode<synchronous>, transform_indices = @transform_3, window_bounds = array<i64: 512, 128>}, {pipeline_mode = #tpu.pipeline_mode<synchronous>, transform_indices = @transform_4, window_bounds = array<i64: 1, 128>}, {pipeline_mode = #tpu.pipeline_mode<synchronous>, transform_indices = @transform_5, window_bounds = array<i64: 1, 128>}, {pipeline_mode = #tpu.pipeline_mode<synchronous>, transform_indices = @transform_6, window_bounds = array<i64: 1, 128>}, {transform_indices = @transform_7, window_bounds = array<i64: 2000, 128>}]} {
    %get3A = arith.constant 0 : index
    %get3A_0 = arith.constant 0 : index
    %get3A_1 = vector.load %arg1[%get3A, %get3A_0] : memref<2000x128xf32, #tpu.memory_space<vmem>>, vector<2000x128xf32>
    %get3A_2 = arith.constant 0 : index
    %get3A_3 = arith.constant 0 : index
    %get3A_4 = vector.load %arg2[%get3A_2, %get3A_3] : memref<128x512xf32, #tpu.memory_space<vmem>>, vector<128x512xf32>
    %dot_general3A = arith.constant dense<0.000000e+00> : vector<2000x512xf32>
    %dot_general3A_5 = tpu.matmul %get3A_1, %get3A_4, %dot_general3A {dimension_numbers = #tpu.dot_dimension_numbers<[1], [0], [0], [1], [0, 0, 1, 1], [], []>, transpose_lhs_hint = false} : vector<2000x128xf32>, vector<128x512xf32>, vector<2000x512xf32> -> vector<2000x512xf32>
    %get3A_6 = arith.constant 0 : index
    %get3A_7 = arith.constant 0 : index
    %get3A_8 = vector.load %arg3[%get3A_6, %get3A_7] : memref<1x512xf32, #tpu.memory_space<vmem>>, vector<1x512xf32>
    %add3A = vector.broadcast %get3A_8 : vector<1x512xf32> to vector<2000x512xf32>
    %add3A_9 = arith.addf %dot_general3A_5, %add3A : vector<2000x512xf32>
    %max3A = arith.constant 0.000000e+00 : f32
    %max3A_10 = vector.broadcast %max3A : f32 to vector<2000x512xf32>
    %max3A_11 = arith.maximumf %add3A_9, %max3A_10 : vector<2000x512xf32>
    %get3A_12 = arith.constant 0 : index
    %get3A_13 = arith.constant 0 : index
    %get3A_14 = vector.load %arg4[%get3A_12, %get3A_13] : memref<512x128xf32, #tpu.memory_space<vmem>>, vector<512x128xf32>
    %dot_general3A_15 = arith.constant dense<0.000000e+00> : vector<2000x128xf32>
    %dot_general3A_16 = tpu.matmul %max3A_11, %get3A_14, %dot_general3A_15 {dimension_numbers = #tpu.dot_dimension_numbers<[1], [0], [0], [1], [0, 0, 1, 1], [], []>, transpose_lhs_hint = false} : vector<2000x512xf32>, vector<512x128xf32>, vector<2000x128xf32> -> vector<2000x128xf32>
    %get3A_17 = arith.constant 0 : index
    %get3A_18 = arith.constant 0 : index
    %get3A_19 = vector.load %arg5[%get3A_17, %get3A_18] : memref<1x128xf32, #tpu.memory_space<vmem>>, vector<1x128xf32>
    %add3A_20 = vector.broadcast %get3A_19 : vector<1x128xf32> to vector<2000x128xf32>
    %add3A_21 = arith.addf %dot_general3A_16, %add3A_20 : vector<2000x128xf32>
    %add3A_22 = arith.addf %add3A_21, %get3A_1 : vector<2000x128xf32>
    %get3A_23 = arith.constant 0 : index
    %get3A_24 = arith.constant 0 : index
    %get3A_25 = vector.load %arg6[%get3A_23, %get3A_24] : memref<1x128xf32, #tpu.memory_space<vmem>>, vector<1x128xf32>
    %get3A_26 = arith.constant 0 : index
    %get3A_27 = arith.constant 0 : index
    %get3A_28 = vector.load %arg7[%get3A_26, %get3A_27] : memref<1x128xf32, #tpu.memory_space<vmem>>, vector<1x128xf32>
    %reduce_sum3A = arith.constant dense<0.000000e+00> : vector<2000xf32>
    %reduce_sum3A_29 = vector.multi_reduction <add>, %add3A_22, %reduce_sum3A [1] : vector<2000x128xf32> to vector<2000xf32>
    %broadcast_in_dim3A = vector.shape_cast %reduce_sum3A_29 : vector<2000xf32> to vector<2000x1xf32>
    %div3A = arith.constant 1.280000e+02 : f32
    %div3A_30 = vector.broadcast %div3A : f32 to vector<2000x1xf32>
    %div3A_31 = arith.divf %broadcast_in_dim3A, %div3A_30 : vector<2000x1xf32>
    %sub3A = vector.broadcast %div3A_31 : vector<2000x1xf32> to vector<2000x128xf32>
    %sub3A_32 = arith.subf %add3A_22, %sub3A : vector<2000x128xf32>
    %integer_pow3A = arith.mulf %sub3A_32, %sub3A_32 : vector<2000x128xf32>
    %reduce_sum3A_33 = arith.constant dense<0.000000e+00> : vector<2000xf32>
    %reduce_sum3A_34 = vector.multi_reduction <add>, %integer_pow3A, %reduce_sum3A_33 [1] : vector<2000x128xf32> to vector<2000xf32>
    %broadcast_in_dim3A_35 = vector.shape_cast %reduce_sum3A_34 : vector<2000xf32> to vector<2000x1xf32>
    %div3A_36 = arith.constant 1.280000e+02 : f32
    %div3A_37 = vector.broadcast %div3A_36 : f32 to vector<2000x1xf32>
    %div3A_38 = arith.divf %broadcast_in_dim3A_35, %div3A_37 : vector<2000x1xf32>
    %sub3A_39 = vector.broadcast %div3A_31 : vector<2000x1xf32> to vector<2000x128xf32>
    %sub3A_40 = arith.subf %add3A_22, %sub3A_39 : vector<2000x128xf32>
    %add3A_41 = arith.constant 9.99999974E-6 : f32
    %add3A_42 = vector.broadcast %add3A_41 : f32 to vector<2000x1xf32>
    %add3A_43 = arith.addf %div3A_38, %add3A_42 : vector<2000x1xf32>
    %sqrt3A = math.sqrt %add3A_43 : vector<2000x1xf32>
    %div3A_44 = vector.broadcast %sqrt3A : vector<2000x1xf32> to vector<2000x128xf32>
    %div3A_45 = arith.divf %sub3A_40, %div3A_44 : vector<2000x128xf32>
    %mul3A = vector.broadcast %get3A_25 : vector<1x128xf32> to vector<2000x128xf32>
    %mul3A_46 = arith.mulf %div3A_45, %mul3A : vector<2000x128xf32>
    %add3A_47 = vector.broadcast %get3A_28 : vector<1x128xf32> to vector<2000x128xf32>
    %add3A_48 = arith.addf %mul3A_46, %add3A_47 : vector<2000x128xf32>
    %swap3A = arith.constant 0 : index
    %swap3A_49 = arith.constant 0 : index
    %swap3A_50 = vector.load %arg8[%swap3A, %swap3A_49] : memref<2000x128xf32, #tpu.memory_space<vmem>>, vector<2000x128xf32>
    tpu.vector_store %arg8[%swap3A, %swap3A_49], %add3A_48 {strides = array<i32>} : memref<2000x128xf32, #tpu.memory_space<vmem>>, vector<2000x128xf32>,
    return
  }
  func.func @transform_0(%arg0: i32) -> (i32, i32) {
    %c0_i32 = arith.constant 0 : i32
    %c0_i32_0 = arith.constant 0 : i32
    return %arg0, %c0_i32 : i32, i32
  }
  func.func @transform_1(%arg0: i32) -> (i32, i32) {
    %c0_i32 = arith.constant 0 : i32
    %c0_i32_0 = arith.constant 0 : i32
    %c0_i32_1 = arith.constant 0 : i32
    return %c0_i32, %c0_i32_0 : i32, i32
  }
  func.func @transform_2(%arg0: i32) -> (i32, i32) {
    %c0_i32 = arith.constant 0 : i32
    %c0_i32_0 = arith.constant 0 : i32
    %c0_i32_1 = arith.constant 0 : i32
    return %c0_i32, %c0_i32_0 : i32, i32
  }
  func.func @transform_3(%arg0: i32) -> (i32, i32) {
    %c0_i32 = arith.constant 0 : i32
    %c0_i32_0 = arith.constant 0 : i32
    %c0_i32_1 = arith.constant 0 : i32
    return %c0_i32, %c0_i32_0 : i32, i32
  }
  func.func @transform_4(%arg0: i32) -> (i32, i32) {
    %c0_i32 = arith.constant 0 : i32
    %c0_i32_0 = arith.constant 0 : i32
    %c0_i32_1 = arith.constant 0 : i32
    return %c0_i32, %c0_i32_0 : i32, i32
  }
  func.func @transform_5(%arg0: i32) -> (i32, i32) {
    %c0_i32 = arith.constant 0 : i32
    %c0_i32_0 = arith.constant 0 : i32
    %c0_i32_1 = arith.constant 0 : i32
    return %c0_i32, %c0_i32_0 : i32, i32
  }
  func.func @transform_6(%arg0: i32) -> (i32, i32) {
    %c0_i32 = arith.constant 0 : i32
    %c0_i32_0 = arith.constant 0 : i32
    %c0_i32_1 = arith.constant 0 : i32
    return %c0_i32, %c0_i32_0 : i32, i32
  }
  func.func @transform_7(%arg0: i32) -> (i32, i32) {
    %c0_i32 = arith.constant 0 : i32
    %c0_i32_0 = arith.constant 0 : i32
    return %arg0, %c0_i32 : i32, i32
  }
}

</mosaic_0001>

<sc_bundles>
// kernel: kernel.12.cloned.1.call-start
scs
__scs_entry_jumppad:
0x0: {  	(pc) =	sbr.rel $0x88, $3  }
0x1: {  	(tag) =	ssettag $0x0;
	lr =	simm.s32 $0x1  }
0x2: {  	[smem:$0x3F93] =	sst lr;
	_ =	strace $0xD0000000  }
0x3: {  	_ = 	snop  }
0x4: {  	_ = 	snop  }
0x5: {  	_ = 	snop  }
0x6: {  	_ = 	snop  }
0x7: {  	_ = 	snop  }
__scs_overlays_trampoline_lowered:
0x8: {  	[smem:$0x3FA2] =	sst s0  }
0x9: {  	[smem:$0x3FA3] =	sst s1  }
0xa: {  	[smem:$0x3FA4] =	sst s2  }
0xb: {  	[smem:$0x3FA5] =	sst s3  }
0xc: {  	[smem:$0x3FA6] =	sst s4  }
0xd: {  	[smem:$0x3FA7] =	sst s5  }
0xe: {  	[smem:$0x3FA8] =	sst s6  }
0xf: {  	[smem:$0x3FA9] =	sst s7  }
0x10: {  	[smem:$0x3FAA] =	sst s8  }
0x11: {  	[smem:$0x3FAB] =	sst s9;
	s0 =	simm.s32 @!p0 $0x0  }
0x12: {  	s1 =	sld [smem:$0x3F91];
	s0 =	simm.s32 @p0 $0x1  }
0x13: {  	[smem:$0x3FAC] =	sst s0;
	s0 =	simm.s32 @!p1 $0x0  }
0x14: {  	s2 =	sld [smem:$0x3F90];
	s0 =	simm.s32 @p1 $0x1  }
0x15: {  	[smem:$0x3FAD] =	sst s0;
	s0 =	simm.s32 @!p2 $0x0  }
0x16: {  	s3 =	sld [smem:$0x3FDB];
	s0 =	simm.s32 @p2 $0x1  }
0x17: {  	s4 =	simm.s32 $0x1BF5;
	[smem:$0x3FAF] =	sst s0  }
0x18: {  	s0 =	sld [smem:$0x3F92];
	_ =	swait.ge [sflag:s4], $0x0  }
0x19: {  	s7 =	sld [smem:$0x3F93]  }
0x1a: {  	s8 =	sadd.s32 $0xFFFFE003, lr  }
0x1b: {  	s9 =	sadd.s32 $0xFFFFFEF7, lr;
	s5 =	simm.s32 $0xFFFFFFFF;
	p2 =	slt.u32 s8, $0xFFFFF086  }
0x1c: {  	p1 =	slt.u32 s9, $0xF7A;
	s5 =	simm.s32 @!p2 $0x0  }
0x1d: {  	s5 =	simm.s32 @p1 $0x1;
	p0 =	seq.s32 s7, s2  }
0x1e: {  	s7 =	smul.u32 @!p0 $0xF7A, s2;
	p2 =	seq.s32 @!p0 s5, $0x0  }
0x1f: {  	s9 =	smul.u32 $0xF7A, s1;
	s8 =	simm.s32 @!p0 $0x1BF5;
	p2 =	por !p2, p0  }
0x20: {  	[sflag:s8] =	ssyncset.s32 @!p0 $0xFFFFF086;
	s6 =	sadd.s32 @!p0 s3, s7;
	s7 =	simm.s32 @!p0 $0x108  }
0x21: {  	s3 =	sadd.s32 s3, s9;
	s6 =	sadd.s32 @!p0 $0x88, s6;
	s7 =	simm.s32 @p2 $0x1082  }
0x22: {  	[simem:s7], [sflag:s8] =	dma.local @!p0 [hbm:s6], $0xF7A  }
0x23: {  	s9 =	sor.u32 $0xD0000000, s2;
	s6 =	simm.s32 $0x108;
	_ =	swait.ge @!p0 [sflag:s8], $0x0  }
0x24: {  	s3 =	sadd.s32 $0x88, s3;
	s6 =	simm.s32 @!p1 $0x1082;
	[sflag:s4] =	ssyncset.s32 $0xFFFFF086  }
0x25: {  	[simem:s6], [sflag:s4] =	dma.local [hbm:s3], $0xF7A  }
0x26: {  	[smem:$0x3F93] =	sst s1;
	(tag) =	ssettag s2;
	_ =	strace s9  }
0x27: {  	s1 =	sld [smem:$0x3FA3]  }
0x28: {  	s2 =	sld [smem:$0x3FA4]  }
0x29: {  	s4 =	sld [smem:$0x3FA6]  }
0x2a: {  	p0 =	seq.s32 s5, $0x0;
	s5 =	sld [smem:$0x3FA7]  }
0x2b: {  	s6 =	sld [smem:$0x3FA8]  }
0x2c: {  	s7 =	sld [smem:$0x3FA9]  }
0x2d: {  	s3 =	simm.s32 $0x108;
	s8 =	sld [smem:$0x3FAA]  }
0x2e: {  	s3 =	simm.s32 @!p0 $0x1082;
	s9 =	sld [smem:$0x3FAB]  }
0x2f: {  	lr =	sadd.s32 s0, s3;
	s0 =	sld [smem:$0x3FA2]  }
0x30: {  	s3 =	sld [smem:$0x3FA5]  }
0x31: {  	[smem:$0x3FAE] =	sst s10  }
0x32: {  	s10 =	sld [smem:$0x3FAC];
	_ =	sdelay $0x3  }
0x33: {  	p0 =	seq.s32 s10, $0x1;
	s10 =	sld [smem:$0x3FAE];
	_ =	sdelay $0x3  }
0x34: {  	[smem:$0x3FAE] =	sst s10  }
0x35: {  	s10 =	sld [smem:$0x3FAD];
	_ =	sdelay $0x3  }
0x36: {  	p1 =	seq.s32 s10, $0x1;
	s10 =	sld [smem:$0x3FAE];
	_ =	sdelay $0x3  }
0x37: {  	[smem:$0x3FAE] =	sst s10  }
0x38: {  	s10 =	sld [smem:$0x3FAF]  }
0x39: {  	_ = 	snop;
	(pc) =	sbr.ind lr, $3  }
0x3a: {  	_ = 	snop  }
0x3b: {  	_ = 	snop  }
0x3c: {  	p2 =	seq.s32 s10, $0x1;
	s10 =	sld [smem:$0x3FAE]  }
0x3d: {  	_ =	shalt  }
0x3e: {  	_ =	shalt  }
0x3f: {  	_ =	shalt  }
0x40: {  	_ =	shalt  }
0x41: {  	_ =	shalt  }
0x42: {  	_ =	shalt  }
0x43: {  	_ =	shalt  }
0x44: {  	_ =	shalt  }
0x45: {  	_ =	shalt  }
0x46: {  	_ =	shalt  }
0x47: {  	_ =	shalt  }
0x48: {  	_ =	shalt  }
0x49: {  	_ =	shalt  }
0x4a: {  	_ =	shalt  }
0x4b: {  	_ =	shalt  }
0x4c: {  	_ =	shalt  }
0x4d: {  	_ =	shalt  }
0x4e: {  	_ =	shalt  }
0x4f: {  	_ =	shalt  }
0x50: {  	_ =	shalt  }
0x51: {  	_ =	shalt  }
0x52: {  	_ =	shalt  }
0x53: {  	_ =	shalt  }
0x54: {  	_ =	shalt  }
0x55: {  	_ =	shalt  }
0x56: {  	_ =	shalt  }
0x57: {  	_ =	shalt  }
0x58: {  	_ =	shalt  }
0x59: {  	_ =	shalt  }
0x5a: {  	_ =	shalt  }
0x5b: {  	_ =	shalt  }
0x5c: {  	_ =	shalt  }
0x5d: {  	_ =	shalt  }
0x5e: {  	_ =	shalt  }
0x5f: {  	_ =	shalt  }
0x60: {  	_ =	shalt  }
0x61: {  	_ =	shalt  }
0x62: {  	_ =	shalt  }
0x63: {  	_ =	shalt  }
0x64: {  	_ =	shalt  }
0x65: {  	_ =	shalt  }
0x66: {  	_ =	shalt  }
0x67: {  	_ =	shalt  }
0x68: {  	_ =	shalt  }
0x69: {  	_ =	shalt  }
0x6a: {  	_ =	shalt  }
0x6b: {  	_ =	shalt  }
0x6c: {  	_ =	shalt  }
0x6d: {  	_ =	shalt  }
0x6e: {  	_ =	shalt  }
0x6f: {  	_ =	shalt  }
0x70: {  	_ =	shalt  }
0x71: {  	_ =	shalt  }
0x72: {  	_ =	shalt  }
0x73: {  	_ =	shalt  }
0x74: {  	_ =	shalt  }
0x75: {  	_ =	shalt  }
0x76: {  	_ =	shalt  }
0x77: {  	_ =	shalt  }
0x78: {  	_ =	shalt  }
0x79: {  	_ =	shalt  }
0x7a: {  	_ =	shalt  }
0x7b: {  	_ =	shalt  }
0x7c: {  	_ =	shalt  }
0x7d: {  	_ =	shalt  }
0x7e: {  	_ =	shalt  }
0x7f: {  	_ =	shalt  }
0x80: {  	_ =	shalt  }
0x81: {  	_ =	shalt  }
0x82: {  	_ =	shalt  }
0x83: {  	_ =	shalt  }
0x84: {  	_ =	shalt  }
0x85: {  	_ =	shalt  }
0x86: {  	_ =	shalt  }
0x87: {  	_ =	shalt  }
.Lfunc_end0:
.L_simem_size_0:
called_computation.1_lowered:
.L_overlay_start_0:
0x88: {  	s2 =	sld [smem:$0x3FD9]  }
0x89: {  	s3 =	sld [smem:$0x3FFE];
	_ =	sdelay $0x1  }
0x8a: {  	s1 =	srdreg.scid  }
0x8b: {  	s0 =	sand.u32 $0x1, s1  }
0x8c: {  	s17 =	sshll.u32 s0, $0xA;
	s2 =	sadd.s32 s3, s2  }
0x8d: {  	s2 =	sadd.s32 s2, s17  }
0x8e: {  	[smem:$0x3FBA] =	sst s2  }
0x8f: {  	_ = 	snop  }
0x90: {  	s2 =	sld [smem:$0x3FD0];
	(tm) =	ssettm $0x1  }
0x91: {  	s18 =	sld [smem:$0x3FFB];
	_ =	sdelay $0x3  }
0x92: {  	_ =	strace s18  }
0x93: {  	s3 =	sld [smem:$0x3FFC];
	_ =	sdelay $0x3  }
0x94: {  	_ =	strace s3  }
0x95: {  	s3 =	sld [smem:$0x3FFD];
	_ =	sdelay $0x3  }
0x96: {  	_ =	strace s3  }
0x97: {  	_ =	strace $0x8FFFFFFF  }
0x98: {  	s19 =	sld [smem:$0x3FDB];
	_ =	sdelay $0x1  }
0x99: {  	s4 =	simm.s32 $_scs_section_size  }
0x9a: {  	s5 =	simm.s32 $_size__tile_overlayer_lowered;
	s6 =	simm.s32 $_tile_overlayer_lowered  }
0x9b: {  	s22 =	simm.s32 $0x1BFF;
	s21 =	sshll.u32 s6, $0x1;
	s3 =	sadd.s32 s4, s19  }
0x9c: {  	s7 =	simm.s32 $0x0;
	s20 =	sshll.u32 s5, $0x1;
	s5 =	sadd.s32 s21, s3  }
0x9d: {  	[timem:s7], [sflag:s22] =	dma.local [hbm:s5], s20  }
0x9e: {  	_ =	swait.ge [sflag:s22], s20  }
0x9f: {  	s4 =	ssub.s32 $0x0, s20;
	[sflag:s22] =	ssyncset.done $0x0  }
0xa0: {  	[sflag:s22] =	ssyncadd.s32 s4;
	_ =	sdelay $0x1  }
0xa1: {  	s23 =	simm.s32 $0x1B8B  }
0xa2: {  	_ =	swait.ge [sflag:s23], $0x1  }
0xa3: {  	[sflag:s23] =	ssyncset.done $0x0  }
0xa4: {  	s25 =	simm.s32 $0x1B8E;
	s24 =	sld [smem:$0x3FFE];
	[sflag:s23] =	ssyncadd.s32 $0xFFFFFFFF  }
0xa5: {  	s26 =	simm.s32 $execute0_lowered;
	[smem:$0x3FD2] =	sst s25  }
0xa6: {  	s5 =	sshll.u32 s26, $0x1;
	_ =	strace $0x80000049;
	[dreg:$0x1] =	wrdreg $0xFFFFFFFF  }
0xa7: {  	s28 =	simm.s32 $_size_execute0_lowered;
	s3 =	sadd.s32 s3, s5;
	[dreg:$0x0] =	wrdreg $0x0  }
0xa8: {  	s5 =	sshll.u32 s28, $0x1;
	[dreg:$0x2] =	wrdreg s3  }
0xa9: {  	[dreg:$0x3] =	wrdreg s5  }
0xaa: {  	[dreg:$0x4] =	wrdreg $0xC0  }
0xab: {  	_ =	task [dreg:s7], $0x5FFFF  }
0xac: {  	[dreg:$0x1] =	wrdreg $0xFFFFFFFF  }
0xad: {  	[dreg:$0x0] =	wrdreg $0x60  }
0xae: {  	[dreg:$0x2] =	wrdreg s2  }
0xaf: {  	[dreg:$0x3] =	wrdreg s24  }
0xb0: {  	[dreg:$0x4] =	wrdreg $0x12D400  }
0xb1: {  	[dreg:$0x5] =	wrdreg $0x9  }
0xb2: {  	_ =	task.clear_ibuf [dreg:s7], $0x6FFFF;
	_ =	strace $0x90000049  }
0xb3: {  	s29 =	simm.s32 $0x9;
	_ =	strace $0x8000004B  }
0xb4: {  	_ =	swait.ge [sflag:s29], $0x1  }
0xb5: {  	[sflag:s29] =	ssyncadd.s32 $0xFFFFFFFF  }
0xb6: {  	_ =	strace $0x9000004B  }
0xb7: {  	_ =	sfence  }
0xb8: {  	s30 =	sld [smem:$0x0];
	_ =	sdelay $0x2  }
0xb9: {  	s31 =	sshll.u32 s1, $0xD;
	s1 =	sshrl.u32 s1, $0x2  }
0xba: {  	s3 =	sand.u32 $0x4000, s31;
	s1 =	sadd.s32 s1, s30  }
0xbb: {  	s0 =	sor.u32 s3, s0;
	s1 =	sshll.u32 s1, $0x11  }
0xbc: {  	s0 =	sor.u32 s1, s0  }
0xbd: {  	s0 =	sadd.s32 $0x8F2B, s0  }
0xbe: {  	[sflag:s0] =	ssyncadd.remote.s32 $0x1  }
0xbf: {  	_ =	sfence.sel $0xFFFF  }
0xc0: {  	[dreg:$0x0] =	wrdreg $0xFFFFFFFF;
	(pc) =	sbr.abs _section_cstart, $3  }
0xc1: {  	[dreg:$0x1] =	wrdreg $0xFFFFFFFF  }
0xc2: {  	_ =	task.clear_ibuf [dreg:s7], $0x2FFFF;
	_ =	strace $0x9FFFFFFF  }
0xc3: {  	(tm) =	ssettm $0x7FFFFFFF  }
tec
execute0_lowered:
.L_overlay_start_1:
0x0: {  	(tag) =	ssettag $0x1  }
0x1: {  	s0 =	rddreg [dreg:$0x0]  }
0x2: {  	s2 =	rddreg [dreg:$0x1]  }
0x3: {  	s1 =	rddreg [dreg:$0x2]  }
0x4: {  	s3 =	srdreg.scid;
	s13 =	simm.s32 $0x0;
	s12 =	stileid.u32  }
0x5: {  	s28 =	simm.s32 $0xB040;
	s29 =	simm.s32 $0xC440;
	s5 =	smul.u32 $0x9C4, s12  }
0x6: {  	s30 =	simm.s32 $0x1;
	s31 =	simm.s32 $0x2;
	s7 =	smul.u32 $0x30C00, s12  }
0x7: {  	s3 =	sand.u32 $0x1, s3;
	[smem:$0x7FF] =	sst s13;
	s26 =	smul.u32 $0xC300, s12  }
0x8: {  	s15 =	sadd.s32 $0xC3000, s1;
	p0 =	sne.s32 s12, $0x0;
	s12 =	simm.s32 $0x6  }
0x9: {  	s4 =	smul.u32 $0x13880, s3;
	_ =	strace $0x8000004A;
	s8 =	ssub.s32 $0x2, s3  }
0xa: {  	s3 =	smul.u32 $0xC3500, s3;
	[dreg:$0x7] =	wrdreg s15;
	s5 =	sadd.s32 s5, s2  }
0xb: {  	s9 =	sshrl.u32 s8, $0x1;
	s7 =	sshrl.u32 s7, $0x2;
	s18 =	sadd.s32 s26, s1  }
0xc: {  	s6 =	sadd.s32 s4, s2;
	s2 =	sadd.s32 $0x3F200, s2;
	s11 =	sadd.s32 $0xE200, s5  }
0xd: {  	s8 =	ssub.s32 s8, s9;
	s5 =	sadd.s32 $0x4400, s5;
	[dreg:$0x8] =	wrdreg s11  }
0xe: {  	s14 =	sadd.s32 s7, s1;
	s9 =	sadd.s32 s0, s4;
	[dreg:$0x9] =	wrdreg s5  }
0xf: {  	s16 =	sadd.s32 s26, s3;
	s26 =	sshrl.u32 s18, $0x3;
	[dreg:$0x5] =	wrdreg s14  }
0x10: {  	s3 =	sshrl.u32 s3, $0x3;
	s10 =	sadd.s32 $0xAF00, s14;
	[dreg:$0x13] =	wrdreg s26  }
0x11: {  	s7 =	simm.s32 $0x4;
	s19 =	smax.u32 s8, $0x1;
	[dreg:$0x6] =	wrdreg s10  }
0x12: {  	s0 =	sshrl.u32 s16, $0x3;
	s20 =	sadd.s32 $0x1900, s14;
	[dreg:$0xc] =	wrdreg s19  }
0x13: {  	s11 =	sadd.s32 $0x18000, s6;
	s21 =	sadd.s32 $0x3200, s14;
	[dreg:$0xd] =	wrdreg s20  }
0x14: {  	s17 =	sadd.s32 s2, s3;
	s22 =	sadd.s32 $0x4B00, s14;
	[dreg:$0xe] =	wrdreg s21  }
0x15: {  	s23 =	sadd.s32 $0x6400, s14;
	s24 =	sadd.s32 $0x7D00, s14;
	[dreg:$0xf] =	wrdreg s22  }
0x16: {  	s25 =	sadd.s32 $0x9600, s14;
	s26 =	simm.s32 $0x9C40;
	[dreg:$0x10] =	wrdreg s23  }
0x17: {  	s8 =	simm.s32 $0x5;
	s10 =	sadd.s32 $0xB4400, s6;
	[dreg:$0x11] =	wrdreg s24  }
0x18: {  	s0 =	sadd.s32 s2, s0;
	[dreg:$0x12] =	wrdreg s25;
	s21 =	simm.s32 $0x11440  }
0x19: {  	v0 =	vimm.f32 $0.0e+00;
	vm0 =	vmmov $0x1;
	s22 =	simm.s32 $0x7;
	[dreg:$0xa] =	wrdreg s0;
	s0 =	sadd.s32 $0x18600, s17  }
0x1a: {  	vm1 =	vcmask $0x310;
	vm2 =	vcmask $0x710;
	vm3 =	vcmask $0xB10;
	s24 =	simm.s32 $0x50;
	[dreg:$0xb] =	wrdreg s0;
	s0 =	simm.s32 $0x3  }
.LBB2_1:
0x1b: {  	[dreg:$0x4] =	wrdreg s13;
	s3 =	simm.s32 $0x140;
	s2 =	simm.s32 $0x0  }
.LBB2_2:
0x1c: {  	p1 =	sne.s32 s3, $0x62C0;
	[tilespmem:s2+$0x11480] =	vst v0;
	s4 =	smov.u32 s3;
	s3 =	sadd.s32 $0x140, s3  }
.Ltmp0:
0x1d: {  	[tilespmem:s2+$0x11470] =	vst v0;
	(pc) =	sbr.rel @p1 .LBB2_2-.Ltmp0, $4  }
0x1e: {  	[tilespmem:s2+$0x11460] =	vst v0  }
0x1f: {  	[tilespmem:s2+$0x11440] =	vst v0  }
0x20: {  	[tilespmem:s2+$0x11450] =	vst v0  }
0x21: {  	s2 =	sshra.s32 s4, $0x2  }
0x22: {  	[tilespmem:s2+$0x11480] =	vst v0  }
0x23: {  	[tilespmem:s2+$0x11470] =	vst v0  }
0x24: {  	[tilespmem:s2+$0x11460] =	vst v0  }
0x25: {  	[tilespmem:s2+$0x11440] =	vst v0  }
0x26: {  	[tilespmem:s2+$0x11450] =	vst v0;
	s6 =	rddreg [dreg:$0x5]  }
0x27: {  	[spmem:s6] =	stream.linear.scatter [tilespmem:s21], [sflag:$0x7], $0x1900, $0x38;
	[tilespmem:$0x1F090] =	vst v63  }
0x28: {  	_ =	swait.ge [sflag:s22], $0x1900  }
0x29: {  	[sflag:s22] =	ssyncset.done $0x0  }
0x2a: {  	s13 =	rddreg [dreg:$0xd];
	[sflag:s22] =	ssyncadd.s32 $0xFFFFE700  }
0x2b: {  	[spmem:s13] =	stream.linear.scatter [tilespmem:s21], [sflag:$0x7], $0x1900, $0x38;
	[tilespmem:$0x1F090] =	vst v63  }
0x2c: {  	_ =	swait.ge [sflag:s22], $0x1900  }
0x2d: {  	[sflag:s22] =	ssyncset.done $0x0  }
0x2e: {  	s14 =	rddreg [dreg:$0xe];
	[sflag:s22] =	ssyncadd.s32 $0xFFFFE700  }
0x2f: {  	[spmem:s14] =	stream.linear.scatter [tilespmem:s21], [sflag:$0x7], $0x1900, $0x38;
	[tilespmem:$0x1F090] =	vst v63  }
0x30: {  	_ =	swait.ge [sflag:s22], $0x1900  }
0x31: {  	[sflag:s22] =	ssyncset.done $0x0  }
0x32: {  	s16 =	rddreg [dreg:$0xf];
	[sflag:s22] =	ssyncadd.s32 $0xFFFFE700  }
0x33: {  	[spmem:s16] =	stream.linear.scatter [tilespmem:s21], [sflag:$0x7], $0x1900, $0x38;
	[tilespmem:$0x1F090] =	vst v63  }
0x34: {  	_ =	swait.ge [sflag:s22], $0x1900  }
0x35: {  	[sflag:s22] =	ssyncset.done $0x0  }
0x36: {  	s17 =	rddreg [dreg:$0x10];
	[sflag:s22] =	ssyncadd.s32 $0xFFFFE700  }
0x37: {  	[spmem:s17] =	stream.linear.scatter [tilespmem:s21], [sflag:$0x7], $0x1900, $0x38;
	[tilespmem:$0x1F090] =	vst v63  }
0x38: {  	_ =	swait.ge [sflag:s22], $0x1900  }
0x39: {  	[sflag:s22] =	ssyncset.done $0x0  }
0x3a: {  	s18 =	rddreg [dreg:$0x11];
	[sflag:s22] =	ssyncadd.s32 $0xFFFFE700  }
0x3b: {  	[spmem:s18] =	stream.linear.scatter [tilespmem:s21], [sflag:$0x7], $0x1900, $0x38;
	[tilespmem:$0x1F090] =	vst v63  }
0x3c: {  	_ =	swait.ge [sflag:s22], $0x1900  }
0x3d: {  	[sflag:s22] =	ssyncset.done $0x0  }
0x3e: {  	s19 =	rddreg [dreg:$0x12];
	[sflag:s22] =	ssyncadd.s32 $0xFFFFE700  }
0x3f: {  	[spmem:s19] =	stream.linear.scatter [tilespmem:s21], [sflag:$0x7], $0x1900, $0x38;
	[tilespmem:$0x1F090] =	vst v63  }
0x40: {  	_ =	swait.ge [sflag:s22], $0x1900  }
0x41: {  	[sflag:s22] =	ssyncset.done $0x0  }
0x42: {  	s20 =	rddreg [dreg:$0x6];
	[sflag:s22] =	ssyncadd.s32 $0xFFFFE700  }
0x43: {  	[spmem:s20] =	stream.linear.scatter [tilespmem:s21], [sflag:$0x7], $0x1400, $0x38;
	[tilespmem:$0x1F090] =	vst v63  }
0x44: {  	_ =	swait.ge [sflag:s22], $0x1400  }
0x45: {  	[sflag:s22] =	ssyncset.done $0x0  }
0x46: {  	s2 =	simm.s32 @!p0 $0x11440;
	[sflag:s22] =	ssyncadd.s32 $0xFFFFEC00  }
0x47: {  	[spmem:s15] =	stream.linear.scatter @!p0 [tilespmem:s2], [sflag:$0x7], $0x500, $0x38;
	[tilespmem:$0x1F090] =	vst v63  }
0x48: {  	s2 =	simm.s32 @!p0 $0x7  }
0x49: {  	_ =	swait.ge @!p0 [sflag:s2], $0x500  }
0x4a: {  	[sflag:s2] =	ssyncset.done @!p0 $0x0  }
0x4b: {  	s13 =	simm.s32 $0x0;
	s23 =	rddreg [dreg:$0x8];
	[sflag:s2] =	ssyncadd.s32 @!p0 $0xFFFFFB00  }
0x4c: {  	[tilespmem:s13], [sflag:$0x7] =	stream.linear.gather [hbm4b:s23+s13], $0x4E20, $0x38;
	[tilespmem:$0x1F090] =	vst v63  }
0x4d: {  	_ =	swait.ge [sflag:s22], $0x4E20  }
0x4e: {  	[sflag:s22] =	ssyncset.done $0x0  }
0x4f: {  	s3 =	simm.s32 $0x4E20;
	s25 =	rddreg [dreg:$0x9];
	[sflag:s22] =	ssyncadd.s32 $0xFFFFB1E0  }
0x50: {  	[tilespmem:s3], [sflag:$0x7] =	stream.linear.gather [hbm4b:s25+s13], $0x4E20, $0x38;
	[tilespmem:$0x1F090] =	vst v63  }
0x51: {  	_ =	swait.ge [sflag:s22], $0x4E20  }
0x52: {  	[sflag:s22] =	ssyncset.done $0x0  }
0x53: {  	[sflag:s22] =	ssyncadd.s32 $0xFFFFB1E0  }
0x54: {  	[bflag:$0x0] =	sbarrier.arrive $0xFFFF  }
0x55: {  	[tilespmem:s26], [sflag:$0x1] =	stream.indirect.gather [hbm4b:s9+s24], $0x40, s3, s24, $0xb8;
	[tilespmem:$0x1F090] =	vst v63  }
0x56: {  	_ = 	snop  }
0x57: {  	[tilespmem:s28], [sflag:$0x2] =	stream.indirect.gather [hbm4b:s10+s24], $0x40, s13, s24, $0xb8;
	[tilespmem:$0x1F090] =	vst v63  }
0x58: {  	_ = 	snop  }
0x59: {  	[tilespmem:s29], [sflag:$0x3] =	stream.indirect.gather [hbm4b:s11+s24], $0x40, s13, s24, $0xb8;
	[tilespmem:$0x1F090] =	vst v63  }
.LBB2_4:
0x5a: {  	_ =	swait.ge [sflag:s30], $0x1400  }
0x5b: {  	[sflag:s30] =	ssyncset.done $0x0  }
0x5c: {  	[sflag:s30] =	ssyncadd.s32 $0xFFFFEC00  }
0x5d: {  	_ =	swait.ge [sflag:s31], $0x1400  }
0x5e: {  	[sflag:s31] =	ssyncset.done $0x0  }
0x5f: {  	[sflag:s31] =	ssyncadd.s32 $0xFFFFEC00  }
0x60: {  	s2 =	smul.u32 $0xA0, s13;
	_ =	swait.ge [sflag:s0], $0x1400  }
0x61: {  	[sflag:s0] =	ssyncset.done $0x0  }
0x62: {  	s3 =	simm.s32 $0xD840;
	s14 =	sadd.s32 $0x4E70, s2;
	[sflag:s0] =	ssyncadd.s32 $0xFFFFEC00  }
0x63: {  	[tilespmem:s3], [sflag:$0x4] =	stream.indirect.gather [hbm4b:s9+s24], $0x40, s14, s24, $0xb8;
	[tilespmem:$0x1F090] =	vst v63  }
0x64: {  	s6 =	simm.s32 $0xEC40;
	s2 =	sadd.s32 $0x50, s2  }
0x65: {  	[tilespmem:s6], [sflag:$0x5] =	stream.indirect.gather [hbm4b:s10+s24], $0x40, s2, s24, $0xb8;
	[tilespmem:$0x1F090] =	vst v63  }
0x66: {  	s15 =	simm.s32 $0x10040;
	s16 =	simm.s32 $0x9C80  }
0x67: {  	[tilespmem:s15], [sflag:$0x6] =	stream.indirect.gather [hbm4b:s11+s24], $0x40, s2, s24, $0xb8;
	[tilespmem:$0x1F090] =	vst v63  }
0x68: {  	s17 =	simm.s32 $0xB080;
	v1 =	vld [tilespmem:s16+$0x20]  }
0x69: {  	v2 =	vld [tilespmem:s17+$0x20]  }
0x6a: {  	v3 =	vld [tilespmem:s16+$0x10]  }
0x6b: {  	v4 =	vld [tilespmem:s17+$0x10]  }
0x6c: {  	v5 =	vld [tilespmem:s16+$0x0]  }
0x6d: {  	v6 =	vld [tilespmem:s17+$0x0];
	_ =	sdelay $0x2  }
0x6e: {  	v1 =	vmul.f32 v2, v1  }
0x6f: {  	v7 =	vld [tilespmem:s16+$0x30];
	v3 =	vmul.f32 v4, v3  }
0x70: {  	v2 =	vld [tilespmem:s17+$0x30];
	(xrf2) =	vadd.scan.msk.f32 $0xffff, v1;
	v1 =	vmul.f32 v6, v5  }
0x71: {  	(xrf2) =	vadd.scan.msk.f32 $0xffff, v3  }
0x72: {  	(xrf2) =	vadd.scan.msk.f32 $0xffff, v1;
	_ =	sdelay $0x2  }
0x73: {  	s18 =	simm.s32 $0x9D00;
	v9 =	vld [tilespmem:s17+$0xFFFFFFF0];
	v1 =	vmul.f32 v2, v7  }
0x74: {  	s19 =	simm.s32 $0xB100;
	v11 =	vld [tilespmem:s18+$0x20]  }
0x75: {  	v13 =	vld [tilespmem:s19+$0x20];
	(xrf2) =	vadd.scan.msk.f32 $0xffff, v1  }
0x76: {  	v4 =	vld [tilespmem:s17+$0xFFFFFFD0]  }
0x77: {  	v5 =	vld [tilespmem:s16+$0xFFFFFFE0]  }
0x78: {  	v3 =	vld [tilespmem:s16+$0xFFFFFFC0];
	v8, _, _ =	vpop (xrf2)  }
0x79: {  	v2 =	vld [tilespmem:s17+$0xFFFFFFC0];
	v10, _, _ =	vpop (xrf2)  }
0x7a: {  	v1 =	vld [tilespmem:s16+$0xFFFFFFD0];
	v12, _, _ =	vpop (xrf2)  }
0x7b: {  	v6 =	vld [tilespmem:s17+$0xFFFFFFE0];
	v12 =	vbroadcast v12, $0xF  }
0x7c: {  	v7 =	vld [tilespmem:s16+$0xFFFFFFF0]  }
0x7d: {  	v14 =	vld [tilespmem:s18+$0x10];
	v10 =	vbroadcast v10, $0xF  }
0x7e: {  	v15 =	vld [tilespmem:s19+$0x10];
	v2 =	vmul.f32 v2, v3;
	v8 =	vbroadcast v8, $0xF;
	v3 =	vnsel vm0, $0x0, v12  }
0x7f: {  	v1 =	vmul.f32 v4, v1;
	v3 =	vsel vm1, v3, v10;
	v10 =	vld [tilespmem:s18+$0x0];
	v12, _, _ =	vpop (xrf2)  }
0x80: {  	v5 =	vmul.f32 v6, v5;
	(xrf2) =	vadd.scan.msk.f32 $0xffff, v2;
	v2 =	vsel vm2, v3, v8;
	v3 =	vld [tilespmem:s19+$0x0];
	v4 =	vbroadcast v12, $0xF  }
0x81: {  	v6 =	vmul.f32 v9, v7;
	(xrf2) =	vadd.scan.msk.f32 $0xffff, v1  }
0x82: {  	(xrf2) =	vadd.scan.msk.f32 $0xffff, v5;
	v5 =	vld [tilespmem:s19+$0x30];
	v1 =	vsel vm3, v2, v4;
	v2 =	vmul.f32 v13, v11  }
0x83: {  	(xrf2) =	vadd.scan.msk.f32 $0xffff, v6;
	v4 =	vld [tilespmem:s18+$0x30]  }
0x84: {  	v1 =	vmul.f32 $2.500000000e-01, v1;
	(xrf2) =	vadd.scan.msk.f32 $0xffff, v2;
	v2 =	vmul.f32 v15, v14  }
0x85: {  	v3 =	vmul.f32 v3, v10  }
0x86: {  	v1 =	vmul.f32 $1.442695020e+00, v1;
	(xrf2) =	vadd.scan.msk.f32 $0xffff, v2  }
0x87: {  	(xrf2) =	vadd.scan.msk.f32 $0xffff, v3  }
0x88: {  	v8 =	vld [tilespmem:s18+$0xFFFFFFE0];
	(erf) = vpow2.f32 v1;
	v1 =	vmul.f32 v5, v4  }
0x89: {  	v13 =	vld [tilespmem:s18+$0xFFFFFFF0]  }
0x8a: {  	v10 =	vld [tilespmem:s19+$0xFFFFFFE0];
	v3, _, _ =	vpop (xrf2);
	(xrf2) =	vadd.scan.msk.f32 $0xffff, v1  }
0x8b: {  	v14 =	vld [tilespmem:s19+$0xFFFFFFF0]  }
0x8c: {  	v2 =	vld [tilespmem:s19+$0xFFFFFFC0];
	v1, _, _ =	vpop (xrf2)  }
0x8d: {  	v4 =	vld [tilespmem:s18+$0xFFFFFFC0];
	v7, _, _ =	vpop (xrf2)  }
0x8e: {  	v3 =	vbroadcast v3, $0xF;
	v9, _, _ =	vpop (xrf2)  }
0x8f: {  	v6 =	vld [tilespmem:s19+$0xFFFFFFD0];
	v12 =	vbroadcast v1, $0xF;
	v11, _, _ =	vpop (xrf2)  }
0x90: {  	s23 =	simm.s32 $0xB180;
	v5 =	vld [tilespmem:s18+$0xFFFFFFD0];
	v8 =	vmul.f32 v10, v8;
	v3 =	vnsel vm0, $0x0, v3;
	v7 =	vbroadcast v7, $0xF;
	v15, _, _ =	vpop (xrf2)  }
0x91: {  	v10 =	vmul.f32 v14, v13;
	v13 =	vld [tilespmem:s23+$0x0];
	v3 =	vsel vm1, v3, v12;
	v9 =	vbroadcast v9, $0xF;
	v16, _, _ =	vpop (xrf2)  }
0x92: {  	s20 =	simm.s32 $0x9D80;
	s15 =	simm.s32 $0x11490;
	v2 =	vmul.f32 v2, v4;
	v4 =	vld [tilespmem:s23+$0x20];
	v3 =	vsel vm2, v3, v7;
	v1 =	vpop (erf);
	v16 =	vbroadcast v16, $0xF  }
0x93: {  	s25 =	simm.s32 $0xC480;
	v7 =	vld [tilespmem:s20+$0x20];
	v3 =	vsel vm3, v3, v9;
	[tilespmem:s15+$0x40] =	vst v1;
	v9 =	vbroadcast v15, $0xF  }
0x94: {  	v11 =	vbroadcast v11, $0xF;
	v3 =	vmul.f32 $2.500000000e-01, v3;
	v12 =	vld [tilespmem:s25+$0x0];
	v17, _, _ =	vpop (xrf2);
	v16 =	vnsel vm0, $0x0, v16  }
0x95: {  	v5 =	vmul.f32 v6, v5;
	v6 =	vld [tilespmem:s23+$0x10];
	v9 =	vsel vm1, v16, v9;
	v16 =	vbroadcast v17, $0xF  }
0x96: {  	v15 =	vld [tilespmem:s20+$0x10];
	(xrf2) =	vadd.scan.msk.f32 $0xffff, v2;
	v2 =	vmul.f32 $1.442695020e+00, v3;
	v9 =	vsel vm2, v9, v11  }
0x97: {  	v3 =	vld [tilespmem:s20+$0x0];
	v11 =	vbroadcast v1, $0x0;
	v9 =	vsel vm3, v9, v16  }
0x98: {  	(xrf2) =	vadd.scan.msk.f32 $0xffff, v5;
	(erf) = vpow2.f32 v2;
	v2 =	vmul.f32 $2.500000000e-01, v9  }
0x99: {  	v4 =	vmul.f32 v4, v7;
	v7 =	vld [tilespmem:s23+$0x30];
	(xrf2) =	vadd.scan.msk.f32 $0xffff, v8;
	v5 =	vmul.f32 v11, v12  }
0x9a: {  	v8 =	vld [tilespmem:s20+$0x30];
	(xrf2) =	vadd.scan.msk.f32 $0xffff, v10;
	v2 =	vmul.f32 $1.442695020e+00, v2  }
0x9b: {  	[tilespmem:s15+$0x0] =	vst v5;
	v5 =	vmul.f32 v6, v15  }
0x9c: {  	(xrf2) =	vadd.scan.msk.f32 $0xffff, v4;
	v6 =	vld [tilespmem:s25+$0x10];
	(erf) = vpow2.f32 v2;
	v2 =	vmul.f32 v13, v3  }
0x9d: {  	s4 =	simm.s32 $0x9E00;
	(xrf2) =	vadd.scan.msk.f32 $0xffff, v5  }
0x9e: {  	v19 =	vld [tilespmem:s4+$0x20];
	(xrf2) =	vadd.scan.msk.f32 $0xffff, v2  }
0x9f: {  	v4 =	vld [tilespmem:s23+$0xFFFFFFC0];
	v7 =	vmul.f32 v7, v8;
	v3 =	vbroadcast v1, $0x1  }
0xa0: {  	v5 =	vld [tilespmem:s20+$0xFFFFFFC0];
	v8, _, _ =	vpop (xrf2)  }
0xa1: {  	v10 =	vld [tilespmem:s23+$0xFFFFFFD0];
	(xrf2) =	vadd.scan.msk.f32 $0xffff, v7;
	v2 =	vpop (erf);
	v3 =	vmul.f32 v3, v6  }
0xa2: {  	v9 =	vld [tilespmem:s20+$0xFFFFFFD0];
	v6, _, _ =	vpop (xrf2)  }
0xa3: {  	v21 =	vld [tilespmem:s4+$0x10];
	v8 =	vbroadcast v8, $0xF;
	v11, _, _ =	vpop (xrf2)  }
0xa4: {  	v16 =	vld [tilespmem:s23+$0xFFFFFFF0];
	v6 =	vbroadcast v6, $0xF;
	v13, _, _ =	vpop (xrf2)  }
0xa5: {  	s16 =	simm.s32 $0x11530;
	v12 =	vld [tilespmem:s23+$0xFFFFFFE0];
	v8 =	vnsel vm0, $0x0, v8;
	v4 =	vmul.f32 v4, v5;
	[tilespmem:s15+$0x10] =	vst v3;
	v5 =	vbroadcast v11, $0xF;
	v3 =	vpop (erf)  }
0xa6: {  	s17 =	simm.s32 $0xC500;
	v14 =	vld [tilespmem:s25+$0x20];
	v17, _, _ =	vpop (xrf2);
	v6 =	vsel vm1, v8, v6;
	v8 =	vbroadcast v13, $0xF;
	[tilespmem:s16+$0x40] =	vst v3  }
0xa7: {  	v9 =	vmul.f32 v10, v9;
	v5 =	vsel vm2, v6, v5;
	v11, _, _ =	vpop (xrf2);
	v18 =	vld [tilespmem:s17+$0x0]  }
0xa8: {  	v7 =	vld [tilespmem:s20+$0xFFFFFFE0];
	v6 =	vbroadcast v1, $0x2;
	v17 =	vbroadcast v17, $0xF;
	v5 =	vsel vm3, v5, v8;
	v13, _, _ =	vpop (xrf2)  }
0xa9: {  	s5 =	simm.s32 $0xB200;
	v15 =	vld [tilespmem:s20+$0xFFFFFFF0];
	v5 =	vmul.f32 $2.500000000e-01, v5;
	v13 =	vbroadcast v13, $0xF  }
0xaa: {  	v8 =	vld [tilespmem:s5+$0x20];
	v20 =	vbroadcast v3, $0x0;
	v11 =	vbroadcast v11, $0xF  }
0xab: {  	v5 =	vmul.f32 $1.442695020e+00, v5;
	v22, _, _ =	vpop (xrf2);
	(xrf2) =	vadd.scan.msk.f32 $0xffff, v4;
	v4 =	vmul.f32 v6, v14;
	v6 =	vld [tilespmem:s4+$0x0];
	v13 =	vnsel vm0, $0x0, v13  }
0xac: {  	(xrf2) =	vadd.scan.msk.f32 $0xffff, v9;
	v9 =	vld [tilespmem:s5+$0x0];
	v18 =	vmul.f32 v20, v18;
	v11 =	vsel vm1, v13, v11;
	v13 =	vbroadcast v22, $0xF  }
0xad: {  	v7 =	vmul.f32 v12, v7;
	(erf) = vpow2.f32 v5;
	v5 =	vld [tilespmem:s4+$0x30];
	v11 =	vsel vm2, v11, v17  }
0xae: {  	v12 =	vmul.f32 v16, v15;
	v20 =	vld [tilespmem:s5+$0x10];
	[tilespmem:s16+$0x0] =	vst v18;
	v11 =	vsel vm3, v11, v13  }
0xaf: {  	(xrf2) =	vadd.scan.msk.f32 $0xffff, v7;
	v7 =	vmul.f32 $2.500000000e-01, v11;
	v11 =	vld [tilespmem:s17+$0x10]  }
0xb0: {  	s2 =	simm.s32 $0xB300;
	(xrf2) =	vadd.scan.msk.f32 $0xffff, v12;
	v12 =	vld [tilespmem:s5+$0x30]  }
0xb1: {  	v27 =	vld [tilespmem:s2+$0xFFFFFFC0];
	v14 =	vbroadcast v3, $0x1  }
0xb2: {  	v60 =	vld [tilespmem:s2+$0xFFFFFFE0];
	[tilespmem:s15+$0xFFFFFFF0] =	vst v2;
	v8 =	vmul.f32 v8, v19;
	v7 =	vmul.f32 $1.442695020e+00, v7  }
0xb3: {  	v10 =	vld [tilespmem:s25+$0xFFFFFFC0];
	v6 =	vmul.f32 v9, v6;
	v13 =	vmul.f32 v20, v21  }
0xb4: {  	v15 =	vld [tilespmem:s5+$0xFFFFFFC0];
	(xrf2) =	vadd.scan.msk.f32 $0xffff, v8;
	(erf) = vpow2.f32 v7;
	v8 =	vmul.f32 v14, v11  }
0xb5: {  	v17 =	vld [tilespmem:s5+$0xFFFFFFE0];
	v5 =	vmul.f32 v12, v5;
	(xrf2) =	vadd.scan.msk.f32 $0xffff, v13  }
0xb6: {  	v9 =	vld [tilespmem:s4+$0xFFFFFFD0];
	(xrf2) =	vadd.scan.msk.f32 $0xffff, v6  }
0xb7: {  	v20 =	vld [tilespmem:s5+$0xFFFFFFF0]  }
0xb8: {  	v12 =	vbroadcast v2, $0x0;
	v7 =	vld [tilespmem:s4+$0xFFFFFFC0];
	[tilespmem:s16+$0x10] =	vst v8;
	v8, _, _ =	vpop (xrf2)  }
0xb9: {  	v11 =	vld [tilespmem:s17+$0x20];
	(xrf2) =	vadd.scan.msk.f32 $0xffff, v5;
	v5 =	vpop (erf)  }
0xba: {  	v18 =	vbroadcast v3, $0x2;
	v10 =	vmul.f32 v12, v10;
	v12 =	vld [tilespmem:s4+$0xFFFFFFF0];
	v13, _, _ =	vpop (xrf2)  }
0xbb: {  	v6 =	vld [tilespmem:s5+$0xFFFFFFD0];
	v16, _, _ =	vpop (xrf2)  }
0xbc: {  	[tilespmem:s15+$0x20] =	vst v4;
	v14 =	vld [tilespmem:s4+$0xFFFFFFE0];
	v13 =	vbroadcast v13, $0xF;
	v19, _, _ =	vpop (xrf2)  }
0xbd: {  	s18 =	simm.s32 $0x115D0;
	v4 =	vld [tilespmem:s25+$0x30];
	[tilespmem:s15+$0xFFFFFFB0] =	vst v10;
	v10 =	vbroadcast v8, $0xF;
	v8 =	vpop (erf)  }
0xbe: {  	s19 =	simm.s32 $0xC580;
	v22 =	vld [tilespmem:s25+$0xFFFFFFD0];
	v7 =	vmul.f32 v15, v7;
	v11 =	vmul.f32 v18, v11;
	v18, _, _ =	vpop (xrf2);
	[tilespmem:s18+$0x40] =	vst v8  }
0xbf: {  	s6 =	simm.s32 $0x9E80;
	v12 =	vmul.f32 v20, v12;
	v10 =	vnsel vm0, $0x0, v10;
	v15 =	vbroadcast v16, $0xF;
	v16, _, _ =	vpop (xrf2);
	v23 =	vld [tilespmem:s19+$0x0]  }
0xc0: {  	v20 =	vld [tilespmem:s6+$0xFFFFFFE0];
	v6 =	vmul.f32 v6, v9;
	v10 =	vsel vm1, v10, v13;
	[tilespmem:s16+$0x20] =	vst v11;
	v11 =	vbroadcast v19, $0xF;
	v13, _, _ =	vpop (xrf2)  }
0xc1: {  	v14 =	vmul.f32 v17, v14;
	(xrf2) =	vadd.scan.msk.f32 $0xffff, v7;
	v7 =	vld [tilespmem:s6+$0x10];
	v10 =	vsel vm2, v10, v15;
	v13 =	vbroadcast v13, $0xF  }
0xc2: {  	s20 =	simm.s32 $0xB280;
	v15 =	vld [tilespmem:s6+$0x20];
	v17 =	vbroadcast v8, $0x0;
	v16 =	vbroadcast v16, $0xF;
	v10 =	vsel vm3, v10, v11  }
0xc3: {  	v18 =	vbroadcast v18, $0xF;
	v11 =	vld [tilespmem:s20+$0x20];
	v10 =	vmul.f32 $2.500000000e-01, v10;
	v13 =	vnsel vm0, $0x0, v13;
	v19, _, _ =	vpop (xrf2);
	(xrf2) =	vadd.scan.msk.f32 $0xffff, v6  }
0xc4: {  	v13 =	vsel vm1, v13, v16;
	v6 =	vmul.f32 v17, v23;
	v17 =	vld [tilespmem:s20+$0x10];
	v16 =	vbroadcast v19, $0xF  }
0xc5: {  	v10 =	vmul.f32 $1.442695020e+00, v10;
	(xrf2) =	vadd.scan.msk.f32 $0xffff, v14;
	v14 =	vld [tilespmem:s6+$0x0];
	v13 =	vsel vm2, v13, v18  }
0xc6: {  	(xrf2) =	vadd.scan.msk.f32 $0xffff, v12;
	[tilespmem:s18+$0x0] =	vst v6;
	v6 =	vld [tilespmem:s20+$0x0];
	v13 =	vsel vm3, v13, v16  }
0xc7: {  	(erf) = vpow2.f32 v10;
	v10 =	vmul.f32 $2.500000000e-01, v13;
	v12 =	vld [tilespmem:s19+$0x10]  }
0xc8: {  	v25 =	vbroadcast v2, $0x2;
	v18 =	vbroadcast v8, $0x1;
	v16 =	vld [tilespmem:s6+$0x30]  }
0xc9: {  	[tilespmem:s16+$0xFFFFFFF0] =	vst v5;
	v11 =	vmul.f32 v11, v15;
	v15 =	vld [tilespmem:s20+$0x30];
	v10 =	vmul.f32 $1.442695020e+00, v10  }
0xca: {  	v56 =	vbroadcast v3, $0x3;
	v21 =	vld [tilespmem:s17+$0xFFFFFFC0];
	v7 =	vmul.f32 v17, v7  }
0xcb: {  	v19 =	vld [tilespmem:s6+$0xFFFFFFC0];
	(xrf2) =	vadd.scan.msk.f32 $0xffff, v11;
	(erf) = vpow2.f32 v10;
	v6 =	vmul.f32 v6, v14  }
0xcc: {  	v23 =	vld [tilespmem:s6+$0xFFFFFFF0];
	v17 =	vbroadcast v1, $0x3;
	v14, _, _ =	vpop (xrf2);
	(xrf2) =	vadd.scan.msk.f32 $0xffff, v7;
	v11 =	vmul.f32 v18, v12  }
0xcd: {  	v1 =	vbroadcast v5, $0x0;
	v10 =	vld [tilespmem:s6+$0xFFFFFFD0];
	v12 =	vbroadcast v2, $0x1;
	v18, _, _ =	vpop (xrf2);
	(xrf2) =	vadd.scan.msk.f32 $0xffff, v6  }
0xce: {  	v7 =	vld [tilespmem:s20+$0xFFFFFFD0];
	[tilespmem:s18+$0x10] =	vst v11;
	v11 =	vbroadcast v14, $0xF;
	v14 =	vmul.f32 v15, v16  }
0xcf: {  	v21 =	vmul.f32 v1, v21;
	v1 =	vbroadcast v18, $0xF;
	v6, _, _ =	vpop (xrf2);
	v15 =	vld [tilespmem:s19+$0x20]  }
0xd0: {  	v18 =	vld [tilespmem:s20+$0xFFFFFFE0];
	v12 =	vmul.f32 v12, v22;
	v11 =	vnsel vm0, $0x0, v11;
	v6 =	vbroadcast v6, $0xF;
	v22, _, _ =	vpop (xrf2);
	(xrf2) =	vadd.scan.msk.f32 $0xffff, v14  }
0xd1: {  	v24 =	vbroadcast v8, $0x2;
	v13 =	vld [tilespmem:s20+$0xFFFFFFC0];
	v11 =	vsel vm1, v11, v1;
	v14 =	vbroadcast v22, $0xF  }
0xd2: {  	v8 =	vbroadcast v8, $0x3;
	[tilespmem:s16+$0xFFFFFFB0] =	vst v21;
	v16 =	vpop (erf);
	v22 =	vld [tilespmem:s20+$0xFFFFFFF0];
	v1 =	vbroadcast v2, $0x3;
	v2 =	vsel vm2, v11, v6  }
0xd3: {  	v63 =	vld [tilespmem:s2+$0xFFFFFFF0];
	s23 =	simm.s32 $0x9F00;
	v17 =	vmul.f32 v17, v4;
	[tilespmem:s18+$0xFFFFFFF0] =	vst v16;
	v7 =	vmul.f32 v7, v10;
	v2 =	vsel vm3, v2, v14  }
0xd4: {  	v57 =	vld [tilespmem:s23+$0x0];
	[tilespmem:s15+$0xFFFFFFC0] =	vst v12;
	s20 =	simm.s32 $0x11670;
	v4 =	vpop (erf);
	v6 =	vmul.f32 v24, v15;
	v15 =	vmul.f32 $2.500000000e-01, v2  }
0xd5: {  	s4 =	simm.s32 $0xC600;
	v21 =	vld [tilespmem:s25+$0xFFFFFFE0];
	v3, _, _ =	vpop (xrf2);
	v14 =	vbroadcast v5, $0x1;
	v10 =	vmul.f32 v18, v20;
	[tilespmem:s20+$0x40] =	vst v4  }
0xd6: {  	v26 =	vld [tilespmem:s4+$0x0];
	[tilespmem:s18+$0x20] =	vst v6;
	v6 =	vmul.f32 v13, v19;
	v13, _, _ =	vpop (xrf2);
	v15 =	vmul.f32 $1.442695020e+00, v15  }
0xd7: {  	v11 =	vld [tilespmem:s19+$0xFFFFFFC0];
	v2 =	vbroadcast v5, $0x2;
	v22 =	vmul.f32 v22, v23;
	v20, _, _ =	vpop (xrf2)  }
0xd8: {  	v19 =	vld [tilespmem:s19+$0x30];
	(erf) = vpow2.f32 v15;
	v20 =	vbroadcast v20, $0xF;
	(xrf2) =	vadd.scan.msk.f32 $0xffff, v6  }
0xd9: {  	v18 =	vld [tilespmem:s23+$0x20];
	v13 =	vbroadcast v13, $0xF;
	v6 =	vbroadcast v4, $0x0;
	(xrf2) =	vadd.scan.msk.f32 $0xffff, v7  }
0xda: {  	v28 =	vbroadcast v4, $0x1;
	v15 =	vld [tilespmem:s2+$0x20];
	v7 =	vnsel vm0, $0x0, v20;
	v20 =	vbroadcast v3, $0xF;
	v3, _, _ =	vpop (xrf2);
	(xrf2) =	vadd.scan.msk.f32 $0xffff, v10  }
0xdb: {  	v23 =	vld [tilespmem:s23+$0x10];
	v6 =	vmul.f32 v6, v26;
	v7 =	vsel vm1, v7, v13;
	v13 =	vbroadcast v3, $0xF;
	(xrf2) =	vadd.scan.msk.f32 $0xffff, v22  }
0xdc: {  	v10 =	vld [tilespmem:s2+$0x10];
	v3 =	vbroadcast v5, $0x3;
	v5 =	vsel vm2, v7, v20;
	v20 =	vbroadcast v16, $0x0  }
0xdd: {  	v12 =	vld [tilespmem:s17+$0xFFFFFFD0];
	v7 =	vbroadcast v16, $0x1;
	v59 =	vmul.f32 v8, v19;
	[tilespmem:s20+$0x0] =	vst v6;
	v5 =	vsel vm3, v5, v13  }
0xde: {  	v19 =	vmul.f32 v25, v21;
	v13 =	vmul.f32 $2.500000000e-01, v5;
	v58 =	vld [tilespmem:s4+$0x10]  }
0xdf: {  	v22 =	vld [tilespmem:s2+$0x0];
	v6 =	vbroadcast v16, $0x2;
	v15 =	vmul.f32 v15, v18  }
0xe0: {  	v9 =	vld [tilespmem:s17+$0x30];
	v5 =	vbroadcast v16, $0x3;
	v13 =	vmul.f32 $1.442695020e+00, v13  }
0xe1: {  	v18 =	vld [tilespmem:s2+$0x30];
	v11 =	vmul.f32 v20, v11;
	v10 =	vmul.f32 v10, v23;
	v29 =	vpop (erf)  }
0xe2: {  	v20 =	vld [tilespmem:s23+$0x30];
	(erf) = vpow2.f32 v13;
	v13 =	vmul.f32 v14, v12;
	v12, _, _ =	vpop (xrf2);
	(xrf2) =	vadd.scan.msk.f32 $0xffff, v15  }
0xe3: {  	v62 =	vld [tilespmem:s23+$0xFFFFFFF0];
	v14 =	vmul.f32 v28, v58;
	v8 =	vbroadcast v12, $0xF;
	v12, _, _ =	vpop (xrf2)  }
0xe4: {  	[tilespmem:s15+$0x30] =	vst v17;
	v16 =	vld [tilespmem:s23+$0xFFFFFFC0];
	v22 =	vmul.f32 v22, v57;
	v12 =	vbroadcast v12, $0xF;
	v21, _, _ =	vpop (xrf2)  }
0xe5: {  	v23 =	vld [tilespmem:s23+$0xFFFFFFD0];
	(xrf2) =	vadd.scan.msk.f32 $0xffff, v10;
	[tilespmem:s20+$0x10] =	vst v14;
	v8 =	vnsel vm0, $0x0, v8;
	v14 =	vbroadcast v21, $0xF;
	v17, _, _ =	vpop (xrf2)  }
0xe6: {  	v9 =	vmul.f32 v56, v9;
	(xrf2) =	vadd.scan.msk.f32 $0xffff, v22;
	v21 =	vld [tilespmem:s4+$0x20];
	v8 =	vsel vm1, v8, v12;
	v17 =	vbroadcast v17, $0xF  }
0xe7: {  	v15 =	vld [tilespmem:s2+$0xFFFFFFD0];
	v18 =	vmul.f32 v18, v20;
	v8 =	vsel vm2, v8, v14  }
0xe8: {  	[tilespmem:s16+$0x30] =	vst v9;
	v10 =	vld [tilespmem:s23+$0xFFFFFFE0];
	v8 =	vsel vm3, v8, v17;
	v17 =	vbroadcast v4, $0x2  }
0xe9: {  	v61 =	vbroadcast v29, $0x0;
	[tilespmem:s20+$0xFFFFFFF0] =	vst v29;
	(xrf2) =	vadd.scan.msk.f32 $0xffff, v18  }
0xea: {  	[tilespmem:s18+$0xFFFFFFB0] =	vst v11;
	v9 =	vbroadcast v29, $0x2;
	v16 =	vmul.f32 v27, v16;
	v30 =	vld [tilespmem:s4+$0xFFFFFFC0]  }
0xeb: {  	[tilespmem:s16+$0xFFFFFFC0] =	vst v13;
	v14 =	vld [tilespmem:s19+$0xFFFFFFD0];
	v8 =	vmul.f32 $2.500000000e-01, v8;
	v11 =	vpop (erf);
	v21 =	vmul.f32 v17, v21  }
0xec: {  	s6 =	simm.s32 $0x11710;
	[tilespmem:s15+$0xFFFFFFD0] =	vst v19;
	v20 =	vmul.f32 v63, v62;
	v13 =	vld [tilespmem:s17+$0xFFFFFFE0];
	v15 =	vmul.f32 v15, v23;
	v17, _, _ =	vpop (xrf2);
	(xrf2) =	vadd.scan.msk.f32 $0xffff, v16  }
0xed: {  	s3 =	simm.s32 $0xC680;
	v19 =	vmul.f32 v60, v10;
	v10 =	vld [tilespmem:s25+$0xFFFFFFF0];
	v18 =	vmul.f32 $1.442695020e+00, v8;
	[tilespmem:s6+$0x40] =	vst v11  }
0xee: {  	v12 =	vbroadcast v29, $0x1;
	v8 =	vbroadcast v29, $0x3;
	v16 =	vld [tilespmem:s3+$0x0];
	[tilespmem:s20+$0x20] =	vst v21  }
0xef: {  	s5 =	simm.s32 $0x9F80;
	[tilespmem:s18+$0x30] =	vst v59;
	s23 =	simm.s32 $0xA;
	s25 =	simm.s32 $0xC680;
	(erf) = vpow2.f32 v18;
	v18 =	vmul.f32 v61, v30;
	v21, _, _ =	vpop (xrf2);
	(xrf2) =	vadd.scan.msk.f32 $0xffff, v15;
	v15 =	vld [tilespmem:s4+$0x30]  }
.LBB2_5:
0xf0: {  	v22 =	vld [tilespmem:s5+$0x20];
	s2 =	sadd.s32 $0x80, s2;
	v23, _, _ =	vpop (xrf2);
	v14 =	vmul.f32 v7, v14;
	v7 =	vmov v12  }
0xf1: {  	v24 =	vbroadcast v11, $0x0;
	v12 =	vld [tilespmem:s2+$0x20];
	v25 =	vbroadcast v23, $0xF;
	[tilespmem:s20+$0xFFFFFFB0] =	vst v18  }
0xf2: {  	v21 =	vbroadcast v21, $0xF;
	v18 =	vld [tilespmem:s2+$0xFFFFFFC0];
	(xrf2) =	vadd.scan.msk.f32 $0xffff, v19;
	v19 =	vbroadcast v4, $0x3;
	[tilespmem:s18+$0xFFFFFFC0] =	vst v14;
	v4 =	vmovc v11  }
0xf3: {  	v17 =	vbroadcast v17, $0xF;
	v11 =	vld [tilespmem:s5+$0x10];
	v14 =	vnsel vm0, $0x0, v25;
	v23, _, _ =	vpop (xrf2);
	v16 =	vmul.f32 v24, v16  }
0xf4: {  	v24 =	vld [tilespmem:s2+$0x10];
	v25 =	vsel vm1, v14, v21;
	v21 =	vbroadcast v23, $0xF;
	v15 =	vmul.f32 v19, v15  }
0xf5: {  	v23 =	vmul.f32 v2, v13;
	v2 =	vmovc v6;
	v19 =	vld [tilespmem:s5+$0x0];
	v17 =	vsel vm2, v25, v17;
	(xrf2) =	vadd.scan.msk.f32 $0xffff, v20;
	[tilespmem:s6+$0x0] =	vst v16  }
0xf6: {  	v10 =	vmul.f32 v1, v10;
	v16 =	vld [tilespmem:s2+$0x0];
	v12 =	vmul.f32 v12, v22;
	v20 =	vsel vm3, v17, v21;
	v14, _, _ =	vpop (xrf2);
	[tilespmem:s20+$0x30] =	vst v15  }
0xf7: {  	v1 =	vmovc v3;
	v3 =	vmovc v5;
	v6 =	vmov v9;
	v21 =	vbroadcast v14, $0xF;
	v15 =	vmul.f32 $2.500000000e-01, v20;
	v17 =	vld [tilespmem:s3+$0x10];
	[tilespmem:s16+$0xFFFFFFD0] =	vst v23  }
0xf8: {  	s23 =	sadd.s32 $0x2, s23;
	v5 =	vmov v8;
	v9 =	vld [tilespmem:s5+$0xFFFFFFC0];
	(xrf2) =	vadd.scan.msk.f32 $0xffff, v12;
	v13 =	vpop (erf);
	[tilespmem:s15+$0xFFFFFFE0] =	vst v10;
	s15 =	smov.u32 s16;
	s16 =	smov.u32 s18  }
0xf9: {  	p1 =	slt.u32 s23, $0x4E;
	s18 =	smov.u32 s20;
	s20 =	smov.u32 s6;
	v8 =	vmul.f32 v24, v11;
	v10 =	vld [tilespmem:s5+$0x30];
	v11 =	vnsel vm0, $0x0, v21;
	v24 =	vmul.f32 $1.442695020e+00, v15;
	v14, _, _ =	vpop (xrf2);
	[tilespmem:s6+$0xFFFFFFF0] =	vst v13  }
0xfa: {  	v20 =	vbroadcast v4, $0x1;
	v15 =	vld [tilespmem:s2+$0x30];
	v14 =	vbroadcast v14, $0xF  }
0xfb: {  	v22 =	vbroadcast v13, $0x0;
	v21 =	vld [tilespmem:s5+$0xFFFFFFD0];
	(xrf2) =	vadd.scan.msk.f32 $0xffff, v8;
	(erf) = vpow2.f32 v24  }
0xfc: {  	v8 =	vmul.f32 v16, v19;
	v23 =	vld [tilespmem:s2+$0xFFFFFFD0];
	v11 =	vsel vm1, v11, v14;
	v12, _, _ =	vpop (xrf2);
	v20 =	vmul.f32 v20, v17  }
0xfd: {  	v16 =	vmul.f32 v18, v9;
	v18 =	vld [tilespmem:s5+$0xFFFFFFE0];
	v17 =	vbroadcast v12, $0xF  }
0xfe: {  	v12 =	vbroadcast v13, $0x1;
	v9 =	vbroadcast v13, $0x2;
	v19 =	vld [tilespmem:s2+$0xFFFFFFE0];
	(xrf2) =	vadd.scan.msk.f32 $0xffff, v8;
	[tilespmem:s6+$0x10] =	vst v20  }
0xff: {  	v8 =	vbroadcast v13, $0x3;
	v10 =	vmul.f32 v15, v10;
	v11 =	vsel vm2, v11, v17;
	v14, _, _ =	vpop (xrf2);
	v13 =	vld [tilespmem:s3+$0x20]  }
0x100: {  	v15 =	vld [tilespmem:s5+$0xFFFFFFF0];
	v14 =	vbroadcast v14, $0xF  }
0x101: {  	v23 =	vmul.f32 v23, v21;
	v20 =	vld [tilespmem:s2+$0xFFFFFFF0];
	(xrf2) =	vadd.scan.msk.f32 $0xffff, v10  }
0x102: {  	v25 =	vbroadcast v4, $0x2;
	v17, _, _ =	vpop (xrf2);
	v10 =	vsel vm3, v11, v14;
	v24 =	vld [tilespmem:s3+$0xFFFFFFC0]  }
.Ltmp1:
0x103: {  	v19 =	vmul.f32 v19, v18;
	v10 =	vmul.f32 $2.500000000e-01, v10;
	v14 =	vld [tilespmem:s4+$0xFFFFFFD0];
	(pc) =	sbr.rel @p1 .LBB2_5-.Ltmp1, $4  }
0x104: {  	s6 =	sadd.s32 $0xA0, s6;
	(xrf2) =	vadd.scan.msk.f32 $0xffff, v16;
	v11 =	vpop (erf);
	v18 =	vmul.f32 v25, v13;
	v13 =	vld [tilespmem:s19+$0xFFFFFFE0]  }
0x105: {  	s3 =	sadd.s32 $0x80, s3;
	v21, _, _ =	vpop (xrf2);
	v25 =	vmul.f32 $1.442695020e+00, v10;
	[tilespmem:s6+$0x40] =	vst v11;
	v10 =	vld [tilespmem:s17+$0xFFFFFFF0];
	s17 =	smov.u32 s19;
	s19 =	smov.u32 s4  }
0x106: {  	s4 =	smov.u32 s25;
	s25 =	smov.u32 s3;
	v20 =	vmul.f32 v20, v15;
	v16 =	vld [tilespmem:s3+$0x0];
	[tilespmem:s20+$0x20] =	vst v18  }
0x107: {  	s5 =	sadd.s32 $0x80, s5;
	(xrf2) =	vadd.scan.msk.f32 $0xffff, v23;
	(erf) = vpow2.f32 v25;
	v18 =	vmul.f32 v22, v24;
	v15 =	vld [tilespmem:s4+$0x30]  }
0x108: {  	(xrf2) =	vadd.scan.msk.f32 $0xffff, v19  }
0x109: {  	(xrf2) =	vadd.scan.msk.f32 $0xffff, v20;
	_ =	sdelay $0x2  }
0x10a: {  	v19, _, _ =	vpop (xrf2)  }
0x10b: {  	v19 =	vbroadcast v19, $0xF  }
0x10c: {  	v20 =	vbroadcast v21, $0xF  }
0x10d: {  	v17 =	vbroadcast v17, $0xF;
	v19 =	vnsel vm0, $0x0, v19;
	v21, _, _ =	vpop (xrf2)  }
0x10e: {  	v19 =	vsel vm1, v19, v20;
	v20 =	vbroadcast v21, $0xF;
	v21, _, _ =	vpop (xrf2)  }
0x10f: {  	v17 =	vsel vm2, v19, v17;
	v19 =	vbroadcast v21, $0xF;
	v21, _, _ =	vpop (xrf2)  }
0x110: {  	v17 =	vsel vm3, v17, v20;
	v20 =	vbroadcast v21, $0xF;
	v21, _, _ =	vpop (xrf2)  }
0x111: {  	v17 =	vmul.f32 $2.500000000e-01, v17;
	v19 =	vnsel vm0, $0x0, v19;
	v21 =	vbroadcast v21, $0xF;
	v22, _, _ =	vpop (xrf2)  }
0x112: {  	v19 =	vsel vm1, v19, v20;
	v20 =	vbroadcast v22, $0xF  }
0x113: {  	v17 =	vmul.f32 $1.442695020e+00, v17;
	v19 =	vsel vm2, v19, v21  }
0x114: {  	v19 =	vsel vm3, v19, v20  }
0x115: {  	(erf) = vpow2.f32 v17;
	v17 =	vmul.f32 $2.500000000e-01, v19;
	_ =	sdelay $0x1  }
0x116: {  	v17 =	vmul.f32 $1.442695020e+00, v17;
	_ =	sdelay $0x1  }
0x117: {  	(erf) = vpow2.f32 v17;
	_ =	sdelay $0x3  }
0x118: {  	v17 =	vpop (erf)  }
0x119: {  	s2 =	sadd.s32 $0xA0, s6;
	v19 =	vpop (erf)  }
0x11a: {  	s5 =	sadd.s32 $0x80, s3;
	[tilespmem:s2+$0x40] =	vst v19  }
0x11b: {  	v20 =	vld [tilespmem:s5+$0x0]  }
0x11c: {  	v21 =	vbroadcast v11, $0x0  }
0x11d: {  	[tilespmem:s6+$0xFFFFFFF0] =	vst v17;
	v22 =	vpop (erf)  }
0x11e: {  	v16 =	vmul.f32 v21, v16;
	v21 =	vld [tilespmem:s3+$0xFFFFFFC0];
	v23 =	vbroadcast v19, $0x0;
	[tilespmem:s2+$0xFFFFFFF0] =	vst v22  }
0x11f: {  	v24 =	vld [tilespmem:s5+$0xFFFFFFC0]  }
0x120: {  	[tilespmem:s6+$0x0] =	vst v16;
	v16 =	vmul.f32 v23, v20  }
0x121: {  	v20 =	vld [tilespmem:s3+$0x10];
	v23 =	vbroadcast v17, $0x0  }
0x122: {  	[tilespmem:s2+$0x0] =	vst v16;
	v16 =	vbroadcast v22, $0x0  }
0x123: {  	v21 =	vmul.f32 v23, v21;
	v23 =	vld [tilespmem:s5+$0x10]  }
0x124: {  	[tilespmem:s20+$0xFFFFFFB0] =	vst v18;
	v18 =	vbroadcast v11, $0x1;
	v16 =	vmul.f32 v16, v24  }
0x125: {  	v54 =	vld [tilespmem:s4+$0xFFFFFFD0];
	[tilespmem:s6+$0xFFFFFFB0] =	vst v21  }
0x126: {  	v18 =	vmul.f32 v18, v20;
	v20 =	vbroadcast v19, $0x1;
	v21 =	vld [tilespmem:s25+$0xFFFFFFD0];
	[tilespmem:s2+$0xFFFFFFB0] =	vst v16  }
0x127: {  	v16 =	vld [tilespmem:s5+$0xFFFFFFD0]  }
0x128: {  	[tilespmem:s6+$0x10] =	vst v18;
	v18 =	vmul.f32 v20, v23  }
0x129: {  	v7 =	vmul.f32 v7, v14;
	v14 =	vbroadcast v17, $0x1;
	v20 =	vld [tilespmem:s3+$0x20]  }
0x12a: {  	v12 =	vmul.f32 v12, v54;
	v23 =	vbroadcast v22, $0x1;
	[tilespmem:s2+$0x10] =	vst v18  }
0x12b: {  	v4 =	vbroadcast v4, $0x3;
	[tilespmem:s18+$0xFFFFFFC0] =	vst v7;
	v14 =	vmul.f32 v14, v21;
	v7 =	vld [tilespmem:s5+$0x20]  }
0x12c: {  	[tilespmem:s20+$0xFFFFFFC0] =	vst v12;
	v18 =	vbroadcast v11, $0x2;
	v21 =	vld [tilespmem:s19+$0xFFFFFFE0];
	v12 =	vmul.f32 v23, v16  }
0x12d: {  	v4 =	vmul.f32 v4, v15;
	v15 =	vld [tilespmem:s4+$0xFFFFFFE0];
	[tilespmem:s6+$0xFFFFFFC0] =	vst v14  }
0x12e: {  	v14 =	vmul.f32 v18, v20;
	v18 =	vld [tilespmem:s25+$0xFFFFFFE0];
	v16 =	vbroadcast v19, $0x2;
	[tilespmem:s2+$0xFFFFFFC0] =	vst v12  }
0x12f: {  	v2 =	vmul.f32 v2, v13;
	[tilespmem:s20+$0x30] =	vst v4;
	v4 =	vld [tilespmem:s5+$0xFFFFFFE0]  }
0x130: {  	[tilespmem:s6+$0x20] =	vst v14;
	v7 =	vmul.f32 v16, v7  }
0x131: {  	[tilespmem:s16+$0xFFFFFFD0] =	vst v2;
	v2 =	vbroadcast v17, $0x2;
	v6 =	vmul.f32 v6, v21;
	v12 =	vld [tilespmem:s25+$0x30]  }
0x132: {  	v13 =	vld [tilespmem:s17+$0xFFFFFFF0];
	v14 =	vbroadcast v22, $0x2;
	[tilespmem:s2+$0x20] =	vst v7;
	v7 =	vmul.f32 v9, v15  }
0x133: {  	[tilespmem:s18+$0xFFFFFFD0] =	vst v6;
	v2 =	vmul.f32 v2, v18;
	v6 =	vld [tilespmem:s5+$0x30]  }
0x134: {  	v9 =	vbroadcast v11, $0x3;
	v11 =	vld [tilespmem:s19+$0xFFFFFFF0];
	[tilespmem:s20+$0xFFFFFFD0] =	vst v7;
	v4 =	vmul.f32 v14, v4  }
0x135: {  	v1 =	vmul.f32 v1, v10;
	[tilespmem:s6+$0xFFFFFFD0] =	vst v2;
	v7 =	vld [tilespmem:s4+$0xFFFFFFF0]  }
0x136: {  	v2 =	vmul.f32 v9, v12;
	v9 =	vbroadcast v19, $0x3;
	v10 =	vld [tilespmem:s25+$0xFFFFFFF0];
	[tilespmem:s2+$0xFFFFFFD0] =	vst v4  }
0x137: {  	[tilespmem:s15+$0xFFFFFFE0] =	vst v1;
	v1 =	vmul.f32 v3, v13;
	v3 =	vld [tilespmem:s5+$0xFFFFFFF0]  }
0x138: {  	[tilespmem:s6+$0x30] =	vst v2;
	v2 =	vmul.f32 v9, v6  }
0x139: {  	[tilespmem:s16+$0xFFFFFFE0] =	vst v1;
	v1 =	vmul.f32 v5, v11;
	v4 =	vbroadcast v17, $0x3  }
0x13a: {  	v5 =	vbroadcast v22, $0x3;
	[tilespmem:s2+$0x30] =	vst v2;
	v2 =	vmul.f32 v8, v7  }
0x13b: {  	s4 =	smul.u32 $0x280, s13;
	[tilespmem:s18+$0xFFFFFFE0] =	vst v1;
	v1 =	vmul.f32 v4, v10  }
0x13c: {  	[tilespmem:s20+$0xFFFFFFE0] =	vst v2;
	v2 =	vmul.f32 v5, v3  }
0x13d: {  	s3 =	sshra.s32 s4, $0x2;
	[tilespmem:s6+$0xFFFFFFE0] =	vst v1  }
0x13e: {  	s5 =	sadd.s32 $0x4E20, s3;
	[tilespmem:s2+$0xFFFFFFE0] =	vst v2  }
0x13f: {  	[spmem:s1] =	stream.indirect.scatter.add.f32 [tilespmem:s21], [sflag:$0x7], $0x50, s5, s24, $0xb8;
	[tilespmem:$0x1F090] =	vst v63  }
0x140: {  	_ =	swait.ge [sflag:s22], $0x1900  }
0x141: {  	[sflag:s22] =	ssyncset.done $0x0  }
0x142: {  	[sflag:s22] =	ssyncadd.s32 $0xFFFFE700  }
0x143: {  	_ =	swait.ge [sflag:s7], $0x1400  }
0x144: {  	[sflag:s7] =	ssyncset.done $0x0  }
0x145: {  	[sflag:s7] =	ssyncadd.s32 $0xFFFFEC00  }
0x146: {  	_ =	swait.ge [sflag:s8], $0x1400  }
0x147: {  	s6 =	sshll.u32 s13, $0x1;
	[sflag:s8] =	ssyncset.done $0x0  }
0x148: {  	s2 =	smin.u32 s6, $0xF7;
	[sflag:s8] =	ssyncadd.s32 $0xFFFFEC00  }
0x149: {  	s2 =	smul.u32 $0x50, s2;
	_ =	swait.ge [sflag:s12], $0x1400  }
0x14a: {  	[sflag:s12] =	ssyncset.done $0x0  }
0x14b: {  	s15 =	sadd.s32 $0x4EC0, s2;
	[sflag:s12] =	ssyncadd.s32 $0xFFFFEC00  }
0x14c: {  	[tilespmem:s26], [sflag:$0x1] =	stream.indirect.gather [hbm4b:s9+s24], $0x40, s15, s24, $0xb8;
	[tilespmem:$0x1F090] =	vst v63  }
0x14d: {  	s2 =	sadd.s32 $0xA0, s2  }
0x14e: {  	[tilespmem:s28], [sflag:$0x2] =	stream.indirect.gather [hbm4b:s10+s24], $0x40, s2, s24, $0xb8;
	[tilespmem:$0x1F090] =	vst v63  }
0x14f: {  	s16 =	simm.s32 $0xD880  }
0x150: {  	[tilespmem:s29], [sflag:$0x3] =	stream.indirect.gather [hbm4b:s11+s24], $0x40, s2, s24, $0xb8;
	[tilespmem:$0x1F090] =	vst v63  }
0x151: {  	s17 =	simm.s32 $0xEC80;
	v1 =	vld [tilespmem:s16+$0x20]  }
0x152: {  	v2 =	vld [tilespmem:s17+$0x20]  }
0x153: {  	v3 =	vld [tilespmem:s16+$0x10]  }
0x154: {  	v4 =	vld [tilespmem:s17+$0x10]  }
0x155: {  	v5 =	vld [tilespmem:s16+$0x0]  }
0x156: {  	v6 =	vld [tilespmem:s17+$0x0];
	_ =	sdelay $0x2  }
0x157: {  	v1 =	vmul.f32 v2, v1  }
0x158: {  	v7 =	vld [tilespmem:s16+$0x30];
	v3 =	vmul.f32 v4, v3  }
0x159: {  	v2 =	vld [tilespmem:s17+$0x30];
	(xrf2) =	vadd.scan.msk.f32 $0xffff, v1;
	v1 =	vmul.f32 v6, v5  }
0x15a: {  	(xrf2) =	vadd.scan.msk.f32 $0xffff, v3  }
0x15b: {  	(xrf2) =	vadd.scan.msk.f32 $0xffff, v1;
	_ =	sdelay $0x2  }
0x15c: {  	s18 =	simm.s32 $0xD900;
	v9 =	vld [tilespmem:s17+$0xFFFFFFF0];
	v1 =	vmul.f32 v2, v7  }
0x15d: {  	s19 =	simm.s32 $0xED00;
	v11 =	vld [tilespmem:s18+$0x20]  }
0x15e: {  	v13 =	vld [tilespmem:s19+$0x20];
	(xrf2) =	vadd.scan.msk.f32 $0xffff, v1  }
0x15f: {  	v4 =	vld [tilespmem:s17+$0xFFFFFFD0]  }
0x160: {  	v5 =	vld [tilespmem:s16+$0xFFFFFFE0]  }
0x161: {  	v3 =	vld [tilespmem:s16+$0xFFFFFFC0];
	v8, _, _ =	vpop (xrf2)  }
0x162: {  	v2 =	vld [tilespmem:s17+$0xFFFFFFC0];
	v10, _, _ =	vpop (xrf2)  }
0x163: {  	v1 =	vld [tilespmem:s16+$0xFFFFFFD0];
	v12, _, _ =	vpop (xrf2)  }
0x164: {  	v6 =	vld [tilespmem:s17+$0xFFFFFFE0];
	v12 =	vbroadcast v12, $0xF  }
0x165: {  	v7 =	vld [tilespmem:s16+$0xFFFFFFF0]  }
0x166: {  	v14 =	vld [tilespmem:s18+$0x10];
	v10 =	vbroadcast v10, $0xF  }
0x167: {  	v15 =	vld [tilespmem:s19+$0x10];
	v2 =	vmul.f32 v2, v3;
	v8 =	vbroadcast v8, $0xF;
	v3 =	vnsel vm0, $0x0, v12  }
0x168: {  	v1 =	vmul.f32 v4, v1;
	v3 =	vsel vm1, v3, v10;
	v10 =	vld [tilespmem:s18+$0x0];
	v12, _, _ =	vpop (xrf2)  }
0x169: {  	v5 =	vmul.f32 v6, v5;
	(xrf2) =	vadd.scan.msk.f32 $0xffff, v2;
	v2 =	vsel vm2, v3, v8;
	v3 =	vld [tilespmem:s19+$0x0];
	v4 =	vbroadcast v12, $0xF  }
0x16a: {  	v6 =	vmul.f32 v9, v7;
	(xrf2) =	vadd.scan.msk.f32 $0xffff, v1  }
0x16b: {  	(xrf2) =	vadd.scan.msk.f32 $0xffff, v5;
	v5 =	vld [tilespmem:s19+$0x30];
	v1 =	vsel vm3, v2, v4;
	v2 =	vmul.f32 v13, v11  }
0x16c: {  	(xrf2) =	vadd.scan.msk.f32 $0xffff, v6;
	v4 =	vld [tilespmem:s18+$0x30]  }
0x16d: {  	v1 =	vmul.f32 $2.500000000e-01, v1;
	(xrf2) =	vadd.scan.msk.f32 $0xffff, v2;
	v2 =	vmul.f32 v15, v14  }
0x16e: {  	v3 =	vmul.f32 v3, v10  }
0x16f: {  	v1 =	vmul.f32 $1.442695020e+00, v1;
	(xrf2) =	vadd.scan.msk.f32 $0xffff, v2  }
0x170: {  	(xrf2) =	vadd.scan.msk.f32 $0xffff, v3  }
0x171: {  	v8 =	vld [tilespmem:s18+$0xFFFFFFE0];
	(erf) = vpow2.f32 v1;
	v1 =	vmul.f32 v5, v4  }
0x172: {  	v13 =	vld [tilespmem:s18+$0xFFFFFFF0]  }
0x173: {  	v10 =	vld [tilespmem:s19+$0xFFFFFFE0];
	v3, _, _ =	vpop (xrf2);
	(xrf2) =	vadd.scan.msk.f32 $0xffff, v1  }
0x174: {  	v14 =	vld [tilespmem:s19+$0xFFFFFFF0]  }
0x175: {  	v2 =	vld [tilespmem:s19+$0xFFFFFFC0];
	v1, _, _ =	vpop (xrf2)  }
0x176: {  	v4 =	vld [tilespmem:s18+$0xFFFFFFC0];
	v7, _, _ =	vpop (xrf2)  }
0x177: {  	v3 =	vbroadcast v3, $0xF;
	v9, _, _ =	vpop (xrf2)  }
0x178: {  	v6 =	vld [tilespmem:s19+$0xFFFFFFD0];
	v12 =	vbroadcast v1, $0xF;
	v11, _, _ =	vpop (xrf2)  }
0x179: {  	s23 =	simm.s32 $0xED80;
	v5 =	vld [tilespmem:s18+$0xFFFFFFD0];
	v8 =	vmul.f32 v10, v8;
	v3 =	vnsel vm0, $0x0, v3;
	v7 =	vbroadcast v7, $0xF;
	v15, _, _ =	vpop (xrf2)  }
0x17a: {  	v10 =	vmul.f32 v14, v13;
	v13 =	vld [tilespmem:s23+$0x0];
	v3 =	vsel vm1, v3, v12;
	v9 =	vbroadcast v9, $0xF;
	v16, _, _ =	vpop (xrf2)  }
0x17b: {  	s20 =	simm.s32 $0xD980;
	s15 =	simm.s32 $0x11490;
	v2 =	vmul.f32 v2, v4;
	v4 =	vld [tilespmem:s23+$0x20];
	v3 =	vsel vm2, v3, v7;
	v1 =	vpop (erf);
	v16 =	vbroadcast v16, $0xF  }
0x17c: {  	s25 =	simm.s32 $0x10080;
	v7 =	vld [tilespmem:s20+$0x20];
	v3 =	vsel vm3, v3, v9;
	[tilespmem:s15+$0x40] =	vst v1;
	v9 =	vbroadcast v15, $0xF  }
0x17d: {  	v11 =	vbroadcast v11, $0xF;
	v3 =	vmul.f32 $2.500000000e-01, v3;
	v12 =	vld [tilespmem:s25+$0x0];
	v17, _, _ =	vpop (xrf2);
	v16 =	vnsel vm0, $0x0, v16  }
0x17e: {  	v5 =	vmul.f32 v6, v5;
	v6 =	vld [tilespmem:s23+$0x10];
	v9 =	vsel vm1, v16, v9;
	v16 =	vbroadcast v17, $0xF  }
0x17f: {  	v15 =	vld [tilespmem:s20+$0x10];
	(xrf2) =	vadd.scan.msk.f32 $0xffff, v2;
	v2 =	vmul.f32 $1.442695020e+00, v3;
	v9 =	vsel vm2, v9, v11  }
0x180: {  	v3 =	vld [tilespmem:s20+$0x0];
	v11 =	vbroadcast v1, $0x0;
	v9 =	vsel vm3, v9, v16  }
0x181: {  	(xrf2) =	vadd.scan.msk.f32 $0xffff, v5;
	(erf) = vpow2.f32 v2;
	v2 =	vmul.f32 $2.500000000e-01, v9  }
0x182: {  	v4 =	vmul.f32 v4, v7;
	v7 =	vld [tilespmem:s23+$0x30];
	(xrf2) =	vadd.scan.msk.f32 $0xffff, v8;
	v5 =	vmul.f32 v11, v12  }
0x183: {  	v8 =	vld [tilespmem:s20+$0x30];
	(xrf2) =	vadd.scan.msk.f32 $0xffff, v10;
	v2 =	vmul.f32 $1.442695020e+00, v2  }
0x184: {  	[tilespmem:s15+$0x0] =	vst v5;
	v5 =	vmul.f32 v6, v15  }
0x185: {  	(xrf2) =	vadd.scan.msk.f32 $0xffff, v4;
	v6 =	vld [tilespmem:s25+$0x10];
	(erf) = vpow2.f32 v2;
	v2 =	vmul.f32 v13, v3  }
0x186: {  	s4 =	simm.s32 $0xDA00;
	(xrf2) =	vadd.scan.msk.f32 $0xffff, v5  }
0x187: {  	v19 =	vld [tilespmem:s4+$0x20];
	(xrf2) =	vadd.scan.msk.f32 $0xffff, v2  }
0x188: {  	v4 =	vld [tilespmem:s23+$0xFFFFFFC0];
	v7 =	vmul.f32 v7, v8;
	v3 =	vbroadcast v1, $0x1  }
0x189: {  	v5 =	vld [tilespmem:s20+$0xFFFFFFC0];
	v8, _, _ =	vpop (xrf2)  }
0x18a: {  	v10 =	vld [tilespmem:s23+$0xFFFFFFD0];
	(xrf2) =	vadd.scan.msk.f32 $0xffff, v7;
	v2 =	vpop (erf);
	v3 =	vmul.f32 v3, v6  }
0x18b: {  	v9 =	vld [tilespmem:s20+$0xFFFFFFD0];
	v6, _, _ =	vpop (xrf2)  }
0x18c: {  	v21 =	vld [tilespmem:s4+$0x10];
	v8 =	vbroadcast v8, $0xF;
	v11, _, _ =	vpop (xrf2)  }
0x18d: {  	v16 =	vld [tilespmem:s23+$0xFFFFFFF0];
	v6 =	vbroadcast v6, $0xF;
	v13, _, _ =	vpop (xrf2)  }
0x18e: {  	s16 =	simm.s32 $0x11530;
	v12 =	vld [tilespmem:s23+$0xFFFFFFE0];
	v8 =	vnsel vm0, $0x0, v8;
	v4 =	vmul.f32 v4, v5;
	[tilespmem:s15+$0x10] =	vst v3;
	v5 =	vbroadcast v11, $0xF;
	v3 =	vpop (erf)  }
0x18f: {  	s17 =	simm.s32 $0x10100;
	v14 =	vld [tilespmem:s25+$0x20];
	v17, _, _ =	vpop (xrf2);
	v6 =	vsel vm1, v8, v6;
	v8 =	vbroadcast v13, $0xF;
	[tilespmem:s16+$0x40] =	vst v3  }
0x190: {  	v9 =	vmul.f32 v10, v9;
	v5 =	vsel vm2, v6, v5;
	v11, _, _ =	vpop (xrf2);
	v18 =	vld [tilespmem:s17+$0x0]  }
0x191: {  	v7 =	vld [tilespmem:s20+$0xFFFFFFE0];
	v6 =	vbroadcast v1, $0x2;
	v17 =	vbroadcast v17, $0xF;
	v5 =	vsel vm3, v5, v8;
	v13, _, _ =	vpop (xrf2)  }
0x192: {  	s5 =	simm.s32 $0xEE00;
	v15 =	vld [tilespmem:s20+$0xFFFFFFF0];
	v5 =	vmul.f32 $2.500000000e-01, v5;
	v13 =	vbroadcast v13, $0xF  }
0x193: {  	v8 =	vld [tilespmem:s5+$0x20];
	v20 =	vbroadcast v3, $0x0;
	v11 =	vbroadcast v11, $0xF  }
0x194: {  	v5 =	vmul.f32 $1.442695020e+00, v5;
	v22, _, _ =	vpop (xrf2);
	(xrf2) =	vadd.scan.msk.f32 $0xffff, v4;
	v4 =	vmul.f32 v6, v14;
	v6 =	vld [tilespmem:s4+$0x0];
	v13 =	vnsel vm0, $0x0, v13  }
0x195: {  	(xrf2) =	vadd.scan.msk.f32 $0xffff, v9;
	v9 =	vld [tilespmem:s5+$0x0];
	v18 =	vmul.f32 v20, v18;
	v11 =	vsel vm1, v13, v11;
	v13 =	vbroadcast v22, $0xF  }
0x196: {  	v7 =	vmul.f32 v12, v7;
	(erf) = vpow2.f32 v5;
	v5 =	vld [tilespmem:s4+$0x30];
	v11 =	vsel vm2, v11, v17  }
0x197: {  	v12 =	vmul.f32 v16, v15;
	v20 =	vld [tilespmem:s5+$0x10];
	[tilespmem:s16+$0x0] =	vst v18;
	v11 =	vsel vm3, v11, v13  }
0x198: {  	(xrf2) =	vadd.scan.msk.f32 $0xffff, v7;
	v7 =	vmul.f32 $2.500000000e-01, v11;
	v11 =	vld [tilespmem:s17+$0x10]  }
0x199: {  	s2 =	simm.s32 $0xEF00;
	(xrf2) =	vadd.scan.msk.f32 $0xffff, v12;
	v12 =	vld [tilespmem:s5+$0x30]  }
0x19a: {  	v27 =	vld [tilespmem:s2+$0xFFFFFFC0];
	v14 =	vbroadcast v3, $0x1  }
0x19b: {  	v60 =	vld [tilespmem:s2+$0xFFFFFFE0];
	[tilespmem:s15+$0xFFFFFFF0] =	vst v2;
	v8 =	vmul.f32 v8, v19;
	v7 =	vmul.f32 $1.442695020e+00, v7  }
0x19c: {  	v10 =	vld [tilespmem:s25+$0xFFFFFFC0];
	v6 =	vmul.f32 v9, v6;
	v13 =	vmul.f32 v20, v21  }
0x19d: {  	v15 =	vld [tilespmem:s5+$0xFFFFFFC0];
	(xrf2) =	vadd.scan.msk.f32 $0xffff, v8;
	(erf) = vpow2.f32 v7;
	v8 =	vmul.f32 v14, v11  }
0x19e: {  	v17 =	vld [tilespmem:s5+$0xFFFFFFE0];
	v5 =	vmul.f32 v12, v5;
	(xrf2) =	vadd.scan.msk.f32 $0xffff, v13  }
0x19f: {  	v9 =	vld [tilespmem:s4+$0xFFFFFFD0];
	(xrf2) =	vadd.scan.msk.f32 $0xffff, v6  }
0x1a0: {  	v20 =	vld [tilespmem:s5+$0xFFFFFFF0]  }
0x1a1: {  	v12 =	vbroadcast v2, $0x0;
	v7 =	vld [tilespmem:s4+$0xFFFFFFC0];
	[tilespmem:s16+$0x10] =	vst v8;
	v8, _, _ =	vpop (xrf2)  }
0x1a2: {  	v11 =	vld [tilespmem:s17+$0x20];
	(xrf2) =	vadd.scan.msk.f32 $0xffff, v5;
	v5 =	vpop (erf)  }
0x1a3: {  	v18 =	vbroadcast v3, $0x2;
	v10 =	vmul.f32 v12, v10;
	v12 =	vld [tilespmem:s4+$0xFFFFFFF0];
	v13, _, _ =	vpop (xrf2)  }
0x1a4: {  	v6 =	vld [tilespmem:s5+$0xFFFFFFD0];
	v16, _, _ =	vpop (xrf2)  }
0x1a5: {  	[tilespmem:s15+$0x20] =	vst v4;
	v14 =	vld [tilespmem:s4+$0xFFFFFFE0];
	v13 =	vbroadcast v13, $0xF;
	v19, _, _ =	vpop (xrf2)  }
0x1a6: {  	s18 =	simm.s32 $0x115D0;
	v4 =	vld [tilespmem:s25+$0x30];
	[tilespmem:s15+$0xFFFFFFB0] =	vst v10;
	v10 =	vbroadcast v8, $0xF;
	v8 =	vpop (erf)  }
0x1a7: {  	s19 =	simm.s32 $0x10180;
	v22 =	vld [tilespmem:s25+$0xFFFFFFD0];
	v7 =	vmul.f32 v15, v7;
	v11 =	vmul.f32 v18, v11;
	v18, _, _ =	vpop (xrf2);
	[tilespmem:s18+$0x40] =	vst v8  }
0x1a8: {  	s6 =	simm.s32 $0xDA80;
	v12 =	vmul.f32 v20, v12;
	v10 =	vnsel vm0, $0x0, v10;
	v15 =	vbroadcast v16, $0xF;
	v16, _, _ =	vpop (xrf2);
	v23 =	vld [tilespmem:s19+$0x0]  }
0x1a9: {  	v20 =	vld [tilespmem:s6+$0xFFFFFFE0];
	v6 =	vmul.f32 v6, v9;
	v10 =	vsel vm1, v10, v13;
	[tilespmem:s16+$0x20] =	vst v11;
	v11 =	vbroadcast v19, $0xF;
	v13, _, _ =	vpop (xrf2)  }
0x1aa: {  	v14 =	vmul.f32 v17, v14;
	(xrf2) =	vadd.scan.msk.f32 $0xffff, v7;
	v7 =	vld [tilespmem:s6+$0x10];
	v10 =	vsel vm2, v10, v15;
	v13 =	vbroadcast v13, $0xF  }
0x1ab: {  	s20 =	simm.s32 $0xEE80;
	v15 =	vld [tilespmem:s6+$0x20];
	v17 =	vbroadcast v8, $0x0;
	v16 =	vbroadcast v16, $0xF;
	v10 =	vsel vm3, v10, v11  }
0x1ac: {  	v18 =	vbroadcast v18, $0xF;
	v11 =	vld [tilespmem:s20+$0x20];
	v10 =	vmul.f32 $2.500000000e-01, v10;
	v13 =	vnsel vm0, $0x0, v13;
	v19, _, _ =	vpop (xrf2);
	(xrf2) =	vadd.scan.msk.f32 $0xffff, v6  }
0x1ad: {  	v13 =	vsel vm1, v13, v16;
	v6 =	vmul.f32 v17, v23;
	v17 =	vld [tilespmem:s20+$0x10];
	v16 =	vbroadcast v19, $0xF  }
0x1ae: {  	v10 =	vmul.f32 $1.442695020e+00, v10;
	(xrf2) =	vadd.scan.msk.f32 $0xffff, v14;
	v14 =	vld [tilespmem:s6+$0x0];
	v13 =	vsel vm2, v13, v18  }
0x1af: {  	(xrf2) =	vadd.scan.msk.f32 $0xffff, v12;
	[tilespmem:s18+$0x0] =	vst v6;
	v6 =	vld [tilespmem:s20+$0x0];
	v13 =	vsel vm3, v13, v16  }
0x1b0: {  	(erf) = vpow2.f32 v10;
	v10 =	vmul.f32 $2.500000000e-01, v13;
	v12 =	vld [tilespmem:s19+$0x10]  }
0x1b1: {  	v25 =	vbroadcast v2, $0x2;
	v18 =	vbroadcast v8, $0x1;
	v16 =	vld [tilespmem:s6+$0x30]  }
0x1b2: {  	[tilespmem:s16+$0xFFFFFFF0] =	vst v5;
	v11 =	vmul.f32 v11, v15;
	v15 =	vld [tilespmem:s20+$0x30];
	v10 =	vmul.f32 $1.442695020e+00, v10  }
0x1b3: {  	v56 =	vbroadcast v3, $0x3;
	v21 =	vld [tilespmem:s17+$0xFFFFFFC0];
	v7 =	vmul.f32 v17, v7  }
0x1b4: {  	v19 =	vld [tilespmem:s6+$0xFFFFFFC0];
	(xrf2) =	vadd.scan.msk.f32 $0xffff, v11;
	(erf) = vpow2.f32 v10;
	v6 =	vmul.f32 v6, v14  }
0x1b5: {  	v23 =	vld [tilespmem:s6+$0xFFFFFFF0];
	v17 =	vbroadcast v1, $0x3;
	v14, _, _ =	vpop (xrf2);
	(xrf2) =	vadd.scan.msk.f32 $0xffff, v7;
	v11 =	vmul.f32 v18, v12  }
0x1b6: {  	v1 =	vbroadcast v5, $0x0;
	v10 =	vld [tilespmem:s6+$0xFFFFFFD0];
	v12 =	vbroadcast v2, $0x1;
	v18, _, _ =	vpop (xrf2);
	(xrf2) =	vadd.scan.msk.f32 $0xffff, v6  }
0x1b7: {  	v7 =	vld [tilespmem:s20+$0xFFFFFFD0];
	[tilespmem:s18+$0x10] =	vst v11;
	v11 =	vbroadcast v14, $0xF;
	v14 =	vmul.f32 v15, v16  }
0x1b8: {  	v21 =	vmul.f32 v1, v21;
	v1 =	vbroadcast v18, $0xF;
	v6, _, _ =	vpop (xrf2);
	v15 =	vld [tilespmem:s19+$0x20]  }
0x1b9: {  	v18 =	vld [tilespmem:s20+$0xFFFFFFE0];
	v12 =	vmul.f32 v12, v22;
	v11 =	vnsel vm0, $0x0, v11;
	v6 =	vbroadcast v6, $0xF;
	v22, _, _ =	vpop (xrf2);
	(xrf2) =	vadd.scan.msk.f32 $0xffff, v14  }
0x1ba: {  	v55 =	vbroadcast v8, $0x2;
	v13 =	vld [tilespmem:s20+$0xFFFFFFC0];
	v11 =	vsel vm1, v11, v1;
	v14 =	vbroadcast v22, $0xF  }
0x1bb: {  	v8 =	vbroadcast v8, $0x3;
	[tilespmem:s16+$0xFFFFFFB0] =	vst v21;
	v16 =	vpop (erf);
	v22 =	vld [tilespmem:s20+$0xFFFFFFF0];
	v1 =	vbroadcast v2, $0x3;
	v2 =	vsel vm2, v11, v6  }
0x1bc: {  	v63 =	vld [tilespmem:s2+$0xFFFFFFF0];
	s23 =	simm.s32 $0xDB00;
	v17 =	vmul.f32 v17, v4;
	[tilespmem:s18+$0xFFFFFFF0] =	vst v16;
	v7 =	vmul.f32 v7, v10;
	v2 =	vsel vm3, v2, v14  }
0x1bd: {  	v57 =	vld [tilespmem:s23+$0x0];
	[tilespmem:s15+$0xFFFFFFC0] =	vst v12;
	s20 =	simm.s32 $0x11670;
	v4 =	vpop (erf);
	v6 =	vmul.f32 v55, v15;
	v15 =	vmul.f32 $2.500000000e-01, v2  }
0x1be: {  	s4 =	simm.s32 $0x10200;
	v21 =	vld [tilespmem:s25+$0xFFFFFFE0];
	v3, _, _ =	vpop (xrf2);
	v14 =	vbroadcast v5, $0x1;
	v10 =	vmul.f32 v18, v20;
	[tilespmem:s20+$0x40] =	vst v4  }
0x1bf: {  	v26 =	vld [tilespmem:s4+$0x0];
	[tilespmem:s18+$0x20] =	vst v6;
	v6 =	vmul.f32 v13, v19;
	v13, _, _ =	vpop (xrf2);
	v15 =	vmul.f32 $1.442695020e+00, v15  }
0x1c0: {  	v11 =	vld [tilespmem:s19+$0xFFFFFFC0];
	v2 =	vbroadcast v5, $0x2;
	v22 =	vmul.f32 v22, v23;
	v20, _, _ =	vpop (xrf2)  }
0x1c1: {  	v19 =	vld [tilespmem:s19+$0x30];
	(erf) = vpow2.f32 v15;
	v20 =	vbroadcast v20, $0xF;
	(xrf2) =	vadd.scan.msk.f32 $0xffff, v6  }
0x1c2: {  	v18 =	vld [tilespmem:s23+$0x20];
	v13 =	vbroadcast v13, $0xF;
	v6 =	vbroadcast v4, $0x0;
	(xrf2) =	vadd.scan.msk.f32 $0xffff, v7  }
0x1c3: {  	v28 =	vbroadcast v4, $0x1;
	v15 =	vld [tilespmem:s2+$0x20];
	v7 =	vnsel vm0, $0x0, v20;
	v20 =	vbroadcast v3, $0xF;
	v3, _, _ =	vpop (xrf2);
	(xrf2) =	vadd.scan.msk.f32 $0xffff, v10  }
0x1c4: {  	v23 =	vld [tilespmem:s23+$0x10];
	v6 =	vmul.f32 v6, v26;
	v7 =	vsel vm1, v7, v13;
	v13 =	vbroadcast v3, $0xF;
	(xrf2) =	vadd.scan.msk.f32 $0xffff, v22  }
0x1c5: {  	v10 =	vld [tilespmem:s2+$0x10];
	v3 =	vbroadcast v5, $0x3;
	v5 =	vsel vm2, v7, v20;
	v20 =	vbroadcast v16, $0x0  }
0x1c6: {  	v12 =	vld [tilespmem:s17+$0xFFFFFFD0];
	v7 =	vbroadcast v16, $0x1;
	v59 =	vmul.f32 v8, v19;
	[tilespmem:s20+$0x0] =	vst v6;
	v5 =	vsel vm3, v5, v13  }
0x1c7: {  	v19 =	vmul.f32 v25, v21;
	v13 =	vmul.f32 $2.500000000e-01, v5;
	v58 =	vld [tilespmem:s4+$0x10]  }
0x1c8: {  	v22 =	vld [tilespmem:s2+$0x0];
	v6 =	vbroadcast v16, $0x2;
	v15 =	vmul.f32 v15, v18  }
0x1c9: {  	v9 =	vld [tilespmem:s17+$0x30];
	v5 =	vbroadcast v16, $0x3;
	v13 =	vmul.f32 $1.442695020e+00, v13  }
0x1ca: {  	v18 =	vld [tilespmem:s2+$0x30];
	v11 =	vmul.f32 v20, v11;
	v10 =	vmul.f32 v10, v23;
	v29 =	vpop (erf)  }
0x1cb: {  	v20 =	vld [tilespmem:s23+$0x30];
	(erf) = vpow2.f32 v13;
	v13 =	vmul.f32 v14, v12;
	v12, _, _ =	vpop (xrf2);
	(xrf2) =	vadd.scan.msk.f32 $0xffff, v15  }
0x1cc: {  	v62 =	vld [tilespmem:s23+$0xFFFFFFF0];
	v14 =	vmul.f32 v28, v58;
	v8 =	vbroadcast v12, $0xF;
	v12, _, _ =	vpop (xrf2)  }
0x1cd: {  	[tilespmem:s15+$0x30] =	vst v17;
	v16 =	vld [tilespmem:s23+$0xFFFFFFC0];
	v22 =	vmul.f32 v22, v57;
	v12 =	vbroadcast v12, $0xF;
	v21, _, _ =	vpop (xrf2)  }
0x1ce: {  	v23 =	vld [tilespmem:s23+$0xFFFFFFD0];
	(xrf2) =	vadd.scan.msk.f32 $0xffff, v10;
	[tilespmem:s20+$0x10] =	vst v14;
	v8 =	vnsel vm0, $0x0, v8;
	v14 =	vbroadcast v21, $0xF;
	v17, _, _ =	vpop (xrf2)  }
0x1cf: {  	v9 =	vmul.f32 v56, v9;
	(xrf2) =	vadd.scan.msk.f32 $0xffff, v22;
	v21 =	vld [tilespmem:s4+$0x20];
	v8 =	vsel vm1, v8, v12;
	v17 =	vbroadcast v17, $0xF  }
0x1d0: {  	v15 =	vld [tilespmem:s2+$0xFFFFFFD0];
	v18 =	vmul.f32 v18, v20;
	v8 =	vsel vm2, v8, v14  }
0x1d1: {  	[tilespmem:s16+$0x30] =	vst v9;
	v10 =	vld [tilespmem:s23+$0xFFFFFFE0];
	v8 =	vsel vm3, v8, v17;
	v17 =	vbroadcast v4, $0x2  }
0x1d2: {  	v61 =	vbroadcast v29, $0x0;
	[tilespmem:s20+$0xFFFFFFF0] =	vst v29;
	(xrf2) =	vadd.scan.msk.f32 $0xffff, v18  }
0x1d3: {  	[tilespmem:s18+$0xFFFFFFB0] =	vst v11;
	v9 =	vbroadcast v29, $0x2;
	v16 =	vmul.f32 v27, v16;
	v30 =	vld [tilespmem:s4+$0xFFFFFFC0]  }
0x1d4: {  	[tilespmem:s16+$0xFFFFFFC0] =	vst v13;
	v14 =	vld [tilespmem:s19+$0xFFFFFFD0];
	v8 =	vmul.f32 $2.500000000e-01, v8;
	v11 =	vpop (erf);
	v21 =	vmul.f32 v17, v21  }
0x1d5: {  	s6 =	simm.s32 $0x11710;
	[tilespmem:s15+$0xFFFFFFD0] =	vst v19;
	v20 =	vmul.f32 v63, v62;
	v13 =	vld [tilespmem:s17+$0xFFFFFFE0];
	v15 =	vmul.f32 v15, v23;
	v17, _, _ =	vpop (xrf2);
	(xrf2) =	vadd.scan.msk.f32 $0xffff, v16  }
0x1d6: {  	s3 =	simm.s32 $0x10280;
	v19 =	vmul.f32 v60, v10;
	v10 =	vld [tilespmem:s25+$0xFFFFFFF0];
	v18 =	vmul.f32 $1.442695020e+00, v8;
	[tilespmem:s6+$0x40] =	vst v11  }
0x1d7: {  	v12 =	vbroadcast v29, $0x1;
	v8 =	vbroadcast v29, $0x3;
	v16 =	vld [tilespmem:s3+$0x0];
	[tilespmem:s20+$0x20] =	vst v21  }
0x1d8: {  	s5 =	simm.s32 $0xDB80;
	[tilespmem:s18+$0x30] =	vst v59;
	s23 =	simm.s32 $0xA;
	s25 =	simm.s32 $0x10280;
	(erf) = vpow2.f32 v18;
	v18 =	vmul.f32 v61, v30;
	v21, _, _ =	vpop (xrf2);
	(xrf2) =	vadd.scan.msk.f32 $0xffff, v15;
	v15 =	vld [tilespmem:s4+$0x30]  }
.LBB2_7:
0x1d9: {  	v22 =	vld [tilespmem:s5+$0x20];
	s2 =	sadd.s32 $0x80, s2;
	v23, _, _ =	vpop (xrf2);
	v14 =	vmul.f32 v7, v14;
	v7 =	vmov v12  }
0x1da: {  	v24 =	vbroadcast v11, $0x0;
	v12 =	vld [tilespmem:s2+$0x20];
	v25 =	vbroadcast v23, $0xF;
	[tilespmem:s20+$0xFFFFFFB0] =	vst v18  }
0x1db: {  	v21 =	vbroadcast v21, $0xF;
	v18 =	vld [tilespmem:s2+$0xFFFFFFC0];
	(xrf2) =	vadd.scan.msk.f32 $0xffff, v19;
	v19 =	vbroadcast v4, $0x3;
	[tilespmem:s18+$0xFFFFFFC0] =	vst v14;
	v4 =	vmovc v11  }
0x1dc: {  	v17 =	vbroadcast v17, $0xF;
	v11 =	vld [tilespmem:s5+$0x10];
	v14 =	vnsel vm0, $0x0, v25;
	v23, _, _ =	vpop (xrf2);
	v16 =	vmul.f32 v24, v16  }
0x1dd: {  	v24 =	vld [tilespmem:s2+$0x10];
	v25 =	vsel vm1, v14, v21;
	v21 =	vbroadcast v23, $0xF;
	v15 =	vmul.f32 v19, v15  }
0x1de: {  	v23 =	vmul.f32 v2, v13;
	v2 =	vmovc v6;
	v19 =	vld [tilespmem:s5+$0x0];
	v17 =	vsel vm2, v25, v17;
	(xrf2) =	vadd.scan.msk.f32 $0xffff, v20;
	[tilespmem:s6+$0x0] =	vst v16  }
0x1df: {  	v10 =	vmul.f32 v1, v10;
	v16 =	vld [tilespmem:s2+$0x0];
	v12 =	vmul.f32 v12, v22;
	v20 =	vsel vm3, v17, v21;
	v14, _, _ =	vpop (xrf2);
	[tilespmem:s20+$0x30] =	vst v15  }
0x1e0: {  	v1 =	vmovc v3;
	v3 =	vmovc v5;
	v6 =	vmov v9;
	v21 =	vbroadcast v14, $0xF;
	v15 =	vmul.f32 $2.500000000e-01, v20;
	v17 =	vld [tilespmem:s3+$0x10];
	[tilespmem:s16+$0xFFFFFFD0] =	vst v23  }
0x1e1: {  	s23 =	sadd.s32 $0x2, s23;
	v5 =	vmov v8;
	v9 =	vld [tilespmem:s5+$0xFFFFFFC0];
	(xrf2) =	vadd.scan.msk.f32 $0xffff, v12;
	v13 =	vpop (erf);
	[tilespmem:s15+$0xFFFFFFE0] =	vst v10;
	s15 =	smov.u32 s16;
	s16 =	smov.u32 s18  }
0x1e2: {  	p1 =	slt.u32 s23, $0x4E;
	s18 =	smov.u32 s20;
	s20 =	smov.u32 s6;
	v8 =	vmul.f32 v24, v11;
	v10 =	vld [tilespmem:s5+$0x30];
	v11 =	vnsel vm0, $0x0, v21;
	v24 =	vmul.f32 $1.442695020e+00, v15;
	v14, _, _ =	vpop (xrf2);
	[tilespmem:s6+$0xFFFFFFF0] =	vst v13  }
0x1e3: {  	v20 =	vbroadcast v4, $0x1;
	v15 =	vld [tilespmem:s2+$0x30];
	v14 =	vbroadcast v14, $0xF  }
0x1e4: {  	v22 =	vbroadcast v13, $0x0;
	v21 =	vld [tilespmem:s5+$0xFFFFFFD0];
	(xrf2) =	vadd.scan.msk.f32 $0xffff, v8;
	(erf) = vpow2.f32 v24  }
0x1e5: {  	v8 =	vmul.f32 v16, v19;
	v23 =	vld [tilespmem:s2+$0xFFFFFFD0];
	v11 =	vsel vm1, v11, v14;
	v12, _, _ =	vpop (xrf2);
	v20 =	vmul.f32 v20, v17  }
0x1e6: {  	v16 =	vmul.f32 v18, v9;
	v18 =	vld [tilespmem:s5+$0xFFFFFFE0];
	v17 =	vbroadcast v12, $0xF  }
0x1e7: {  	v12 =	vbroadcast v13, $0x1;
	v9 =	vbroadcast v13, $0x2;
	v19 =	vld [tilespmem:s2+$0xFFFFFFE0];
	(xrf2) =	vadd.scan.msk.f32 $0xffff, v8;
	[tilespmem:s6+$0x10] =	vst v20  }
0x1e8: {  	v8 =	vbroadcast v13, $0x3;
	v10 =	vmul.f32 v15, v10;
	v11 =	vsel vm2, v11, v17;
	v14, _, _ =	vpop (xrf2);
	v13 =	vld [tilespmem:s3+$0x20]  }
0x1e9: {  	v15 =	vld [tilespmem:s5+$0xFFFFFFF0];
	v14 =	vbroadcast v14, $0xF  }
0x1ea: {  	v23 =	vmul.f32 v23, v21;
	v20 =	vld [tilespmem:s2+$0xFFFFFFF0];
	(xrf2) =	vadd.scan.msk.f32 $0xffff, v10  }
0x1eb: {  	v25 =	vbroadcast v4, $0x2;
	v17, _, _ =	vpop (xrf2);
	v10 =	vsel vm3, v11, v14;
	v24 =	vld [tilespmem:s3+$0xFFFFFFC0]  }
.Ltmp2:
0x1ec: {  	v19 =	vmul.f32 v19, v18;
	v10 =	vmul.f32 $2.500000000e-01, v10;
	v14 =	vld [tilespmem:s4+$0xFFFFFFD0];
	(pc) =	sbr.rel @p1 .LBB2_7-.Ltmp2, $4  }
0x1ed: {  	s6 =	sadd.s32 $0xA0, s6;
	(xrf2) =	vadd.scan.msk.f32 $0xffff, v16;
	v11 =	vpop (erf);
	v18 =	vmul.f32 v25, v13;
	v13 =	vld [tilespmem:s19+$0xFFFFFFE0]  }
0x1ee: {  	s3 =	sadd.s32 $0x80, s3;
	v21, _, _ =	vpop (xrf2);
	v25 =	vmul.f32 $1.442695020e+00, v10;
	[tilespmem:s6+$0x40] =	vst v11;
	v10 =	vld [tilespmem:s17+$0xFFFFFFF0];
	s17 =	smov.u32 s19;
	s19 =	smov.u32 s4  }
0x1ef: {  	s4 =	smov.u32 s25;
	s25 =	smov.u32 s3;
	v20 =	vmul.f32 v20, v15;
	v16 =	vld [tilespmem:s3+$0x0];
	[tilespmem:s20+$0x20] =	vst v18  }
0x1f0: {  	s5 =	sadd.s32 $0x80, s5;
	(xrf2) =	vadd.scan.msk.f32 $0xffff, v23;
	(erf) = vpow2.f32 v25;
	v18 =	vmul.f32 v22, v24;
	v15 =	vld [tilespmem:s4+$0x30]  }
0x1f1: {  	(xrf2) =	vadd.scan.msk.f32 $0xffff, v19  }
0x1f2: {  	(xrf2) =	vadd.scan.msk.f32 $0xffff, v20;
	_ =	sdelay $0x2  }
0x1f3: {  	v52, _, _ =	vpop (xrf2)  }
0x1f4: {  	v19 =	vbroadcast v52, $0xF  }
0x1f5: {  	v53 =	vbroadcast v21, $0xF  }
0x1f6: {  	v17 =	vbroadcast v17, $0xF;
	v54, _, _ =	vpop (xrf2);
	v19 =	vnsel vm0, $0x0, v19  }
0x1f7: {  	v19 =	vsel vm1, v19, v53;
	v55 =	vbroadcast v54, $0xF;
	v56, _, _ =	vpop (xrf2)  }
0x1f8: {  	v17 =	vsel vm2, v19, v17;
	v57 =	vbroadcast v56, $0xF;
	v58, _, _ =	vpop (xrf2)  }
0x1f9: {  	v17 =	vsel vm3, v17, v55;
	v59 =	vbroadcast v58, $0xF;
	v60, _, _ =	vpop (xrf2)  }
0x1fa: {  	v17 =	vmul.f32 $2.500000000e-01, v17;
	v19 =	vnsel vm0, $0x0, v57;
	v21 =	vbroadcast v60, $0xF;
	v22, _, _ =	vpop (xrf2)  }
0x1fb: {  	v19 =	vsel vm1, v19, v59;
	v61 =	vbroadcast v22, $0xF  }
0x1fc: {  	v17 =	vmul.f32 $1.442695020e+00, v17;
	v19 =	vsel vm2, v19, v21  }
0x1fd: {  	v19 =	vsel vm3, v19, v61  }
0x1fe: {  	(erf) = vpow2.f32 v17;
	v62 =	vmul.f32 $2.500000000e-01, v19;
	_ =	sdelay $0x1  }
0x1ff: {  	v17 =	vmul.f32 $1.442695020e+00, v62;
	_ =	sdelay $0x1  }
0x200: {  	(erf) = vpow2.f32 v17;
	_ =	sdelay $0x3  }
0x201: {  	v63 =	vpop (erf)  }
0x202: {  	s2 =	sadd.s32 $0xA0, s6;
	v28 =	vpop (erf)  }
0x203: {  	s5 =	sadd.s32 $0x80, s3;
	[tilespmem:s2+$0x40] =	vst v28  }
0x204: {  	v29 =	vld [tilespmem:s5+$0x0]  }
0x205: {  	v30 =	vbroadcast v11, $0x0  }
0x206: {  	[tilespmem:s6+$0xFFFFFFF0] =	vst v63;
	v31 =	vpop (erf)  }
0x207: {  	v16 =	vmul.f32 v30, v16;
	v32 =	vld [tilespmem:s3+$0xFFFFFFC0];
	v23 =	vbroadcast v28, $0x0;
	[tilespmem:s2+$0xFFFFFFF0] =	vst v31  }
0x208: {  	v24 =	vld [tilespmem:s5+$0xFFFFFFC0]  }
0x209: {  	[tilespmem:s6+$0x0] =	vst v16;
	v33 =	vmul.f32 v23, v29  }
0x20a: {  	v34 =	vld [tilespmem:s3+$0x10];
	v35 =	vbroadcast v63, $0x0  }
0x20b: {  	[tilespmem:s2+$0x0] =	vst v33;
	v36 =	vbroadcast v31, $0x0  }
0x20c: {  	v21 =	vmul.f32 v35, v32;
	v37 =	vld [tilespmem:s5+$0x10]  }
0x20d: {  	v38 =	vbroadcast v11, $0x1;
	[tilespmem:s20+$0xFFFFFFB0] =	vst v18;
	v16 =	vmul.f32 v36, v24  }
0x20e: {  	v39 =	vld [tilespmem:s4+$0xFFFFFFD0];
	[tilespmem:s6+$0xFFFFFFB0] =	vst v21  }
0x20f: {  	v18 =	vmul.f32 v38, v34;
	v21 =	vld [tilespmem:s25+$0xFFFFFFD0];
	v40 =	vbroadcast v28, $0x1;
	[tilespmem:s2+$0xFFFFFFB0] =	vst v16  }
0x210: {  	v16 =	vld [tilespmem:s5+$0xFFFFFFD0]  }
0x211: {  	[tilespmem:s6+$0x10] =	vst v18;
	v41 =	vmul.f32 v40, v37  }
0x212: {  	v7 =	vmul.f32 v7, v14;
	v43 =	vbroadcast v63, $0x1;
	v42 =	vld [tilespmem:s3+$0x20]  }
0x213: {  	v12 =	vmul.f32 v12, v39;
	v44 =	vbroadcast v31, $0x1;
	[tilespmem:s2+$0x10] =	vst v41  }
0x214: {  	[tilespmem:s18+$0xFFFFFFC0] =	vst v7;
	v14 =	vmul.f32 v43, v21;
	v45 =	vld [tilespmem:s5+$0x20]  }
0x215: {  	v46 =	vbroadcast v11, $0x2;
	v47 =	vld [tilespmem:s19+$0xFFFFFFE0];
	[tilespmem:s20+$0xFFFFFFC0] =	vst v12;
	v16 =	vmul.f32 v44, v16  }
0x216: {  	v4 =	vbroadcast v4, $0x3;
	v2 =	vmul.f32 v2, v13;
	v48 =	vld [tilespmem:s4+$0xFFFFFFE0];
	[tilespmem:s6+$0xFFFFFFC0] =	vst v14  }
0x217: {  	v49 =	vmul.f32 v46, v42;
	v50 =	vbroadcast v28, $0x2;
	v51 =	vld [tilespmem:s25+$0xFFFFFFE0];
	[tilespmem:s2+$0xFFFFFFC0] =	vst v16  }
0x218: {  	[tilespmem:s16+$0xFFFFFFD0] =	vst v2;
	v4 =	vmul.f32 v4, v15;
	v52 =	vld [tilespmem:s5+$0xFFFFFFE0]  }
0x219: {  	[tilespmem:s6+$0x20] =	vst v49;
	v7 =	vmul.f32 v50, v45  }
0x21a: {  	[tilespmem:s20+$0x30] =	vst v4;
	v6 =	vmul.f32 v6, v47;
	v2 =	vbroadcast v63, $0x2;
	v53 =	vld [tilespmem:s25+$0x30]  }
0x21b: {  	v54 =	vld [tilespmem:s17+$0xFFFFFFF0];
	v56 =	vmul.f32 v9, v48;
	v55 =	vbroadcast v31, $0x2;
	[tilespmem:s2+$0x20] =	vst v7  }
0x21c: {  	[tilespmem:s18+$0xFFFFFFD0] =	vst v6;
	v2 =	vmul.f32 v2, v51;
	v57 =	vld [tilespmem:s5+$0x30]  }
0x21d: {  	v58 =	vbroadcast v11, $0x3;
	v59 =	vld [tilespmem:s19+$0xFFFFFFF0];
	[tilespmem:s20+$0xFFFFFFD0] =	vst v56;
	v4 =	vmul.f32 v55, v52  }
0x21e: {  	v1 =	vmul.f32 v1, v10;
	[tilespmem:s6+$0xFFFFFFD0] =	vst v2;
	v7 =	vld [tilespmem:s4+$0xFFFFFFF0]  }
0x21f: {  	v60 =	vbroadcast v28, $0x3;
	v2 =	vmul.f32 v58, v53;
	v61 =	vld [tilespmem:s25+$0xFFFFFFF0];
	[tilespmem:s2+$0xFFFFFFD0] =	vst v4  }
0x220: {  	[tilespmem:s15+$0xFFFFFFE0] =	vst v1;
	v1 =	vmul.f32 v3, v54;
	v3 =	vld [tilespmem:s5+$0xFFFFFFF0]  }
0x221: {  	[tilespmem:s6+$0x30] =	vst v2;
	v2 =	vmul.f32 v60, v57  }
0x222: {  	[tilespmem:s16+$0xFFFFFFE0] =	vst v1;
	v62 =	vbroadcast v63, $0x3;
	v1 =	vmul.f32 v5, v59  }
0x223: {  	v63 =	vbroadcast v31, $0x3;
	[tilespmem:s2+$0x30] =	vst v2;
	v2 =	vmul.f32 v8, v7  }
0x224: {  	[tilespmem:s18+$0xFFFFFFE0] =	vst v1;
	v1 =	vmul.f32 v62, v61  }
0x225: {  	s13 =	sadd.s32 $0x1, s13;
	[tilespmem:s20+$0xFFFFFFE0] =	vst v2;
	v2 =	vmul.f32 v63, v3  }
0x226: {  	p1 =	sne.s32 s13, $0x7D;
	[tilespmem:s6+$0xFFFFFFE0] =	vst v1  }
.Ltmp3:
0x227: {  	[tilespmem:s2+$0xFFFFFFE0] =	vst v2;
	(pc) =	sbr.rel @p1 .LBB2_4-.Ltmp3, $4  }
0x228: {  	[spmem:s1] =	stream.indirect.scatter.add.f32 [tilespmem:s21], [sflag:$0x7], $0x50, s14, s24, $0xb8;
	[tilespmem:$0x1F090] =	vst v63  }
0x229: {  	_ =	swait.ge [sflag:s22], $0x1900  }
0x22a: {  	[sflag:s22] =	ssyncset.done $0x0  }
0x22b: {  	[sflag:s22] =	ssyncadd.s32 $0xFFFFE700  }
0x22c: {  	_ =	swait.ge [sflag:s30], $0x1400  }
0x22d: {  	[sflag:s30] =	ssyncset.done $0x0  }
0x22e: {  	[sflag:s30] =	ssyncadd.s32 $0xFFFFEC00  }
0x22f: {  	_ =	swait.ge [sflag:s31], $0x1400  }
0x230: {  	[sflag:s31] =	ssyncset.done $0x0  }
0x231: {  	[sflag:s31] =	ssyncadd.s32 $0xFFFFEC00  }
0x232: {  	_ =	swait.ge [sflag:s0], $0x1400  }
0x233: {  	[sflag:s0] =	ssyncset.done $0x0  }
0x234: {  	[sflag:s0] =	ssyncadd.s32 $0xFFFFEC00  }
0x235: {  	s2 =	stileid.u32;
	[bflag:$0x0] =	sbarrier.arrive $0xFFFF  }
0x236: {  	s2 =	sshll.u32 s2, $0x6;
	s3 =	rddreg [dreg:$0xa]  }
0x237: {  	s2 =	sor.u32 $0x1C07, s2;
	s4 =	rddreg [dreg:$0x13]  }
0x238: {  	[hbm:s3], [sflag:s2] =	dma.local [spmem:s4], $0x1860  }
0x239: {  	_ =	swait.ge [sflag:s22], $0x1860  }
0x23a: {  	[sflag:s22] =	ssyncset.done $0x0;
	s15 =	rddreg [dreg:$0x7]  }
0x23b: {  	s4 =	rddreg [dreg:$0xb];
	[sflag:s22] =	ssyncadd.s32 $0xFFFFE7A0;
	s3 =	sshrl.u32 @!p0 s15, $0x3  }
0x23c: {  	[hbm:s4], [sflag:s2] =	dma.local @!p0 [spmem:s3], $0xA0  }
0x23d: {  	s2 =	simm.s32 @!p0 $0x7  }
0x23e: {  	_ =	swait.ge @!p0 [sflag:s2], $0xA0  }
0x23f: {  	s13 =	rddreg [dreg:$0x4]  }
0x240: {  	s25 =	rddreg [dreg:$0xc];
	s13 =	sadd.s32 $0x1, s13  }
0x241: {  	p1 =	sne.s32 s13, s25  }
.Ltmp4:
0x242: {  	_ = 	snop;
	(pc) =	sbr.rel @p1 .LBB2_1-.Ltmp4, $3  }
0x243: {  	_ =	sdelay $0x1  }
0x244: {  	[sflag:s2] =	ssyncset.done @!p0 $0x0  }
0x245: {  	[sflag:s2] =	ssyncadd.s32 @!p0 $0xFFFFFF60  }
0x246: {  	_ =	sfence.sel $0x180000  }
0x247: {  	[bflag:$0x0] =	sbarrier.arrive $0xFFFF  }
0x248: {  	_ =	strace $0x9000004A  }
0x249: {  	[bflag:$0x2] =	sbarrier.arrive $0xFFFF  }
0x24a: {  	s0 =	rddreg [dreg:$0x3]  }
0x24b: {  	s0 =	sadd.s32 @!p0 $0x100000, s0  }
0x24c: {  	[sflag:s0] =	ssyncadd.tile.s32 @!p0 $0x1;
	_ =	shalt  }
.Lfunc_end2:
_tile_overlayer_lowered:
.L_overlay_start_2:
0x24d: {  	(tag) =	ssettag $0x2  }
0x24e: {  	s0 =	rddreg [dreg:$0x0];
	s2 =	stileid.u32  }
0x24f: {  	s1 =	rddreg [dreg:$0x1];
	p0 =	sne.s32 s2, $0x0  }
0x250: {  	s3 =	rddreg [dreg:$0x2];
	[bflag:$0x3] =	sbarrier.arrive $0xFFFF;
	s2 =	simm.s32 @!p0 $0x1C07  }
0x251: {  	[timem:s3], [sflag:s2] =	dma.local @!p0 [hbm:s0], s1  }
0x252: {  	s0 =	simm.s32 @!p0 $0x7  }
0x253: {  	_ =	swait.ge @!p0 [sflag:s0], s1  }
0x254: {  	s1 =	ssub.s32 @!p0 $0x0, s1;
	[sflag:s0] =	ssyncset.done @!p0 $0x0  }
0x255: {  	[sflag:s0] =	ssyncadd.s32 @!p0 s1  }
0x256: {  	[bflag:$0x3] =	sbarrier.arrive $0xFFFF  }
0x257: {  	_ =	shalt  }

// kernel: kernel.9.cloned.1.call-start
scs
__scs_entry_jumppad:
0x0: {  	(pc) =	sbr.rel $0x88, $3  }
0x1: {  	(tag) =	ssettag $0x0;
	lr =	simm.s32 $0x1  }
0x2: {  	[smem:$0x3F93] =	sst lr;
	_ =	strace $0xD0000000  }
0x3: {  	_ = 	snop  }
0x4: {  	_ = 	snop  }
0x5: {  	_ = 	snop  }
0x6: {  	_ = 	snop  }
0x7: {  	_ = 	snop  }
__scs_overlays_trampoline_lowered:
0x8: {  	[smem:$0x3FA2] =	sst s0  }
0x9: {  	[smem:$0x3FA3] =	sst s1  }
0xa: {  	[smem:$0x3FA4] =	sst s2  }
0xb: {  	[smem:$0x3FA5] =	sst s3  }
0xc: {  	[smem:$0x3FA6] =	sst s4  }
0xd: {  	[smem:$0x3FA7] =	sst s5  }
0xe: {  	[smem:$0x3FA8] =	sst s6  }
0xf: {  	[smem:$0x3FA9] =	sst s7  }
0x10: {  	[smem:$0x3FAA] =	sst s8  }
0x11: {  	[smem:$0x3FAB] =	sst s9;
	s0 =	simm.s32 @!p0 $0x0  }
0x12: {  	s1 =	sld [smem:$0x3F91];
	s0 =	simm.s32 @p0 $0x1  }
0x13: {  	[smem:$0x3FAC] =	sst s0;
	s0 =	simm.s32 @!p1 $0x0  }
0x14: {  	s2 =	sld [smem:$0x3F90];
	s0 =	simm.s32 @p1 $0x1  }
0x15: {  	[smem:$0x3FAD] =	sst s0;
	s0 =	simm.s32 @!p2 $0x0  }
0x16: {  	s3 =	sld [smem:$0x3FDB];
	s0 =	simm.s32 @p2 $0x1  }
0x17: {  	s4 =	simm.s32 $0x1BF5;
	[smem:$0x3FAF] =	sst s0  }
0x18: {  	s0 =	sld [smem:$0x3F92];
	_ =	swait.ge [sflag:s4], $0x0  }
0x19: {  	s7 =	sld [smem:$0x3F93]  }
0x1a: {  	s8 =	sadd.s32 $0xFFFFE003, lr  }
0x1b: {  	s9 =	sadd.s32 $0xFFFFFEF7, lr;
	s5 =	simm.s32 $0xFFFFFFFF;
	p2 =	slt.u32 s8, $0xFFFFF086  }
0x1c: {  	p1 =	slt.u32 s9, $0xF7A;
	s5 =	simm.s32 @!p2 $0x0  }
0x1d: {  	s5 =	simm.s32 @p1 $0x1;
	p0 =	seq.s32 s7, s2  }
0x1e: {  	s7 =	smul.u32 @!p0 $0xF7A, s2;
	p2 =	seq.s32 @!p0 s5, $0x0  }
0x1f: {  	s9 =	smul.u32 $0xF7A, s1;
	s8 =	simm.s32 @!p0 $0x1BF5;
	p2 =	por !p2, p0  }
0x20: {  	[sflag:s8] =	ssyncset.s32 @!p0 $0xFFFFF086;
	s6 =	sadd.s32 @!p0 s3, s7;
	s7 =	simm.s32 @!p0 $0x108  }
0x21: {  	s3 =	sadd.s32 s3, s9;
	s6 =	sadd.s32 @!p0 $0x88, s6;
	s7 =	simm.s32 @p2 $0x1082  }
0x22: {  	[simem:s7], [sflag:s8] =	dma.local @!p0 [hbm:s6], $0xF7A  }
0x23: {  	s9 =	sor.u32 $0xD0000000, s2;
	s6 =	simm.s32 $0x108;
	_ =	swait.ge @!p0 [sflag:s8], $0x0  }
0x24: {  	s3 =	sadd.s32 $0x88, s3;
	s6 =	simm.s32 @!p1 $0x1082;
	[sflag:s4] =	ssyncset.s32 $0xFFFFF086  }
0x25: {  	[simem:s6], [sflag:s4] =	dma.local [hbm:s3], $0xF7A  }
0x26: {  	[smem:$0x3F93] =	sst s1;
	(tag) =	ssettag s2;
	_ =	strace s9  }
0x27: {  	s1 =	sld [smem:$0x3FA3]  }
0x28: {  	s2 =	sld [smem:$0x3FA4]  }
0x29: {  	s4 =	sld [smem:$0x3FA6]  }
0x2a: {  	p0 =	seq.s32 s5, $0x0;
	s5 =	sld [smem:$0x3FA7]  }
0x2b: {  	s6 =	sld [smem:$0x3FA8]  }
0x2c: {  	s7 =	sld [smem:$0x3FA9]  }
0x2d: {  	s3 =	simm.s32 $0x108;
	s8 =	sld [smem:$0x3FAA]  }
0x2e: {  	s3 =	simm.s32 @!p0 $0x1082;
	s9 =	sld [smem:$0x3FAB]  }
0x2f: {  	lr =	sadd.s32 s0, s3;
	s0 =	sld [smem:$0x3FA2]  }
0x30: {  	s3 =	sld [smem:$0x3FA5]  }
0x31: {  	[smem:$0x3FAE] =	sst s10  }
0x32: {  	s10 =	sld [smem:$0x3FAC];
	_ =	sdelay $0x3  }
0x33: {  	p0 =	seq.s32 s10, $0x1;
	s10 =	sld [smem:$0x3FAE];
	_ =	sdelay $0x3  }
0x34: {  	[smem:$0x3FAE] =	sst s10  }
0x35: {  	s10 =	sld [smem:$0x3FAD];
	_ =	sdelay $0x3  }
0x36: {  	p1 =	seq.s32 s10, $0x1;
	s10 =	sld [smem:$0x3FAE];
	_ =	sdelay $0x3  }
0x37: {  	[smem:$0x3FAE] =	sst s10  }
0x38: {  	s10 =	sld [smem:$0x3FAF]  }
0x39: {  	_ = 	snop;
	(pc) =	sbr.ind lr, $3  }
0x3a: {  	_ = 	snop  }
0x3b: {  	_ = 	snop  }
0x3c: {  	p2 =	seq.s32 s10, $0x1;
	s10 =	sld [smem:$0x3FAE]  }
0x3d: {  	_ =	shalt  }
0x3e: {  	_ =	shalt  }
0x3f: {  	_ =	shalt  }
0x40: {  	_ =	shalt  }
0x41: {  	_ =	shalt  }
0x42: {  	_ =	shalt  }
0x43: {  	_ =	shalt  }
0x44: {  	_ =	shalt  }
0x45: {  	_ =	shalt  }
0x46: {  	_ =	shalt  }
0x47: {  	_ =	shalt  }
0x48: {  	_ =	shalt  }
0x49: {  	_ =	shalt  }
0x4a: {  	_ =	shalt  }
0x4b: {  	_ =	shalt  }
0x4c: {  	_ =	shalt  }
0x4d: {  	_ =	shalt  }
0x4e: {  	_ =	shalt  }
0x4f: {  	_ =	shalt  }
0x50: {  	_ =	shalt  }
0x51: {  	_ =	shalt  }
0x52: {  	_ =	shalt  }
0x53: {  	_ =	shalt  }
0x54: {  	_ =	shalt  }
0x55: {  	_ =	shalt  }
0x56: {  	_ =	shalt  }
0x57: {  	_ =	shalt  }
0x58: {  	_ =	shalt  }
0x59: {  	_ =	shalt  }
0x5a: {  	_ =	shalt  }
0x5b: {  	_ =	shalt  }
0x5c: {  	_ =	shalt  }
0x5d: {  	_ =	shalt  }
0x5e: {  	_ =	shalt  }
0x5f: {  	_ =	shalt  }
0x60: {  	_ =	shalt  }
0x61: {  	_ =	shalt  }
0x62: {  	_ =	shalt  }
0x63: {  	_ =	shalt  }
0x64: {  	_ =	shalt  }
0x65: {  	_ =	shalt  }
0x66: {  	_ =	shalt  }
0x67: {  	_ =	shalt  }
0x68: {  	_ =	shalt  }
0x69: {  	_ =	shalt  }
0x6a: {  	_ =	shalt  }
0x6b: {  	_ =	shalt  }
0x6c: {  	_ =	shalt  }
0x6d: {  	_ =	shalt  }
0x6e: {  	_ =	shalt  }
0x6f: {  	_ =	shalt  }
0x70: {  	_ =	shalt  }
0x71: {  	_ =	shalt  }
0x72: {  	_ =	shalt  }
0x73: {  	_ =	shalt  }
0x74: {  	_ =	shalt  }
0x75: {  	_ =	shalt  }
0x76: {  	_ =	shalt  }
0x77: {  	_ =	shalt  }
0x78: {  	_ =	shalt  }
0x79: {  	_ =	shalt  }
0x7a: {  	_ =	shalt  }
0x7b: {  	_ =	shalt  }
0x7c: {  	_ =	shalt  }
0x7d: {  	_ =	shalt  }
0x7e: {  	_ =	shalt  }
0x7f: {  	_ =	shalt  }
0x80: {  	_ =	shalt  }
0x81: {  	_ =	shalt  }
0x82: {  	_ =	shalt  }
0x83: {  	_ =	shalt  }
0x84: {  	_ =	shalt  }
0x85: {  	_ =	shalt  }
0x86: {  	_ =	shalt  }
0x87: {  	_ =	shalt  }
.Lfunc_end0:
.L_simem_size_0:
called_computation_lowered:
.L_overlay_start_0:
0x88: {  	s2 =	sld [smem:$0x3FD9]  }
0x89: {  	s3 =	sld [smem:$0x3FFE];
	_ =	sdelay $0x1  }
0x8a: {  	s1 =	srdreg.scid  }
0x8b: {  	s0 =	sand.u32 $0x1, s1  }
0x8c: {  	s17 =	sshll.u32 s0, $0xA;
	s2 =	sadd.s32 s3, s2  }
0x8d: {  	s2 =	sadd.s32 s2, s17  }
0x8e: {  	[smem:$0x3FBA] =	sst s2  }
0x8f: {  	_ = 	snop  }
0x90: {  	s2 =	sld [smem:$0x3FD0];
	(tm) =	ssettm $0x1  }
0x91: {  	s18 =	sld [smem:$0x3FFB];
	_ =	sdelay $0x3  }
0x92: {  	_ =	strace s18  }
0x93: {  	s3 =	sld [smem:$0x3FFC];
	_ =	sdelay $0x3  }
0x94: {  	_ =	strace s3  }
0x95: {  	s3 =	sld [smem:$0x3FFD];
	_ =	sdelay $0x3  }
0x96: {  	_ =	strace s3  }
0x97: {  	_ =	strace $0x8FFFFFFF  }
0x98: {  	s19 =	sld [smem:$0x3FDB];
	_ =	sdelay $0x1  }
0x99: {  	s4 =	simm.s32 $_scs_section_size  }
0x9a: {  	s5 =	simm.s32 $_size__tile_overlayer_lowered;
	s6 =	simm.s32 $_tile_overlayer_lowered  }
0x9b: {  	s22 =	simm.s32 $0x1BFF;
	s21 =	sshll.u32 s6, $0x1;
	s3 =	sadd.s32 s4, s19  }
0x9c: {  	s7 =	simm.s32 $0x0;
	s20 =	sshll.u32 s5, $0x1;
	s5 =	sadd.s32 s21, s3  }
0x9d: {  	[timem:s7], [sflag:s22] =	dma.local [hbm:s5], s20  }
0x9e: {  	_ =	swait.ge [sflag:s22], s20  }
0x9f: {  	s4 =	ssub.s32 $0x0, s20;
	[sflag:s22] =	ssyncset.done $0x0  }
0xa0: {  	[sflag:s22] =	ssyncadd.s32 s4;
	_ =	sdelay $0x1  }
0xa1: {  	s23 =	simm.s32 $0x1B8B  }
0xa2: {  	_ =	swait.ge [sflag:s23], $0x1  }
0xa3: {  	[sflag:s23] =	ssyncset.done $0x0  }
0xa4: {  	s25 =	simm.s32 $0x1B8E;
	s24 =	sld [smem:$0x3FFE];
	[sflag:s23] =	ssyncadd.s32 $0xFFFFFFFF  }
0xa5: {  	s26 =	simm.s32 $execute0_lowered;
	[smem:$0x3FD2] =	sst s25  }
0xa6: {  	s5 =	sshll.u32 s26, $0x1;
	_ =	strace $0x80000046;
	[dreg:$0x1] =	wrdreg $0xFFFFFFFF  }
0xa7: {  	s28 =	simm.s32 $_size_execute0_lowered;
	s3 =	sadd.s32 s3, s5;
	[dreg:$0x0] =	wrdreg $0x0  }
0xa8: {  	s5 =	sshll.u32 s28, $0x1;
	[dreg:$0x2] =	wrdreg s3  }
0xa9: {  	[dreg:$0x3] =	wrdreg s5  }
0xaa: {  	[dreg:$0x4] =	wrdreg $0xC0  }
0xab: {  	_ =	task [dreg:s7], $0x5FFFF  }
0xac: {  	[dreg:$0x1] =	wrdreg $0xFFFFFFFF  }
0xad: {  	[dreg:$0x0] =	wrdreg $0x60  }
0xae: {  	[dreg:$0x2] =	wrdreg s2  }
0xaf: {  	[dreg:$0x3] =	wrdreg s24  }
0xb0: {  	[dreg:$0x4] =	wrdreg $0x12D400  }
0xb1: {  	[dreg:$0x5] =	wrdreg $0x9  }
0xb2: {  	_ =	task.clear_ibuf [dreg:s7], $0x6FFFF;
	_ =	strace $0x90000046  }
0xb3: {  	s29 =	simm.s32 $0x9;
	_ =	strace $0x80000048  }
0xb4: {  	_ =	swait.ge [sflag:s29], $0x1  }
0xb5: {  	[sflag:s29] =	ssyncadd.s32 $0xFFFFFFFF  }
0xb6: {  	_ =	strace $0x90000048  }
0xb7: {  	_ =	sfence  }
0xb8: {  	s30 =	sld [smem:$0x0];
	_ =	sdelay $0x2  }
0xb9: {  	s31 =	sshll.u32 s1, $0xD;
	s1 =	sshrl.u32 s1, $0x2  }
0xba: {  	s3 =	sand.u32 $0x4000, s31;
	s1 =	sadd.s32 s1, s30  }
0xbb: {  	s0 =	sor.u32 s3, s0;
	s1 =	sshll.u32 s1, $0x11  }
0xbc: {  	s0 =	sor.u32 s1, s0  }
0xbd: {  	s0 =	sadd.s32 $0x8F2B, s0  }
0xbe: {  	[sflag:s0] =	ssyncadd.remote.s32 $0x1  }
0xbf: {  	_ =	sfence.sel $0xFFFF  }
0xc0: {  	[dreg:$0x0] =	wrdreg $0xFFFFFFFF;
	(pc) =	sbr.abs _section_cstart, $3  }
0xc1: {  	[dreg:$0x1] =	wrdreg $0xFFFFFFFF  }
0xc2: {  	_ =	task.clear_ibuf [dreg:s7], $0x2FFFF;
	_ =	strace $0x9FFFFFFF  }
0xc3: {  	(tm) =	ssettm $0x7FFFFFFF  }
tec
execute0_lowered:
.L_overlay_start_1:
0x0: {  	(tag) =	ssettag $0x1  }
0x1: {  	s0 =	rddreg [dreg:$0x0]  }
0x2: {  	s2 =	rddreg [dreg:$0x1]  }
0x3: {  	s1 =	rddreg [dreg:$0x2]  }
0x4: {  	s3 =	srdreg.scid;
	s13 =	simm.s32 $0x0;
	s12 =	stileid.u32  }
0x5: {  	s28 =	simm.s32 $0xB040;
	s29 =	simm.s32 $0xC440;
	s5 =	smul.u32 $0x9C4, s12  }
0x6: {  	s30 =	simm.s32 $0x1;
	s31 =	simm.s32 $0x2;
	s7 =	smul.u32 $0x30C00, s12  }
0x7: {  	s3 =	sand.u32 $0x1, s3;
	[smem:$0x7FF] =	sst s13;
	s26 =	smul.u32 $0xC300, s12  }
0x8: {  	s15 =	sadd.s32 $0xC3000, s1;
	p0 =	sne.s32 s12, $0x0;
	s12 =	simm.s32 $0x6  }
0x9: {  	s4 =	smul.u32 $0x13880, s3;
	_ =	strace $0x80000047;
	s8 =	ssub.s32 $0x2, s3  }
0xa: {  	s3 =	smul.u32 $0xC3500, s3;
	[dreg:$0x7] =	wrdreg s15;
	s5 =	sadd.s32 s5, s2  }
0xb: {  	s9 =	sshrl.u32 s8, $0x1;
	s7 =	sshrl.u32 s7, $0x2;
	s18 =	sadd.s32 s26, s1  }
0xc: {  	s6 =	sadd.s32 s4, s2;
	s2 =	sadd.s32 $0x66400, s2;
	s11 =	sadd.s32 $0xE200, s5  }
0xd: {  	s8 =	ssub.s32 s8, s9;
	s5 =	sadd.s32 $0x4400, s5;
	[dreg:$0x8] =	wrdreg s11  }
0xe: {  	s14 =	sadd.s32 s7, s1;
	s9 =	sadd.s32 s0, s4;
	[dreg:$0x9] =	wrdreg s5  }
0xf: {  	s16 =	sadd.s32 s26, s3;
	s26 =	sshrl.u32 s18, $0x3;
	[dreg:$0x5] =	wrdreg s14  }
0x10: {  	s3 =	sshrl.u32 s3, $0x3;
	s10 =	sadd.s32 $0xAF00, s14;
	[dreg:$0x13] =	wrdreg s26  }
0x11: {  	s7 =	simm.s32 $0x4;
	s19 =	smax.u32 s8, $0x1;
	[dreg:$0x6] =	wrdreg s10  }
0x12: {  	s0 =	sshrl.u32 s16, $0x3;
	s20 =	sadd.s32 $0x1900, s14;
	[dreg:$0xc] =	wrdreg s19  }
0x13: {  	s11 =	sadd.s32 $0x3F200, s6;
	s21 =	sadd.s32 $0x3200, s14;
	[dreg:$0xd] =	wrdreg s20  }
0x14: {  	s17 =	sadd.s32 s2, s3;
	s22 =	sadd.s32 $0x4B00, s14;
	[dreg:$0xe] =	wrdreg s21  }
0x15: {  	s23 =	sadd.s32 $0x6400, s14;
	s24 =	sadd.s32 $0x7D00, s14;
	[dreg:$0xf] =	wrdreg s22  }
0x16: {  	s25 =	sadd.s32 $0x9600, s14;
	s26 =	simm.s32 $0x9C40;
	[dreg:$0x10] =	wrdreg s23  }
0x17: {  	s8 =	simm.s32 $0x5;
	s10 =	sadd.s32 $0x18000, s6;
	[dreg:$0x11] =	wrdreg s24  }
0x18: {  	s0 =	sadd.s32 s2, s0;
	[dreg:$0x12] =	wrdreg s25;
	s21 =	simm.s32 $0x11440  }
0x19: {  	v0 =	vimm.f32 $0.0e+00;
	vm0 =	vmmov $0x1;
	s22 =	simm.s32 $0x7;
	[dreg:$0xa] =	wrdreg s0;
	s0 =	sadd.s32 $0x18600, s17  }
0x1a: {  	vm1 =	vcmask $0x310;
	vm2 =	vcmask $0x710;
	vm3 =	vcmask $0xB10;
	s24 =	simm.s32 $0x50;
	[dreg:$0xb] =	wrdreg s0;
	s0 =	simm.s32 $0x3  }
.LBB2_1:
0x1b: {  	[dreg:$0x4] =	wrdreg s13;
	s3 =	simm.s32 $0x140;
	s2 =	simm.s32 $0x0  }
.LBB2_2:
0x1c: {  	p1 =	sne.s32 s3, $0x62C0;
	[tilespmem:s2+$0x11480] =	vst v0;
	s4 =	smov.u32 s3;
	s3 =	sadd.s32 $0x140, s3  }
.Ltmp0:
0x1d: {  	[tilespmem:s2+$0x11470] =	vst v0;
	(pc) =	sbr.rel @p1 .LBB2_2-.Ltmp0, $4  }
0x1e: {  	[tilespmem:s2+$0x11460] =	vst v0  }
0x1f: {  	[tilespmem:s2+$0x11440] =	vst v0  }
0x20: {  	[tilespmem:s2+$0x11450] =	vst v0  }
0x21: {  	s2 =	sshra.s32 s4, $0x2  }
0x22: {  	[tilespmem:s2+$0x11480] =	vst v0  }
0x23: {  	[tilespmem:s2+$0x11470] =	vst v0  }
0x24: {  	[tilespmem:s2+$0x11460] =	vst v0  }
0x25: {  	[tilespmem:s2+$0x11440] =	vst v0  }
0x26: {  	[tilespmem:s2+$0x11450] =	vst v0;
	s6 =	rddreg [dreg:$0x5]  }
0x27: {  	[spmem:s6] =	stream.linear.scatter [tilespmem:s21], [sflag:$0x7], $0x1900, $0x38;
	[tilespmem:$0x1F090] =	vst v63  }
0x28: {  	_ =	swait.ge [sflag:s22], $0x1900  }
0x29: {  	[sflag:s22] =	ssyncset.done $0x0  }
0x2a: {  	s13 =	rddreg [dreg:$0xd];
	[sflag:s22] =	ssyncadd.s32 $0xFFFFE700  }
0x2b: {  	[spmem:s13] =	stream.linear.scatter [tilespmem:s21], [sflag:$0x7], $0x1900, $0x38;
	[tilespmem:$0x1F090] =	vst v63  }
0x2c: {  	_ =	swait.ge [sflag:s22], $0x1900  }
0x2d: {  	[sflag:s22] =	ssyncset.done $0x0  }
0x2e: {  	s14 =	rddreg [dreg:$0xe];
	[sflag:s22] =	ssyncadd.s32 $0xFFFFE700  }
0x2f: {  	[spmem:s14] =	stream.linear.scatter [tilespmem:s21], [sflag:$0x7], $0x1900, $0x38;
	[tilespmem:$0x1F090] =	vst v63  }
0x30: {  	_ =	swait.ge [sflag:s22], $0x1900  }
0x31: {  	[sflag:s22] =	ssyncset.done $0x0  }
0x32: {  	s16 =	rddreg [dreg:$0xf];
	[sflag:s22] =	ssyncadd.s32 $0xFFFFE700  }
0x33: {  	[spmem:s16] =	stream.linear.scatter [tilespmem:s21], [sflag:$0x7], $0x1900, $0x38;
	[tilespmem:$0x1F090] =	vst v63  }
0x34: {  	_ =	swait.ge [sflag:s22], $0x1900  }
0x35: {  	[sflag:s22] =	ssyncset.done $0x0  }
0x36: {  	s17 =	rddreg [dreg:$0x10];
	[sflag:s22] =	ssyncadd.s32 $0xFFFFE700  }
0x37: {  	[spmem:s17] =	stream.linear.scatter [tilespmem:s21], [sflag:$0x7], $0x1900, $0x38;
	[tilespmem:$0x1F090] =	vst v63  }
0x38: {  	_ =	swait.ge [sflag:s22], $0x1900  }
0x39: {  	[sflag:s22] =	ssyncset.done $0x0  }
0x3a: {  	s18 =	rddreg [dreg:$0x11];
	[sflag:s22] =	ssyncadd.s32 $0xFFFFE700  }
0x3b: {  	[spmem:s18] =	stream.linear.scatter [tilespmem:s21], [sflag:$0x7], $0x1900, $0x38;
	[tilespmem:$0x1F090] =	vst v63  }
0x3c: {  	_ =	swait.ge [sflag:s22], $0x1900  }
0x3d: {  	[sflag:s22] =	ssyncset.done $0x0  }
0x3e: {  	s19 =	rddreg [dreg:$0x12];
	[sflag:s22] =	ssyncadd.s32 $0xFFFFE700  }
0x3f: {  	[spmem:s19] =	stream.linear.scatter [tilespmem:s21], [sflag:$0x7], $0x1900, $0x38;
	[tilespmem:$0x1F090] =	vst v63  }
0x40: {  	_ =	swait.ge [sflag:s22], $0x1900  }
0x41: {  	[sflag:s22] =	ssyncset.done $0x0  }
0x42: {  	s20 =	rddreg [dreg:$0x6];
	[sflag:s22] =	ssyncadd.s32 $0xFFFFE700  }
0x43: {  	[spmem:s20] =	stream.linear.scatter [tilespmem:s21], [sflag:$0x7], $0x1400, $0x38;
	[tilespmem:$0x1F090] =	vst v63  }
0x44: {  	_ =	swait.ge [sflag:s22], $0x1400  }
0x45: {  	[sflag:s22] =	ssyncset.done $0x0  }
0x46: {  	s2 =	simm.s32 @!p0 $0x11440;
	[sflag:s22] =	ssyncadd.s32 $0xFFFFEC00  }
0x47: {  	[spmem:s15] =	stream.linear.scatter @!p0 [tilespmem:s2], [sflag:$0x7], $0x500, $0x38;
	[tilespmem:$0x1F090] =	vst v63  }
0x48: {  	s2 =	simm.s32 @!p0 $0x7  }
0x49: {  	_ =	swait.ge @!p0 [sflag:s2], $0x500  }
0x4a: {  	[sflag:s2] =	ssyncset.done @!p0 $0x0  }
0x4b: {  	s13 =	simm.s32 $0x0;
	s23 =	rddreg [dreg:$0x8];
	[sflag:s2] =	ssyncadd.s32 @!p0 $0xFFFFFB00  }
0x4c: {  	[tilespmem:s13], [sflag:$0x7] =	stream.linear.gather [hbm4b:s23+s13], $0x4E20, $0x38;
	[tilespmem:$0x1F090] =	vst v63  }
0x4d: {  	_ =	swait.ge [sflag:s22], $0x4E20  }
0x4e: {  	[sflag:s22] =	ssyncset.done $0x0  }
0x4f: {  	s3 =	simm.s32 $0x4E20;
	s25 =	rddreg [dreg:$0x9];
	[sflag:s22] =	ssyncadd.s32 $0xFFFFB1E0  }
0x50: {  	[tilespmem:s3], [sflag:$0x7] =	stream.linear.gather [hbm4b:s25+s13], $0x4E20, $0x38;
	[tilespmem:$0x1F090] =	vst v63  }
0x51: {  	_ =	swait.ge [sflag:s22], $0x4E20  }
0x52: {  	[sflag:s22] =	ssyncset.done $0x0  }
0x53: {  	[sflag:s22] =	ssyncadd.s32 $0xFFFFB1E0  }
0x54: {  	[bflag:$0x0] =	sbarrier.arrive $0xFFFF  }
0x55: {  	[tilespmem:s26], [sflag:$0x1] =	stream.indirect.gather [hbm4b:s9+s24], $0x40, s3, s24, $0xb8;
	[tilespmem:$0x1F090] =	vst v63  }
0x56: {  	_ = 	snop  }
0x57: {  	[tilespmem:s28], [sflag:$0x2] =	stream.indirect.gather [hbm4b:s10+s24], $0x40, s13, s24, $0xb8;
	[tilespmem:$0x1F090] =	vst v63  }
0x58: {  	_ = 	snop  }
0x59: {  	[tilespmem:s29], [sflag:$0x3] =	stream.indirect.gather [hbm4b:s11+s24], $0x40, s13, s24, $0xb8;
	[tilespmem:$0x1F090] =	vst v63  }
.LBB2_4:
0x5a: {  	_ =	swait.ge [sflag:s30], $0x1400  }
0x5b: {  	[sflag:s30] =	ssyncset.done $0x0  }
0x5c: {  	[sflag:s30] =	ssyncadd.s32 $0xFFFFEC00  }
0x5d: {  	_ =	swait.ge [sflag:s31], $0x1400  }
0x5e: {  	[sflag:s31] =	ssyncset.done $0x0  }
0x5f: {  	[sflag:s31] =	ssyncadd.s32 $0xFFFFEC00  }
0x60: {  	s2 =	smul.u32 $0xA0, s13;
	_ =	swait.ge [sflag:s0], $0x1400  }
0x61: {  	[sflag:s0] =	ssyncset.done $0x0  }
0x62: {  	s3 =	simm.s32 $0xD840;
	s14 =	sadd.s32 $0x4E70, s2;
	[sflag:s0] =	ssyncadd.s32 $0xFFFFEC00  }
0x63: {  	[tilespmem:s3], [sflag:$0x4] =	stream.indirect.gather [hbm4b:s9+s24], $0x40, s14, s24, $0xb8;
	[tilespmem:$0x1F090] =	vst v63  }
0x64: {  	s6 =	simm.s32 $0xEC40;
	s2 =	sadd.s32 $0x50, s2  }
0x65: {  	[tilespmem:s6], [sflag:$0x5] =	stream.indirect.gather [hbm4b:s10+s24], $0x40, s2, s24, $0xb8;
	[tilespmem:$0x1F090] =	vst v63  }
0x66: {  	s15 =	simm.s32 $0x10040;
	s16 =	simm.s32 $0x9C80  }
0x67: {  	[tilespmem:s15], [sflag:$0x6] =	stream.indirect.gather [hbm4b:s11+s24], $0x40, s2, s24, $0xb8;
	[tilespmem:$0x1F090] =	vst v63  }
0x68: {  	s17 =	simm.s32 $0xB080;
	v1 =	vld [tilespmem:s16+$0x20]  }
0x69: {  	v2 =	vld [tilespmem:s17+$0x20]  }
0x6a: {  	v3 =	vld [tilespmem:s16+$0x10]  }
0x6b: {  	v4 =	vld [tilespmem:s17+$0x10]  }
0x6c: {  	v5 =	vld [tilespmem:s16+$0x0]  }
0x6d: {  	v6 =	vld [tilespmem:s17+$0x0];
	_ =	sdelay $0x2  }
0x6e: {  	v1 =	vmul.f32 v2, v1  }
0x6f: {  	v7 =	vld [tilespmem:s16+$0x30];
	v3 =	vmul.f32 v4, v3  }
0x70: {  	v2 =	vld [tilespmem:s17+$0x30];
	(xrf2) =	vadd.scan.msk.f32 $0xffff, v1;
	v1 =	vmul.f32 v6, v5  }
0x71: {  	(xrf2) =	vadd.scan.msk.f32 $0xffff, v3  }
0x72: {  	(xrf2) =	vadd.scan.msk.f32 $0xffff, v1;
	_ =	sdelay $0x2  }
0x73: {  	s18 =	simm.s32 $0x9D00;
	v9 =	vld [tilespmem:s17+$0xFFFFFFF0];
	v1 =	vmul.f32 v2, v7  }
0x74: {  	s19 =	simm.s32 $0xB100;
	v11 =	vld [tilespmem:s18+$0x20]  }
0x75: {  	v13 =	vld [tilespmem:s19+$0x20];
	(xrf2) =	vadd.scan.msk.f32 $0xffff, v1  }
0x76: {  	v4 =	vld [tilespmem:s17+$0xFFFFFFD0]  }
0x77: {  	v5 =	vld [tilespmem:s16+$0xFFFFFFE0]  }
0x78: {  	v3 =	vld [tilespmem:s16+$0xFFFFFFC0];
	v8, _, _ =	vpop (xrf2)  }
0x79: {  	v2 =	vld [tilespmem:s17+$0xFFFFFFC0];
	v10, _, _ =	vpop (xrf2)  }
0x7a: {  	v1 =	vld [tilespmem:s16+$0xFFFFFFD0];
	v12, _, _ =	vpop (xrf2)  }
0x7b: {  	v6 =	vld [tilespmem:s17+$0xFFFFFFE0];
	v12 =	vbroadcast v12, $0xF  }
0x7c: {  	v7 =	vld [tilespmem:s16+$0xFFFFFFF0]  }
0x7d: {  	v14 =	vld [tilespmem:s18+$0x10];
	v10 =	vbroadcast v10, $0xF  }
0x7e: {  	v15 =	vld [tilespmem:s19+$0x10];
	v2 =	vmul.f32 v2, v3;
	v8 =	vbroadcast v8, $0xF;
	v3 =	vnsel vm0, $0x0, v12  }
0x7f: {  	v1 =	vmul.f32 v4, v1;
	v3 =	vsel vm1, v3, v10;
	v10 =	vld [tilespmem:s18+$0x0];
	v12, _, _ =	vpop (xrf2)  }
0x80: {  	v5 =	vmul.f32 v6, v5;
	(xrf2) =	vadd.scan.msk.f32 $0xffff, v2;
	v2 =	vsel vm2, v3, v8;
	v3 =	vld [tilespmem:s19+$0x0];
	v4 =	vbroadcast v12, $0xF  }
0x81: {  	v6 =	vmul.f32 v9, v7;
	(xrf2) =	vadd.scan.msk.f32 $0xffff, v1  }
0x82: {  	(xrf2) =	vadd.scan.msk.f32 $0xffff, v5;
	v5 =	vld [tilespmem:s19+$0x30];
	v1 =	vsel vm3, v2, v4;
	v2 =	vmul.f32 v13, v11  }
0x83: {  	(xrf2) =	vadd.scan.msk.f32 $0xffff, v6;
	v4 =	vld [tilespmem:s18+$0x30]  }
0x84: {  	v1 =	vmul.f32 $2.500000000e-01, v1;
	(xrf2) =	vadd.scan.msk.f32 $0xffff, v2;
	v2 =	vmul.f32 v15, v14  }
0x85: {  	v3 =	vmul.f32 v3, v10  }
0x86: {  	v1 =	vmul.f32 $1.442695020e+00, v1;
	(xrf2) =	vadd.scan.msk.f32 $0xffff, v2  }
0x87: {  	(xrf2) =	vadd.scan.msk.f32 $0xffff, v3  }
0x88: {  	v8 =	vld [tilespmem:s18+$0xFFFFFFE0];
	(erf) = vpow2.f32 v1;
	v1 =	vmul.f32 v5, v4  }
0x89: {  	v13 =	vld [tilespmem:s18+$0xFFFFFFF0]  }
0x8a: {  	v10 =	vld [tilespmem:s19+$0xFFFFFFE0];
	v3, _, _ =	vpop (xrf2);
	(xrf2) =	vadd.scan.msk.f32 $0xffff, v1  }
0x8b: {  	v14 =	vld [tilespmem:s19+$0xFFFFFFF0]  }
0x8c: {  	v2 =	vld [tilespmem:s19+$0xFFFFFFC0];
	v1, _, _ =	vpop (xrf2)  }
0x8d: {  	v4 =	vld [tilespmem:s18+$0xFFFFFFC0];
	v7, _, _ =	vpop (xrf2)  }
0x8e: {  	v3 =	vbroadcast v3, $0xF;
	v9, _, _ =	vpop (xrf2)  }
0x8f: {  	v6 =	vld [tilespmem:s19+$0xFFFFFFD0];
	v12 =	vbroadcast v1, $0xF;
	v11, _, _ =	vpop (xrf2)  }
0x90: {  	s23 =	simm.s32 $0xB180;
	v5 =	vld [tilespmem:s18+$0xFFFFFFD0];
	v8 =	vmul.f32 v10, v8;
	v3 =	vnsel vm0, $0x0, v3;
	v7 =	vbroadcast v7, $0xF;
	v15, _, _ =	vpop (xrf2)  }
0x91: {  	v10 =	vmul.f32 v14, v13;
	v13 =	vld [tilespmem:s23+$0x0];
	v3 =	vsel vm1, v3, v12;
	v9 =	vbroadcast v9, $0xF;
	v16, _, _ =	vpop (xrf2)  }
0x92: {  	s20 =	simm.s32 $0x9D80;
	s15 =	simm.s32 $0x11490;
	v2 =	vmul.f32 v2, v4;
	v4 =	vld [tilespmem:s23+$0x20];
	v3 =	vsel vm2, v3, v7;
	v1 =	vpop (erf);
	v16 =	vbroadcast v16, $0xF  }
0x93: {  	s25 =	simm.s32 $0xC480;
	v7 =	vld [tilespmem:s20+$0x20];
	v3 =	vsel vm3, v3, v9;
	[tilespmem:s15+$0x40] =	vst v1;
	v9 =	vbroadcast v15, $0xF  }
0x94: {  	v11 =	vbroadcast v11, $0xF;
	v3 =	vmul.f32 $2.500000000e-01, v3;
	v12 =	vld [tilespmem:s25+$0x0];
	v17, _, _ =	vpop (xrf2);
	v16 =	vnsel vm0, $0x0, v16  }
0x95: {  	v5 =	vmul.f32 v6, v5;
	v6 =	vld [tilespmem:s23+$0x10];
	v9 =	vsel vm1, v16, v9;
	v16 =	vbroadcast v17, $0xF  }
0x96: {  	v15 =	vld [tilespmem:s20+$0x10];
	(xrf2) =	vadd.scan.msk.f32 $0xffff, v2;
	v2 =	vmul.f32 $1.442695020e+00, v3;
	v9 =	vsel vm2, v9, v11  }
0x97: {  	v3 =	vld [tilespmem:s20+$0x0];
	v11 =	vbroadcast v1, $0x0;
	v9 =	vsel vm3, v9, v16  }
0x98: {  	(xrf2) =	vadd.scan.msk.f32 $0xffff, v5;
	(erf) = vpow2.f32 v2;
	v2 =	vmul.f32 $2.500000000e-01, v9  }
0x99: {  	v4 =	vmul.f32 v4, v7;
	v7 =	vld [tilespmem:s23+$0x30];
	(xrf2) =	vadd.scan.msk.f32 $0xffff, v8;
	v5 =	vmul.f32 v11, v12  }
0x9a: {  	v8 =	vld [tilespmem:s20+$0x30];
	(xrf2) =	vadd.scan.msk.f32 $0xffff, v10;
	v2 =	vmul.f32 $1.442695020e+00, v2  }
0x9b: {  	[tilespmem:s15+$0x0] =	vst v5;
	v5 =	vmul.f32 v6, v15  }
0x9c: {  	(xrf2) =	vadd.scan.msk.f32 $0xffff, v4;
	v6 =	vld [tilespmem:s25+$0x10];
	(erf) = vpow2.f32 v2;
	v2 =	vmul.f32 v13, v3  }
0x9d: {  	s4 =	simm.s32 $0x9E00;
	(xrf2) =	vadd.scan.msk.f32 $0xffff, v5  }
0x9e: {  	v19 =	vld [tilespmem:s4+$0x20];
	(xrf2) =	vadd.scan.msk.f32 $0xffff, v2  }
0x9f: {  	v4 =	vld [tilespmem:s23+$0xFFFFFFC0];
	v7 =	vmul.f32 v7, v8;
	v3 =	vbroadcast v1, $0x1  }
0xa0: {  	v5 =	vld [tilespmem:s20+$0xFFFFFFC0];
	v8, _, _ =	vpop (xrf2)  }
0xa1: {  	v10 =	vld [tilespmem:s23+$0xFFFFFFD0];
	(xrf2) =	vadd.scan.msk.f32 $0xffff, v7;
	v2 =	vpop (erf);
	v3 =	vmul.f32 v3, v6  }
0xa2: {  	v9 =	vld [tilespmem:s20+$0xFFFFFFD0];
	v6, _, _ =	vpop (xrf2)  }
0xa3: {  	v21 =	vld [tilespmem:s4+$0x10];
	v8 =	vbroadcast v8, $0xF;
	v11, _, _ =	vpop (xrf2)  }
0xa4: {  	v16 =	vld [tilespmem:s23+$0xFFFFFFF0];
	v6 =	vbroadcast v6, $0xF;
	v13, _, _ =	vpop (xrf2)  }
0xa5: {  	s16 =	simm.s32 $0x11530;
	v12 =	vld [tilespmem:s23+$0xFFFFFFE0];
	v8 =	vnsel vm0, $0x0, v8;
	v4 =	vmul.f32 v4, v5;
	[tilespmem:s15+$0x10] =	vst v3;
	v5 =	vbroadcast v11, $0xF;
	v3 =	vpop (erf)  }
0xa6: {  	s17 =	simm.s32 $0xC500;
	v14 =	vld [tilespmem:s25+$0x20];
	v17, _, _ =	vpop (xrf2);
	v6 =	vsel vm1, v8, v6;
	v8 =	vbroadcast v13, $0xF;
	[tilespmem:s16+$0x40] =	vst v3  }
0xa7: {  	v9 =	vmul.f32 v10, v9;
	v5 =	vsel vm2, v6, v5;
	v11, _, _ =	vpop (xrf2);
	v18 =	vld [tilespmem:s17+$0x0]  }
0xa8: {  	v7 =	vld [tilespmem:s20+$0xFFFFFFE0];
	v6 =	vbroadcast v1, $0x2;
	v17 =	vbroadcast v17, $0xF;
	v5 =	vsel vm3, v5, v8;
	v13, _, _ =	vpop (xrf2)  }
0xa9: {  	s5 =	simm.s32 $0xB200;
	v15 =	vld [tilespmem:s20+$0xFFFFFFF0];
	v5 =	vmul.f32 $2.500000000e-01, v5;
	v13 =	vbroadcast v13, $0xF  }
0xaa: {  	v8 =	vld [tilespmem:s5+$0x20];
	v20 =	vbroadcast v3, $0x0;
	v11 =	vbroadcast v11, $0xF  }
0xab: {  	v5 =	vmul.f32 $1.442695020e+00, v5;
	v22, _, _ =	vpop (xrf2);
	(xrf2) =	vadd.scan.msk.f32 $0xffff, v4;
	v4 =	vmul.f32 v6, v14;
	v6 =	vld [tilespmem:s4+$0x0];
	v13 =	vnsel vm0, $0x0, v13  }
0xac: {  	(xrf2) =	vadd.scan.msk.f32 $0xffff, v9;
	v9 =	vld [tilespmem:s5+$0x0];
	v18 =	vmul.f32 v20, v18;
	v11 =	vsel vm1, v13, v11;
	v13 =	vbroadcast v22, $0xF  }
0xad: {  	v7 =	vmul.f32 v12, v7;
	(erf) = vpow2.f32 v5;
	v5 =	vld [tilespmem:s4+$0x30];
	v11 =	vsel vm2, v11, v17  }
0xae: {  	v12 =	vmul.f32 v16, v15;
	v20 =	vld [tilespmem:s5+$0x10];
	[tilespmem:s16+$0x0] =	vst v18;
	v11 =	vsel vm3, v11, v13  }
0xaf: {  	(xrf2) =	vadd.scan.msk.f32 $0xffff, v7;
	v7 =	vmul.f32 $2.500000000e-01, v11;
	v11 =	vld [tilespmem:s17+$0x10]  }
0xb0: {  	s2 =	simm.s32 $0xB300;
	(xrf2) =	vadd.scan.msk.f32 $0xffff, v12;
	v12 =	vld [tilespmem:s5+$0x30]  }
0xb1: {  	v27 =	vld [tilespmem:s2+$0xFFFFFFC0];
	v14 =	vbroadcast v3, $0x1  }
0xb2: {  	v60 =	vld [tilespmem:s2+$0xFFFFFFE0];
	[tilespmem:s15+$0xFFFFFFF0] =	vst v2;
	v8 =	vmul.f32 v8, v19;
	v7 =	vmul.f32 $1.442695020e+00, v7  }
0xb3: {  	v10 =	vld [tilespmem:s25+$0xFFFFFFC0];
	v6 =	vmul.f32 v9, v6;
	v13 =	vmul.f32 v20, v21  }
0xb4: {  	v15 =	vld [tilespmem:s5+$0xFFFFFFC0];
	(xrf2) =	vadd.scan.msk.f32 $0xffff, v8;
	(erf) = vpow2.f32 v7;
	v8 =	vmul.f32 v14, v11  }
0xb5: {  	v17 =	vld [tilespmem:s5+$0xFFFFFFE0];
	v5 =	vmul.f32 v12, v5;
	(xrf2) =	vadd.scan.msk.f32 $0xffff, v13  }
0xb6: {  	v9 =	vld [tilespmem:s4+$0xFFFFFFD0];
	(xrf2) =	vadd.scan.msk.f32 $0xffff, v6  }
0xb7: {  	v20 =	vld [tilespmem:s5+$0xFFFFFFF0]  }
0xb8: {  	v12 =	vbroadcast v2, $0x0;
	v7 =	vld [tilespmem:s4+$0xFFFFFFC0];
	[tilespmem:s16+$0x10] =	vst v8;
	v8, _, _ =	vpop (xrf2)  }
0xb9: {  	v11 =	vld [tilespmem:s17+$0x20];
	(xrf2) =	vadd.scan.msk.f32 $0xffff, v5;
	v5 =	vpop (erf)  }
0xba: {  	v18 =	vbroadcast v3, $0x2;
	v10 =	vmul.f32 v12, v10;
	v12 =	vld [tilespmem:s4+$0xFFFFFFF0];
	v13, _, _ =	vpop (xrf2)  }
0xbb: {  	v6 =	vld [tilespmem:s5+$0xFFFFFFD0];
	v16, _, _ =	vpop (xrf2)  }
0xbc: {  	[tilespmem:s15+$0x20] =	vst v4;
	v14 =	vld [tilespmem:s4+$0xFFFFFFE0];
	v13 =	vbroadcast v13, $0xF;
	v19, _, _ =	vpop (xrf2)  }
0xbd: {  	s18 =	simm.s32 $0x115D0;
	v4 =	vld [tilespmem:s25+$0x30];
	[tilespmem:s15+$0xFFFFFFB0] =	vst v10;
	v10 =	vbroadcast v8, $0xF;
	v8 =	vpop (erf)  }
0xbe: {  	s19 =	simm.s32 $0xC580;
	v22 =	vld [tilespmem:s25+$0xFFFFFFD0];
	v7 =	vmul.f32 v15, v7;
	v11 =	vmul.f32 v18, v11;
	v18, _, _ =	vpop (xrf2);
	[tilespmem:s18+$0x40] =	vst v8  }
0xbf: {  	s6 =	simm.s32 $0x9E80;
	v12 =	vmul.f32 v20, v12;
	v10 =	vnsel vm0, $0x0, v10;
	v15 =	vbroadcast v16, $0xF;
	v16, _, _ =	vpop (xrf2);
	v23 =	vld [tilespmem:s19+$0x0]  }
0xc0: {  	v20 =	vld [tilespmem:s6+$0xFFFFFFE0];
	v6 =	vmul.f32 v6, v9;
	v10 =	vsel vm1, v10, v13;
	[tilespmem:s16+$0x20] =	vst v11;
	v11 =	vbroadcast v19, $0xF;
	v13, _, _ =	vpop (xrf2)  }
0xc1: {  	v14 =	vmul.f32 v17, v14;
	(xrf2) =	vadd.scan.msk.f32 $0xffff, v7;
	v7 =	vld [tilespmem:s6+$0x10];
	v10 =	vsel vm2, v10, v15;
	v13 =	vbroadcast v13, $0xF  }
0xc2: {  	s20 =	simm.s32 $0xB280;
	v15 =	vld [tilespmem:s6+$0x20];
	v17 =	vbroadcast v8, $0x0;
	v16 =	vbroadcast v16, $0xF;
	v10 =	vsel vm3, v10, v11  }
0xc3: {  	v18 =	vbroadcast v18, $0xF;
	v11 =	vld [tilespmem:s20+$0x20];
	v10 =	vmul.f32 $2.500000000e-01, v10;
	v13 =	vnsel vm0, $0x0, v13;
	v19, _, _ =	vpop (xrf2);
	(xrf2) =	vadd.scan.msk.f32 $0xffff, v6  }
0xc4: {  	v13 =	vsel vm1, v13, v16;
	v6 =	vmul.f32 v17, v23;
	v17 =	vld [tilespmem:s20+$0x10];
	v16 =	vbroadcast v19, $0xF  }
0xc5: {  	v10 =	vmul.f32 $1.442695020e+00, v10;
	(xrf2) =	vadd.scan.msk.f32 $0xffff, v14;
	v14 =	vld [tilespmem:s6+$0x0];
	v13 =	vsel vm2, v13, v18  }
0xc6: {  	(xrf2) =	vadd.scan.msk.f32 $0xffff, v12;
	[tilespmem:s18+$0x0] =	vst v6;
	v6 =	vld [tilespmem:s20+$0x0];
	v13 =	vsel vm3, v13, v16  }
0xc7: {  	(erf) = vpow2.f32 v10;
	v10 =	vmul.f32 $2.500000000e-01, v13;
	v12 =	vld [tilespmem:s19+$0x10]  }
0xc8: {  	v25 =	vbroadcast v2, $0x2;
	v18 =	vbroadcast v8, $0x1;
	v16 =	vld [tilespmem:s6+$0x30]  }
0xc9: {  	[tilespmem:s16+$0xFFFFFFF0] =	vst v5;
	v11 =	vmul.f32 v11, v15;
	v15 =	vld [tilespmem:s20+$0x30];
	v10 =	vmul.f32 $1.442695020e+00, v10  }
0xca: {  	v56 =	vbroadcast v3, $0x3;
	v21 =	vld [tilespmem:s17+$0xFFFFFFC0];
	v7 =	vmul.f32 v17, v7  }
0xcb: {  	v19 =	vld [tilespmem:s6+$0xFFFFFFC0];
	(xrf2) =	vadd.scan.msk.f32 $0xffff, v11;
	(erf) = vpow2.f32 v10;
	v6 =	vmul.f32 v6, v14  }
0xcc: {  	v23 =	vld [tilespmem:s6+$0xFFFFFFF0];
	v17 =	vbroadcast v1, $0x3;
	v14, _, _ =	vpop (xrf2);
	(xrf2) =	vadd.scan.msk.f32 $0xffff, v7;
	v11 =	vmul.f32 v18, v12  }
0xcd: {  	v1 =	vbroadcast v5, $0x0;
	v10 =	vld [tilespmem:s6+$0xFFFFFFD0];
	v12 =	vbroadcast v2, $0x1;
	v18, _, _ =	vpop (xrf2);
	(xrf2) =	vadd.scan.msk.f32 $0xffff, v6  }
0xce: {  	v7 =	vld [tilespmem:s20+$0xFFFFFFD0];
	[tilespmem:s18+$0x10] =	vst v11;
	v11 =	vbroadcast v14, $0xF;
	v14 =	vmul.f32 v15, v16  }
0xcf: {  	v21 =	vmul.f32 v1, v21;
	v1 =	vbroadcast v18, $0xF;
	v6, _, _ =	vpop (xrf2);
	v15 =	vld [tilespmem:s19+$0x20]  }
0xd0: {  	v18 =	vld [tilespmem:s20+$0xFFFFFFE0];
	v12 =	vmul.f32 v12, v22;
	v11 =	vnsel vm0, $0x0, v11;
	v6 =	vbroadcast v6, $0xF;
	v22, _, _ =	vpop (xrf2);
	(xrf2) =	vadd.scan.msk.f32 $0xffff, v14  }
0xd1: {  	v24 =	vbroadcast v8, $0x2;
	v13 =	vld [tilespmem:s20+$0xFFFFFFC0];
	v11 =	vsel vm1, v11, v1;
	v14 =	vbroadcast v22, $0xF  }
0xd2: {  	v8 =	vbroadcast v8, $0x3;
	[tilespmem:s16+$0xFFFFFFB0] =	vst v21;
	v16 =	vpop (erf);
	v22 =	vld [tilespmem:s20+$0xFFFFFFF0];
	v1 =	vbroadcast v2, $0x3;
	v2 =	vsel vm2, v11, v6  }
0xd3: {  	v63 =	vld [tilespmem:s2+$0xFFFFFFF0];
	s23 =	simm.s32 $0x9F00;
	v17 =	vmul.f32 v17, v4;
	[tilespmem:s18+$0xFFFFFFF0] =	vst v16;
	v7 =	vmul.f32 v7, v10;
	v2 =	vsel vm3, v2, v14  }
0xd4: {  	v57 =	vld [tilespmem:s23+$0x0];
	[tilespmem:s15+$0xFFFFFFC0] =	vst v12;
	s20 =	simm.s32 $0x11670;
	v4 =	vpop (erf);
	v6 =	vmul.f32 v24, v15;
	v15 =	vmul.f32 $2.500000000e-01, v2  }
0xd5: {  	s4 =	simm.s32 $0xC600;
	v21 =	vld [tilespmem:s25+$0xFFFFFFE0];
	v3, _, _ =	vpop (xrf2);
	v14 =	vbroadcast v5, $0x1;
	v10 =	vmul.f32 v18, v20;
	[tilespmem:s20+$0x40] =	vst v4  }
0xd6: {  	v26 =	vld [tilespmem:s4+$0x0];
	[tilespmem:s18+$0x20] =	vst v6;
	v6 =	vmul.f32 v13, v19;
	v13, _, _ =	vpop (xrf2);
	v15 =	vmul.f32 $1.442695020e+00, v15  }
0xd7: {  	v11 =	vld [tilespmem:s19+$0xFFFFFFC0];
	v2 =	vbroadcast v5, $0x2;
	v22 =	vmul.f32 v22, v23;
	v20, _, _ =	vpop (xrf2)  }
0xd8: {  	v19 =	vld [tilespmem:s19+$0x30];
	(erf) = vpow2.f32 v15;
	v20 =	vbroadcast v20, $0xF;
	(xrf2) =	vadd.scan.msk.f32 $0xffff, v6  }
0xd9: {  	v18 =	vld [tilespmem:s23+$0x20];
	v13 =	vbroadcast v13, $0xF;
	v6 =	vbroadcast v4, $0x0;
	(xrf2) =	vadd.scan.msk.f32 $0xffff, v7  }
0xda: {  	v28 =	vbroadcast v4, $0x1;
	v15 =	vld [tilespmem:s2+$0x20];
	v7 =	vnsel vm0, $0x0, v20;
	v20 =	vbroadcast v3, $0xF;
	v3, _, _ =	vpop (xrf2);
	(xrf2) =	vadd.scan.msk.f32 $0xffff, v10  }
0xdb: {  	v23 =	vld [tilespmem:s23+$0x10];
	v6 =	vmul.f32 v6, v26;
	v7 =	vsel vm1, v7, v13;
	v13 =	vbroadcast v3, $0xF;
	(xrf2) =	vadd.scan.msk.f32 $0xffff, v22  }
0xdc: {  	v10 =	vld [tilespmem:s2+$0x10];
	v3 =	vbroadcast v5, $0x3;
	v5 =	vsel vm2, v7, v20;
	v20 =	vbroadcast v16, $0x0  }
0xdd: {  	v12 =	vld [tilespmem:s17+$0xFFFFFFD0];
	v7 =	vbroadcast v16, $0x1;
	v59 =	vmul.f32 v8, v19;
	[tilespmem:s20+$0x0] =	vst v6;
	v5 =	vsel vm3, v5, v13  }
0xde: {  	v19 =	vmul.f32 v25, v21;
	v13 =	vmul.f32 $2.500000000e-01, v5;
	v58 =	vld [tilespmem:s4+$0x10]  }
0xdf: {  	v22 =	vld [tilespmem:s2+$0x0];
	v6 =	vbroadcast v16, $0x2;
	v15 =	vmul.f32 v15, v18  }
0xe0: {  	v9 =	vld [tilespmem:s17+$0x30];
	v5 =	vbroadcast v16, $0x3;
	v13 =	vmul.f32 $1.442695020e+00, v13  }
0xe1: {  	v18 =	vld [tilespmem:s2+$0x30];
	v11 =	vmul.f32 v20, v11;
	v10 =	vmul.f32 v10, v23;
	v29 =	vpop (erf)  }
0xe2: {  	v20 =	vld [tilespmem:s23+$0x30];
	(erf) = vpow2.f32 v13;
	v13 =	vmul.f32 v14, v12;
	v12, _, _ =	vpop (xrf2);
	(xrf2) =	vadd.scan.msk.f32 $0xffff, v15  }
0xe3: {  	v62 =	vld [tilespmem:s23+$0xFFFFFFF0];
	v14 =	vmul.f32 v28, v58;
	v8 =	vbroadcast v12, $0xF;
	v12, _, _ =	vpop (xrf2)  }
0xe4: {  	[tilespmem:s15+$0x30] =	vst v17;
	v16 =	vld [tilespmem:s23+$0xFFFFFFC0];
	v22 =	vmul.f32 v22, v57;
	v12 =	vbroadcast v12, $0xF;
	v21, _, _ =	vpop (xrf2)  }
0xe5: {  	v23 =	vld [tilespmem:s23+$0xFFFFFFD0];
	(xrf2) =	vadd.scan.msk.f32 $0xffff, v10;
	[tilespmem:s20+$0x10] =	vst v14;
	v8 =	vnsel vm0, $0x0, v8;
	v14 =	vbroadcast v21, $0xF;
	v17, _, _ =	vpop (xrf2)  }
0xe6: {  	v9 =	vmul.f32 v56, v9;
	(xrf2) =	vadd.scan.msk.f32 $0xffff, v22;
	v21 =	vld [tilespmem:s4+$0x20];
	v8 =	vsel vm1, v8, v12;
	v17 =	vbroadcast v17, $0xF  }
0xe7: {  	v15 =	vld [tilespmem:s2+$0xFFFFFFD0];
	v18 =	vmul.f32 v18, v20;
	v8 =	vsel vm2, v8, v14  }
0xe8: {  	[tilespmem:s16+$0x30] =	vst v9;
	v10 =	vld [tilespmem:s23+$0xFFFFFFE0];
	v8 =	vsel vm3, v8, v17;
	v17 =	vbroadcast v4, $0x2  }
0xe9: {  	v61 =	vbroadcast v29, $0x0;
	[tilespmem:s20+$0xFFFFFFF0] =	vst v29;
	(xrf2) =	vadd.scan.msk.f32 $0xffff, v18  }
0xea: {  	[tilespmem:s18+$0xFFFFFFB0] =	vst v11;
	v9 =	vbroadcast v29, $0x2;
	v16 =	vmul.f32 v27, v16;
	v30 =	vld [tilespmem:s4+$0xFFFFFFC0]  }
0xeb: {  	[tilespmem:s16+$0xFFFFFFC0] =	vst v13;
	v14 =	vld [tilespmem:s19+$0xFFFFFFD0];
	v8 =	vmul.f32 $2.500000000e-01, v8;
	v11 =	vpop (erf);
	v21 =	vmul.f32 v17, v21  }
0xec: {  	s6 =	simm.s32 $0x11710;
	[tilespmem:s15+$0xFFFFFFD0] =	vst v19;
	v20 =	vmul.f32 v63, v62;
	v13 =	vld [tilespmem:s17+$0xFFFFFFE0];
	v15 =	vmul.f32 v15, v23;
	v17, _, _ =	vpop (xrf2);
	(xrf2) =	vadd.scan.msk.f32 $0xffff, v16  }
0xed: {  	s3 =	simm.s32 $0xC680;
	v19 =	vmul.f32 v60, v10;
	v10 =	vld [tilespmem:s25+$0xFFFFFFF0];
	v18 =	vmul.f32 $1.442695020e+00, v8;
	[tilespmem:s6+$0x40] =	vst v11  }
0xee: {  	v12 =	vbroadcast v29, $0x1;
	v8 =	vbroadcast v29, $0x3;
	v16 =	vld [tilespmem:s3+$0x0];
	[tilespmem:s20+$0x20] =	vst v21  }
0xef: {  	s5 =	simm.s32 $0x9F80;
	[tilespmem:s18+$0x30] =	vst v59;
	s23 =	simm.s32 $0xA;
	s25 =	simm.s32 $0xC680;
	(erf) = vpow2.f32 v18;
	v18 =	vmul.f32 v61, v30;
	v21, _, _ =	vpop (xrf2);
	(xrf2) =	vadd.scan.msk.f32 $0xffff, v15;
	v15 =	vld [tilespmem:s4+$0x30]  }
.LBB2_5:
0xf0: {  	v22 =	vld [tilespmem:s5+$0x20];
	s2 =	sadd.s32 $0x80, s2;
	v23, _, _ =	vpop (xrf2);
	v14 =	vmul.f32 v7, v14;
	v7 =	vmov v12  }
0xf1: {  	v24 =	vbroadcast v11, $0x0;
	v12 =	vld [tilespmem:s2+$0x20];
	v25 =	vbroadcast v23, $0xF;
	[tilespmem:s20+$0xFFFFFFB0] =	vst v18  }
0xf2: {  	v21 =	vbroadcast v21, $0xF;
	v18 =	vld [tilespmem:s2+$0xFFFFFFC0];
	(xrf2) =	vadd.scan.msk.f32 $0xffff, v19;
	v19 =	vbroadcast v4, $0x3;
	[tilespmem:s18+$0xFFFFFFC0] =	vst v14;
	v4 =	vmovc v11  }
0xf3: {  	v17 =	vbroadcast v17, $0xF;
	v11 =	vld [tilespmem:s5+$0x10];
	v14 =	vnsel vm0, $0x0, v25;
	v23, _, _ =	vpop (xrf2);
	v16 =	vmul.f32 v24, v16  }
0xf4: {  	v24 =	vld [tilespmem:s2+$0x10];
	v25 =	vsel vm1, v14, v21;
	v21 =	vbroadcast v23, $0xF;
	v15 =	vmul.f32 v19, v15  }
0xf5: {  	v23 =	vmul.f32 v2, v13;
	v2 =	vmovc v6;
	v19 =	vld [tilespmem:s5+$0x0];
	v17 =	vsel vm2, v25, v17;
	(xrf2) =	vadd.scan.msk.f32 $0xffff, v20;
	[tilespmem:s6+$0x0] =	vst v16  }
0xf6: {  	v10 =	vmul.f32 v1, v10;
	v16 =	vld [tilespmem:s2+$0x0];
	v12 =	vmul.f32 v12, v22;
	v20 =	vsel vm3, v17, v21;
	v14, _, _ =	vpop (xrf2);
	[tilespmem:s20+$0x30] =	vst v15  }
0xf7: {  	v1 =	vmovc v3;
	v3 =	vmovc v5;
	v6 =	vmov v9;
	v21 =	vbroadcast v14, $0xF;
	v15 =	vmul.f32 $2.500000000e-01, v20;
	v17 =	vld [tilespmem:s3+$0x10];
	[tilespmem:s16+$0xFFFFFFD0] =	vst v23  }
0xf8: {  	s23 =	sadd.s32 $0x2, s23;
	v5 =	vmov v8;
	v9 =	vld [tilespmem:s5+$0xFFFFFFC0];
	(xrf2) =	vadd.scan.msk.f32 $0xffff, v12;
	v13 =	vpop (erf);
	[tilespmem:s15+$0xFFFFFFE0] =	vst v10;
	s15 =	smov.u32 s16;
	s16 =	smov.u32 s18  }
0xf9: {  	p1 =	slt.u32 s23, $0x4E;
	s18 =	smov.u32 s20;
	s20 =	smov.u32 s6;
	v8 =	vmul.f32 v24, v11;
	v10 =	vld [tilespmem:s5+$0x30];
	v11 =	vnsel vm0, $0x0, v21;
	v24 =	vmul.f32 $1.442695020e+00, v15;
	v14, _, _ =	vpop (xrf2);
	[tilespmem:s6+$0xFFFFFFF0] =	vst v13  }
0xfa: {  	v20 =	vbroadcast v4, $0x1;
	v15 =	vld [tilespmem:s2+$0x30];
	v14 =	vbroadcast v14, $0xF  }
0xfb: {  	v22 =	vbroadcast v13, $0x0;
	v21 =	vld [tilespmem:s5+$0xFFFFFFD0];
	(xrf2) =	vadd.scan.msk.f32 $0xffff, v8;
	(erf) = vpow2.f32 v24  }
0xfc: {  	v8 =	vmul.f32 v16, v19;
	v23 =	vld [tilespmem:s2+$0xFFFFFFD0];
	v11 =	vsel vm1, v11, v14;
	v12, _, _ =	vpop (xrf2);
	v20 =	vmul.f32 v20, v17  }
0xfd: {  	v16 =	vmul.f32 v18, v9;
	v18 =	vld [tilespmem:s5+$0xFFFFFFE0];
	v17 =	vbroadcast v12, $0xF  }
0xfe: {  	v12 =	vbroadcast v13, $0x1;
	v9 =	vbroadcast v13, $0x2;
	v19 =	vld [tilespmem:s2+$0xFFFFFFE0];
	(xrf2) =	vadd.scan.msk.f32 $0xffff, v8;
	[tilespmem:s6+$0x10] =	vst v20  }
0xff: {  	v8 =	vbroadcast v13, $0x3;
	v10 =	vmul.f32 v15, v10;
	v11 =	vsel vm2, v11, v17;
	v14, _, _ =	vpop (xrf2);
	v13 =	vld [tilespmem:s3+$0x20]  }
0x100: {  	v15 =	vld [tilespmem:s5+$0xFFFFFFF0];
	v14 =	vbroadcast v14, $0xF  }
0x101: {  	v23 =	vmul.f32 v23, v21;
	v20 =	vld [tilespmem:s2+$0xFFFFFFF0];
	(xrf2) =	vadd.scan.msk.f32 $0xffff, v10  }
0x102: {  	v25 =	vbroadcast v4, $0x2;
	v17, _, _ =	vpop (xrf2);
	v10 =	vsel vm3, v11, v14;
	v24 =	vld [tilespmem:s3+$0xFFFFFFC0]  }
.Ltmp1:
0x103: {  	v19 =	vmul.f32 v19, v18;
	v10 =	vmul.f32 $2.500000000e-01, v10;
	v14 =	vld [tilespmem:s4+$0xFFFFFFD0];
	(pc) =	sbr.rel @p1 .LBB2_5-.Ltmp1, $4  }
0x104: {  	s6 =	sadd.s32 $0xA0, s6;
	(xrf2) =	vadd.scan.msk.f32 $0xffff, v16;
	v11 =	vpop (erf);
	v18 =	vmul.f32 v25, v13;
	v13 =	vld [tilespmem:s19+$0xFFFFFFE0]  }
0x105: {  	s3 =	sadd.s32 $0x80, s3;
	v21, _, _ =	vpop (xrf2);
	v25 =	vmul.f32 $1.442695020e+00, v10;
	[tilespmem:s6+$0x40] =	vst v11;
	v10 =	vld [tilespmem:s17+$0xFFFFFFF0];
	s17 =	smov.u32 s19;
	s19 =	smov.u32 s4  }
0x106: {  	s4 =	smov.u32 s25;
	s25 =	smov.u32 s3;
	v20 =	vmul.f32 v20, v15;
	v16 =	vld [tilespmem:s3+$0x0];
	[tilespmem:s20+$0x20] =	vst v18  }
0x107: {  	s5 =	sadd.s32 $0x80, s5;
	(xrf2) =	vadd.scan.msk.f32 $0xffff, v23;
	(erf) = vpow2.f32 v25;
	v18 =	vmul.f32 v22, v24;
	v15 =	vld [tilespmem:s4+$0x30]  }
0x108: {  	(xrf2) =	vadd.scan.msk.f32 $0xffff, v19  }
0x109: {  	(xrf2) =	vadd.scan.msk.f32 $0xffff, v20;
	_ =	sdelay $0x2  }
0x10a: {  	v19, _, _ =	vpop (xrf2)  }
0x10b: {  	v19 =	vbroadcast v19, $0xF  }
0x10c: {  	v20 =	vbroadcast v21, $0xF  }
0x10d: {  	v17 =	vbroadcast v17, $0xF;
	v19 =	vnsel vm0, $0x0, v19;
	v21, _, _ =	vpop (xrf2)  }
0x10e: {  	v19 =	vsel vm1, v19, v20;
	v20 =	vbroadcast v21, $0xF;
	v21, _, _ =	vpop (xrf2)  }
0x10f: {  	v17 =	vsel vm2, v19, v17;
	v19 =	vbroadcast v21, $0xF;
	v21, _, _ =	vpop (xrf2)  }
0x110: {  	v17 =	vsel vm3, v17, v20;
	v20 =	vbroadcast v21, $0xF;
	v21, _, _ =	vpop (xrf2)  }
0x111: {  	v17 =	vmul.f32 $2.500000000e-01, v17;
	v19 =	vnsel vm0, $0x0, v19;
	v21 =	vbroadcast v21, $0xF;
	v22, _, _ =	vpop (xrf2)  }
0x112: {  	v19 =	vsel vm1, v19, v20;
	v20 =	vbroadcast v22, $0xF  }
0x113: {  	v17 =	vmul.f32 $1.442695020e+00, v17;
	v19 =	vsel vm2, v19, v21  }
0x114: {  	v19 =	vsel vm3, v19, v20  }
0x115: {  	(erf) = vpow2.f32 v17;
	v17 =	vmul.f32 $2.500000000e-01, v19;
	_ =	sdelay $0x1  }
0x116: {  	v17 =	vmul.f32 $1.442695020e+00, v17;
	_ =	sdelay $0x1  }
0x117: {  	(erf) = vpow2.f32 v17;
	_ =	sdelay $0x3  }
0x118: {  	v17 =	vpop (erf)  }
0x119: {  	s2 =	sadd.s32 $0xA0, s6;
	v19 =	vpop (erf)  }
0x11a: {  	s5 =	sadd.s32 $0x80, s3;
	[tilespmem:s2+$0x40] =	vst v19  }
0x11b: {  	v20 =	vld [tilespmem:s5+$0x0]  }
0x11c: {  	v21 =	vbroadcast v11, $0x0  }
0x11d: {  	[tilespmem:s6+$0xFFFFFFF0] =	vst v17;
	v22 =	vpop (erf)  }
0x11e: {  	v16 =	vmul.f32 v21, v16;
	v21 =	vld [tilespmem:s3+$0xFFFFFFC0];
	v23 =	vbroadcast v19, $0x0;
	[tilespmem:s2+$0xFFFFFFF0] =	vst v22  }
0x11f: {  	v24 =	vld [tilespmem:s5+$0xFFFFFFC0]  }
0x120: {  	[tilespmem:s6+$0x0] =	vst v16;
	v16 =	vmul.f32 v23, v20  }
0x121: {  	v20 =	vld [tilespmem:s3+$0x10];
	v23 =	vbroadcast v17, $0x0  }
0x122: {  	[tilespmem:s2+$0x0] =	vst v16;
	v16 =	vbroadcast v22, $0x0  }
0x123: {  	v21 =	vmul.f32 v23, v21;
	v23 =	vld [tilespmem:s5+$0x10]  }
0x124: {  	[tilespmem:s20+$0xFFFFFFB0] =	vst v18;
	v18 =	vbroadcast v11, $0x1;
	v16 =	vmul.f32 v16, v24  }
0x125: {  	v54 =	vld [tilespmem:s4+$0xFFFFFFD0];
	[tilespmem:s6+$0xFFFFFFB0] =	vst v21  }
0x126: {  	v18 =	vmul.f32 v18, v20;
	v20 =	vbroadcast v19, $0x1;
	v21 =	vld [tilespmem:s25+$0xFFFFFFD0];
	[tilespmem:s2+$0xFFFFFFB0] =	vst v16  }
0x127: {  	v16 =	vld [tilespmem:s5+$0xFFFFFFD0]  }
0x128: {  	[tilespmem:s6+$0x10] =	vst v18;
	v18 =	vmul.f32 v20, v23  }
0x129: {  	v7 =	vmul.f32 v7, v14;
	v14 =	vbroadcast v17, $0x1;
	v20 =	vld [tilespmem:s3+$0x20]  }
0x12a: {  	v12 =	vmul.f32 v12, v54;
	v23 =	vbroadcast v22, $0x1;
	[tilespmem:s2+$0x10] =	vst v18  }
0x12b: {  	v4 =	vbroadcast v4, $0x3;
	[tilespmem:s18+$0xFFFFFFC0] =	vst v7;
	v14 =	vmul.f32 v14, v21;
	v7 =	vld [tilespmem:s5+$0x20]  }
0x12c: {  	[tilespmem:s20+$0xFFFFFFC0] =	vst v12;
	v18 =	vbroadcast v11, $0x2;
	v21 =	vld [tilespmem:s19+$0xFFFFFFE0];
	v12 =	vmul.f32 v23, v16  }
0x12d: {  	v4 =	vmul.f32 v4, v15;
	v15 =	vld [tilespmem:s4+$0xFFFFFFE0];
	[tilespmem:s6+$0xFFFFFFC0] =	vst v14  }
0x12e: {  	v14 =	vmul.f32 v18, v20;
	v18 =	vld [tilespmem:s25+$0xFFFFFFE0];
	v16 =	vbroadcast v19, $0x2;
	[tilespmem:s2+$0xFFFFFFC0] =	vst v12  }
0x12f: {  	v2 =	vmul.f32 v2, v13;
	[tilespmem:s20+$0x30] =	vst v4;
	v4 =	vld [tilespmem:s5+$0xFFFFFFE0]  }
0x130: {  	[tilespmem:s6+$0x20] =	vst v14;
	v7 =	vmul.f32 v16, v7  }
0x131: {  	[tilespmem:s16+$0xFFFFFFD0] =	vst v2;
	v2 =	vbroadcast v17, $0x2;
	v6 =	vmul.f32 v6, v21;
	v12 =	vld [tilespmem:s25+$0x30]  }
0x132: {  	v13 =	vld [tilespmem:s17+$0xFFFFFFF0];
	v14 =	vbroadcast v22, $0x2;
	[tilespmem:s2+$0x20] =	vst v7;
	v7 =	vmul.f32 v9, v15  }
0x133: {  	[tilespmem:s18+$0xFFFFFFD0] =	vst v6;
	v2 =	vmul.f32 v2, v18;
	v6 =	vld [tilespmem:s5+$0x30]  }
0x134: {  	v9 =	vbroadcast v11, $0x3;
	v11 =	vld [tilespmem:s19+$0xFFFFFFF0];
	[tilespmem:s20+$0xFFFFFFD0] =	vst v7;
	v4 =	vmul.f32 v14, v4  }
0x135: {  	v1 =	vmul.f32 v1, v10;
	[tilespmem:s6+$0xFFFFFFD0] =	vst v2;
	v7 =	vld [tilespmem:s4+$0xFFFFFFF0]  }
0x136: {  	v2 =	vmul.f32 v9, v12;
	v9 =	vbroadcast v19, $0x3;
	v10 =	vld [tilespmem:s25+$0xFFFFFFF0];
	[tilespmem:s2+$0xFFFFFFD0] =	vst v4  }
0x137: {  	[tilespmem:s15+$0xFFFFFFE0] =	vst v1;
	v1 =	vmul.f32 v3, v13;
	v3 =	vld [tilespmem:s5+$0xFFFFFFF0]  }
0x138: {  	[tilespmem:s6+$0x30] =	vst v2;
	v2 =	vmul.f32 v9, v6  }
0x139: {  	[tilespmem:s16+$0xFFFFFFE0] =	vst v1;
	v1 =	vmul.f32 v5, v11;
	v4 =	vbroadcast v17, $0x3  }
0x13a: {  	v5 =	vbroadcast v22, $0x3;
	[tilespmem:s2+$0x30] =	vst v2;
	v2 =	vmul.f32 v8, v7  }
0x13b: {  	s4 =	smul.u32 $0x280, s13;
	[tilespmem:s18+$0xFFFFFFE0] =	vst v1;
	v1 =	vmul.f32 v4, v10  }
0x13c: {  	[tilespmem:s20+$0xFFFFFFE0] =	vst v2;
	v2 =	vmul.f32 v5, v3  }
0x13d: {  	s3 =	sshra.s32 s4, $0x2;
	[tilespmem:s6+$0xFFFFFFE0] =	vst v1  }
0x13e: {  	s5 =	sadd.s32 $0x4E20, s3;
	[tilespmem:s2+$0xFFFFFFE0] =	vst v2  }
0x13f: {  	[spmem:s1] =	stream.indirect.scatter.add.f32 [tilespmem:s21], [sflag:$0x7], $0x50, s5, s24, $0xb8;
	[tilespmem:$0x1F090] =	vst v63  }
0x140: {  	_ =	swait.ge [sflag:s22], $0x1900  }
0x141: {  	[sflag:s22] =	ssyncset.done $0x0  }
0x142: {  	[sflag:s22] =	ssyncadd.s32 $0xFFFFE700  }
0x143: {  	_ =	swait.ge [sflag:s7], $0x1400  }
0x144: {  	[sflag:s7] =	ssyncset.done $0x0  }
0x145: {  	[sflag:s7] =	ssyncadd.s32 $0xFFFFEC00  }
0x146: {  	_ =	swait.ge [sflag:s8], $0x1400  }
0x147: {  	s6 =	sshll.u32 s13, $0x1;
	[sflag:s8] =	ssyncset.done $0x0  }
0x148: {  	s2 =	smin.u32 s6, $0xF7;
	[sflag:s8] =	ssyncadd.s32 $0xFFFFEC00  }
0x149: {  	s2 =	smul.u32 $0x50, s2;
	_ =	swait.ge [sflag:s12], $0x1400  }
0x14a: {  	[sflag:s12] =	ssyncset.done $0x0  }
0x14b: {  	s15 =	sadd.s32 $0x4EC0, s2;
	[sflag:s12] =	ssyncadd.s32 $0xFFFFEC00  }
0x14c: {  	[tilespmem:s26], [sflag:$0x1] =	stream.indirect.gather [hbm4b:s9+s24], $0x40, s15, s24, $0xb8;
	[tilespmem:$0x1F090] =	vst v63  }
0x14d: {  	s2 =	sadd.s32 $0xA0, s2  }
0x14e: {  	[tilespmem:s28], [sflag:$0x2] =	stream.indirect.gather [hbm4b:s10+s24], $0x40, s2, s24, $0xb8;
	[tilespmem:$0x1F090] =	vst v63  }
0x14f: {  	s16 =	simm.s32 $0xD880  }
0x150: {  	[tilespmem:s29], [sflag:$0x3] =	stream.indirect.gather [hbm4b:s11+s24], $0x40, s2, s24, $0xb8;
	[tilespmem:$0x1F090] =	vst v63  }
0x151: {  	s17 =	simm.s32 $0xEC80;
	v1 =	vld [tilespmem:s16+$0x20]  }
0x152: {  	v2 =	vld [tilespmem:s17+$0x20]  }
0x153: {  	v3 =	vld [tilespmem:s16+$0x10]  }
0x154: {  	v4 =	vld [tilespmem:s17+$0x10]  }
0x155: {  	v5 =	vld [tilespmem:s16+$0x0]  }
0x156: {  	v6 =	vld [tilespmem:s17+$0x0];
	_ =	sdelay $0x2  }
0x157: {  	v1 =	vmul.f32 v2, v1  }
0x158: {  	v7 =	vld [tilespmem:s16+$0x30];
	v3 =	vmul.f32 v4, v3  }
0x159: {  	v2 =	vld [tilespmem:s17+$0x30];
	(xrf2) =	vadd.scan.msk.f32 $0xffff, v1;
	v1 =	vmul.f32 v6, v5  }
0x15a: {  	(xrf2) =	vadd.scan.msk.f32 $0xffff, v3  }
0x15b: {  	(xrf2) =	vadd.scan.msk.f32 $0xffff, v1;
	_ =	sdelay $0x2  }
0x15c: {  	s18 =	simm.s32 $0xD900;
	v9 =	vld [tilespmem:s17+$0xFFFFFFF0];
	v1 =	vmul.f32 v2, v7  }
0x15d: {  	s19 =	simm.s32 $0xED00;
	v11 =	vld [tilespmem:s18+$0x20]  }
0x15e: {  	v13 =	vld [tilespmem:s19+$0x20];
	(xrf2) =	vadd.scan.msk.f32 $0xffff, v1  }
0x15f: {  	v4 =	vld [tilespmem:s17+$0xFFFFFFD0]  }
0x160: {  	v5 =	vld [tilespmem:s16+$0xFFFFFFE0]  }
0x161: {  	v3 =	vld [tilespmem:s16+$0xFFFFFFC0];
	v8, _, _ =	vpop (xrf2)  }
0x162: {  	v2 =	vld [tilespmem:s17+$0xFFFFFFC0];
	v10, _, _ =	vpop (xrf2)  }
0x163: {  	v1 =	vld [tilespmem:s16+$0xFFFFFFD0];
	v12, _, _ =	vpop (xrf2)  }
0x164: {  	v6 =	vld [tilespmem:s17+$0xFFFFFFE0];
	v12 =	vbroadcast v12, $0xF  }
0x165: {  	v7 =	vld [tilespmem:s16+$0xFFFFFFF0]  }
0x166: {  	v14 =	vld [tilespmem:s18+$0x10];
	v10 =	vbroadcast v10, $0xF  }
0x167: {  	v15 =	vld [tilespmem:s19+$0x10];
	v2 =	vmul.f32 v2, v3;
	v8 =	vbroadcast v8, $0xF;
	v3 =	vnsel vm0, $0x0, v12  }
0x168: {  	v1 =	vmul.f32 v4, v1;
	v3 =	vsel vm1, v3, v10;
	v10 =	vld [tilespmem:s18+$0x0];
	v12, _, _ =	vpop (xrf2)  }
0x169: {  	v5 =	vmul.f32 v6, v5;
	(xrf2) =	vadd.scan.msk.f32 $0xffff, v2;
	v2 =	vsel vm2, v3, v8;
	v3 =	vld [tilespmem:s19+$0x0];
	v4 =	vbroadcast v12, $0xF  }
0x16a: {  	v6 =	vmul.f32 v9, v7;
	(xrf2) =	vadd.scan.msk.f32 $0xffff, v1  }
0x16b: {  	(xrf2) =	vadd.scan.msk.f32 $0xffff, v5;
	v5 =	vld [tilespmem:s19+$0x30];
	v1 =	vsel vm3, v2, v4;
	v2 =	vmul.f32 v13, v11  }
0x16c: {  	(xrf2) =	vadd.scan.msk.f32 $0xffff, v6;
	v4 =	vld [tilespmem:s18+$0x30]  }
0x16d: {  	v1 =	vmul.f32 $2.500000000e-01, v1;
	(xrf2) =	vadd.scan.msk.f32 $0xffff, v2;
	v2 =	vmul.f32 v15, v14  }
0x16e: {  	v3 =	vmul.f32 v3, v10  }
0x16f: {  	v1 =	vmul.f32 $1.442695020e+00, v1;
	(xrf2) =	vadd.scan.msk.f32 $0xffff, v2  }
0x170: {  	(xrf2) =	vadd.scan.msk.f32 $0xffff, v3  }
0x171: {  	v8 =	vld [tilespmem:s18+$0xFFFFFFE0];
	(erf) = vpow2.f32 v1;
	v1 =	vmul.f32 v5, v4  }
0x172: {  	v13 =	vld [tilespmem:s18+$0xFFFFFFF0]  }
0x173: {  	v10 =	vld [tilespmem:s19+$0xFFFFFFE0];
	v3, _, _ =	vpop (xrf2);
	(xrf2) =	vadd.scan.msk.f32 $0xffff, v1  }
0x174: {  	v14 =	vld [tilespmem:s19+$0xFFFFFFF0]  }
0x175: {  	v2 =	vld [tilespmem:s19+$0xFFFFFFC0];
	v1, _, _ =	vpop (xrf2)  }
0x176: {  	v4 =	vld [tilespmem:s18+$0xFFFFFFC0];
	v7, _, _ =	vpop (xrf2)  }
0x177: {  	v3 =	vbroadcast v3, $0xF;
	v9, _, _ =	vpop (xrf2)  }
0x178: {  	v6 =	vld [tilespmem:s19+$0xFFFFFFD0];
	v12 =	vbroadcast v1, $0xF;
	v11, _, _ =	vpop (xrf2)  }
0x179: {  	s23 =	simm.s32 $0xED80;
	v5 =	vld [tilespmem:s18+$0xFFFFFFD0];
	v8 =	vmul.f32 v10, v8;
	v3 =	vnsel vm0, $0x0, v3;
	v7 =	vbroadcast v7, $0xF;
	v15, _, _ =	vpop (xrf2)  }
0x17a: {  	v10 =	vmul.f32 v14, v13;
	v13 =	vld [tilespmem:s23+$0x0];
	v3 =	vsel vm1, v3, v12;
	v9 =	vbroadcast v9, $0xF;
	v16, _, _ =	vpop (xrf2)  }
0x17b: {  	s20 =	simm.s32 $0xD980;
	s15 =	simm.s32 $0x11490;
	v2 =	vmul.f32 v2, v4;
	v4 =	vld [tilespmem:s23+$0x20];
	v3 =	vsel vm2, v3, v7;
	v1 =	vpop (erf);
	v16 =	vbroadcast v16, $0xF  }
0x17c: {  	s25 =	simm.s32 $0x10080;
	v7 =	vld [tilespmem:s20+$0x20];
	v3 =	vsel vm3, v3, v9;
	[tilespmem:s15+$0x40] =	vst v1;
	v9 =	vbroadcast v15, $0xF  }
0x17d: {  	v11 =	vbroadcast v11, $0xF;
	v3 =	vmul.f32 $2.500000000e-01, v3;
	v12 =	vld [tilespmem:s25+$0x0];
	v17, _, _ =	vpop (xrf2);
	v16 =	vnsel vm0, $0x0, v16  }
0x17e: {  	v5 =	vmul.f32 v6, v5;
	v6 =	vld [tilespmem:s23+$0x10];
	v9 =	vsel vm1, v16, v9;
	v16 =	vbroadcast v17, $0xF  }
0x17f: {  	v15 =	vld [tilespmem:s20+$0x10];
	(xrf2) =	vadd.scan.msk.f32 $0xffff, v2;
	v2 =	vmul.f32 $1.442695020e+00, v3;
	v9 =	vsel vm2, v9, v11  }
0x180: {  	v3 =	vld [tilespmem:s20+$0x0];
	v11 =	vbroadcast v1, $0x0;
	v9 =	vsel vm3, v9, v16  }
0x181: {  	(xrf2) =	vadd.scan.msk.f32 $0xffff, v5;
	(erf) = vpow2.f32 v2;
	v2 =	vmul.f32 $2.500000000e-01, v9  }
0x182: {  	v4 =	vmul.f32 v4, v7;
	v7 =	vld [tilespmem:s23+$0x30];
	(xrf2) =	vadd.scan.msk.f32 $0xffff, v8;
	v5 =	vmul.f32 v11, v12  }
0x183: {  	v8 =	vld [tilespmem:s20+$0x30];
	(xrf2) =	vadd.scan.msk.f32 $0xffff, v10;
	v2 =	vmul.f32 $1.442695020e+00, v2  }
0x184: {  	[tilespmem:s15+$0x0] =	vst v5;
	v5 =	vmul.f32 v6, v15  }
0x185: {  	(xrf2) =	vadd.scan.msk.f32 $0xffff, v4;
	v6 =	vld [tilespmem:s25+$0x10];
	(erf) = vpow2.f32 v2;
	v2 =	vmul.f32 v13, v3  }
0x186: {  	s4 =	simm.s32 $0xDA00;
	(xrf2) =	vadd.scan.msk.f32 $0xffff, v5  }
0x187: {  	v19 =	vld [tilespmem:s4+$0x20];
	(xrf2) =	vadd.scan.msk.f32 $0xffff, v2  }
0x188: {  	v4 =	vld [tilespmem:s23+$0xFFFFFFC0];
	v7 =	vmul.f32 v7, v8;
	v3 =	vbroadcast v1, $0x1  }
0x189: {  	v5 =	vld [tilespmem:s20+$0xFFFFFFC0];
	v8, _, _ =	vpop (xrf2)  }
0x18a: {  	v10 =	vld [tilespmem:s23+$0xFFFFFFD0];
	(xrf2) =	vadd.scan.msk.f32 $0xffff, v7;
	v2 =	vpop (erf);
	v3 =	vmul.f32 v3, v6  }
0x18b: {  	v9 =	vld [tilespmem:s20+$0xFFFFFFD0];
	v6, _, _ =	vpop (xrf2)  }
0x18c: {  	v21 =	vld [tilespmem:s4+$0x10];
	v8 =	vbroadcast v8, $0xF;
	v11, _, _ =	vpop (xrf2)  }
0x18d: {  	v16 =	vld [tilespmem:s23+$0xFFFFFFF0];
	v6 =	vbroadcast v6, $0xF;
	v13, _, _ =	vpop (xrf2)  }
0x18e: {  	s16 =	simm.s32 $0x11530;
	v12 =	vld [tilespmem:s23+$0xFFFFFFE0];
	v8 =	vnsel vm0, $0x0, v8;
	v4 =	vmul.f32 v4, v5;
	[tilespmem:s15+$0x10] =	vst v3;
	v5 =	vbroadcast v11, $0xF;
	v3 =	vpop (erf)  }
0x18f: {  	s17 =	simm.s32 $0x10100;
	v14 =	vld [tilespmem:s25+$0x20];
	v17, _, _ =	vpop (xrf2);
	v6 =	vsel vm1, v8, v6;
	v8 =	vbroadcast v13, $0xF;
	[tilespmem:s16+$0x40] =	vst v3  }
0x190: {  	v9 =	vmul.f32 v10, v9;
	v5 =	vsel vm2, v6, v5;
	v11, _, _ =	vpop (xrf2);
	v18 =	vld [tilespmem:s17+$0x0]  }
0x191: {  	v7 =	vld [tilespmem:s20+$0xFFFFFFE0];
	v6 =	vbroadcast v1, $0x2;
	v17 =	vbroadcast v17, $0xF;
	v5 =	vsel vm3, v5, v8;
	v13, _, _ =	vpop (xrf2)  }
0x192: {  	s5 =	simm.s32 $0xEE00;
	v15 =	vld [tilespmem:s20+$0xFFFFFFF0];
	v5 =	vmul.f32 $2.500000000e-01, v5;
	v13 =	vbroadcast v13, $0xF  }
0x193: {  	v8 =	vld [tilespmem:s5+$0x20];
	v20 =	vbroadcast v3, $0x0;
	v11 =	vbroadcast v11, $0xF  }
0x194: {  	v5 =	vmul.f32 $1.442695020e+00, v5;
	v22, _, _ =	vpop (xrf2);
	(xrf2) =	vadd.scan.msk.f32 $0xffff, v4;
	v4 =	vmul.f32 v6, v14;
	v6 =	vld [tilespmem:s4+$0x0];
	v13 =	vnsel vm0, $0x0, v13  }
0x195: {  	(xrf2) =	vadd.scan.msk.f32 $0xffff, v9;
	v9 =	vld [tilespmem:s5+$0x0];
	v18 =	vmul.f32 v20, v18;
	v11 =	vsel vm1, v13, v11;
	v13 =	vbroadcast v22, $0xF  }
0x196: {  	v7 =	vmul.f32 v12, v7;
	(erf) = vpow2.f32 v5;
	v5 =	vld [tilespmem:s4+$0x30];
	v11 =	vsel vm2, v11, v17  }
0x197: {  	v12 =	vmul.f32 v16, v15;
	v20 =	vld [tilespmem:s5+$0x10];
	[tilespmem:s16+$0x0] =	vst v18;
	v11 =	vsel vm3, v11, v13  }
0x198: {  	(xrf2) =	vadd.scan.msk.f32 $0xffff, v7;
	v7 =	vmul.f32 $2.500000000e-01, v11;
	v11 =	vld [tilespmem:s17+$0x10]  }
0x199: {  	s2 =	simm.s32 $0xEF00;
	(xrf2) =	vadd.scan.msk.f32 $0xffff, v12;
	v12 =	vld [tilespmem:s5+$0x30]  }
0x19a: {  	v27 =	vld [tilespmem:s2+$0xFFFFFFC0];
	v14 =	vbroadcast v3, $0x1  }
0x19b: {  	v60 =	vld [tilespmem:s2+$0xFFFFFFE0];
	[tilespmem:s15+$0xFFFFFFF0] =	vst v2;
	v8 =	vmul.f32 v8, v19;
	v7 =	vmul.f32 $1.442695020e+00, v7  }
0x19c: {  	v10 =	vld [tilespmem:s25+$0xFFFFFFC0];
	v6 =	vmul.f32 v9, v6;
	v13 =	vmul.f32 v20, v21  }
0x19d: {  	v15 =	vld [tilespmem:s5+$0xFFFFFFC0];
	(xrf2) =	vadd.scan.msk.f32 $0xffff, v8;
	(erf) = vpow2.f32 v7;
	v8 =	vmul.f32 v14, v11  }
0x19e: {  	v17 =	vld [tilespmem:s5+$0xFFFFFFE0];
	v5 =	vmul.f32 v12, v5;
	(xrf2) =	vadd.scan.msk.f32 $0xffff, v13  }
0x19f: {  	v9 =	vld [tilespmem:s4+$0xFFFFFFD0];
	(xrf2) =	vadd.scan.msk.f32 $0xffff, v6  }
0x1a0: {  	v20 =	vld [tilespmem:s5+$0xFFFFFFF0]  }
0x1a1: {  	v12 =	vbroadcast v2, $0x0;
	v7 =	vld [tilespmem:s4+$0xFFFFFFC0];
	[tilespmem:s16+$0x10] =	vst v8;
	v8, _, _ =	vpop (xrf2)  }
0x1a2: {  	v11 =	vld [tilespmem:s17+$0x20];
	(xrf2) =	vadd.scan.msk.f32 $0xffff, v5;
	v5 =	vpop (erf)  }
0x1a3: {  	v18 =	vbroadcast v3, $0x2;
	v10 =	vmul.f32 v12, v10;
	v12 =	vld [tilespmem:s4+$0xFFFFFFF0];
	v13, _, _ =	vpop (xrf2)  }
0x1a4: {  	v6 =	vld [tilespmem:s5+$0xFFFFFFD0];
	v16, _, _ =	vpop (xrf2)  }
0x1a5: {  	[tilespmem:s15+$0x20] =	vst v4;
	v14 =	vld [tilespmem:s4+$0xFFFFFFE0];
	v13 =	vbroadcast v13, $0xF;
	v19, _, _ =	vpop (xrf2)  }
0x1a6: {  	s18 =	simm.s32 $0x115D0;
	v4 =	vld [tilespmem:s25+$0x30];
	[tilespmem:s15+$0xFFFFFFB0] =	vst v10;
	v10 =	vbroadcast v8, $0xF;
	v8 =	vpop (erf)  }
0x1a7: {  	s19 =	simm.s32 $0x10180;
	v22 =	vld [tilespmem:s25+$0xFFFFFFD0];
	v7 =	vmul.f32 v15, v7;
	v11 =	vmul.f32 v18, v11;
	v18, _, _ =	vpop (xrf2);
	[tilespmem:s18+$0x40] =	vst v8  }
0x1a8: {  	s6 =	simm.s32 $0xDA80;
	v12 =	vmul.f32 v20, v12;
	v10 =	vnsel vm0, $0x0, v10;
	v15 =	vbroadcast v16, $0xF;
	v16, _, _ =	vpop (xrf2);
	v23 =	vld [tilespmem:s19+$0x0]  }
0x1a9: {  	v20 =	vld [tilespmem:s6+$0xFFFFFFE0];
	v6 =	vmul.f32 v6, v9;
	v10 =	vsel vm1, v10, v13;
	[tilespmem:s16+$0x20] =	vst v11;
	v11 =	vbroadcast v19, $0xF;
	v13, _, _ =	vpop (xrf2)  }
0x1aa: {  	v14 =	vmul.f32 v17, v14;
	(xrf2) =	vadd.scan.msk.f32 $0xffff, v7;
	v7 =	vld [tilespmem:s6+$0x10];
	v10 =	vsel vm2, v10, v15;
	v13 =	vbroadcast v13, $0xF  }
0x1ab: {  	s20 =	simm.s32 $0xEE80;
	v15 =	vld [tilespmem:s6+$0x20];
	v17 =	vbroadcast v8, $0x0;
	v16 =	vbroadcast v16, $0xF;
	v10 =	vsel vm3, v10, v11  }
0x1ac: {  	v18 =	vbroadcast v18, $0xF;
	v11 =	vld [tilespmem:s20+$0x20];
	v10 =	vmul.f32 $2.500000000e-01, v10;
	v13 =	vnsel vm0, $0x0, v13;
	v19, _, _ =	vpop (xrf2);
	(xrf2) =	vadd.scan.msk.f32 $0xffff, v6  }
0x1ad: {  	v13 =	vsel vm1, v13, v16;
	v6 =	vmul.f32 v17, v23;
	v17 =	vld [tilespmem:s20+$0x10];
	v16 =	vbroadcast v19, $0xF  }
0x1ae: {  	v10 =	vmul.f32 $1.442695020e+00, v10;
	(xrf2) =	vadd.scan.msk.f32 $0xffff, v14;
	v14 =	vld [tilespmem:s6+$0x0];
	v13 =	vsel vm2, v13, v18  }
0x1af: {  	(xrf2) =	vadd.scan.msk.f32 $0xffff, v12;
	[tilespmem:s18+$0x0] =	vst v6;
	v6 =	vld [tilespmem:s20+$0x0];
	v13 =	vsel vm3, v13, v16  }
0x1b0: {  	(erf) = vpow2.f32 v10;
	v10 =	vmul.f32 $2.500000000e-01, v13;
	v12 =	vld [tilespmem:s19+$0x10]  }
0x1b1: {  	v25 =	vbroadcast v2, $0x2;
	v18 =	vbroadcast v8, $0x1;
	v16 =	vld [tilespmem:s6+$0x30]  }
0x1b2: {  	[tilespmem:s16+$0xFFFFFFF0] =	vst v5;
	v11 =	vmul.f32 v11, v15;
	v15 =	vld [tilespmem:s20+$0x30];
	v10 =	vmul.f32 $1.442695020e+00, v10  }
0x1b3: {  	v56 =	vbroadcast v3, $0x3;
	v21 =	vld [tilespmem:s17+$0xFFFFFFC0];
	v7 =	vmul.f32 v17, v7  }
0x1b4: {  	v19 =	vld [tilespmem:s6+$0xFFFFFFC0];
	(xrf2) =	vadd.scan.msk.f32 $0xffff, v11;
	(erf) = vpow2.f32 v10;
	v6 =	vmul.f32 v6, v14  }
0x1b5: {  	v23 =	vld [tilespmem:s6+$0xFFFFFFF0];
	v17 =	vbroadcast v1, $0x3;
	v14, _, _ =	vpop (xrf2);
	(xrf2) =	vadd.scan.msk.f32 $0xffff, v7;
	v11 =	vmul.f32 v18, v12  }
0x1b6: {  	v1 =	vbroadcast v5, $0x0;
	v10 =	vld [tilespmem:s6+$0xFFFFFFD0];
	v12 =	vbroadcast v2, $0x1;
	v18, _, _ =	vpop (xrf2);
	(xrf2) =	vadd.scan.msk.f32 $0xffff, v6  }
0x1b7: {  	v7 =	vld [tilespmem:s20+$0xFFFFFFD0];
	[tilespmem:s18+$0x10] =	vst v11;
	v11 =	vbroadcast v14, $0xF;
	v14 =	vmul.f32 v15, v16  }
0x1b8: {  	v21 =	vmul.f32 v1, v21;
	v1 =	vbroadcast v18, $0xF;
	v6, _, _ =	vpop (xrf2);
	v15 =	vld [tilespmem:s19+$0x20]  }
0x1b9: {  	v18 =	vld [tilespmem:s20+$0xFFFFFFE0];
	v12 =	vmul.f32 v12, v22;
	v11 =	vnsel vm0, $0x0, v11;
	v6 =	vbroadcast v6, $0xF;
	v22, _, _ =	vpop (xrf2);
	(xrf2) =	vadd.scan.msk.f32 $0xffff, v14  }
0x1ba: {  	v55 =	vbroadcast v8, $0x2;
	v13 =	vld [tilespmem:s20+$0xFFFFFFC0];
	v11 =	vsel vm1, v11, v1;
	v14 =	vbroadcast v22, $0xF  }
0x1bb: {  	v8 =	vbroadcast v8, $0x3;
	[tilespmem:s16+$0xFFFFFFB0] =	vst v21;
	v16 =	vpop (erf);
	v22 =	vld [tilespmem:s20+$0xFFFFFFF0];
	v1 =	vbroadcast v2, $0x3;
	v2 =	vsel vm2, v11, v6  }
0x1bc: {  	v63 =	vld [tilespmem:s2+$0xFFFFFFF0];
	s23 =	simm.s32 $0xDB00;
	v17 =	vmul.f32 v17, v4;
	[tilespmem:s18+$0xFFFFFFF0] =	vst v16;
	v7 =	vmul.f32 v7, v10;
	v2 =	vsel vm3, v2, v14  }
0x1bd: {  	v57 =	vld [tilespmem:s23+$0x0];
	[tilespmem:s15+$0xFFFFFFC0] =	vst v12;
	s20 =	simm.s32 $0x11670;
	v4 =	vpop (erf);
	v6 =	vmul.f32 v55, v15;
	v15 =	vmul.f32 $2.500000000e-01, v2  }
0x1be: {  	s4 =	simm.s32 $0x10200;
	v21 =	vld [tilespmem:s25+$0xFFFFFFE0];
	v3, _, _ =	vpop (xrf2);
	v14 =	vbroadcast v5, $0x1;
	v10 =	vmul.f32 v18, v20;
	[tilespmem:s20+$0x40] =	vst v4  }
0x1bf: {  	v26 =	vld [tilespmem:s4+$0x0];
	[tilespmem:s18+$0x20] =	vst v6;
	v6 =	vmul.f32 v13, v19;
	v13, _, _ =	vpop (xrf2);
	v15 =	vmul.f32 $1.442695020e+00, v15  }
0x1c0: {  	v11 =	vld [tilespmem:s19+$0xFFFFFFC0];
	v2 =	vbroadcast v5, $0x2;
	v22 =	vmul.f32 v22, v23;
	v20, _, _ =	vpop (xrf2)  }
0x1c1: {  	v19 =	vld [tilespmem:s19+$0x30];
	(erf) = vpow2.f32 v15;
	v20 =	vbroadcast v20, $0xF;
	(xrf2) =	vadd.scan.msk.f32 $0xffff, v6  }
0x1c2: {  	v18 =	vld [tilespmem:s23+$0x20];
	v13 =	vbroadcast v13, $0xF;
	v6 =	vbroadcast v4, $0x0;
	(xrf2) =	vadd.scan.msk.f32 $0xffff, v7  }
0x1c3: {  	v28 =	vbroadcast v4, $0x1;
	v15 =	vld [tilespmem:s2+$0x20];
	v7 =	vnsel vm0, $0x0, v20;
	v20 =	vbroadcast v3, $0xF;
	v3, _, _ =	vpop (xrf2);
	(xrf2) =	vadd.scan.msk.f32 $0xffff, v10  }
0x1c4: {  	v23 =	vld [tilespmem:s23+$0x10];
	v6 =	vmul.f32 v6, v26;
	v7 =	vsel vm1, v7, v13;
	v13 =	vbroadcast v3, $0xF;
	(xrf2) =	vadd.scan.msk.f32 $0xffff, v22  }
0x1c5: {  	v10 =	vld [tilespmem:s2+$0x10];
	v3 =	vbroadcast v5, $0x3;
	v5 =	vsel vm2, v7, v20;
	v20 =	vbroadcast v16, $0x0  }
0x1c6: {  	v12 =	vld [tilespmem:s17+$0xFFFFFFD0];
	v7 =	vbroadcast v16, $0x1;
	v59 =	vmul.f32 v8, v19;
	[tilespmem:s20+$0x0] =	vst v6;
	v5 =	vsel vm3, v5, v13  }
0x1c7: {  	v19 =	vmul.f32 v25, v21;
	v13 =	vmul.f32 $2.500000000e-01, v5;
	v58 =	vld [tilespmem:s4+$0x10]  }
0x1c8: {  	v22 =	vld [tilespmem:s2+$0x0];
	v6 =	vbroadcast v16, $0x2;
	v15 =	vmul.f32 v15, v18  }
0x1c9: {  	v9 =	vld [tilespmem:s17+$0x30];
	v5 =	vbroadcast v16, $0x3;
	v13 =	vmul.f32 $1.442695020e+00, v13  }
0x1ca: {  	v18 =	vld [tilespmem:s2+$0x30];
	v11 =	vmul.f32 v20, v11;
	v10 =	vmul.f32 v10, v23;
	v29 =	vpop (erf)  }
0x1cb: {  	v20 =	vld [tilespmem:s23+$0x30];
	(erf) = vpow2.f32 v13;
	v13 =	vmul.f32 v14, v12;
	v12, _, _ =	vpop (xrf2);
	(xrf2) =	vadd.scan.msk.f32 $0xffff, v15  }
0x1cc: {  	v62 =	vld [tilespmem:s23+$0xFFFFFFF0];
	v14 =	vmul.f32 v28, v58;
	v8 =	vbroadcast v12, $0xF;
	v12, _, _ =	vpop (xrf2)  }
0x1cd: {  	[tilespmem:s15+$0x30] =	vst v17;
	v16 =	vld [tilespmem:s23+$0xFFFFFFC0];
	v22 =	vmul.f32 v22, v57;
	v12 =	vbroadcast v12, $0xF;
	v21, _, _ =	vpop (xrf2)  }
0x1ce: {  	v23 =	vld [tilespmem:s23+$0xFFFFFFD0];
	(xrf2) =	vadd.scan.msk.f32 $0xffff, v10;
	[tilespmem:s20+$0x10] =	vst v14;
	v8 =	vnsel vm0, $0x0, v8;
	v14 =	vbroadcast v21, $0xF;
	v17, _, _ =	vpop (xrf2)  }
0x1cf: {  	v9 =	vmul.f32 v56, v9;
	(xrf2) =	vadd.scan.msk.f32 $0xffff, v22;
	v21 =	vld [tilespmem:s4+$0x20];
	v8 =	vsel vm1, v8, v12;
	v17 =	vbroadcast v17, $0xF  }
0x1d0: {  	v15 =	vld [tilespmem:s2+$0xFFFFFFD0];
	v18 =	vmul.f32 v18, v20;
	v8 =	vsel vm2, v8, v14  }
0x1d1: {  	[tilespmem:s16+$0x30] =	vst v9;
	v10 =	vld [tilespmem:s23+$0xFFFFFFE0];
	v8 =	vsel vm3, v8, v17;
	v17 =	vbroadcast v4, $0x2  }
0x1d2: {  	v61 =	vbroadcast v29, $0x0;
	[tilespmem:s20+$0xFFFFFFF0] =	vst v29;
	(xrf2) =	vadd.scan.msk.f32 $0xffff, v18  }
0x1d3: {  	[tilespmem:s18+$0xFFFFFFB0] =	vst v11;
	v9 =	vbroadcast v29, $0x2;
	v16 =	vmul.f32 v27, v16;
	v30 =	vld [tilespmem:s4+$0xFFFFFFC0]  }
0x1d4: {  	[tilespmem:s16+$0xFFFFFFC0] =	vst v13;
	v14 =	vld [tilespmem:s19+$0xFFFFFFD0];
	v8 =	vmul.f32 $2.500000000e-01, v8;
	v11 =	vpop (erf);
	v21 =	vmul.f32 v17, v21  }
0x1d5: {  	s6 =	simm.s32 $0x11710;
	[tilespmem:s15+$0xFFFFFFD0] =	vst v19;
	v20 =	vmul.f32 v63, v62;
	v13 =	vld [tilespmem:s17+$0xFFFFFFE0];
	v15 =	vmul.f32 v15, v23;
	v17, _, _ =	vpop (xrf2);
	(xrf2) =	vadd.scan.msk.f32 $0xffff, v16  }
0x1d6: {  	s3 =	simm.s32 $0x10280;
	v19 =	vmul.f32 v60, v10;
	v10 =	vld [tilespmem:s25+$0xFFFFFFF0];
	v18 =	vmul.f32 $1.442695020e+00, v8;
	[tilespmem:s6+$0x40] =	vst v11  }
0x1d7: {  	v12 =	vbroadcast v29, $0x1;
	v8 =	vbroadcast v29, $0x3;
	v16 =	vld [tilespmem:s3+$0x0];
	[tilespmem:s20+$0x20] =	vst v21  }
0x1d8: {  	s5 =	simm.s32 $0xDB80;
	[tilespmem:s18+$0x30] =	vst v59;
	s23 =	simm.s32 $0xA;
	s25 =	simm.s32 $0x10280;
	(erf) = vpow2.f32 v18;
	v18 =	vmul.f32 v61, v30;
	v21, _, _ =	vpop (xrf2);
	(xrf2) =	vadd.scan.msk.f32 $0xffff, v15;
	v15 =	vld [tilespmem:s4+$0x30]  }
.LBB2_7:
0x1d9: {  	v22 =	vld [tilespmem:s5+$0x20];
	s2 =	sadd.s32 $0x80, s2;
	v23, _, _ =	vpop (xrf2);
	v14 =	vmul.f32 v7, v14;
	v7 =	vmov v12  }
0x1da: {  	v24 =	vbroadcast v11, $0x0;
	v12 =	vld [tilespmem:s2+$0x20];
	v25 =	vbroadcast v23, $0xF;
	[tilespmem:s20+$0xFFFFFFB0] =	vst v18  }
0x1db: {  	v21 =	vbroadcast v21, $0xF;
	v18 =	vld [tilespmem:s2+$0xFFFFFFC0];
	(xrf2) =	vadd.scan.msk.f32 $0xffff, v19;
	v19 =	vbroadcast v4, $0x3;
	[tilespmem:s18+$0xFFFFFFC0] =	vst v14;
	v4 =	vmovc v11  }
0x1dc: {  	v17 =	vbroadcast v17, $0xF;
	v11 =	vld [tilespmem:s5+$0x10];
	v14 =	vnsel vm0, $0x0, v25;
	v23, _, _ =	vpop (xrf2);
	v16 =	vmul.f32 v24, v16  }
0x1dd: {  	v24 =	vld [tilespmem:s2+$0x10];
	v25 =	vsel vm1, v14, v21;
	v21 =	vbroadcast v23, $0xF;
	v15 =	vmul.f32 v19, v15  }
0x1de: {  	v23 =	vmul.f32 v2, v13;
	v2 =	vmovc v6;
	v19 =	vld [tilespmem:s5+$0x0];
	v17 =	vsel vm2, v25, v17;
	(xrf2) =	vadd.scan.msk.f32 $0xffff, v20;
	[tilespmem:s6+$0x0] =	vst v16  }
0x1df: {  	v10 =	vmul.f32 v1, v10;
	v16 =	vld [tilespmem:s2+$0x0];
	v12 =	vmul.f32 v12, v22;
	v20 =	vsel vm3, v17, v21;
	v14, _, _ =	vpop (xrf2);
	[tilespmem:s20+$0x30] =	vst v15  }
0x1e0: {  	v1 =	vmovc v3;
	v3 =	vmovc v5;
	v6 =	vmov v9;
	v21 =	vbroadcast v14, $0xF;
	v15 =	vmul.f32 $2.500000000e-01, v20;
	v17 =	vld [tilespmem:s3+$0x10];
	[tilespmem:s16+$0xFFFFFFD0] =	vst v23  }
0x1e1: {  	s23 =	sadd.s32 $0x2, s23;
	v5 =	vmov v8;
	v9 =	vld [tilespmem:s5+$0xFFFFFFC0];
	(xrf2) =	vadd.scan.msk.f32 $0xffff, v12;
	v13 =	vpop (erf);
	[tilespmem:s15+$0xFFFFFFE0] =	vst v10;
	s15 =	smov.u32 s16;
	s16 =	smov.u32 s18  }
0x1e2: {  	p1 =	slt.u32 s23, $0x4E;
	s18 =	smov.u32 s20;
	s20 =	smov.u32 s6;
	v8 =	vmul.f32 v24, v11;
	v10 =	vld [tilespmem:s5+$0x30];
	v11 =	vnsel vm0, $0x0, v21;
	v24 =	vmul.f32 $1.442695020e+00, v15;
	v14, _, _ =	vpop (xrf2);
	[tilespmem:s6+$0xFFFFFFF0] =	vst v13  }
0x1e3: {  	v20 =	vbroadcast v4, $0x1;
	v15 =	vld [tilespmem:s2+$0x30];
	v14 =	vbroadcast v14, $0xF  }
0x1e4: {  	v22 =	vbroadcast v13, $0x0;
	v21 =	vld [tilespmem:s5+$0xFFFFFFD0];
	(xrf2) =	vadd.scan.msk.f32 $0xffff, v8;
	(erf) = vpow2.f32 v24  }
0x1e5: {  	v8 =	vmul.f32 v16, v19;
	v23 =	vld [tilespmem:s2+$0xFFFFFFD0];
	v11 =	vsel vm1, v11, v14;
	v12, _, _ =	vpop (xrf2);
	v20 =	vmul.f32 v20, v17  }
0x1e6: {  	v16 =	vmul.f32 v18, v9;
	v18 =	vld [tilespmem:s5+$0xFFFFFFE0];
	v17 =	vbroadcast v12, $0xF  }
0x1e7: {  	v12 =	vbroadcast v13, $0x1;
	v9 =	vbroadcast v13, $0x2;
	v19 =	vld [tilespmem:s2+$0xFFFFFFE0];
	(xrf2) =	vadd.scan.msk.f32 $0xffff, v8;
	[tilespmem:s6+$0x10] =	vst v20  }
0x1e8: {  	v8 =	vbroadcast v13, $0x3;
	v10 =	vmul.f32 v15, v10;
	v11 =	vsel vm2, v11, v17;
	v14, _, _ =	vpop (xrf2);
	v13 =	vld [tilespmem:s3+$0x20]  }
0x1e9: {  	v15 =	vld [tilespmem:s5+$0xFFFFFFF0];
	v14 =	vbroadcast v14, $0xF  }
0x1ea: {  	v23 =	vmul.f32 v23, v21;
	v20 =	vld [tilespmem:s2+$0xFFFFFFF0];
	(xrf2) =	vadd.scan.msk.f32 $0xffff, v10  }
0x1eb: {  	v25 =	vbroadcast v4, $0x2;
	v17, _, _ =	vpop (xrf2);
	v10 =	vsel vm3, v11, v14;
	v24 =	vld [tilespmem:s3+$0xFFFFFFC0]  }
.Ltmp2:
0x1ec: {  	v19 =	vmul.f32 v19, v18;
	v10 =	vmul.f32 $2.500000000e-01, v10;
	v14 =	vld [tilespmem:s4+$0xFFFFFFD0];
	(pc) =	sbr.rel @p1 .LBB2_7-.Ltmp2, $4  }
0x1ed: {  	s6 =	sadd.s32 $0xA0, s6;
	(xrf2) =	vadd.scan.msk.f32 $0xffff, v16;
	v11 =	vpop (erf);
	v18 =	vmul.f32 v25, v13;
	v13 =	vld [tilespmem:s19+$0xFFFFFFE0]  }
0x1ee: {  	s3 =	sadd.s32 $0x80, s3;
	v21, _, _ =	vpop (xrf2);
	v25 =	vmul.f32 $1.442695020e+00, v10;
	[tilespmem:s6+$0x40] =	vst v11;
	v10 =	vld [tilespmem:s17+$0xFFFFFFF0];
	s17 =	smov.u32 s19;
	s19 =	smov.u32 s4  }
0x1ef: {  	s4 =	smov.u32 s25;
	s25 =	smov.u32 s3;
	v20 =	vmul.f32 v20, v15;
	v16 =	vld [tilespmem:s3+$0x0];
	[tilespmem:s20+$0x20] =	vst v18  }
0x1f0: {  	s5 =	sadd.s32 $0x80, s5;
	(xrf2) =	vadd.scan.msk.f32 $0xffff, v23;
	(erf) = vpow2.f32 v25;
	v18 =	vmul.f32 v22, v24;
	v15 =	vld [tilespmem:s4+$0x30]  }
0x1f1: {  	(xrf2) =	vadd.scan.msk.f32 $0xffff, v19  }
0x1f2: {  	(xrf2) =	vadd.scan.msk.f32 $0xffff, v20;
	_ =	sdelay $0x2  }
0x1f3: {  	v52, _, _ =	vpop (xrf2)  }
0x1f4: {  	v19 =	vbroadcast v52, $0xF  }
0x1f5: {  	v53 =	vbroadcast v21, $0xF  }
0x1f6: {  	v17 =	vbroadcast v17, $0xF;
	v54, _, _ =	vpop (xrf2);
	v19 =	vnsel vm0, $0x0, v19  }
0x1f7: {  	v19 =	vsel vm1, v19, v53;
	v55 =	vbroadcast v54, $0xF;
	v56, _, _ =	vpop (xrf2)  }
0x1f8: {  	v17 =	vsel vm2, v19, v17;
	v57 =	vbroadcast v56, $0xF;
	v58, _, _ =	vpop (xrf2)  }
0x1f9: {  	v17 =	vsel vm3, v17, v55;
	v59 =	vbroadcast v58, $0xF;
	v60, _, _ =	vpop (xrf2)  }
0x1fa: {  	v17 =	vmul.f32 $2.500000000e-01, v17;
	v19 =	vnsel vm0, $0x0, v57;
	v21 =	vbroadcast v60, $0xF;
	v22, _, _ =	vpop (xrf2)  }
0x1fb: {  	v19 =	vsel vm1, v19, v59;
	v61 =	vbroadcast v22, $0xF  }
0x1fc: {  	v17 =	vmul.f32 $1.442695020e+00, v17;
	v19 =	vsel vm2, v19, v21  }
0x1fd: {  	v19 =	vsel vm3, v19, v61  }
0x1fe: {  	(erf) = vpow2.f32 v17;
	v62 =	vmul.f32 $2.500000000e-01, v19;
	_ =	sdelay $0x1  }
0x1ff: {  	v17 =	vmul.f32 $1.442695020e+00, v62;
	_ =	sdelay $0x1  }
0x200: {  	(erf) = vpow2.f32 v17;
	_ =	sdelay $0x3  }
0x201: {  	v63 =	vpop (erf)  }
0x202: {  	s2 =	sadd.s32 $0xA0, s6;
	v28 =	vpop (erf)  }
0x203: {  	s5 =	sadd.s32 $0x80, s3;
	[tilespmem:s2+$0x40] =	vst v28  }
0x204: {  	v29 =	vld [tilespmem:s5+$0x0]  }
0x205: {  	v30 =	vbroadcast v11, $0x0  }
0x206: {  	[tilespmem:s6+$0xFFFFFFF0] =	vst v63;
	v31 =	vpop (erf)  }
0x207: {  	v16 =	vmul.f32 v30, v16;
	v32 =	vld [tilespmem:s3+$0xFFFFFFC0];
	v23 =	vbroadcast v28, $0x0;
	[tilespmem:s2+$0xFFFFFFF0] =	vst v31  }
0x208: {  	v24 =	vld [tilespmem:s5+$0xFFFFFFC0]  }
0x209: {  	[tilespmem:s6+$0x0] =	vst v16;
	v33 =	vmul.f32 v23, v29  }
0x20a: {  	v34 =	vld [tilespmem:s3+$0x10];
	v35 =	vbroadcast v63, $0x0  }
0x20b: {  	[tilespmem:s2+$0x0] =	vst v33;
	v36 =	vbroadcast v31, $0x0  }
0x20c: {  	v21 =	vmul.f32 v35, v32;
	v37 =	vld [tilespmem:s5+$0x10]  }
0x20d: {  	v38 =	vbroadcast v11, $0x1;
	[tilespmem:s20+$0xFFFFFFB0] =	vst v18;
	v16 =	vmul.f32 v36, v24  }
0x20e: {  	v39 =	vld [tilespmem:s4+$0xFFFFFFD0];
	[tilespmem:s6+$0xFFFFFFB0] =	vst v21  }
0x20f: {  	v18 =	vmul.f32 v38, v34;
	v21 =	vld [tilespmem:s25+$0xFFFFFFD0];
	v40 =	vbroadcast v28, $0x1;
	[tilespmem:s2+$0xFFFFFFB0] =	vst v16  }
0x210: {  	v16 =	vld [tilespmem:s5+$0xFFFFFFD0]  }
0x211: {  	[tilespmem:s6+$0x10] =	vst v18;
	v41 =	vmul.f32 v40, v37  }
0x212: {  	v7 =	vmul.f32 v7, v14;
	v43 =	vbroadcast v63, $0x1;
	v42 =	vld [tilespmem:s3+$0x20]  }
0x213: {  	v12 =	vmul.f32 v12, v39;
	v44 =	vbroadcast v31, $0x1;
	[tilespmem:s2+$0x10] =	vst v41  }
0x214: {  	[tilespmem:s18+$0xFFFFFFC0] =	vst v7;
	v14 =	vmul.f32 v43, v21;
	v45 =	vld [tilespmem:s5+$0x20]  }
0x215: {  	v46 =	vbroadcast v11, $0x2;
	v47 =	vld [tilespmem:s19+$0xFFFFFFE0];
	[tilespmem:s20+$0xFFFFFFC0] =	vst v12;
	v16 =	vmul.f32 v44, v16  }
0x216: {  	v4 =	vbroadcast v4, $0x3;
	v2 =	vmul.f32 v2, v13;
	v48 =	vld [tilespmem:s4+$0xFFFFFFE0];
	[tilespmem:s6+$0xFFFFFFC0] =	vst v14  }
0x217: {  	v49 =	vmul.f32 v46, v42;
	v50 =	vbroadcast v28, $0x2;
	v51 =	vld [tilespmem:s25+$0xFFFFFFE0];
	[tilespmem:s2+$0xFFFFFFC0] =	vst v16  }
0x218: {  	[tilespmem:s16+$0xFFFFFFD0] =	vst v2;
	v4 =	vmul.f32 v4, v15;
	v52 =	vld [tilespmem:s5+$0xFFFFFFE0]  }
0x219: {  	[tilespmem:s6+$0x20] =	vst v49;
	v7 =	vmul.f32 v50, v45  }
0x21a: {  	[tilespmem:s20+$0x30] =	vst v4;
	v6 =	vmul.f32 v6, v47;
	v2 =	vbroadcast v63, $0x2;
	v53 =	vld [tilespmem:s25+$0x30]  }
0x21b: {  	v54 =	vld [tilespmem:s17+$0xFFFFFFF0];
	v56 =	vmul.f32 v9, v48;
	v55 =	vbroadcast v31, $0x2;
	[tilespmem:s2+$0x20] =	vst v7  }
0x21c: {  	[tilespmem:s18+$0xFFFFFFD0] =	vst v6;
	v2 =	vmul.f32 v2, v51;
	v57 =	vld [tilespmem:s5+$0x30]  }
0x21d: {  	v58 =	vbroadcast v11, $0x3;
	v59 =	vld [tilespmem:s19+$0xFFFFFFF0];
	[tilespmem:s20+$0xFFFFFFD0] =	vst v56;
	v4 =	vmul.f32 v55, v52  }
0x21e: {  	v1 =	vmul.f32 v1, v10;
	[tilespmem:s6+$0xFFFFFFD0] =	vst v2;
	v7 =	vld [tilespmem:s4+$0xFFFFFFF0]  }
0x21f: {  	v60 =	vbroadcast v28, $0x3;
	v2 =	vmul.f32 v58, v53;
	v61 =	vld [tilespmem:s25+$0xFFFFFFF0];
	[tilespmem:s2+$0xFFFFFFD0] =	vst v4  }
0x220: {  	[tilespmem:s15+$0xFFFFFFE0] =	vst v1;
	v1 =	vmul.f32 v3, v54;
	v3 =	vld [tilespmem:s5+$0xFFFFFFF0]  }
0x221: {  	[tilespmem:s6+$0x30] =	vst v2;
	v2 =	vmul.f32 v60, v57  }
0x222: {  	[tilespmem:s16+$0xFFFFFFE0] =	vst v1;
	v62 =	vbroadcast v63, $0x3;
	v1 =	vmul.f32 v5, v59  }
0x223: {  	v63 =	vbroadcast v31, $0x3;
	[tilespmem:s2+$0x30] =	vst v2;
	v2 =	vmul.f32 v8, v7  }
0x224: {  	[tilespmem:s18+$0xFFFFFFE0] =	vst v1;
	v1 =	vmul.f32 v62, v61  }
0x225: {  	s13 =	sadd.s32 $0x1, s13;
	[tilespmem:s20+$0xFFFFFFE0] =	vst v2;
	v2 =	vmul.f32 v63, v3  }
0x226: {  	p1 =	sne.s32 s13, $0x7D;
	[tilespmem:s6+$0xFFFFFFE0] =	vst v1  }
.Ltmp3:
0x227: {  	[tilespmem:s2+$0xFFFFFFE0] =	vst v2;
	(pc) =	sbr.rel @p1 .LBB2_4-.Ltmp3, $4  }
0x228: {  	[spmem:s1] =	stream.indirect.scatter.add.f32 [tilespmem:s21], [sflag:$0x7], $0x50, s14, s24, $0xb8;
	[tilespmem:$0x1F090] =	vst v63  }
0x229: {  	_ =	swait.ge [sflag:s22], $0x1900  }
0x22a: {  	[sflag:s22] =	ssyncset.done $0x0  }
0x22b: {  	[sflag:s22] =	ssyncadd.s32 $0xFFFFE700  }
0x22c: {  	_ =	swait.ge [sflag:s30], $0x1400  }
0x22d: {  	[sflag:s30] =	ssyncset.done $0x0  }
0x22e: {  	[sflag:s30] =	ssyncadd.s32 $0xFFFFEC00  }
0x22f: {  	_ =	swait.ge [sflag:s31], $0x1400  }
0x230: {  	[sflag:s31] =	ssyncset.done $0x0  }
0x231: {  	[sflag:s31] =	ssyncadd.s32 $0xFFFFEC00  }
0x232: {  	_ =	swait.ge [sflag:s0], $0x1400  }
0x233: {  	[sflag:s0] =	ssyncset.done $0x0  }
0x234: {  	[sflag:s0] =	ssyncadd.s32 $0xFFFFEC00  }
0x235: {  	s2 =	stileid.u32;
	[bflag:$0x0] =	sbarrier.arrive $0xFFFF  }
0x236: {  	s2 =	sshll.u32 s2, $0x6;
	s3 =	rddreg [dreg:$0xa]  }
0x237: {  	s2 =	sor.u32 $0x1C07, s2;
	s4 =	rddreg [dreg:$0x13]  }
0x238: {  	[hbm:s3], [sflag:s2] =	dma.local [spmem:s4], $0x1860  }
0x239: {  	_ =	swait.ge [sflag:s22], $0x1860  }
0x23a: {  	[sflag:s22] =	ssyncset.done $0x0;
	s15 =	rddreg [dreg:$0x7]  }
0x23b: {  	s4 =	rddreg [dreg:$0xb];
	[sflag:s22] =	ssyncadd.s32 $0xFFFFE7A0;
	s3 =	sshrl.u32 @!p0 s15, $0x3  }
0x23c: {  	[hbm:s4], [sflag:s2] =	dma.local @!p0 [spmem:s3], $0xA0  }
0x23d: {  	s2 =	simm.s32 @!p0 $0x7  }
0x23e: {  	_ =	swait.ge @!p0 [sflag:s2], $0xA0  }
0x23f: {  	s13 =	rddreg [dreg:$0x4]  }
0x240: {  	s25 =	rddreg [dreg:$0xc];
	s13 =	sadd.s32 $0x1, s13  }
0x241: {  	p1 =	sne.s32 s13, s25  }
.Ltmp4:
0x242: {  	_ = 	snop;
	(pc) =	sbr.rel @p1 .LBB2_1-.Ltmp4, $3  }
0x243: {  	_ =	sdelay $0x1  }
0x244: {  	[sflag:s2] =	ssyncset.done @!p0 $0x0  }
0x245: {  	[sflag:s2] =	ssyncadd.s32 @!p0 $0xFFFFFF60  }
0x246: {  	_ =	sfence.sel $0x180000  }
0x247: {  	[bflag:$0x0] =	sbarrier.arrive $0xFFFF  }
0x248: {  	_ =	strace $0x90000047  }
0x249: {  	[bflag:$0x2] =	sbarrier.arrive $0xFFFF  }
0x24a: {  	s0 =	rddreg [dreg:$0x3]  }
0x24b: {  	s0 =	sadd.s32 @!p0 $0x100000, s0  }
0x24c: {  	[sflag:s0] =	ssyncadd.tile.s32 @!p0 $0x1;
	_ =	shalt  }
.Lfunc_end2:
_tile_overlayer_lowered:
.L_overlay_start_2:
0x24d: {  	(tag) =	ssettag $0x2  }
0x24e: {  	s0 =	rddreg [dreg:$0x0];
	s2 =	stileid.u32  }
0x24f: {  	s1 =	rddreg [dreg:$0x1];
	p0 =	sne.s32 s2, $0x0  }
0x250: {  	s3 =	rddreg [dreg:$0x2];
	[bflag:$0x3] =	sbarrier.arrive $0xFFFF;
	s2 =	simm.s32 @!p0 $0x1C07  }
0x251: {  	[timem:s3], [sflag:s2] =	dma.local @!p0 [hbm:s0], s1  }
0x252: {  	s0 =	simm.s32 @!p0 $0x7  }
0x253: {  	_ =	swait.ge @!p0 [sflag:s0], s1  }
0x254: {  	s1 =	ssub.s32 @!p0 $0x0, s1;
	[sflag:s0] =	ssyncset.done @!p0 $0x0  }
0x255: {  	[sflag:s0] =	ssyncadd.s32 @!p0 s1  }
0x256: {  	[bflag:$0x3] =	sbarrier.arrive $0xFFFF  }
0x257: {  	_ =	shalt  }

</sc_bundles>
